<compile_context>
chip_gen: v7x
topology: tpu7x:2x2x1
jax: 0.10.2.dev20260603
libtpu: 0.0.44.dev20260713+nightly
codegen_flags: <defaults>
</compile_context>

<pallas_src>
import functools

import jax
import jax.numpy as jnp
from jax import lax
from jax.experimental import pallas as pl
from jax.experimental.pallas import tpu as pltpu
from jax.experimental.pallas import tpu_sc as plsc

N = 10000
E = 320000
D_IN = 128
D_HID = 128
D_OUT = 64

NC = 2
NS = 16
NW = NC * NS
EPW = E // NW
B = 100
CH = EPW // B
IGN = 5
IGC = CH // IGN
NP = 10240
RPT = NP // NS

_mesh = plsc.VectorSubcoreMesh(core_axis_name="c", subcore_axis_name="s")


def _fill(ref, rows, width, value):
  vec = jnp.full((16,), value, dtype=ref.dtype)

  def body(i, _):
    for j in range(width // 16):
      ref[i, pl.ds(j * 16, 16)] = vec
    return 0

  lax.fori_loop(0, rows, body, 0)


def _make_sc_spmm(D):
  cpt = 64

  @functools.partial(
      pl.kernel,
      out_type=jax.ShapeDtypeStruct((NC, NP, D), jnp.float32),
      mesh=_mesh,
      scratch_types=[
          pltpu.VMEM((IGC, B), jnp.int32),
          pltpu.VMEM((IGC, B), jnp.int32),
          pltpu.VMEM((B, D), jnp.float32),
          pltpu.VMEM((B, D), jnp.float32),
          pltpu.VMEM((cpt, D), jnp.float32),
          pltpu.VMEM_SHARED((NP, D), jnp.float32),
          pltpu.SemaphoreType.DMA,
          pltpu.SemaphoreType.DMA,
          pltpu.SemaphoreType.DMA,
          pltpu.SemaphoreType.DMA,
      ],
  )
  def spmm(table_hbm, src_hbm, dst_hbm, out_hbm, src_v, dst_v, rows0, rows1,
           stage_v, acc, sg0, sg1, ss0, ss1):
    c = lax.axis_index("c")
    s = lax.axis_index("s")
    wid = c * NS + s
    rbase = s * RPT

    pltpu.sync_copy(src_hbm.at[wid, 0], src_v)
    pltpu.sync_copy(dst_hbm.at[wid, 0], dst_v)
    pltpu.async_copy(table_hbm.at[src_v.at[0]], rows0, sg0)

    _fill(stage_v, cpt, D, 0.0)

    def zchunk(k, _):
      pltpu.sync_copy(stage_v, acc.at[pl.ds(rbase + k * cpt, cpt)])
      return 0

    lax.fori_loop(0, RPT // cpt, zchunk, 0)
    plsc.subcore_barrier()

    def group(g, _):
      @pl.when(g > 0)
      def _reload():
        pltpu.make_async_copy(rows1, acc.at[dst_v.at[IGC - 1]], ss1).wait()
        pltpu.sync_copy(src_hbm.at[wid, g], src_v)
        pltpu.sync_copy(dst_hbm.at[wid, g], dst_v)
        pltpu.async_copy(table_hbm.at[src_v.at[0]], rows0, sg0)

      def pair(t, _):
        j0 = 2 * t

        @pl.when(t > 0)
        def _drain_s1():
          pltpu.make_async_copy(rows1, acc.at[dst_v.at[j0 - 1]], ss1).wait()

        pltpu.async_copy(table_hbm.at[src_v.at[j0 + 1]], rows1, sg1)
        pltpu.make_async_copy(table_hbm.at[src_v.at[j0]], rows0, sg0).wait()
        pltpu.async_copy(rows0, acc.at[dst_v.at[j0]], ss0, add=True)
        pltpu.make_async_copy(
            table_hbm.at[src_v.at[j0 + 1]], rows1, sg1).wait()
        pltpu.async_copy(rows1, acc.at[dst_v.at[j0 + 1]], ss1, add=True)
        pltpu.make_async_copy(rows0, acc.at[dst_v.at[j0]], ss0).wait()

        @pl.when(j0 + 2 < IGC)
        def _regather0():
          pltpu.async_copy(table_hbm.at[src_v.at[j0 + 2]], rows0, sg0)

        return 0

      lax.fori_loop(0, IGC // 2, pair, 0)
      return 0

    lax.fori_loop(0, IGN, group, 0)
    pltpu.make_async_copy(rows1, acc.at[dst_v.at[IGC - 1]], ss1).wait()
    plsc.subcore_barrier()

    def ochunk(k, _):
      pltpu.sync_copy(acc.at[pl.ds(rbase + k * cpt, cpt)], stage_v)
      pltpu.sync_copy(stage_v, out_hbm.at[c, pl.ds(rbase + k * cpt, cpt)])
      return 0

    lax.fori_loop(0, RPT // cpt, ochunk, 0)

  return spmm


_sc_spmm128 = _make_sc_spmm(D_HID)


def _make_sc_deg(D):
  cpt = 64
  dq = 8

  @functools.partial(
      pl.kernel,
      out_type=jax.ShapeDtypeStruct((NC, NP, D), jnp.float32),
      mesh=_mesh,
      scratch_types=[
          pltpu.VMEM((CH, B), jnp.int32),
          pltpu.VMEM((B, D), jnp.float32),
          pltpu.VMEM((cpt, D), jnp.float32),
          pltpu.VMEM_SHARED((NP, D), jnp.float32),
          pltpu.SemaphoreType.DMA,
      ],
  )
  def deg(dst_hbm, out_hbm, dst_v, rows_v, stage_v, acc, sem):
    c = lax.axis_index("c")
    s = lax.axis_index("s")
    wid = c * NS + s
    rbase = s * RPT

    pltpu.sync_copy(dst_hbm.at[wid], dst_v)
    _fill(rows_v, B, D, 1.0)
    _fill(stage_v, cpt, D, 0.0)

    def zchunk(k, _):
      pltpu.sync_copy(stage_v, acc.at[pl.ds(rbase + k * cpt, cpt)])
      return 0

    lax.fori_loop(0, RPT // cpt, zchunk, 0)
    plsc.subcore_barrier()

    def chunk(j, _):
      @pl.when(j >= dq)
      def _retire():
        pltpu.make_async_copy(rows_v, acc.at[dst_v.at[j - dq]], sem).wait()

      pltpu.async_copy(rows_v, acc.at[dst_v.at[j]], sem, add=True)
      return 0

    lax.fori_loop(0, CH, chunk, 0)

    def drain(j, _):
      pltpu.make_async_copy(rows_v, acc.at[dst_v.at[CH - dq + j]], sem).wait()
      return 0

    lax.fori_loop(0, dq, drain, 0)
    plsc.subcore_barrier()

    def ochunk(k, _):
      pltpu.sync_copy(acc.at[pl.ds(rbase + k * cpt, cpt)], stage_v)
      pltpu.sync_copy(stage_v, out_hbm.at[c, pl.ds(rbase + k * cpt, cpt)])
      return 0

    lax.fori_loop(0, RPT // cpt, ochunk, 0)

  return deg


_sc_deg16 = _make_sc_deg(128)


R = 2000


def _tc1_body(p_ref, x_ref, w_ref, b_ref, o_ref, d_ref):
  deg = p_ref[0, :, 0:1] + p_ref[1, :, 0:1]
  d = lax.rsqrt(jnp.maximum(deg, 1.0))
  d_ref[...] = d
  sup = jnp.dot(x_ref[...], w_ref[...], preferred_element_type=jnp.float32)
  o_ref[...] = d * (sup + b_ref[...])


def _tc2_body(d_ref, acc_ref, w_ref, b_ref, o_ref):
  d = d_ref[...]
  h = jnp.maximum(d * (acc_ref[0] + acc_ref[1]), 0.0)
  sup = jnp.dot(h, w_ref[...], preferred_element_type=jnp.float32)
  o_ref[:, :D_OUT] = d * (sup + b_ref[...])
  o_ref[:, D_OUT:] = jnp.zeros((o_ref.shape[0], D_HID - D_OUT), jnp.float32)


def _tc3_body(d_ref, acc_ref, o_ref):
  d = d_ref[...]
  z = d * (acc_ref[0] + acc_ref[1])[:, :D_OUT]
  m = jnp.max(z, axis=1, keepdims=True)
  lse = m + jnp.log(jnp.sum(jnp.exp(z - m), axis=1, keepdims=True))
  o_ref[...] = z - lse


def _d_spec():
  return pl.BlockSpec((R, 1), lambda i: (i, 0))


def _tc1(deg_parts, x, W1, b1):
  return pl.pallas_call(
      _tc1_body,
      out_shape=[
          jax.ShapeDtypeStruct((N, D_HID), jnp.float32),
          jax.ShapeDtypeStruct((N, 1), jnp.float32),
      ],
      grid=(N // R,),
      in_specs=[
          pl.BlockSpec((NC, R, 16), lambda i: (0, i, 0)),
          pl.BlockSpec((R, D_IN), lambda i: (i, 0)),
          pl.BlockSpec((D_IN, D_HID), lambda i: (0, 0)),
          pl.BlockSpec((1, D_HID), lambda i: (0, 0)),
      ],
      out_specs=[
          pl.BlockSpec((R, D_HID), lambda i: (i, 0)),
          pl.BlockSpec((R, 1), lambda i: (i, 0)),
      ],
  )(deg_parts, x, W1, b1.reshape(1, D_HID))


def _tc2(d_col, acc1, W2, b2):
  return pl.pallas_call(
      _tc2_body,
      out_shape=jax.ShapeDtypeStruct((N, D_HID), jnp.float32),
      grid=(N // R,),
      in_specs=[
          _d_spec(),
          pl.BlockSpec((NC, R, D_HID), lambda i: (0, i, 0)),
          pl.BlockSpec((D_HID, D_OUT), lambda i: (0, 0)),
          pl.BlockSpec((1, D_OUT), lambda i: (0, 0)),
      ],
      out_specs=pl.BlockSpec((R, D_HID), lambda i: (i, 0)),
  )(d_col, acc1, W2, b2.reshape(1, D_OUT))


def _tc3(d_col, acc2):
  return pl.pallas_call(
      _tc3_body,
      out_shape=jax.ShapeDtypeStruct((N, D_OUT), jnp.float32),
      grid=(N // R,),
      in_specs=[
          _d_spec(),
          pl.BlockSpec((NC, R, D_HID), lambda i: (0, i, 0)),
      ],
      out_specs=pl.BlockSpec((R, D_OUT), lambda i: (i, 0)),
  )(d_col, acc2)


def kernel(x, preprocessed, W1, b1, W2, b2):
  src = preprocessed[0].reshape(NW, IGN, IGC, B)
  dst = preprocessed[1].reshape(NW, IGN, IGC, B)
  deg_parts = _sc_deg16(preprocessed[1].reshape(NW, CH, B))[:, :, :16]
  s1, d_col = _tc1(deg_parts, x, W1, b1)
  acc1 = _sc_spmm128(s1, src, dst)
  s2 = _tc2(d_col, acc1, W2, b2)
  acc2 = _sc_spmm128(s2, src, dst)
  return _tc3(d_col, acc2)

# --- scband reference (transcript-rebuilt; emitter-appended) ---
"""Pipeline reference for scband-gcn-11647951307437 (READ-ONLY COPY).

The authoritative reference and input builder live on the scoring server;
editing this copy changes nothing except your own understanding.
"""

import jax, jax.numpy as jnp
import numpy as np

N = 10000
E = 320000
D_IN = 128
D_HID = 128
D_OUT = 64


def setup_inputs(seed: int = 0) -> dict:
    key = jax.random.key(seed)
    k1, k2, k3, k4, k5, k6 = jax.random.split(key, 6)
    x = jax.random.normal(k1, (N, D_IN), dtype=jnp.float32)
    edge_index = jax.random.randint(k2, (2, E), 0, N, dtype=jnp.int32)
    W1 = jax.random.normal(k3, (D_IN, D_HID), dtype=jnp.float32) * (1.0 / np.sqrt(D_IN))
    b1 = jnp.zeros((D_HID,), dtype=jnp.float32)
    W2 = jax.random.normal(k4, (D_HID, D_OUT), dtype=jnp.float32) * (1.0 / np.sqrt(D_HID))
    b2 = jnp.zeros((D_OUT,), dtype=jnp.float32)
    return {"x": x, "preprocessed": edge_index, "W1": W1, "b1": b1, "W2": W2, "b2": b2}


def _norm_weights(edge_index):
    src = edge_index[0]
    dst = edge_index[1]
    deg = jnp.bincount(dst, length=N).astype(jnp.float32)
    deg = jnp.maximum(deg, 1.0)
    w = 1.0 / jnp.sqrt(deg[src] * deg[dst])
    return src, dst, w


def _gcn_layer(x, W, b, src, dst, w):
    # GraphConvolution: support = x @ W + b; out = A_norm @ support (spmm as gather + scatter-add)
    support = x @ W + b
    msg = support[src] * w[:, None]
    out = jnp.zeros((N, W.shape[1]), dtype=support.dtype).at[dst].add(msg)
    return out


def reference(x, preprocessed, W1, b1, W2, b2):
    src, dst, w = _norm_weights(preprocessed)
    h = _gcn_layer(x, W1, b1, src, dst, w)
    h = jax.nn.relu(h)
    # dropout is identity at inference
    out = _gcn_layer(h, W2, b2, src, dst, w)
    return jax.nn.log_softmax(out, axis=1)

if __name__ == "__main__":
    import jax
    _d = setup_inputs()
    print(jax.jit(kernel)(*tuple(_d.values())))

</pallas_src>

<mosaic_0001>
#map = affine_map<(d0, d1) -> (0, 0, 0)>
module attributes {stable_mosaic.version = 14 : i64} {
  func.func @deg(%arg0: i32, %arg1: i32, %arg2: memref<32x100x100xi32, #tpu.memory_space<hbm>>, %arg3: memref<2x10240x128xf32, #tpu.memory_space<hbm>>, %arg4: memref<100x100xi32, #tpu.memory_space<vmem>>, %arg5: memref<100x128xf32, #tpu.memory_space<vmem>>, %arg6: memref<64x128xf32, #tpu.memory_space<vmem>>, %arg7: memref<10240x128xf32, #tpu.memory_space<vmem_shared>>, %arg8: memref<!tpu.dma_semaphore, #tpu.memory_space<semaphore_mem>>) attributes {dimension_semantics = [#tpu.dimension_semantics<core_parallel>, #tpu.dimension_semantics<subcore_parallel>], iteration_bounds = array<i64: 2, 16>, scalar_prefetch = 0 : i64, scratch_operands = 5 : i64, tpu.core_type = #tpu.core_type<sc_vector_subcore>, window_params = [{transform_indices = #map}, {transform_indices = #map}]} {
    %mul3A = arith.constant 16 : i32
    %mul3A_0 = arith.muli %arg0, %mul3A : i32
    %add3A = arith.addi %mul3A_0, %arg1 : i32
    %mul3A_1 = arith.constant 640 : i32
    %mul3A_2 = arith.muli %arg1, %mul3A_1 : i32
    "tpu.region"() ({
      %run_scoped3A = tpu.sem_alloc : memref<!tpu.dma_semaphore, #tpu.memory_space<semaphore_mem>>
      %dma_start3A = arith.constant 0 : i32
      %dma_start3A_48 = arith.constant 0 : i32
      %dma_start3A_49 = tpu.memref_slice %arg2[%add3A, %dma_start3A, %dma_start3A_48] : memref<32x100x100xi32, #tpu.memory_space<hbm>> -> memref<1x100x100xi32, #tpu.memory_space<hbm>>
      %dma_start3A_50 = tpu.memref_squeeze %dma_start3A_49 : memref<1x100x100xi32, #tpu.memory_space<hbm>> -> memref<100x100xi32, #tpu.memory_space<hbm>>
      %dma_start3A_51 = arith.constant 0 : i32
      %dma_start3A_52 = arith.constant 0 : i32
      %dma_start3A_53 = tpu.memref_slice %arg2[%add3A, %dma_start3A_51, %dma_start3A_52] : memref<32x100x100xi32, #tpu.memory_space<hbm>> -> memref<1x100x100xi32, #tpu.memory_space<hbm>>
      %dma_start3A_54 = tpu.memref_squeeze %dma_start3A_53 : memref<1x100x100xi32, #tpu.memory_space<hbm>> -> memref<100x100xi32, #tpu.memory_space<hbm>>
      tpu.enqueue_dma source(%dma_start3A_54 : memref<100x100xi32, #tpu.memory_space<hbm>>) target(%arg4 : memref<100x100xi32, #tpu.memory_space<vmem>>) target_semaphore(%run_scoped3A : memref<!tpu.dma_semaphore, #tpu.memory_space<semaphore_mem>>)
      %dma_wait3A = arith.constant 0 : i32
      %dma_wait3A_55 = arith.constant 0 : i32
      %dma_wait3A_56 = tpu.memref_slice %arg2[%add3A, %dma_wait3A, %dma_wait3A_55] : memref<32x100x100xi32, #tpu.memory_space<hbm>> -> memref<1x100x100xi32, #tpu.memory_space<hbm>>
      %dma_wait3A_57 = tpu.memref_squeeze %dma_wait3A_56 : memref<1x100x100xi32, #tpu.memory_space<hbm>> -> memref<100x100xi32, #tpu.memory_space<hbm>>
      %dma_wait3A_58 = arith.constant 0 : i32
      %dma_wait3A_59 = arith.constant 0 : i32
      %dma_wait3A_60 = tpu.memref_slice %arg2[%add3A, %dma_wait3A_58, %dma_wait3A_59] : memref<32x100x100xi32, #tpu.memory_space<hbm>> -> memref<1x100x100xi32, #tpu.memory_space<hbm>>
      %dma_wait3A_61 = tpu.memref_squeeze %dma_wait3A_60 : memref<1x100x100xi32, #tpu.memory_space<hbm>> -> memref<100x100xi32, #tpu.memory_space<hbm>>
      tpu.wait_dma2 semaphore(%run_scoped3A : memref<!tpu.dma_semaphore, #tpu.memory_space<semaphore_mem>>) src(%dma_wait3A_61 : memref<100x100xi32, #tpu.memory_space<hbm>>) dst(%arg4 : memref<100x100xi32, #tpu.memory_space<vmem>>)
      tpu.yield
    }) : () -> ()
    %broadcast_in_dim3A = arith.constant 1.000000e+00 : f32
    %broadcast_in_dim3A_3 = vector.broadcast %broadcast_in_dim3A : f32 to vector<16xf32>
    %scan3A = arith.constant 0 : i32
    %scan3A_4 = arith.constant 0 : i32
    %scan3A_5 = arith.constant 100 : i32
    %scan3A_6 = arith.addi %scan3A_4, %scan3A_5 : i32
    %scan3A_7 = arith.constant 1 : i32
    %scan3A_8 = scf.for %scan3A_48 = %scan3A_4 to %scan3A_6 step %scan3A_7 iter_args(%scan3A_49 = %scan3A) -> (i32)  : i32 {
      %swap3A = arith.index_cast %scan3A_48 : i32 to index
      %swap3A_50 = arith.constant 0 : index
      %swap3A_51 = tpu.vector_load %arg5[%swap3A, %swap3A_50] {strides = array<i32>} : memref<100x128xf32, #tpu.memory_space<vmem>>, vector<1x16xf32>,
      %swap3A_52 = vector.shape_cast %swap3A_51 : vector<1x16xf32> to vector<16xf32>
      %swap3A_53 = vector.shape_cast %broadcast_in_dim3A_3 : vector<16xf32> to vector<1x16xf32>
      tpu.vector_store %arg5[%swap3A, %swap3A_50], %swap3A_53 {strides = array<i32>} : memref<100x128xf32, #tpu.memory_space<vmem>>, vector<1x16xf32>,
      %swap3A_54 = arith.index_cast %scan3A_48 : i32 to index
      %swap3A_55 = arith.constant 16 : index
      %swap3A_56 = tpu.vector_load %arg5[%swap3A_54, %swap3A_55] {strides = array<i32>} : memref<100x128xf32, #tpu.memory_space<vmem>>, vector<1x16xf32>,
      %swap3A_57 = vector.shape_cast %swap3A_56 : vector<1x16xf32> to vector<16xf32>
      %swap3A_58 = vector.shape_cast %broadcast_in_dim3A_3 : vector<16xf32> to vector<1x16xf32>
      tpu.vector_store %arg5[%swap3A_54, %swap3A_55], %swap3A_58 {strides = array<i32>} : memref<100x128xf32, #tpu.memory_space<vmem>>, vector<1x16xf32>,
      %swap3A_59 = arith.index_cast %scan3A_48 : i32 to index
      %swap3A_60 = arith.constant 32 : index
      %swap3A_61 = tpu.vector_load %arg5[%swap3A_59, %swap3A_60] {strides = array<i32>} : memref<100x128xf32, #tpu.memory_space<vmem>>, vector<1x16xf32>,
      %swap3A_62 = vector.shape_cast %swap3A_61 : vector<1x16xf32> to vector<16xf32>
      %swap3A_63 = vector.shape_cast %broadcast_in_dim3A_3 : vector<16xf32> to vector<1x16xf32>
      tpu.vector_store %arg5[%swap3A_59, %swap3A_60], %swap3A_63 {strides = array<i32>} : memref<100x128xf32, #tpu.memory_space<vmem>>, vector<1x16xf32>,
      %swap3A_64 = arith.index_cast %scan3A_48 : i32 to index
      %swap3A_65 = arith.constant 48 : index
      %swap3A_66 = tpu.vector_load %arg5[%swap3A_64, %swap3A_65] {strides = array<i32>} : memref<100x128xf32, #tpu.memory_space<vmem>>, vector<1x16xf32>,
      %swap3A_67 = vector.shape_cast %swap3A_66 : vector<1x16xf32> to vector<16xf32>
      %swap3A_68 = vector.shape_cast %broadcast_in_dim3A_3 : vector<16xf32> to vector<1x16xf32>
      tpu.vector_store %arg5[%swap3A_64, %swap3A_65], %swap3A_68 {strides = array<i32>} : memref<100x128xf32, #tpu.memory_space<vmem>>, vector<1x16xf32>,
      %swap3A_69 = arith.index_cast %scan3A_48 : i32 to index
      %swap3A_70 = arith.constant 64 : index
      %swap3A_71 = tpu.vector_load %arg5[%swap3A_69, %swap3A_70] {strides = array<i32>} : memref<100x128xf32, #tpu.memory_space<vmem>>, vector<1x16xf32>,
      %swap3A_72 = vector.shape_cast %swap3A_71 : vector<1x16xf32> to vector<16xf32>
      %swap3A_73 = vector.shape_cast %broadcast_in_dim3A_3 : vector<16xf32> to vector<1x16xf32>
      tpu.vector_store %arg5[%swap3A_69, %swap3A_70], %swap3A_73 {strides = array<i32>} : memref<100x128xf32, #tpu.memory_space<vmem>>, vector<1x16xf32>,
      %swap3A_74 = arith.index_cast %scan3A_48 : i32 to index
      %swap3A_75 = arith.constant 80 : index
      %swap3A_76 = tpu.vector_load %arg5[%swap3A_74, %swap3A_75] {strides = array<i32>} : memref<100x128xf32, #tpu.memory_space<vmem>>, vector<1x16xf32>,
      %swap3A_77 = vector.shape_cast %swap3A_76 : vector<1x16xf32> to vector<16xf32>
      %swap3A_78 = vector.shape_cast %broadcast_in_dim3A_3 : vector<16xf32> to vector<1x16xf32>
      tpu.vector_store %arg5[%swap3A_74, %swap3A_75], %swap3A_78 {strides = array<i32>} : memref<100x128xf32, #tpu.memory_space<vmem>>, vector<1x16xf32>,
      %swap3A_79 = arith.index_cast %scan3A_48 : i32 to index
      %swap3A_80 = arith.constant 96 : index
      %swap3A_81 = tpu.vector_load %arg5[%swap3A_79, %swap3A_80] {strides = array<i32>} : memref<100x128xf32, #tpu.memory_space<vmem>>, vector<1x16xf32>,
      %swap3A_82 = vector.shape_cast %swap3A_81 : vector<1x16xf32> to vector<16xf32>
      %swap3A_83 = vector.shape_cast %broadcast_in_dim3A_3 : vector<16xf32> to vector<1x16xf32>
      tpu.vector_store %arg5[%swap3A_79, %swap3A_80], %swap3A_83 {strides = array<i32>} : memref<100x128xf32, #tpu.memory_space<vmem>>, vector<1x16xf32>,
      %swap3A_84 = arith.index_cast %scan3A_48 : i32 to index
      %swap3A_85 = arith.constant 112 : index
      %swap3A_86 = tpu.vector_load %arg5[%swap3A_84, %swap3A_85] {strides = array<i32>} : memref<100x128xf32, #tpu.memory_space<vmem>>, vector<1x16xf32>,
      %swap3A_87 = vector.shape_cast %swap3A_86 : vector<1x16xf32> to vector<16xf32>
      %swap3A_88 = vector.shape_cast %broadcast_in_dim3A_3 : vector<16xf32> to vector<1x16xf32>
      tpu.vector_store %arg5[%swap3A_84, %swap3A_85], %swap3A_88 {strides = array<i32>} : memref<100x128xf32, #tpu.memory_space<vmem>>, vector<1x16xf32>,
      %scan3A_89 = arith.constant 0 : i32
      scf.yield %scan3A_89 : i32
    }
    %scan3A_9 = arith.constant 100 : i32
    %broadcast_in_dim3A_10 = arith.constant 0.000000e+00 : f32
    %broadcast_in_dim3A_11 = vector.broadcast %broadcast_in_dim3A_10 : f32 to vector<16xf32>
    %scan3A_12 = arith.constant 0 : i32
    %scan3A_13 = arith.constant 0 : i32
    %scan3A_14 = arith.constant 64 : i32
    %scan3A_15 = arith.addi %scan3A_13, %scan3A_14 : i32
    %scan3A_16 = arith.constant 1 : i32
    %scan3A_17 = scf.for %scan3A_48 = %scan3A_13 to %scan3A_15 step %scan3A_16 iter_args(%scan3A_49 = %scan3A_12) -> (i32)  : i32 {
      %swap3A = arith.index_cast %scan3A_48 : i32 to index
      %swap3A_50 = arith.constant 0 : index
      %swap3A_51 = tpu.vector_load %arg6[%swap3A, %swap3A_50] {strides = array<i32>} : memref<64x128xf32, #tpu.memory_space<vmem>>, vector<1x16xf32>,
      %swap3A_52 = vector.shape_cast %swap3A_51 : vector<1x16xf32> to vector<16xf32>
      %swap3A_53 = vector.shape_cast %broadcast_in_dim3A_11 : vector<16xf32> to vector<1x16xf32>
      tpu.vector_store %arg6[%swap3A, %swap3A_50], %swap3A_53 {strides = array<i32>} : memref<64x128xf32, #tpu.memory_space<vmem>>, vector<1x16xf32>,
      %swap3A_54 = arith.index_cast %scan3A_48 : i32 to index
      %swap3A_55 = arith.constant 16 : index
      %swap3A_56 = tpu.vector_load %arg6[%swap3A_54, %swap3A_55] {strides = array<i32>} : memref<64x128xf32, #tpu.memory_space<vmem>>, vector<1x16xf32>,
      %swap3A_57 = vector.shape_cast %swap3A_56 : vector<1x16xf32> to vector<16xf32>
      %swap3A_58 = vector.shape_cast %broadcast_in_dim3A_11 : vector<16xf32> to vector<1x16xf32>
      tpu.vector_store %arg6[%swap3A_54, %swap3A_55], %swap3A_58 {strides = array<i32>} : memref<64x128xf32, #tpu.memory_space<vmem>>, vector<1x16xf32>,
      %swap3A_59 = arith.index_cast %scan3A_48 : i32 to index
      %swap3A_60 = arith.constant 32 : index
      %swap3A_61 = tpu.vector_load %arg6[%swap3A_59, %swap3A_60] {strides = array<i32>} : memref<64x128xf32, #tpu.memory_space<vmem>>, vector<1x16xf32>,
      %swap3A_62 = vector.shape_cast %swap3A_61 : vector<1x16xf32> to vector<16xf32>
      %swap3A_63 = vector.shape_cast %broadcast_in_dim3A_11 : vector<16xf32> to vector<1x16xf32>
      tpu.vector_store %arg6[%swap3A_59, %swap3A_60], %swap3A_63 {strides = array<i32>} : memref<64x128xf32, #tpu.memory_space<vmem>>, vector<1x16xf32>,
      %swap3A_64 = arith.index_cast %scan3A_48 : i32 to index
      %swap3A_65 = arith.constant 48 : index
      %swap3A_66 = tpu.vector_load %arg6[%swap3A_64, %swap3A_65] {strides = array<i32>} : memref<64x128xf32, #tpu.memory_space<vmem>>, vector<1x16xf32>,
      %swap3A_67 = vector.shape_cast %swap3A_66 : vector<1x16xf32> to vector<16xf32>
      %swap3A_68 = vector.shape_cast %broadcast_in_dim3A_11 : vector<16xf32> to vector<1x16xf32>
      tpu.vector_store %arg6[%swap3A_64, %swap3A_65], %swap3A_68 {strides = array<i32>} : memref<64x128xf32, #tpu.memory_space<vmem>>, vector<1x16xf32>,
      %swap3A_69 = arith.index_cast %scan3A_48 : i32 to index
      %swap3A_70 = arith.constant 64 : index
      %swap3A_71 = tpu.vector_load %arg6[%swap3A_69, %swap3A_70] {strides = array<i32>} : memref<64x128xf32, #tpu.memory_space<vmem>>, vector<1x16xf32>,
      %swap3A_72 = vector.shape_cast %swap3A_71 : vector<1x16xf32> to vector<16xf32>
      %swap3A_73 = vector.shape_cast %broadcast_in_dim3A_11 : vector<16xf32> to vector<1x16xf32>
      tpu.vector_store %arg6[%swap3A_69, %swap3A_70], %swap3A_73 {strides = array<i32>} : memref<64x128xf32, #tpu.memory_space<vmem>>, vector<1x16xf32>,
      %swap3A_74 = arith.index_cast %scan3A_48 : i32 to index
      %swap3A_75 = arith.constant 80 : index
      %swap3A_76 = tpu.vector_load %arg6[%swap3A_74, %swap3A_75] {strides = array<i32>} : memref<64x128xf32, #tpu.memory_space<vmem>>, vector<1x16xf32>,
      %swap3A_77 = vector.shape_cast %swap3A_76 : vector<1x16xf32> to vector<16xf32>
      %swap3A_78 = vector.shape_cast %broadcast_in_dim3A_11 : vector<16xf32> to vector<1x16xf32>
      tpu.vector_store %arg6[%swap3A_74, %swap3A_75], %swap3A_78 {strides = array<i32>} : memref<64x128xf32, #tpu.memory_space<vmem>>, vector<1x16xf32>,
      %swap3A_79 = arith.index_cast %scan3A_48 : i32 to index
      %swap3A_80 = arith.constant 96 : index
      %swap3A_81 = tpu.vector_load %arg6[%swap3A_79, %swap3A_80] {strides = array<i32>} : memref<64x128xf32, #tpu.memory_space<vmem>>, vector<1x16xf32>,
      %swap3A_82 = vector.shape_cast %swap3A_81 : vector<1x16xf32> to vector<16xf32>
      %swap3A_83 = vector.shape_cast %broadcast_in_dim3A_11 : vector<16xf32> to vector<1x16xf32>
      tpu.vector_store %arg6[%swap3A_79, %swap3A_80], %swap3A_83 {strides = array<i32>} : memref<64x128xf32, #tpu.memory_space<vmem>>, vector<1x16xf32>,
      %swap3A_84 = arith.index_cast %scan3A_48 : i32 to index
      %swap3A_85 = arith.constant 112 : index
      %swap3A_86 = tpu.vector_load %arg6[%swap3A_84, %swap3A_85] {strides = array<i32>} : memref<64x128xf32, #tpu.memory_space<vmem>>, vector<1x16xf32>,
      %swap3A_87 = vector.shape_cast %swap3A_86 : vector<1x16xf32> to vector<16xf32>
      %swap3A_88 = vector.shape_cast %broadcast_in_dim3A_11 : vector<16xf32> to vector<1x16xf32>
      tpu.vector_store %arg6[%swap3A_84, %swap3A_85], %swap3A_88 {strides = array<i32>} : memref<64x128xf32, #tpu.memory_space<vmem>>, vector<1x16xf32>,
      %scan3A_89 = arith.constant 0 : i32
      scf.yield %scan3A_89 : i32
    }
    %scan3A_18 = arith.constant 64 : i32
    %scan3A_19 = arith.constant 0 : i32
    %scan3A_20 = arith.constant 0 : i32
    %scan3A_21 = arith.constant 10 : i32
    %scan3A_22 = arith.addi %scan3A_20, %scan3A_21 : i32
    %scan3A_23 = arith.constant 1 : i32
    %scan3A_24 = scf.for %scan3A_48 = %scan3A_20 to %scan3A_22 step %scan3A_23 iter_args(%scan3A_49 = %scan3A_19) -> (i32)  : i32 {
      %mul3A_50 = arith.constant 64 : i32
      %mul3A_51 = arith.muli %scan3A_48, %mul3A_50 : i32
      %add3A_52 = arith.addi %mul3A_2, %mul3A_51 : i32
      "tpu.region"() ({
        %run_scoped3A = tpu.sem_alloc : memref<!tpu.dma_semaphore, #tpu.memory_space<semaphore_mem>>
        %dma_start3A = arith.constant 0 : i32
        %dma_start3A_54 = tpu.memref_slice %arg7[%add3A_52, %dma_start3A] : memref<10240x128xf32, #tpu.memory_space<vmem_shared>> -> memref<64x128xf32, #tpu.memory_space<vmem_shared>>
        %dma_start3A_55 = arith.constant 0 : i32
        %dma_start3A_56 = tpu.memref_slice %arg7[%add3A_52, %dma_start3A_55] : memref<10240x128xf32, #tpu.memory_space<vmem_shared>> -> memref<64x128xf32, #tpu.memory_space<vmem_shared>>
        tpu.enqueue_dma source(%arg6 : memref<64x128xf32, #tpu.memory_space<vmem>>) target(%dma_start3A_56 : memref<64x128xf32, #tpu.memory_space<vmem_shared>>) target_semaphore(%run_scoped3A : memref<!tpu.dma_semaphore, #tpu.memory_space<semaphore_mem>>)
        %dma_wait3A = arith.constant 0 : i32
        %dma_wait3A_57 = tpu.memref_slice %arg7[%add3A_52, %dma_wait3A] : memref<10240x128xf32, #tpu.memory_space<vmem_shared>> -> memref<64x128xf32, #tpu.memory_space<vmem_shared>>
        %dma_wait3A_58 = arith.constant 0 : i32
        %dma_wait3A_59 = tpu.memref_slice %arg7[%add3A_52, %dma_wait3A_58] : memref<10240x128xf32, #tpu.memory_space<vmem_shared>> -> memref<64x128xf32, #tpu.memory_space<vmem_shared>>
        tpu.wait_dma2 semaphore(%run_scoped3A : memref<!tpu.dma_semaphore, #tpu.memory_space<semaphore_mem>>) src(%arg6 : memref<64x128xf32, #tpu.memory_space<vmem>>) dst(%dma_wait3A_59 : memref<64x128xf32, #tpu.memory_space<vmem_shared>>)
        tpu.yield
      }) : () -> ()
      %scan3A_53 = arith.constant 0 : i32
      scf.yield %scan3A_53 : i32
    }
    %scan3A_25 = arith.constant 10 : i32
    %barrier3A = arith.constant 0 : index
    tpu.barrier barrier_id(%barrier3A)
    %scan3A_26 = arith.constant 0 : i32
    %scan3A_27 = arith.constant 0 : i32
    %scan3A_28 = arith.constant 100 : i32
    %scan3A_29 = arith.addi %scan3A_27, %scan3A_28 : i32
    %scan3A_30 = arith.constant 1 : i32
    %scan3A_31 = scf.for %scan3A_48 = %scan3A_27 to %scan3A_29 step %scan3A_30 iter_args(%scan3A_49 = %scan3A_26) -> (i32)  : i32 {
      %ge3A = arith.constant 8 : i32
      %ge3A_50 = arith.cmpi sge, %scan3A_48, %ge3A : i32
      %convert_element_type3A = arith.extui %ge3A_50 : i1 to i32
      %cond3A = arith.constant 0 : i32
      %cond3A_51 = arith.cmpi ne, %convert_element_type3A, %cond3A : i32
      scf.if %cond3A_51 {
        %sub3A = arith.constant 8 : i32
        %sub3A_58 = arith.subi %scan3A_48, %sub3A : i32
        %dma_wait3A = arith.constant 0 : i32
        %dma_wait3A_59 = tpu.memref_slice %arg4[%sub3A_58, %dma_wait3A] : memref<100x100xi32, #tpu.memory_space<vmem>> -> memref<1x100xi32, #tpu.memory_space<vmem>>
        %dma_wait3A_60 = tpu.memref_squeeze %dma_wait3A_59 : memref<1x100xi32, #tpu.memory_space<vmem>> -> memref<100xi32, #tpu.memory_space<vmem>>
        %dma_wait3A_61 = arith.constant 0 : i32
        %dma_wait3A_62 = arith.constant 0 : i32
        %dma_wait3A_63 = tpu.memref_slice %arg7[%dma_wait3A_61, %dma_wait3A_62] : memref<10240x128xf32, #tpu.memory_space<vmem_shared>> -> memref<10240x128xf32, #tpu.memory_space<vmem_shared>>
        tpu.wait_indirect_dma semaphore(%arg8 : memref<!tpu.dma_semaphore, #tpu.memory_space<semaphore_mem>>) src(%arg5 : memref<100x128xf32, #tpu.memory_space<vmem>>) dst(%dma_wait3A_63 : memref<10240x128xf32, #tpu.memory_space<vmem_shared>>)
      } else {
      }
      %dma_start3A = arith.constant 0 : i32
      %dma_start3A_52 = tpu.memref_slice %arg4[%scan3A_48, %dma_start3A] : memref<100x100xi32, #tpu.memory_space<vmem>> -> memref<1x100xi32, #tpu.memory_space<vmem>>
      %dma_start3A_53 = tpu.memref_squeeze %dma_start3A_52 : memref<1x100xi32, #tpu.memory_space<vmem>> -> memref<100xi32, #tpu.memory_space<vmem>>
      %dma_start3A_54 = arith.constant 0 : i32
      %dma_start3A_55 = arith.constant 0 : i32
      %dma_start3A_56 = tpu.memref_slice %arg7[%dma_start3A_54, %dma_start3A_55] : memref<10240x128xf32, #tpu.memory_space<vmem_shared>> -> memref<10240x128xf32, #tpu.memory_space<vmem_shared>>
      tpu.enqueue_indirect_dma source(%arg5 : memref<100x128xf32, #tpu.memory_space<vmem>>) target(%dma_start3A_56 : memref<10240x128xf32, #tpu.memory_space<vmem_shared>>) offsets(%dma_start3A_53 : memref<100xi32, #tpu.memory_space<vmem>>) semaphore(%arg8 : memref<!tpu.dma_semaphore, #tpu.memory_space<semaphore_mem>>) {add = true}
      %scan3A_57 = arith.constant 0 : i32
      scf.yield %scan3A_57 : i32
    }
    %scan3A_32 = arith.constant 100 : i32
    %scan3A_33 = arith.constant 0 : i32
    %scan3A_34 = arith.constant 0 : i32
    %scan3A_35 = arith.constant 8 : i32
    %scan3A_36 = arith.addi %scan3A_34, %scan3A_35 : i32
    %scan3A_37 = arith.constant 1 : i32
    %scan3A_38 = scf.for %scan3A_48 = %scan3A_34 to %scan3A_36 step %scan3A_37 iter_args(%scan3A_49 = %scan3A_33) -> (i32)  : i32 {
      %add3A_50 = arith.constant 92 : i32
      %add3A_51 = arith.addi %add3A_50, %scan3A_48 : i32
      %dma_wait3A = arith.constant 0 : i32
      %dma_wait3A_52 = tpu.memref_slice %arg4[%add3A_51, %dma_wait3A] : memref<100x100xi32, #tpu.memory_space<vmem>> -> memref<1x100xi32, #tpu.memory_space<vmem>>
      %dma_wait3A_53 = tpu.memref_squeeze %dma_wait3A_52 : memref<1x100xi32, #tpu.memory_space<vmem>> -> memref<100xi32, #tpu.memory_space<vmem>>
      %dma_wait3A_54 = arith.constant 0 : i32
      %dma_wait3A_55 = arith.constant 0 : i32
      %dma_wait3A_56 = tpu.memref_slice %arg7[%dma_wait3A_54, %dma_wait3A_55] : memref<10240x128xf32, #tpu.memory_space<vmem_shared>> -> memref<10240x128xf32, #tpu.memory_space<vmem_shared>>
      tpu.wait_indirect_dma semaphore(%arg8 : memref<!tpu.dma_semaphore, #tpu.memory_space<semaphore_mem>>) src(%arg5 : memref<100x128xf32, #tpu.memory_space<vmem>>) dst(%dma_wait3A_56 : memref<10240x128xf32, #tpu.memory_space<vmem_shared>>)
      %scan3A_57 = arith.constant 0 : i32
      scf.yield %scan3A_57 : i32
    }
    %scan3A_39 = arith.constant 8 : i32
    %barrier3A_40 = arith.constant 0 : index
    tpu.barrier barrier_id(%barrier3A_40)
    %scan3A_41 = arith.constant 0 : i32
    %scan3A_42 = arith.constant 0 : i32
    %scan3A_43 = arith.constant 10 : i32
    %scan3A_44 = arith.addi %scan3A_42, %scan3A_43 : i32
    %scan3A_45 = arith.constant 1 : i32
    %scan3A_46 = scf.for %scan3A_48 = %scan3A_42 to %scan3A_44 step %scan3A_45 iter_args(%scan3A_49 = %scan3A_41) -> (i32)  : i32 {
      %mul3A_50 = arith.constant 64 : i32
      %mul3A_51 = arith.muli %scan3A_48, %mul3A_50 : i32
      %add3A_52 = arith.addi %mul3A_2, %mul3A_51 : i32
      "tpu.region"() ({
        %run_scoped3A = tpu.sem_alloc : memref<!tpu.dma_semaphore, #tpu.memory_space<semaphore_mem>>
        %dma_start3A = arith.constant 0 : i32
        %dma_start3A_57 = tpu.memref_slice %arg7[%add3A_52, %dma_start3A] : memref<10240x128xf32, #tpu.memory_space<vmem_shared>> -> memref<64x128xf32, #tpu.memory_space<vmem_shared>>
        %dma_start3A_58 = arith.constant 0 : i32
        %dma_start3A_59 = tpu.memref_slice %arg7[%add3A_52, %dma_start3A_58] : memref<10240x128xf32, #tpu.memory_space<vmem_shared>> -> memref<64x128xf32, #tpu.memory_space<vmem_shared>>
        tpu.enqueue_dma source(%dma_start3A_59 : memref<64x128xf32, #tpu.memory_space<vmem_shared>>) target(%arg6 : memref<64x128xf32, #tpu.memory_space<vmem>>) target_semaphore(%run_scoped3A : memref<!tpu.dma_semaphore, #tpu.memory_space<semaphore_mem>>)
        %dma_wait3A = arith.constant 0 : i32
        %dma_wait3A_60 = tpu.memref_slice %arg7[%add3A_52, %dma_wait3A] : memref<10240x128xf32, #tpu.memory_space<vmem_shared>> -> memref<64x128xf32, #tpu.memory_space<vmem_shared>>
        %dma_wait3A_61 = arith.constant 0 : i32
        %dma_wait3A_62 = tpu.memref_slice %arg7[%add3A_52, %dma_wait3A_61] : memref<10240x128xf32, #tpu.memory_space<vmem_shared>> -> memref<64x128xf32, #tpu.memory_space<vmem_shared>>
        tpu.wait_dma2 semaphore(%run_scoped3A : memref<!tpu.dma_semaphore, #tpu.memory_space<semaphore_mem>>) src(%dma_wait3A_62 : memref<64x128xf32, #tpu.memory_space<vmem_shared>>) dst(%arg6 : memref<64x128xf32, #tpu.memory_space<vmem>>)
        tpu.yield
      }) : () -> ()
      %mul3A_53 = arith.constant 64 : i32
      %mul3A_54 = arith.muli %scan3A_48, %mul3A_53 : i32
      %add3A_55 = arith.addi %mul3A_2, %mul3A_54 : i32
      "tpu.region"() ({
        %run_scoped3A = tpu.sem_alloc : memref<!tpu.dma_semaphore, #tpu.memory_space<semaphore_mem>>
        %dma_start3A = arith.constant 0 : i32
        %dma_start3A_57 = tpu.memref_slice %arg3[%arg0, %add3A_55, %dma_start3A] : memref<2x10240x128xf32, #tpu.memory_space<hbm>> -> memref<1x64x128xf32, #tpu.memory_space<hbm>>
        %dma_start3A_58 = tpu.memref_squeeze %dma_start3A_57 : memref<1x64x128xf32, #tpu.memory_space<hbm>> -> memref<64x128xf32, #tpu.memory_space<hbm>>
        %dma_start3A_59 = arith.constant 0 : i32
        %dma_start3A_60 = tpu.memref_slice %arg3[%arg0, %add3A_55, %dma_start3A_59] : memref<2x10240x128xf32, #tpu.memory_space<hbm>> -> memref<1x64x128xf32, #tpu.memory_space<hbm>>
        %dma_start3A_61 = tpu.memref_squeeze %dma_start3A_60 : memref<1x64x128xf32, #tpu.memory_space<hbm>> -> memref<64x128xf32, #tpu.memory_space<hbm>>
        tpu.enqueue_dma source(%arg6 : memref<64x128xf32, #tpu.memory_space<vmem>>) target(%dma_start3A_61 : memref<64x128xf32, #tpu.memory_space<hbm>>) target_semaphore(%run_scoped3A : memref<!tpu.dma_semaphore, #tpu.memory_space<semaphore_mem>>)
        %dma_wait3A = arith.constant 0 : i32
        %dma_wait3A_62 = tpu.memref_slice %arg3[%arg0, %add3A_55, %dma_wait3A] : memref<2x10240x128xf32, #tpu.memory_space<hbm>> -> memref<1x64x128xf32, #tpu.memory_space<hbm>>
        %dma_wait3A_63 = tpu.memref_squeeze %dma_wait3A_62 : memref<1x64x128xf32, #tpu.memory_space<hbm>> -> memref<64x128xf32, #tpu.memory_space<hbm>>
        %dma_wait3A_64 = arith.constant 0 : i32
        %dma_wait3A_65 = tpu.memref_slice %arg3[%arg0, %add3A_55, %dma_wait3A_64] : memref<2x10240x128xf32, #tpu.memory_space<hbm>> -> memref<1x64x128xf32, #tpu.memory_space<hbm>>
        %dma_wait3A_66 = tpu.memref_squeeze %dma_wait3A_65 : memref<1x64x128xf32, #tpu.memory_space<hbm>> -> memref<64x128xf32, #tpu.memory_space<hbm>>
        tpu.wait_dma2 semaphore(%run_scoped3A : memref<!tpu.dma_semaphore, #tpu.memory_space<semaphore_mem>>) src(%arg6 : memref<64x128xf32, #tpu.memory_space<vmem>>) dst(%dma_wait3A_66 : memref<64x128xf32, #tpu.memory_space<hbm>>)
        tpu.yield
      }) : () -> ()
      %scan3A_56 = arith.constant 0 : i32
      scf.yield %scan3A_56 : i32
    }
    %scan3A_47 = arith.constant 10 : i32
    return
  }
}

#map = affine_map<(d0, d1) -> (0, 0)>
#map1 = affine_map<(d0, d1) -> (0, 0, 0, 0)>
#map2 = affine_map<(d0, d1) -> (0, 0, 0)>
module attributes {stable_mosaic.version = 14 : i64} {
  func.func @spmm(%arg0: i32, %arg1: i32, %arg2: memref<10000x128xf32, #tpu.memory_space<hbm>>, %arg3: memref<32x5x20x100xi32, #tpu.memory_space<hbm>>, %arg4: memref<32x5x20x100xi32, #tpu.memory_space<hbm>>, %arg5: memref<2x10240x128xf32, #tpu.memory_space<hbm>>, %arg6: memref<20x100xi32, #tpu.memory_space<vmem>>, %arg7: memref<20x100xi32, #tpu.memory_space<vmem>>, %arg8: memref<100x128xf32, #tpu.memory_space<vmem>>, %arg9: memref<100x128xf32, #tpu.memory_space<vmem>>, %arg10: memref<64x128xf32, #tpu.memory_space<vmem>>, %arg11: memref<10240x128xf32, #tpu.memory_space<vmem_shared>>, %arg12: memref<!tpu.dma_semaphore, #tpu.memory_space<semaphore_mem>>, %arg13: memref<!tpu.dma_semaphore, #tpu.memory_space<semaphore_mem>>, %arg14: memref<!tpu.dma_semaphore, #tpu.memory_space<semaphore_mem>>, %arg15: memref<!tpu.dma_semaphore, #tpu.memory_space<semaphore_mem>>) attributes {dimension_semantics = [#tpu.dimension_semantics<core_parallel>, #tpu.dimension_semantics<subcore_parallel>], iteration_bounds = array<i64: 2, 16>, scalar_prefetch = 0 : i64, scratch_operands = 10 : i64, tpu.core_type = #tpu.core_type<sc_vector_subcore>, window_params = [{transform_indices = #map}, {transform_indices = #map1}, {transform_indices = #map1}, {transform_indices = #map2}]} {
    %mul3A = arith.constant 16 : i32
    %mul3A_0 = arith.muli %arg0, %mul3A : i32
    %add3A = arith.addi %mul3A_0, %arg1 : i32
    %mul3A_1 = arith.constant 640 : i32
    %mul3A_2 = arith.muli %arg1, %mul3A_1 : i32
    %run_scoped3A = arith.constant 0 : i32
    "tpu.region"() ({
      %run_scoped3A_45 = tpu.sem_alloc : memref<!tpu.dma_semaphore, #tpu.memory_space<semaphore_mem>>
      %dma_start3A_46 = arith.constant 0 : i32
      %dma_start3A_47 = arith.constant 0 : i32
      %dma_start3A_48 = tpu.memref_slice %arg3[%add3A, %run_scoped3A, %dma_start3A_46, %dma_start3A_47] : memref<32x5x20x100xi32, #tpu.memory_space<hbm>> -> memref<1x1x20x100xi32, #tpu.memory_space<hbm>>
      %dma_start3A_49 = tpu.memref_squeeze %dma_start3A_48 : memref<1x1x20x100xi32, #tpu.memory_space<hbm>> -> memref<20x100xi32, #tpu.memory_space<hbm>>
      %dma_start3A_50 = arith.constant 0 : i32
      %dma_start3A_51 = arith.constant 0 : i32
      %dma_start3A_52 = tpu.memref_slice %arg3[%add3A, %run_scoped3A, %dma_start3A_50, %dma_start3A_51] : memref<32x5x20x100xi32, #tpu.memory_space<hbm>> -> memref<1x1x20x100xi32, #tpu.memory_space<hbm>>
      %dma_start3A_53 = tpu.memref_squeeze %dma_start3A_52 : memref<1x1x20x100xi32, #tpu.memory_space<hbm>> -> memref<20x100xi32, #tpu.memory_space<hbm>>
      tpu.enqueue_dma source(%dma_start3A_53 : memref<20x100xi32, #tpu.memory_space<hbm>>) target(%arg6 : memref<20x100xi32, #tpu.memory_space<vmem>>) target_semaphore(%run_scoped3A_45 : memref<!tpu.dma_semaphore, #tpu.memory_space<semaphore_mem>>)
      %dma_wait3A_54 = arith.constant 0 : i32
      %dma_wait3A_55 = arith.constant 0 : i32
      %dma_wait3A_56 = tpu.memref_slice %arg3[%add3A, %run_scoped3A, %dma_wait3A_54, %dma_wait3A_55] : memref<32x5x20x100xi32, #tpu.memory_space<hbm>> -> memref<1x1x20x100xi32, #tpu.memory_space<hbm>>
      %dma_wait3A_57 = tpu.memref_squeeze %dma_wait3A_56 : memref<1x1x20x100xi32, #tpu.memory_space<hbm>> -> memref<20x100xi32, #tpu.memory_space<hbm>>
      %dma_wait3A_58 = arith.constant 0 : i32
      %dma_wait3A_59 = arith.constant 0 : i32
      %dma_wait3A_60 = tpu.memref_slice %arg3[%add3A, %run_scoped3A, %dma_wait3A_58, %dma_wait3A_59] : memref<32x5x20x100xi32, #tpu.memory_space<hbm>> -> memref<1x1x20x100xi32, #tpu.memory_space<hbm>>
      %dma_wait3A_61 = tpu.memref_squeeze %dma_wait3A_60 : memref<1x1x20x100xi32, #tpu.memory_space<hbm>> -> memref<20x100xi32, #tpu.memory_space<hbm>>
      tpu.wait_dma2 semaphore(%run_scoped3A_45 : memref<!tpu.dma_semaphore, #tpu.memory_space<semaphore_mem>>) src(%dma_wait3A_61 : memref<20x100xi32, #tpu.memory_space<hbm>>) dst(%arg6 : memref<20x100xi32, #tpu.memory_space<vmem>>)
      tpu.yield
    }) : () -> ()
    %run_scoped3A_3 = arith.constant 0 : i32
    "tpu.region"() ({
      %run_scoped3A_45 = tpu.sem_alloc : memref<!tpu.dma_semaphore, #tpu.memory_space<semaphore_mem>>
      %dma_start3A_46 = arith.constant 0 : i32
      %dma_start3A_47 = arith.constant 0 : i32
      %dma_start3A_48 = tpu.memref_slice %arg4[%add3A, %run_scoped3A_3, %dma_start3A_46, %dma_start3A_47] : memref<32x5x20x100xi32, #tpu.memory_space<hbm>> -> memref<1x1x20x100xi32, #tpu.memory_space<hbm>>
      %dma_start3A_49 = tpu.memref_squeeze %dma_start3A_48 : memref<1x1x20x100xi32, #tpu.memory_space<hbm>> -> memref<20x100xi32, #tpu.memory_space<hbm>>
      %dma_start3A_50 = arith.constant 0 : i32
      %dma_start3A_51 = arith.constant 0 : i32
      %dma_start3A_52 = tpu.memref_slice %arg4[%add3A, %run_scoped3A_3, %dma_start3A_50, %dma_start3A_51] : memref<32x5x20x100xi32, #tpu.memory_space<hbm>> -> memref<1x1x20x100xi32, #tpu.memory_space<hbm>>
      %dma_start3A_53 = tpu.memref_squeeze %dma_start3A_52 : memref<1x1x20x100xi32, #tpu.memory_space<hbm>> -> memref<20x100xi32, #tpu.memory_space<hbm>>
      tpu.enqueue_dma source(%dma_start3A_53 : memref<20x100xi32, #tpu.memory_space<hbm>>) target(%arg7 : memref<20x100xi32, #tpu.memory_space<vmem>>) target_semaphore(%run_scoped3A_45 : memref<!tpu.dma_semaphore, #tpu.memory_space<semaphore_mem>>)
      %dma_wait3A_54 = arith.constant 0 : i32
      %dma_wait3A_55 = arith.constant 0 : i32
      %dma_wait3A_56 = tpu.memref_slice %arg4[%add3A, %run_scoped3A_3, %dma_wait3A_54, %dma_wait3A_55] : memref<32x5x20x100xi32, #tpu.memory_space<hbm>> -> memref<1x1x20x100xi32, #tpu.memory_space<hbm>>
      %dma_wait3A_57 = tpu.memref_squeeze %dma_wait3A_56 : memref<1x1x20x100xi32, #tpu.memory_space<hbm>> -> memref<20x100xi32, #tpu.memory_space<hbm>>
      %dma_wait3A_58 = arith.constant 0 : i32
      %dma_wait3A_59 = arith.constant 0 : i32
      %dma_wait3A_60 = tpu.memref_slice %arg4[%add3A, %run_scoped3A_3, %dma_wait3A_58, %dma_wait3A_59] : memref<32x5x20x100xi32, #tpu.memory_space<hbm>> -> memref<1x1x20x100xi32, #tpu.memory_space<hbm>>
      %dma_wait3A_61 = tpu.memref_squeeze %dma_wait3A_60 : memref<1x1x20x100xi32, #tpu.memory_space<hbm>> -> memref<20x100xi32, #tpu.memory_space<hbm>>
      tpu.wait_dma2 semaphore(%run_scoped3A_45 : memref<!tpu.dma_semaphore, #tpu.memory_space<semaphore_mem>>) src(%dma_wait3A_61 : memref<20x100xi32, #tpu.memory_space<hbm>>) dst(%arg7 : memref<20x100xi32, #tpu.memory_space<vmem>>)
      tpu.yield
    }) : () -> ()
    %dma_start3A = arith.constant 0 : i32
    %dma_start3A_4 = arith.constant 0 : i32
    %dma_start3A_5 = tpu.memref_slice %arg6[%dma_start3A, %dma_start3A_4] : memref<20x100xi32, #tpu.memory_space<vmem>> -> memref<1x100xi32, #tpu.memory_space<vmem>>
    %dma_start3A_6 = tpu.memref_squeeze %dma_start3A_5 : memref<1x100xi32, #tpu.memory_space<vmem>> -> memref<100xi32, #tpu.memory_space<vmem>>
    %dma_start3A_7 = arith.constant 0 : i32
    %dma_start3A_8 = arith.constant 0 : i32
    %dma_start3A_9 = tpu.memref_slice %arg2[%dma_start3A_7, %dma_start3A_8] : memref<10000x128xf32, #tpu.memory_space<hbm>> -> memref<10000x128xf32, #tpu.memory_space<hbm>>
    tpu.enqueue_indirect_dma source(%dma_start3A_9 : memref<10000x128xf32, #tpu.memory_space<hbm>>) target(%arg8 : memref<100x128xf32, #tpu.memory_space<vmem>>) offsets(%dma_start3A_6 : memref<100xi32, #tpu.memory_space<vmem>>) semaphore(%arg12 : memref<!tpu.dma_semaphore, #tpu.memory_space<semaphore_mem>>)
    %broadcast_in_dim3A = arith.constant 0.000000e+00 : f32
    %broadcast_in_dim3A_10 = vector.broadcast %broadcast_in_dim3A : f32 to vector<16xf32>
    %scan3A = arith.constant 0 : i32
    %scan3A_11 = arith.constant 0 : i32
    %scan3A_12 = arith.constant 64 : i32
    %scan3A_13 = arith.addi %scan3A_11, %scan3A_12 : i32
    %scan3A_14 = arith.constant 1 : i32
    %scan3A_15 = scf.for %scan3A_45 = %scan3A_11 to %scan3A_13 step %scan3A_14 iter_args(%scan3A_46 = %scan3A) -> (i32)  : i32 {
      %swap3A = arith.index_cast %scan3A_45 : i32 to index
      %swap3A_47 = arith.constant 0 : index
      %swap3A_48 = tpu.vector_load %arg10[%swap3A, %swap3A_47] {strides = array<i32>} : memref<64x128xf32, #tpu.memory_space<vmem>>, vector<1x16xf32>,
      %swap3A_49 = vector.shape_cast %swap3A_48 : vector<1x16xf32> to vector<16xf32>
      %swap3A_50 = vector.shape_cast %broadcast_in_dim3A_10 : vector<16xf32> to vector<1x16xf32>
      tpu.vector_store %arg10[%swap3A, %swap3A_47], %swap3A_50 {strides = array<i32>} : memref<64x128xf32, #tpu.memory_space<vmem>>, vector<1x16xf32>,
      %swap3A_51 = arith.index_cast %scan3A_45 : i32 to index
      %swap3A_52 = arith.constant 16 : index
      %swap3A_53 = tpu.vector_load %arg10[%swap3A_51, %swap3A_52] {strides = array<i32>} : memref<64x128xf32, #tpu.memory_space<vmem>>, vector<1x16xf32>,
      %swap3A_54 = vector.shape_cast %swap3A_53 : vector<1x16xf32> to vector<16xf32>
      %swap3A_55 = vector.shape_cast %broadcast_in_dim3A_10 : vector<16xf32> to vector<1x16xf32>
      tpu.vector_store %arg10[%swap3A_51, %swap3A_52], %swap3A_55 {strides = array<i32>} : memref<64x128xf32, #tpu.memory_space<vmem>>, vector<1x16xf32>,
      %swap3A_56 = arith.index_cast %scan3A_45 : i32 to index
      %swap3A_57 = arith.constant 32 : index
      %swap3A_58 = tpu.vector_load %arg10[%swap3A_56, %swap3A_57] {strides = array<i32>} : memref<64x128xf32, #tpu.memory_space<vmem>>, vector<1x16xf32>,
      %swap3A_59 = vector.shape_cast %swap3A_58 : vector<1x16xf32> to vector<16xf32>
      %swap3A_60 = vector.shape_cast %broadcast_in_dim3A_10 : vector<16xf32> to vector<1x16xf32>
      tpu.vector_store %arg10[%swap3A_56, %swap3A_57], %swap3A_60 {strides = array<i32>} : memref<64x128xf32, #tpu.memory_space<vmem>>, vector<1x16xf32>,
      %swap3A_61 = arith.index_cast %scan3A_45 : i32 to index
      %swap3A_62 = arith.constant 48 : index
      %swap3A_63 = tpu.vector_load %arg10[%swap3A_61, %swap3A_62] {strides = array<i32>} : memref<64x128xf32, #tpu.memory_space<vmem>>, vector<1x16xf32>,
      %swap3A_64 = vector.shape_cast %swap3A_63 : vector<1x16xf32> to vector<16xf32>
      %swap3A_65 = vector.shape_cast %broadcast_in_dim3A_10 : vector<16xf32> to vector<1x16xf32>
      tpu.vector_store %arg10[%swap3A_61, %swap3A_62], %swap3A_65 {strides = array<i32>} : memref<64x128xf32, #tpu.memory_space<vmem>>, vector<1x16xf32>,
      %swap3A_66 = arith.index_cast %scan3A_45 : i32 to index
      %swap3A_67 = arith.constant 64 : index
      %swap3A_68 = tpu.vector_load %arg10[%swap3A_66, %swap3A_67] {strides = array<i32>} : memref<64x128xf32, #tpu.memory_space<vmem>>, vector<1x16xf32>,
      %swap3A_69 = vector.shape_cast %swap3A_68 : vector<1x16xf32> to vector<16xf32>
      %swap3A_70 = vector.shape_cast %broadcast_in_dim3A_10 : vector<16xf32> to vector<1x16xf32>
      tpu.vector_store %arg10[%swap3A_66, %swap3A_67], %swap3A_70 {strides = array<i32>} : memref<64x128xf32, #tpu.memory_space<vmem>>, vector<1x16xf32>,
      %swap3A_71 = arith.index_cast %scan3A_45 : i32 to index
      %swap3A_72 = arith.constant 80 : index
      %swap3A_73 = tpu.vector_load %arg10[%swap3A_71, %swap3A_72] {strides = array<i32>} : memref<64x128xf32, #tpu.memory_space<vmem>>, vector<1x16xf32>,
      %swap3A_74 = vector.shape_cast %swap3A_73 : vector<1x16xf32> to vector<16xf32>
      %swap3A_75 = vector.shape_cast %broadcast_in_dim3A_10 : vector<16xf32> to vector<1x16xf32>
      tpu.vector_store %arg10[%swap3A_71, %swap3A_72], %swap3A_75 {strides = array<i32>} : memref<64x128xf32, #tpu.memory_space<vmem>>, vector<1x16xf32>,
      %swap3A_76 = arith.index_cast %scan3A_45 : i32 to index
      %swap3A_77 = arith.constant 96 : index
      %swap3A_78 = tpu.vector_load %arg10[%swap3A_76, %swap3A_77] {strides = array<i32>} : memref<64x128xf32, #tpu.memory_space<vmem>>, vector<1x16xf32>,
      %swap3A_79 = vector.shape_cast %swap3A_78 : vector<1x16xf32> to vector<16xf32>
      %swap3A_80 = vector.shape_cast %broadcast_in_dim3A_10 : vector<16xf32> to vector<1x16xf32>
      tpu.vector_store %arg10[%swap3A_76, %swap3A_77], %swap3A_80 {strides = array<i32>} : memref<64x128xf32, #tpu.memory_space<vmem>>, vector<1x16xf32>,
      %swap3A_81 = arith.index_cast %scan3A_45 : i32 to index
      %swap3A_82 = arith.constant 112 : index
      %swap3A_83 = tpu.vector_load %arg10[%swap3A_81, %swap3A_82] {strides = array<i32>} : memref<64x128xf32, #tpu.memory_space<vmem>>, vector<1x16xf32>,
      %swap3A_84 = vector.shape_cast %swap3A_83 : vector<1x16xf32> to vector<16xf32>
      %swap3A_85 = vector.shape_cast %broadcast_in_dim3A_10 : vector<16xf32> to vector<1x16xf32>
      tpu.vector_store %arg10[%swap3A_81, %swap3A_82], %swap3A_85 {strides = array<i32>} : memref<64x128xf32, #tpu.memory_space<vmem>>, vector<1x16xf32>,
      %scan3A_86 = arith.constant 0 : i32
      scf.yield %scan3A_86 : i32
    }
    %scan3A_16 = arith.constant 64 : i32
    %scan3A_17 = arith.constant 0 : i32
    %scan3A_18 = arith.constant 0 : i32
    %scan3A_19 = arith.constant 10 : i32
    %scan3A_20 = arith.addi %scan3A_18, %scan3A_19 : i32
    %scan3A_21 = arith.constant 1 : i32
    %scan3A_22 = scf.for %scan3A_45 = %scan3A_18 to %scan3A_20 step %scan3A_21 iter_args(%scan3A_46 = %scan3A_17) -> (i32)  : i32 {
      %mul3A_47 = arith.constant 64 : i32
      %mul3A_48 = arith.muli %scan3A_45, %mul3A_47 : i32
      %add3A_49 = arith.addi %mul3A_2, %mul3A_48 : i32
      "tpu.region"() ({
        %run_scoped3A_51 = tpu.sem_alloc : memref<!tpu.dma_semaphore, #tpu.memory_space<semaphore_mem>>
        %dma_start3A_52 = arith.constant 0 : i32
        %dma_start3A_53 = tpu.memref_slice %arg11[%add3A_49, %dma_start3A_52] : memref<10240x128xf32, #tpu.memory_space<vmem_shared>> -> memref<64x128xf32, #tpu.memory_space<vmem_shared>>
        %dma_start3A_54 = arith.constant 0 : i32
        %dma_start3A_55 = tpu.memref_slice %arg11[%add3A_49, %dma_start3A_54] : memref<10240x128xf32, #tpu.memory_space<vmem_shared>> -> memref<64x128xf32, #tpu.memory_space<vmem_shared>>
        tpu.enqueue_dma source(%arg10 : memref<64x128xf32, #tpu.memory_space<vmem>>) target(%dma_start3A_55 : memref<64x128xf32, #tpu.memory_space<vmem_shared>>) target_semaphore(%run_scoped3A_51 : memref<!tpu.dma_semaphore, #tpu.memory_space<semaphore_mem>>)
        %dma_wait3A_56 = arith.constant 0 : i32
        %dma_wait3A_57 = tpu.memref_slice %arg11[%add3A_49, %dma_wait3A_56] : memref<10240x128xf32, #tpu.memory_space<vmem_shared>> -> memref<64x128xf32, #tpu.memory_space<vmem_shared>>
        %dma_wait3A_58 = arith.constant 0 : i32
        %dma_wait3A_59 = tpu.memref_slice %arg11[%add3A_49, %dma_wait3A_58] : memref<10240x128xf32, #tpu.memory_space<vmem_shared>> -> memref<64x128xf32, #tpu.memory_space<vmem_shared>>
        tpu.wait_dma2 semaphore(%run_scoped3A_51 : memref<!tpu.dma_semaphore, #tpu.memory_space<semaphore_mem>>) src(%arg10 : memref<64x128xf32, #tpu.memory_space<vmem>>) dst(%dma_wait3A_59 : memref<64x128xf32, #tpu.memory_space<vmem_shared>>)
        tpu.yield
      }) : () -> ()
      %scan3A_50 = arith.constant 0 : i32
      scf.yield %scan3A_50 : i32
    }
    %scan3A_23 = arith.constant 10 : i32
    %barrier3A = arith.constant 0 : index
    tpu.barrier barrier_id(%barrier3A)
    %scan3A_24 = arith.constant 0 : i32
    %scan3A_25 = arith.constant 0 : i32
    %scan3A_26 = arith.constant 5 : i32
    %scan3A_27 = arith.addi %scan3A_25, %scan3A_26 : i32
    %scan3A_28 = arith.constant 1 : i32
    %scan3A_29 = scf.for %scan3A_45 = %scan3A_25 to %scan3A_27 step %scan3A_28 iter_args(%scan3A_46 = %scan3A_24) -> (i32)  : i32 {
      %gt3A = arith.constant 0 : i32
      %gt3A_47 = arith.cmpi sgt, %scan3A_45, %gt3A : i32
      %convert_element_type3A = arith.extui %gt3A_47 : i1 to i32
      %cond3A = arith.constant 0 : i32
      %cond3A_48 = arith.cmpi ne, %convert_element_type3A, %cond3A : i32
      scf.if %cond3A_48 {
        %dma_wait3A_57 = arith.constant 19 : i32
        %dma_wait3A_58 = arith.constant 0 : i32
        %dma_wait3A_59 = tpu.memref_slice %arg7[%dma_wait3A_57, %dma_wait3A_58] : memref<20x100xi32, #tpu.memory_space<vmem>> -> memref<1x100xi32, #tpu.memory_space<vmem>>
        %dma_wait3A_60 = tpu.memref_squeeze %dma_wait3A_59 : memref<1x100xi32, #tpu.memory_space<vmem>> -> memref<100xi32, #tpu.memory_space<vmem>>
        %dma_wait3A_61 = arith.constant 0 : i32
        %dma_wait3A_62 = arith.constant 0 : i32
        %dma_wait3A_63 = tpu.memref_slice %arg11[%dma_wait3A_61, %dma_wait3A_62] : memref<10240x128xf32, #tpu.memory_space<vmem_shared>> -> memref<10240x128xf32, #tpu.memory_space<vmem_shared>>
        tpu.wait_indirect_dma semaphore(%arg15 : memref<!tpu.dma_semaphore, #tpu.memory_space<semaphore_mem>>) src(%arg9 : memref<100x128xf32, #tpu.memory_space<vmem>>) dst(%dma_wait3A_63 : memref<10240x128xf32, #tpu.memory_space<vmem_shared>>)
        "tpu.region"() ({
          %run_scoped3A_71 = tpu.sem_alloc : memref<!tpu.dma_semaphore, #tpu.memory_space<semaphore_mem>>
          %dma_start3A_72 = arith.constant 0 : i32
          %dma_start3A_73 = arith.constant 0 : i32
          %dma_start3A_74 = tpu.memref_slice %arg3[%add3A, %scan3A_45, %dma_start3A_72, %dma_start3A_73] : memref<32x5x20x100xi32, #tpu.memory_space<hbm>> -> memref<1x1x20x100xi32, #tpu.memory_space<hbm>>
          %dma_start3A_75 = tpu.memref_squeeze %dma_start3A_74 : memref<1x1x20x100xi32, #tpu.memory_space<hbm>> -> memref<20x100xi32, #tpu.memory_space<hbm>>
          %dma_start3A_76 = arith.constant 0 : i32
          %dma_start3A_77 = arith.constant 0 : i32
          %dma_start3A_78 = tpu.memref_slice %arg3[%add3A, %scan3A_45, %dma_start3A_76, %dma_start3A_77] : memref<32x5x20x100xi32, #tpu.memory_space<hbm>> -> memref<1x1x20x100xi32, #tpu.memory_space<hbm>>
          %dma_start3A_79 = tpu.memref_squeeze %dma_start3A_78 : memref<1x1x20x100xi32, #tpu.memory_space<hbm>> -> memref<20x100xi32, #tpu.memory_space<hbm>>
          tpu.enqueue_dma source(%dma_start3A_79 : memref<20x100xi32, #tpu.memory_space<hbm>>) target(%arg6 : memref<20x100xi32, #tpu.memory_space<vmem>>) target_semaphore(%run_scoped3A_71 : memref<!tpu.dma_semaphore, #tpu.memory_space<semaphore_mem>>)
          %dma_wait3A_80 = arith.constant 0 : i32
          %dma_wait3A_81 = arith.constant 0 : i32
          %dma_wait3A_82 = tpu.memref_slice %arg3[%add3A, %scan3A_45, %dma_wait3A_80, %dma_wait3A_81] : memref<32x5x20x100xi32, #tpu.memory_space<hbm>> -> memref<1x1x20x100xi32, #tpu.memory_space<hbm>>
          %dma_wait3A_83 = tpu.memref_squeeze %dma_wait3A_82 : memref<1x1x20x100xi32, #tpu.memory_space<hbm>> -> memref<20x100xi32, #tpu.memory_space<hbm>>
          %dma_wait3A_84 = arith.constant 0 : i32
          %dma_wait3A_85 = arith.constant 0 : i32
          %dma_wait3A_86 = tpu.memref_slice %arg3[%add3A, %scan3A_45, %dma_wait3A_84, %dma_wait3A_85] : memref<32x5x20x100xi32, #tpu.memory_space<hbm>> -> memref<1x1x20x100xi32, #tpu.memory_space<hbm>>
          %dma_wait3A_87 = tpu.memref_squeeze %dma_wait3A_86 : memref<1x1x20x100xi32, #tpu.memory_space<hbm>> -> memref<20x100xi32, #tpu.memory_space<hbm>>
          tpu.wait_dma2 semaphore(%run_scoped3A_71 : memref<!tpu.dma_semaphore, #tpu.memory_space<semaphore_mem>>) src(%dma_wait3A_87 : memref<20x100xi32, #tpu.memory_space<hbm>>) dst(%arg6 : memref<20x100xi32, #tpu.memory_space<vmem>>)
          tpu.yield
        }) : () -> ()
        "tpu.region"() ({
          %run_scoped3A_71 = tpu.sem_alloc : memref<!tpu.dma_semaphore, #tpu.memory_space<semaphore_mem>>
          %dma_start3A_72 = arith.constant 0 : i32
          %dma_start3A_73 = arith.constant 0 : i32
          %dma_start3A_74 = tpu.memref_slice %arg4[%add3A, %scan3A_45, %dma_start3A_72, %dma_start3A_73] : memref<32x5x20x100xi32, #tpu.memory_space<hbm>> -> memref<1x1x20x100xi32, #tpu.memory_space<hbm>>
          %dma_start3A_75 = tpu.memref_squeeze %dma_start3A_74 : memref<1x1x20x100xi32, #tpu.memory_space<hbm>> -> memref<20x100xi32, #tpu.memory_space<hbm>>
          %dma_start3A_76 = arith.constant 0 : i32
          %dma_start3A_77 = arith.constant 0 : i32
          %dma_start3A_78 = tpu.memref_slice %arg4[%add3A, %scan3A_45, %dma_start3A_76, %dma_start3A_77] : memref<32x5x20x100xi32, #tpu.memory_space<hbm>> -> memref<1x1x20x100xi32, #tpu.memory_space<hbm>>
          %dma_start3A_79 = tpu.memref_squeeze %dma_start3A_78 : memref<1x1x20x100xi32, #tpu.memory_space<hbm>> -> memref<20x100xi32, #tpu.memory_space<hbm>>
          tpu.enqueue_dma source(%dma_start3A_79 : memref<20x100xi32, #tpu.memory_space<hbm>>) target(%arg7 : memref<20x100xi32, #tpu.memory_space<vmem>>) target_semaphore(%run_scoped3A_71 : memref<!tpu.dma_semaphore, #tpu.memory_space<semaphore_mem>>)
          %dma_wait3A_80 = arith.constant 0 : i32
          %dma_wait3A_81 = arith.constant 0 : i32
          %dma_wait3A_82 = tpu.memref_slice %arg4[%add3A, %scan3A_45, %dma_wait3A_80, %dma_wait3A_81] : memref<32x5x20x100xi32, #tpu.memory_space<hbm>> -> memref<1x1x20x100xi32, #tpu.memory_space<hbm>>
          %dma_wait3A_83 = tpu.memref_squeeze %dma_wait3A_82 : memref<1x1x20x100xi32, #tpu.memory_space<hbm>> -> memref<20x100xi32, #tpu.memory_space<hbm>>
          %dma_wait3A_84 = arith.constant 0 : i32
          %dma_wait3A_85 = arith.constant 0 : i32
          %dma_wait3A_86 = tpu.memref_slice %arg4[%add3A, %scan3A_45, %dma_wait3A_84, %dma_wait3A_85] : memref<32x5x20x100xi32, #tpu.memory_space<hbm>> -> memref<1x1x20x100xi32, #tpu.memory_space<hbm>>
          %dma_wait3A_87 = tpu.memref_squeeze %dma_wait3A_86 : memref<1x1x20x100xi32, #tpu.memory_space<hbm>> -> memref<20x100xi32, #tpu.memory_space<hbm>>
          tpu.wait_dma2 semaphore(%run_scoped3A_71 : memref<!tpu.dma_semaphore, #tpu.memory_space<semaphore_mem>>) src(%dma_wait3A_87 : memref<20x100xi32, #tpu.memory_space<hbm>>) dst(%arg7 : memref<20x100xi32, #tpu.memory_space<vmem>>)
          tpu.yield
        }) : () -> ()
        %dma_start3A_64 = arith.constant 0 : i32
        %dma_start3A_65 = arith.constant 0 : i32
        %dma_start3A_66 = tpu.memref_slice %arg6[%dma_start3A_64, %dma_start3A_65] : memref<20x100xi32, #tpu.memory_space<vmem>> -> memref<1x100xi32, #tpu.memory_space<vmem>>
        %dma_start3A_67 = tpu.memref_squeeze %dma_start3A_66 : memref<1x100xi32, #tpu.memory_space<vmem>> -> memref<100xi32, #tpu.memory_space<vmem>>
        %dma_start3A_68 = arith.constant 0 : i32
        %dma_start3A_69 = arith.constant 0 : i32
        %dma_start3A_70 = tpu.memref_slice %arg2[%dma_start3A_68, %dma_start3A_69] : memref<10000x128xf32, #tpu.memory_space<hbm>> -> memref<10000x128xf32, #tpu.memory_space<hbm>>
        tpu.enqueue_indirect_dma source(%dma_start3A_70 : memref<10000x128xf32, #tpu.memory_space<hbm>>) target(%arg8 : memref<100x128xf32, #tpu.memory_space<vmem>>) offsets(%dma_start3A_67 : memref<100xi32, #tpu.memory_space<vmem>>) semaphore(%arg12 : memref<!tpu.dma_semaphore, #tpu.memory_space<semaphore_mem>>)
      } else {
      }
      %scan3A_49 = arith.constant 0 : i32
      %scan3A_50 = arith.constant 0 : i32
      %scan3A_51 = arith.constant 10 : i32
      %scan3A_52 = arith.addi %scan3A_50, %scan3A_51 : i32
      %scan3A_53 = arith.constant 1 : i32
      %scan3A_54 = scf.for %scan3A_57 = %scan3A_50 to %scan3A_52 step %scan3A_53 iter_args(%scan3A_58 = %scan3A_49) -> (i32)  : i32 {
        %mul3A_59 = arith.constant 2 : i32
        %mul3A_60 = arith.muli %mul3A_59, %scan3A_57 : i32
        %gt3A_61 = arith.constant 0 : i32
        %gt3A_62 = arith.cmpi sgt, %scan3A_57, %gt3A_61 : i32
        %convert_element_type3A_63 = arith.extui %gt3A_62 : i1 to i32
        %cond3A_64 = arith.constant 0 : i32
        %cond3A_65 = arith.cmpi ne, %convert_element_type3A_63, %cond3A_64 : i32
        scf.if %cond3A_65 {
          %sub3A = arith.constant 1 : i32
          %sub3A_115 = arith.subi %mul3A_60, %sub3A : i32
          %dma_wait3A_116 = arith.constant 0 : i32
          %dma_wait3A_117 = tpu.memref_slice %arg7[%sub3A_115, %dma_wait3A_116] : memref<20x100xi32, #tpu.memory_space<vmem>> -> memref<1x100xi32, #tpu.memory_space<vmem>>
          %dma_wait3A_118 = tpu.memref_squeeze %dma_wait3A_117 : memref<1x100xi32, #tpu.memory_space<vmem>> -> memref<100xi32, #tpu.memory_space<vmem>>
          %dma_wait3A_119 = arith.constant 0 : i32
          %dma_wait3A_120 = arith.constant 0 : i32
          %dma_wait3A_121 = tpu.memref_slice %arg11[%dma_wait3A_119, %dma_wait3A_120] : memref<10240x128xf32, #tpu.memory_space<vmem_shared>> -> memref<10240x128xf32, #tpu.memory_space<vmem_shared>>
          tpu.wait_indirect_dma semaphore(%arg15 : memref<!tpu.dma_semaphore, #tpu.memory_space<semaphore_mem>>) src(%arg9 : memref<100x128xf32, #tpu.memory_space<vmem>>) dst(%dma_wait3A_121 : memref<10240x128xf32, #tpu.memory_space<vmem_shared>>)
        } else {
        }
        %add3A_66 = arith.constant 1 : i32
        %add3A_67 = arith.addi %mul3A_60, %add3A_66 : i32
        %dma_start3A_68 = arith.constant 0 : i32
        %dma_start3A_69 = tpu.memref_slice %arg6[%add3A_67, %dma_start3A_68] : memref<20x100xi32, #tpu.memory_space<vmem>> -> memref<1x100xi32, #tpu.memory_space<vmem>>
        %dma_start3A_70 = tpu.memref_squeeze %dma_start3A_69 : memref<1x100xi32, #tpu.memory_space<vmem>> -> memref<100xi32, #tpu.memory_space<vmem>>
        %dma_start3A_71 = arith.constant 0 : i32
        %dma_start3A_72 = arith.constant 0 : i32
        %dma_start3A_73 = tpu.memref_slice %arg2[%dma_start3A_71, %dma_start3A_72] : memref<10000x128xf32, #tpu.memory_space<hbm>> -> memref<10000x128xf32, #tpu.memory_space<hbm>>
        tpu.enqueue_indirect_dma source(%dma_start3A_73 : memref<10000x128xf32, #tpu.memory_space<hbm>>) target(%arg9 : memref<100x128xf32, #tpu.memory_space<vmem>>) offsets(%dma_start3A_70 : memref<100xi32, #tpu.memory_space<vmem>>) semaphore(%arg13 : memref<!tpu.dma_semaphore, #tpu.memory_space<semaphore_mem>>)
        %dma_wait3A_74 = arith.constant 0 : i32
        %dma_wait3A_75 = tpu.memref_slice %arg6[%mul3A_60, %dma_wait3A_74] : memref<20x100xi32, #tpu.memory_space<vmem>> -> memref<1x100xi32, #tpu.memory_space<vmem>>
        %dma_wait3A_76 = tpu.memref_squeeze %dma_wait3A_75 : memref<1x100xi32, #tpu.memory_space<vmem>> -> memref<100xi32, #tpu.memory_space<vmem>>
        %dma_wait3A_77 = arith.constant 0 : i32
        %dma_wait3A_78 = arith.constant 0 : i32
        %dma_wait3A_79 = tpu.memref_slice %arg2[%dma_wait3A_77, %dma_wait3A_78] : memref<10000x128xf32, #tpu.memory_space<hbm>> -> memref<10000x128xf32, #tpu.memory_space<hbm>>
        tpu.wait_indirect_dma semaphore(%arg12 : memref<!tpu.dma_semaphore, #tpu.memory_space<semaphore_mem>>) src(%dma_wait3A_79 : memref<10000x128xf32, #tpu.memory_space<hbm>>) dst(%arg8 : memref<100x128xf32, #tpu.memory_space<vmem>>)
        %dma_start3A_80 = arith.constant 0 : i32
        %dma_start3A_81 = tpu.memref_slice %arg7[%mul3A_60, %dma_start3A_80] : memref<20x100xi32, #tpu.memory_space<vmem>> -> memref<1x100xi32, #tpu.memory_space<vmem>>
        %dma_start3A_82 = tpu.memref_squeeze %dma_start3A_81 : memref<1x100xi32, #tpu.memory_space<vmem>> -> memref<100xi32, #tpu.memory_space<vmem>>
        %dma_start3A_83 = arith.constant 0 : i32
        %dma_start3A_84 = arith.constant 0 : i32
        %dma_start3A_85 = tpu.memref_slice %arg11[%dma_start3A_83, %dma_start3A_84] : memref<10240x128xf32, #tpu.memory_space<vmem_shared>> -> memref<10240x128xf32, #tpu.memory_space<vmem_shared>>
        tpu.enqueue_indirect_dma source(%arg8 : memref<100x128xf32, #tpu.memory_space<vmem>>) target(%dma_start3A_85 : memref<10240x128xf32, #tpu.memory_space<vmem_shared>>) offsets(%dma_start3A_82 : memref<100xi32, #tpu.memory_space<vmem>>) semaphore(%arg14 : memref<!tpu.dma_semaphore, #tpu.memory_space<semaphore_mem>>) {add = true}
        %add3A_86 = arith.constant 1 : i32
        %add3A_87 = arith.addi %mul3A_60, %add3A_86 : i32
        %dma_wait3A_88 = arith.constant 0 : i32
        %dma_wait3A_89 = tpu.memref_slice %arg6[%add3A_87, %dma_wait3A_88] : memref<20x100xi32, #tpu.memory_space<vmem>> -> memref<1x100xi32, #tpu.memory_space<vmem>>
        %dma_wait3A_90 = tpu.memref_squeeze %dma_wait3A_89 : memref<1x100xi32, #tpu.memory_space<vmem>> -> memref<100xi32, #tpu.memory_space<vmem>>
        %dma_wait3A_91 = arith.constant 0 : i32
        %dma_wait3A_92 = arith.constant 0 : i32
        %dma_wait3A_93 = tpu.memref_slice %arg2[%dma_wait3A_91, %dma_wait3A_92] : memref<10000x128xf32, #tpu.memory_space<hbm>> -> memref<10000x128xf32, #tpu.memory_space<hbm>>
        tpu.wait_indirect_dma semaphore(%arg13 : memref<!tpu.dma_semaphore, #tpu.memory_space<semaphore_mem>>) src(%dma_wait3A_93 : memref<10000x128xf32, #tpu.memory_space<hbm>>) dst(%arg9 : memref<100x128xf32, #tpu.memory_space<vmem>>)
        %add3A_94 = arith.constant 1 : i32
        %add3A_95 = arith.addi %mul3A_60, %add3A_94 : i32
        %dma_start3A_96 = arith.constant 0 : i32
        %dma_start3A_97 = tpu.memref_slice %arg7[%add3A_95, %dma_start3A_96] : memref<20x100xi32, #tpu.memory_space<vmem>> -> memref<1x100xi32, #tpu.memory_space<vmem>>
        %dma_start3A_98 = tpu.memref_squeeze %dma_start3A_97 : memref<1x100xi32, #tpu.memory_space<vmem>> -> memref<100xi32, #tpu.memory_space<vmem>>
        %dma_start3A_99 = arith.constant 0 : i32
        %dma_start3A_100 = arith.constant 0 : i32
        %dma_start3A_101 = tpu.memref_slice %arg11[%dma_start3A_99, %dma_start3A_100] : memref<10240x128xf32, #tpu.memory_space<vmem_shared>> -> memref<10240x128xf32, #tpu.memory_space<vmem_shared>>
        tpu.enqueue_indirect_dma source(%arg9 : memref<100x128xf32, #tpu.memory_space<vmem>>) target(%dma_start3A_101 : memref<10240x128xf32, #tpu.memory_space<vmem_shared>>) offsets(%dma_start3A_98 : memref<100xi32, #tpu.memory_space<vmem>>) semaphore(%arg15 : memref<!tpu.dma_semaphore, #tpu.memory_space<semaphore_mem>>) {add = true}
        %dma_wait3A_102 = arith.constant 0 : i32
        %dma_wait3A_103 = tpu.memref_slice %arg7[%mul3A_60, %dma_wait3A_102] : memref<20x100xi32, #tpu.memory_space<vmem>> -> memref<1x100xi32, #tpu.memory_space<vmem>>
        %dma_wait3A_104 = tpu.memref_squeeze %dma_wait3A_103 : memref<1x100xi32, #tpu.memory_space<vmem>> -> memref<100xi32, #tpu.memory_space<vmem>>
        %dma_wait3A_105 = arith.constant 0 : i32
        %dma_wait3A_106 = arith.constant 0 : i32
        %dma_wait3A_107 = tpu.memref_slice %arg11[%dma_wait3A_105, %dma_wait3A_106] : memref<10240x128xf32, #tpu.memory_space<vmem_shared>> -> memref<10240x128xf32, #tpu.memory_space<vmem_shared>>
        tpu.wait_indirect_dma semaphore(%arg14 : memref<!tpu.dma_semaphore, #tpu.memory_space<semaphore_mem>>) src(%arg8 : memref<100x128xf32, #tpu.memory_space<vmem>>) dst(%dma_wait3A_107 : memref<10240x128xf32, #tpu.memory_space<vmem_shared>>)
        %add3A_108 = arith.constant 2 : i32
        %add3A_109 = arith.addi %mul3A_60, %add3A_108 : i32
        %lt3A = arith.constant 20 : i32
        %lt3A_110 = arith.cmpi slt, %add3A_109, %lt3A : i32
        %convert_element_type3A_111 = arith.extui %lt3A_110 : i1 to i32
        %cond3A_112 = arith.constant 0 : i32
        %cond3A_113 = arith.cmpi ne, %convert_element_type3A_111, %cond3A_112 : i32
        scf.if %cond3A_113 {
          %add3A_115 = arith.constant 2 : i32
          %add3A_116 = arith.addi %mul3A_60, %add3A_115 : i32
          %dma_start3A_117 = arith.constant 0 : i32
          %dma_start3A_118 = tpu.memref_slice %arg6[%add3A_116, %dma_start3A_117] : memref<20x100xi32, #tpu.memory_space<vmem>> -> memref<1x100xi32, #tpu.memory_space<vmem>>
          %dma_start3A_119 = tpu.memref_squeeze %dma_start3A_118 : memref<1x100xi32, #tpu.memory_space<vmem>> -> memref<100xi32, #tpu.memory_space<vmem>>
          %dma_start3A_120 = arith.constant 0 : i32
          %dma_start3A_121 = arith.constant 0 : i32
          %dma_start3A_122 = tpu.memref_slice %arg2[%dma_start3A_120, %dma_start3A_121] : memref<10000x128xf32, #tpu.memory_space<hbm>> -> memref<10000x128xf32, #tpu.memory_space<hbm>>
          tpu.enqueue_indirect_dma source(%dma_start3A_122 : memref<10000x128xf32, #tpu.memory_space<hbm>>) target(%arg8 : memref<100x128xf32, #tpu.memory_space<vmem>>) offsets(%dma_start3A_119 : memref<100xi32, #tpu.memory_space<vmem>>) semaphore(%arg12 : memref<!tpu.dma_semaphore, #tpu.memory_space<semaphore_mem>>)
        } else {
        }
        %scan3A_114 = arith.constant 0 : i32
        scf.yield %scan3A_114 : i32
      }
      %scan3A_55 = arith.constant 10 : i32
      %scan3A_56 = arith.constant 0 : i32
      scf.yield %scan3A_56 : i32
    }
    %scan3A_30 = arith.constant 5 : i32
    %dma_wait3A = arith.constant 19 : i32
    %dma_wait3A_31 = arith.constant 0 : i32
    %dma_wait3A_32 = tpu.memref_slice %arg7[%dma_wait3A, %dma_wait3A_31] : memref<20x100xi32, #tpu.memory_space<vmem>> -> memref<1x100xi32, #tpu.memory_space<vmem>>
    %dma_wait3A_33 = tpu.memref_squeeze %dma_wait3A_32 : memref<1x100xi32, #tpu.memory_space<vmem>> -> memref<100xi32, #tpu.memory_space<vmem>>
    %dma_wait3A_34 = arith.constant 0 : i32
    %dma_wait3A_35 = arith.constant 0 : i32
    %dma_wait3A_36 = tpu.memref_slice %arg11[%dma_wait3A_34, %dma_wait3A_35] : memref<10240x128xf32, #tpu.memory_space<vmem_shared>> -> memref<10240x128xf32, #tpu.memory_space<vmem_shared>>
    tpu.wait_indirect_dma semaphore(%arg15 : memref<!tpu.dma_semaphore, #tpu.memory_space<semaphore_mem>>) src(%arg9 : memref<100x128xf32, #tpu.memory_space<vmem>>) dst(%dma_wait3A_36 : memref<10240x128xf32, #tpu.memory_space<vmem_shared>>)
    %barrier3A_37 = arith.constant 0 : index
    tpu.barrier barrier_id(%barrier3A_37)
    %scan3A_38 = arith.constant 0 : i32
    %scan3A_39 = arith.constant 0 : i32
    %scan3A_40 = arith.constant 10 : i32
    %scan3A_41 = arith.addi %scan3A_39, %scan3A_40 : i32
    %scan3A_42 = arith.constant 1 : i32
    %scan3A_43 = scf.for %scan3A_45 = %scan3A_39 to %scan3A_41 step %scan3A_42 iter_args(%scan3A_46 = %scan3A_38) -> (i32)  : i32 {
      %mul3A_47 = arith.constant 64 : i32
      %mul3A_48 = arith.muli %scan3A_45, %mul3A_47 : i32
      %add3A_49 = arith.addi %mul3A_2, %mul3A_48 : i32
      "tpu.region"() ({
        %run_scoped3A_54 = tpu.sem_alloc : memref<!tpu.dma_semaphore, #tpu.memory_space<semaphore_mem>>
        %dma_start3A_55 = arith.constant 0 : i32
        %dma_start3A_56 = tpu.memref_slice %arg11[%add3A_49, %dma_start3A_55] : memref<10240x128xf32, #tpu.memory_space<vmem_shared>> -> memref<64x128xf32, #tpu.memory_space<vmem_shared>>
        %dma_start3A_57 = arith.constant 0 : i32
        %dma_start3A_58 = tpu.memref_slice %arg11[%add3A_49, %dma_start3A_57] : memref<10240x128xf32, #tpu.memory_space<vmem_shared>> -> memref<64x128xf32, #tpu.memory_space<vmem_shared>>
        tpu.enqueue_dma source(%dma_start3A_58 : memref<64x128xf32, #tpu.memory_space<vmem_shared>>) target(%arg10 : memref<64x128xf32, #tpu.memory_space<vmem>>) target_semaphore(%run_scoped3A_54 : memref<!tpu.dma_semaphore, #tpu.memory_space<semaphore_mem>>)
        %dma_wait3A_59 = arith.constant 0 : i32
        %dma_wait3A_60 = tpu.memref_slice %arg11[%add3A_49, %dma_wait3A_59] : memref<10240x128xf32, #tpu.memory_space<vmem_shared>> -> memref<64x128xf32, #tpu.memory_space<vmem_shared>>
        %dma_wait3A_61 = arith.constant 0 : i32
        %dma_wait3A_62 = tpu.memref_slice %arg11[%add3A_49, %dma_wait3A_61] : memref<10240x128xf32, #tpu.memory_space<vmem_shared>> -> memref<64x128xf32, #tpu.memory_space<vmem_shared>>
        tpu.wait_dma2 semaphore(%run_scoped3A_54 : memref<!tpu.dma_semaphore, #tpu.memory_space<semaphore_mem>>) src(%dma_wait3A_62 : memref<64x128xf32, #tpu.memory_space<vmem_shared>>) dst(%arg10 : memref<64x128xf32, #tpu.memory_space<vmem>>)
        tpu.yield
      }) : () -> ()
      %mul3A_50 = arith.constant 64 : i32
      %mul3A_51 = arith.muli %scan3A_45, %mul3A_50 : i32
      %add3A_52 = arith.addi %mul3A_2, %mul3A_51 : i32
      "tpu.region"() ({
        %run_scoped3A_54 = tpu.sem_alloc : memref<!tpu.dma_semaphore, #tpu.memory_space<semaphore_mem>>
        %dma_start3A_55 = arith.constant 0 : i32
        %dma_start3A_56 = tpu.memref_slice %arg5[%arg0, %add3A_52, %dma_start3A_55] : memref<2x10240x128xf32, #tpu.memory_space<hbm>> -> memref<1x64x128xf32, #tpu.memory_space<hbm>>
        %dma_start3A_57 = tpu.memref_squeeze %dma_start3A_56 : memref<1x64x128xf32, #tpu.memory_space<hbm>> -> memref<64x128xf32, #tpu.memory_space<hbm>>
        %dma_start3A_58 = arith.constant 0 : i32
        %dma_start3A_59 = tpu.memref_slice %arg5[%arg0, %add3A_52, %dma_start3A_58] : memref<2x10240x128xf32, #tpu.memory_space<hbm>> -> memref<1x64x128xf32, #tpu.memory_space<hbm>>
        %dma_start3A_60 = tpu.memref_squeeze %dma_start3A_59 : memref<1x64x128xf32, #tpu.memory_space<hbm>> -> memref<64x128xf32, #tpu.memory_space<hbm>>
        tpu.enqueue_dma source(%arg10 : memref<64x128xf32, #tpu.memory_space<vmem>>) target(%dma_start3A_60 : memref<64x128xf32, #tpu.memory_space<hbm>>) target_semaphore(%run_scoped3A_54 : memref<!tpu.dma_semaphore, #tpu.memory_space<semaphore_mem>>)
        %dma_wait3A_61 = arith.constant 0 : i32
        %dma_wait3A_62 = tpu.memref_slice %arg5[%arg0, %add3A_52, %dma_wait3A_61] : memref<2x10240x128xf32, #tpu.memory_space<hbm>> -> memref<1x64x128xf32, #tpu.memory_space<hbm>>
        %dma_wait3A_63 = tpu.memref_squeeze %dma_wait3A_62 : memref<1x64x128xf32, #tpu.memory_space<hbm>> -> memref<64x128xf32, #tpu.memory_space<hbm>>
        %dma_wait3A_64 = arith.constant 0 : i32
        %dma_wait3A_65 = tpu.memref_slice %arg5[%arg0, %add3A_52, %dma_wait3A_64] : memref<2x10240x128xf32, #tpu.memory_space<hbm>> -> memref<1x64x128xf32, #tpu.memory_space<hbm>>
        %dma_wait3A_66 = tpu.memref_squeeze %dma_wait3A_65 : memref<1x64x128xf32, #tpu.memory_space<hbm>> -> memref<64x128xf32, #tpu.memory_space<hbm>>
        tpu.wait_dma2 semaphore(%run_scoped3A_54 : memref<!tpu.dma_semaphore, #tpu.memory_space<semaphore_mem>>) src(%arg10 : memref<64x128xf32, #tpu.memory_space<vmem>>) dst(%dma_wait3A_66 : memref<64x128xf32, #tpu.memory_space<hbm>>)
        tpu.yield
      }) : () -> ()
      %scan3A_53 = arith.constant 0 : i32
      scf.yield %scan3A_53 : i32
    }
    %scan3A_44 = arith.constant 10 : i32
    return
  }
}

#map = affine_map<(d0, d1) -> (0, 0)>
#map1 = affine_map<(d0, d1) -> (0, 0, 0, 0)>
#map2 = affine_map<(d0, d1) -> (0, 0, 0)>
module attributes {stable_mosaic.version = 14 : i64} {
  func.func @spmm(%arg0: i32, %arg1: i32, %arg2: memref<10000x128xf32, #tpu.memory_space<hbm>>, %arg3: memref<32x5x20x100xi32, #tpu.memory_space<hbm>>, %arg4: memref<32x5x20x100xi32, #tpu.memory_space<hbm>>, %arg5: memref<2x10240x128xf32, #tpu.memory_space<hbm>>, %arg6: memref<20x100xi32, #tpu.memory_space<vmem>>, %arg7: memref<20x100xi32, #tpu.memory_space<vmem>>, %arg8: memref<100x128xf32, #tpu.memory_space<vmem>>, %arg9: memref<100x128xf32, #tpu.memory_space<vmem>>, %arg10: memref<64x128xf32, #tpu.memory_space<vmem>>, %arg11: memref<10240x128xf32, #tpu.memory_space<vmem_shared>>, %arg12: memref<!tpu.dma_semaphore, #tpu.memory_space<semaphore_mem>>, %arg13: memref<!tpu.dma_semaphore, #tpu.memory_space<semaphore_mem>>, %arg14: memref<!tpu.dma_semaphore, #tpu.memory_space<semaphore_mem>>, %arg15: memref<!tpu.dma_semaphore, #tpu.memory_space<semaphore_mem>>) attributes {dimension_semantics = [#tpu.dimension_semantics<core_parallel>, #tpu.dimension_semantics<subcore_parallel>], iteration_bounds = array<i64: 2, 16>, scalar_prefetch = 0 : i64, scratch_operands = 10 : i64, tpu.core_type = #tpu.core_type<sc_vector_subcore>, window_params = [{transform_indices = #map}, {transform_indices = #map1}, {transform_indices = #map1}, {transform_indices = #map2}]} {
    %mul3A = arith.constant 16 : i32
    %mul3A_0 = arith.muli %arg0, %mul3A : i32
    %add3A = arith.addi %mul3A_0, %arg1 : i32
    %mul3A_1 = arith.constant 640 : i32
    %mul3A_2 = arith.muli %arg1, %mul3A_1 : i32
    %run_scoped3A = arith.constant 0 : i32
    "tpu.region"() ({
      %run_scoped3A_45 = tpu.sem_alloc : memref<!tpu.dma_semaphore, #tpu.memory_space<semaphore_mem>>
      %dma_start3A_46 = arith.constant 0 : i32
      %dma_start3A_47 = arith.constant 0 : i32
      %dma_start3A_48 = tpu.memref_slice %arg3[%add3A, %run_scoped3A, %dma_start3A_46, %dma_start3A_47] : memref<32x5x20x100xi32, #tpu.memory_space<hbm>> -> memref<1x1x20x100xi32, #tpu.memory_space<hbm>>
      %dma_start3A_49 = tpu.memref_squeeze %dma_start3A_48 : memref<1x1x20x100xi32, #tpu.memory_space<hbm>> -> memref<20x100xi32, #tpu.memory_space<hbm>>
      %dma_start3A_50 = arith.constant 0 : i32
      %dma_start3A_51 = arith.constant 0 : i32
      %dma_start3A_52 = tpu.memref_slice %arg3[%add3A, %run_scoped3A, %dma_start3A_50, %dma_start3A_51] : memref<32x5x20x100xi32, #tpu.memory_space<hbm>> -> memref<1x1x20x100xi32, #tpu.memory_space<hbm>>
      %dma_start3A_53 = tpu.memref_squeeze %dma_start3A_52 : memref<1x1x20x100xi32, #tpu.memory_space<hbm>> -> memref<20x100xi32, #tpu.memory_space<hbm>>
      tpu.enqueue_dma source(%dma_start3A_53 : memref<20x100xi32, #tpu.memory_space<hbm>>) target(%arg6 : memref<20x100xi32, #tpu.memory_space<vmem>>) target_semaphore(%run_scoped3A_45 : memref<!tpu.dma_semaphore, #tpu.memory_space<semaphore_mem>>)
      %dma_wait3A_54 = arith.constant 0 : i32
      %dma_wait3A_55 = arith.constant 0 : i32
      %dma_wait3A_56 = tpu.memref_slice %arg3[%add3A, %run_scoped3A, %dma_wait3A_54, %dma_wait3A_55] : memref<32x5x20x100xi32, #tpu.memory_space<hbm>> -> memref<1x1x20x100xi32, #tpu.memory_space<hbm>>
      %dma_wait3A_57 = tpu.memref_squeeze %dma_wait3A_56 : memref<1x1x20x100xi32, #tpu.memory_space<hbm>> -> memref<20x100xi32, #tpu.memory_space<hbm>>
      %dma_wait3A_58 = arith.constant 0 : i32
      %dma_wait3A_59 = arith.constant 0 : i32
      %dma_wait3A_60 = tpu.memref_slice %arg3[%add3A, %run_scoped3A, %dma_wait3A_58, %dma_wait3A_59] : memref<32x5x20x100xi32, #tpu.memory_space<hbm>> -> memref<1x1x20x100xi32, #tpu.memory_space<hbm>>
      %dma_wait3A_61 = tpu.memref_squeeze %dma_wait3A_60 : memref<1x1x20x100xi32, #tpu.memory_space<hbm>> -> memref<20x100xi32, #tpu.memory_space<hbm>>
      tpu.wait_dma2 semaphore(%run_scoped3A_45 : memref<!tpu.dma_semaphore, #tpu.memory_space<semaphore_mem>>) src(%dma_wait3A_61 : memref<20x100xi32, #tpu.memory_space<hbm>>) dst(%arg6 : memref<20x100xi32, #tpu.memory_space<vmem>>)
      tpu.yield
    }) : () -> ()
    %run_scoped3A_3 = arith.constant 0 : i32
    "tpu.region"() ({
      %run_scoped3A_45 = tpu.sem_alloc : memref<!tpu.dma_semaphore, #tpu.memory_space<semaphore_mem>>
      %dma_start3A_46 = arith.constant 0 : i32
      %dma_start3A_47 = arith.constant 0 : i32
      %dma_start3A_48 = tpu.memref_slice %arg4[%add3A, %run_scoped3A_3, %dma_start3A_46, %dma_start3A_47] : memref<32x5x20x100xi32, #tpu.memory_space<hbm>> -> memref<1x1x20x100xi32, #tpu.memory_space<hbm>>
      %dma_start3A_49 = tpu.memref_squeeze %dma_start3A_48 : memref<1x1x20x100xi32, #tpu.memory_space<hbm>> -> memref<20x100xi32, #tpu.memory_space<hbm>>
      %dma_start3A_50 = arith.constant 0 : i32
      %dma_start3A_51 = arith.constant 0 : i32
      %dma_start3A_52 = tpu.memref_slice %arg4[%add3A, %run_scoped3A_3, %dma_start3A_50, %dma_start3A_51] : memref<32x5x20x100xi32, #tpu.memory_space<hbm>> -> memref<1x1x20x100xi32, #tpu.memory_space<hbm>>
      %dma_start3A_53 = tpu.memref_squeeze %dma_start3A_52 : memref<1x1x20x100xi32, #tpu.memory_space<hbm>> -> memref<20x100xi32, #tpu.memory_space<hbm>>
      tpu.enqueue_dma source(%dma_start3A_53 : memref<20x100xi32, #tpu.memory_space<hbm>>) target(%arg7 : memref<20x100xi32, #tpu.memory_space<vmem>>) target_semaphore(%run_scoped3A_45 : memref<!tpu.dma_semaphore, #tpu.memory_space<semaphore_mem>>)
      %dma_wait3A_54 = arith.constant 0 : i32
      %dma_wait3A_55 = arith.constant 0 : i32
      %dma_wait3A_56 = tpu.memref_slice %arg4[%add3A, %run_scoped3A_3, %dma_wait3A_54, %dma_wait3A_55] : memref<32x5x20x100xi32, #tpu.memory_space<hbm>> -> memref<1x1x20x100xi32, #tpu.memory_space<hbm>>
      %dma_wait3A_57 = tpu.memref_squeeze %dma_wait3A_56 : memref<1x1x20x100xi32, #tpu.memory_space<hbm>> -> memref<20x100xi32, #tpu.memory_space<hbm>>
      %dma_wait3A_58 = arith.constant 0 : i32
      %dma_wait3A_59 = arith.constant 0 : i32
      %dma_wait3A_60 = tpu.memref_slice %arg4[%add3A, %run_scoped3A_3, %dma_wait3A_58, %dma_wait3A_59] : memref<32x5x20x100xi32, #tpu.memory_space<hbm>> -> memref<1x1x20x100xi32, #tpu.memory_space<hbm>>
      %dma_wait3A_61 = tpu.memref_squeeze %dma_wait3A_60 : memref<1x1x20x100xi32, #tpu.memory_space<hbm>> -> memref<20x100xi32, #tpu.memory_space<hbm>>
      tpu.wait_dma2 semaphore(%run_scoped3A_45 : memref<!tpu.dma_semaphore, #tpu.memory_space<semaphore_mem>>) src(%dma_wait3A_61 : memref<20x100xi32, #tpu.memory_space<hbm>>) dst(%arg7 : memref<20x100xi32, #tpu.memory_space<vmem>>)
      tpu.yield
    }) : () -> ()
    %dma_start3A = arith.constant 0 : i32
    %dma_start3A_4 = arith.constant 0 : i32
    %dma_start3A_5 = tpu.memref_slice %arg6[%dma_start3A, %dma_start3A_4] : memref<20x100xi32, #tpu.memory_space<vmem>> -> memref<1x100xi32, #tpu.memory_space<vmem>>
    %dma_start3A_6 = tpu.memref_squeeze %dma_start3A_5 : memref<1x100xi32, #tpu.memory_space<vmem>> -> memref<100xi32, #tpu.memory_space<vmem>>
    %dma_start3A_7 = arith.constant 0 : i32
    %dma_start3A_8 = arith.constant 0 : i32
    %dma_start3A_9 = tpu.memref_slice %arg2[%dma_start3A_7, %dma_start3A_8] : memref<10000x128xf32, #tpu.memory_space<hbm>> -> memref<10000x128xf32, #tpu.memory_space<hbm>>
    tpu.enqueue_indirect_dma source(%dma_start3A_9 : memref<10000x128xf32, #tpu.memory_space<hbm>>) target(%arg8 : memref<100x128xf32, #tpu.memory_space<vmem>>) offsets(%dma_start3A_6 : memref<100xi32, #tpu.memory_space<vmem>>) semaphore(%arg12 : memref<!tpu.dma_semaphore, #tpu.memory_space<semaphore_mem>>)
    %broadcast_in_dim3A = arith.constant 0.000000e+00 : f32
    %broadcast_in_dim3A_10 = vector.broadcast %broadcast_in_dim3A : f32 to vector<16xf32>
    %scan3A = arith.constant 0 : i32
    %scan3A_11 = arith.constant 0 : i32
    %scan3A_12 = arith.constant 64 : i32
    %scan3A_13 = arith.addi %scan3A_11, %scan3A_12 : i32
    %scan3A_14 = arith.constant 1 : i32
    %scan3A_15 = scf.for %scan3A_45 = %scan3A_11 to %scan3A_13 step %scan3A_14 iter_args(%scan3A_46 = %scan3A) -> (i32)  : i32 {
      %swap3A = arith.index_cast %scan3A_45 : i32 to index
      %swap3A_47 = arith.constant 0 : index
      %swap3A_48 = tpu.vector_load %arg10[%swap3A, %swap3A_47] {strides = array<i32>} : memref<64x128xf32, #tpu.memory_space<vmem>>, vector<1x16xf32>,
      %swap3A_49 = vector.shape_cast %swap3A_48 : vector<1x16xf32> to vector<16xf32>
      %swap3A_50 = vector.shape_cast %broadcast_in_dim3A_10 : vector<16xf32> to vector<1x16xf32>
      tpu.vector_store %arg10[%swap3A, %swap3A_47], %swap3A_50 {strides = array<i32>} : memref<64x128xf32, #tpu.memory_space<vmem>>, vector<1x16xf32>,
      %swap3A_51 = arith.index_cast %scan3A_45 : i32 to index
      %swap3A_52 = arith.constant 16 : index
      %swap3A_53 = tpu.vector_load %arg10[%swap3A_51, %swap3A_52] {strides = array<i32>} : memref<64x128xf32, #tpu.memory_space<vmem>>, vector<1x16xf32>,
      %swap3A_54 = vector.shape_cast %swap3A_53 : vector<1x16xf32> to vector<16xf32>
      %swap3A_55 = vector.shape_cast %broadcast_in_dim3A_10 : vector<16xf32> to vector<1x16xf32>
      tpu.vector_store %arg10[%swap3A_51, %swap3A_52], %swap3A_55 {strides = array<i32>} : memref<64x128xf32, #tpu.memory_space<vmem>>, vector<1x16xf32>,
      %swap3A_56 = arith.index_cast %scan3A_45 : i32 to index
      %swap3A_57 = arith.constant 32 : index
      %swap3A_58 = tpu.vector_load %arg10[%swap3A_56, %swap3A_57] {strides = array<i32>} : memref<64x128xf32, #tpu.memory_space<vmem>>, vector<1x16xf32>,
      %swap3A_59 = vector.shape_cast %swap3A_58 : vector<1x16xf32> to vector<16xf32>
      %swap3A_60 = vector.shape_cast %broadcast_in_dim3A_10 : vector<16xf32> to vector<1x16xf32>
      tpu.vector_store %arg10[%swap3A_56, %swap3A_57], %swap3A_60 {strides = array<i32>} : memref<64x128xf32, #tpu.memory_space<vmem>>, vector<1x16xf32>,
      %swap3A_61 = arith.index_cast %scan3A_45 : i32 to index
      %swap3A_62 = arith.constant 48 : index
      %swap3A_63 = tpu.vector_load %arg10[%swap3A_61, %swap3A_62] {strides = array<i32>} : memref<64x128xf32, #tpu.memory_space<vmem>>, vector<1x16xf32>,
      %swap3A_64 = vector.shape_cast %swap3A_63 : vector<1x16xf32> to vector<16xf32>
      %swap3A_65 = vector.shape_cast %broadcast_in_dim3A_10 : vector<16xf32> to vector<1x16xf32>
      tpu.vector_store %arg10[%swap3A_61, %swap3A_62], %swap3A_65 {strides = array<i32>} : memref<64x128xf32, #tpu.memory_space<vmem>>, vector<1x16xf32>,
      %swap3A_66 = arith.index_cast %scan3A_45 : i32 to index
      %swap3A_67 = arith.constant 64 : index
      %swap3A_68 = tpu.vector_load %arg10[%swap3A_66, %swap3A_67] {strides = array<i32>} : memref<64x128xf32, #tpu.memory_space<vmem>>, vector<1x16xf32>,
      %swap3A_69 = vector.shape_cast %swap3A_68 : vector<1x16xf32> to vector<16xf32>
      %swap3A_70 = vector.shape_cast %broadcast_in_dim3A_10 : vector<16xf32> to vector<1x16xf32>
      tpu.vector_store %arg10[%swap3A_66, %swap3A_67], %swap3A_70 {strides = array<i32>} : memref<64x128xf32, #tpu.memory_space<vmem>>, vector<1x16xf32>,
      %swap3A_71 = arith.index_cast %scan3A_45 : i32 to index
      %swap3A_72 = arith.constant 80 : index
      %swap3A_73 = tpu.vector_load %arg10[%swap3A_71, %swap3A_72] {strides = array<i32>} : memref<64x128xf32, #tpu.memory_space<vmem>>, vector<1x16xf32>,
      %swap3A_74 = vector.shape_cast %swap3A_73 : vector<1x16xf32> to vector<16xf32>
      %swap3A_75 = vector.shape_cast %broadcast_in_dim3A_10 : vector<16xf32> to vector<1x16xf32>
      tpu.vector_store %arg10[%swap3A_71, %swap3A_72], %swap3A_75 {strides = array<i32>} : memref<64x128xf32, #tpu.memory_space<vmem>>, vector<1x16xf32>,
      %swap3A_76 = arith.index_cast %scan3A_45 : i32 to index
      %swap3A_77 = arith.constant 96 : index
      %swap3A_78 = tpu.vector_load %arg10[%swap3A_76, %swap3A_77] {strides = array<i32>} : memref<64x128xf32, #tpu.memory_space<vmem>>, vector<1x16xf32>,
      %swap3A_79 = vector.shape_cast %swap3A_78 : vector<1x16xf32> to vector<16xf32>
      %swap3A_80 = vector.shape_cast %broadcast_in_dim3A_10 : vector<16xf32> to vector<1x16xf32>
      tpu.vector_store %arg10[%swap3A_76, %swap3A_77], %swap3A_80 {strides = array<i32>} : memref<64x128xf32, #tpu.memory_space<vmem>>, vector<1x16xf32>,
      %swap3A_81 = arith.index_cast %scan3A_45 : i32 to index
      %swap3A_82 = arith.constant 112 : index
      %swap3A_83 = tpu.vector_load %arg10[%swap3A_81, %swap3A_82] {strides = array<i32>} : memref<64x128xf32, #tpu.memory_space<vmem>>, vector<1x16xf32>,
      %swap3A_84 = vector.shape_cast %swap3A_83 : vector<1x16xf32> to vector<16xf32>
      %swap3A_85 = vector.shape_cast %broadcast_in_dim3A_10 : vector<16xf32> to vector<1x16xf32>
      tpu.vector_store %arg10[%swap3A_81, %swap3A_82], %swap3A_85 {strides = array<i32>} : memref<64x128xf32, #tpu.memory_space<vmem>>, vector<1x16xf32>,
      %scan3A_86 = arith.constant 0 : i32
      scf.yield %scan3A_86 : i32
    }
    %scan3A_16 = arith.constant 64 : i32
    %scan3A_17 = arith.constant 0 : i32
    %scan3A_18 = arith.constant 0 : i32
    %scan3A_19 = arith.constant 10 : i32
    %scan3A_20 = arith.addi %scan3A_18, %scan3A_19 : i32
    %scan3A_21 = arith.constant 1 : i32
    %scan3A_22 = scf.for %scan3A_45 = %scan3A_18 to %scan3A_20 step %scan3A_21 iter_args(%scan3A_46 = %scan3A_17) -> (i32)  : i32 {
      %mul3A_47 = arith.constant 64 : i32
      %mul3A_48 = arith.muli %scan3A_45, %mul3A_47 : i32
      %add3A_49 = arith.addi %mul3A_2, %mul3A_48 : i32
      "tpu.region"() ({
        %run_scoped3A_51 = tpu.sem_alloc : memref<!tpu.dma_semaphore, #tpu.memory_space<semaphore_mem>>
        %dma_start3A_52 = arith.constant 0 : i32
        %dma_start3A_53 = tpu.memref_slice %arg11[%add3A_49, %dma_start3A_52] : memref<10240x128xf32, #tpu.memory_space<vmem_shared>> -> memref<64x128xf32, #tpu.memory_space<vmem_shared>>
        %dma_start3A_54 = arith.constant 0 : i32
        %dma_start3A_55 = tpu.memref_slice %arg11[%add3A_49, %dma_start3A_54] : memref<10240x128xf32, #tpu.memory_space<vmem_shared>> -> memref<64x128xf32, #tpu.memory_space<vmem_shared>>
        tpu.enqueue_dma source(%arg10 : memref<64x128xf32, #tpu.memory_space<vmem>>) target(%dma_start3A_55 : memref<64x128xf32, #tpu.memory_space<vmem_shared>>) target_semaphore(%run_scoped3A_51 : memref<!tpu.dma_semaphore, #tpu.memory_space<semaphore_mem>>)
        %dma_wait3A_56 = arith.constant 0 : i32
        %dma_wait3A_57 = tpu.memref_slice %arg11[%add3A_49, %dma_wait3A_56] : memref<10240x128xf32, #tpu.memory_space<vmem_shared>> -> memref<64x128xf32, #tpu.memory_space<vmem_shared>>
        %dma_wait3A_58 = arith.constant 0 : i32
        %dma_wait3A_59 = tpu.memref_slice %arg11[%add3A_49, %dma_wait3A_58] : memref<10240x128xf32, #tpu.memory_space<vmem_shared>> -> memref<64x128xf32, #tpu.memory_space<vmem_shared>>
        tpu.wait_dma2 semaphore(%run_scoped3A_51 : memref<!tpu.dma_semaphore, #tpu.memory_space<semaphore_mem>>) src(%arg10 : memref<64x128xf32, #tpu.memory_space<vmem>>) dst(%dma_wait3A_59 : memref<64x128xf32, #tpu.memory_space<vmem_shared>>)
        tpu.yield
      }) : () -> ()
      %scan3A_50 = arith.constant 0 : i32
      scf.yield %scan3A_50 : i32
    }
    %scan3A_23 = arith.constant 10 : i32
    %barrier3A = arith.constant 0 : index
    tpu.barrier barrier_id(%barrier3A)
    %scan3A_24 = arith.constant 0 : i32
    %scan3A_25 = arith.constant 0 : i32
    %scan3A_26 = arith.constant 5 : i32
    %scan3A_27 = arith.addi %scan3A_25, %scan3A_26 : i32
    %scan3A_28 = arith.constant 1 : i32
    %scan3A_29 = scf.for %scan3A_45 = %scan3A_25 to %scan3A_27 step %scan3A_28 iter_args(%scan3A_46 = %scan3A_24) -> (i32)  : i32 {
      %gt3A = arith.constant 0 : i32
      %gt3A_47 = arith.cmpi sgt, %scan3A_45, %gt3A : i32
      %convert_element_type3A = arith.extui %gt3A_47 : i1 to i32
      %cond3A = arith.constant 0 : i32
      %cond3A_48 = arith.cmpi ne, %convert_element_type3A, %cond3A : i32
      scf.if %cond3A_48 {
        %dma_wait3A_57 = arith.constant 19 : i32
        %dma_wait3A_58 = arith.constant 0 : i32
        %dma_wait3A_59 = tpu.memref_slice %arg7[%dma_wait3A_57, %dma_wait3A_58] : memref<20x100xi32, #tpu.memory_space<vmem>> -> memref<1x100xi32, #tpu.memory_space<vmem>>
        %dma_wait3A_60 = tpu.memref_squeeze %dma_wait3A_59 : memref<1x100xi32, #tpu.memory_space<vmem>> -> memref<100xi32, #tpu.memory_space<vmem>>
        %dma_wait3A_61 = arith.constant 0 : i32
        %dma_wait3A_62 = arith.constant 0 : i32
        %dma_wait3A_63 = tpu.memref_slice %arg11[%dma_wait3A_61, %dma_wait3A_62] : memref<10240x128xf32, #tpu.memory_space<vmem_shared>> -> memref<10240x128xf32, #tpu.memory_space<vmem_shared>>
        tpu.wait_indirect_dma semaphore(%arg15 : memref<!tpu.dma_semaphore, #tpu.memory_space<semaphore_mem>>) src(%arg9 : memref<100x128xf32, #tpu.memory_space<vmem>>) dst(%dma_wait3A_63 : memref<10240x128xf32, #tpu.memory_space<vmem_shared>>)
        "tpu.region"() ({
          %run_scoped3A_71 = tpu.sem_alloc : memref<!tpu.dma_semaphore, #tpu.memory_space<semaphore_mem>>
          %dma_start3A_72 = arith.constant 0 : i32
          %dma_start3A_73 = arith.constant 0 : i32
          %dma_start3A_74 = tpu.memref_slice %arg3[%add3A, %scan3A_45, %dma_start3A_72, %dma_start3A_73] : memref<32x5x20x100xi32, #tpu.memory_space<hbm>> -> memref<1x1x20x100xi32, #tpu.memory_space<hbm>>
          %dma_start3A_75 = tpu.memref_squeeze %dma_start3A_74 : memref<1x1x20x100xi32, #tpu.memory_space<hbm>> -> memref<20x100xi32, #tpu.memory_space<hbm>>
          %dma_start3A_76 = arith.constant 0 : i32
          %dma_start3A_77 = arith.constant 0 : i32
          %dma_start3A_78 = tpu.memref_slice %arg3[%add3A, %scan3A_45, %dma_start3A_76, %dma_start3A_77] : memref<32x5x20x100xi32, #tpu.memory_space<hbm>> -> memref<1x1x20x100xi32, #tpu.memory_space<hbm>>
          %dma_start3A_79 = tpu.memref_squeeze %dma_start3A_78 : memref<1x1x20x100xi32, #tpu.memory_space<hbm>> -> memref<20x100xi32, #tpu.memory_space<hbm>>
          tpu.enqueue_dma source(%dma_start3A_79 : memref<20x100xi32, #tpu.memory_space<hbm>>) target(%arg6 : memref<20x100xi32, #tpu.memory_space<vmem>>) target_semaphore(%run_scoped3A_71 : memref<!tpu.dma_semaphore, #tpu.memory_space<semaphore_mem>>)
          %dma_wait3A_80 = arith.constant 0 : i32
          %dma_wait3A_81 = arith.constant 0 : i32
          %dma_wait3A_82 = tpu.memref_slice %arg3[%add3A, %scan3A_45, %dma_wait3A_80, %dma_wait3A_81] : memref<32x5x20x100xi32, #tpu.memory_space<hbm>> -> memref<1x1x20x100xi32, #tpu.memory_space<hbm>>
          %dma_wait3A_83 = tpu.memref_squeeze %dma_wait3A_82 : memref<1x1x20x100xi32, #tpu.memory_space<hbm>> -> memref<20x100xi32, #tpu.memory_space<hbm>>
          %dma_wait3A_84 = arith.constant 0 : i32
          %dma_wait3A_85 = arith.constant 0 : i32
          %dma_wait3A_86 = tpu.memref_slice %arg3[%add3A, %scan3A_45, %dma_wait3A_84, %dma_wait3A_85] : memref<32x5x20x100xi32, #tpu.memory_space<hbm>> -> memref<1x1x20x100xi32, #tpu.memory_space<hbm>>
          %dma_wait3A_87 = tpu.memref_squeeze %dma_wait3A_86 : memref<1x1x20x100xi32, #tpu.memory_space<hbm>> -> memref<20x100xi32, #tpu.memory_space<hbm>>
          tpu.wait_dma2 semaphore(%run_scoped3A_71 : memref<!tpu.dma_semaphore, #tpu.memory_space<semaphore_mem>>) src(%dma_wait3A_87 : memref<20x100xi32, #tpu.memory_space<hbm>>) dst(%arg6 : memref<20x100xi32, #tpu.memory_space<vmem>>)
          tpu.yield
        }) : () -> ()
        "tpu.region"() ({
          %run_scoped3A_71 = tpu.sem_alloc : memref<!tpu.dma_semaphore, #tpu.memory_space<semaphore_mem>>
          %dma_start3A_72 = arith.constant 0 : i32
          %dma_start3A_73 = arith.constant 0 : i32
          %dma_start3A_74 = tpu.memref_slice %arg4[%add3A, %scan3A_45, %dma_start3A_72, %dma_start3A_73] : memref<32x5x20x100xi32, #tpu.memory_space<hbm>> -> memref<1x1x20x100xi32, #tpu.memory_space<hbm>>
          %dma_start3A_75 = tpu.memref_squeeze %dma_start3A_74 : memref<1x1x20x100xi32, #tpu.memory_space<hbm>> -> memref<20x100xi32, #tpu.memory_space<hbm>>
          %dma_start3A_76 = arith.constant 0 : i32
          %dma_start3A_77 = arith.constant 0 : i32
          %dma_start3A_78 = tpu.memref_slice %arg4[%add3A, %scan3A_45, %dma_start3A_76, %dma_start3A_77] : memref<32x5x20x100xi32, #tpu.memory_space<hbm>> -> memref<1x1x20x100xi32, #tpu.memory_space<hbm>>
          %dma_start3A_79 = tpu.memref_squeeze %dma_start3A_78 : memref<1x1x20x100xi32, #tpu.memory_space<hbm>> -> memref<20x100xi32, #tpu.memory_space<hbm>>
          tpu.enqueue_dma source(%dma_start3A_79 : memref<20x100xi32, #tpu.memory_space<hbm>>) target(%arg7 : memref<20x100xi32, #tpu.memory_space<vmem>>) target_semaphore(%run_scoped3A_71 : memref<!tpu.dma_semaphore, #tpu.memory_space<semaphore_mem>>)
          %dma_wait3A_80 = arith.constant 0 : i32
          %dma_wait3A_81 = arith.constant 0 : i32
          %dma_wait3A_82 = tpu.memref_slice %arg4[%add3A, %scan3A_45, %dma_wait3A_80, %dma_wait3A_81] : memref<32x5x20x100xi32, #tpu.memory_space<hbm>> -> memref<1x1x20x100xi32, #tpu.memory_space<hbm>>
          %dma_wait3A_83 = tpu.memref_squeeze %dma_wait3A_82 : memref<1x1x20x100xi32, #tpu.memory_space<hbm>> -> memref<20x100xi32, #tpu.memory_space<hbm>>
          %dma_wait3A_84 = arith.constant 0 : i32
          %dma_wait3A_85 = arith.constant 0 : i32
          %dma_wait3A_86 = tpu.memref_slice %arg4[%add3A, %scan3A_45, %dma_wait3A_84, %dma_wait3A_85] : memref<32x5x20x100xi32, #tpu.memory_space<hbm>> -> memref<1x1x20x100xi32, #tpu.memory_space<hbm>>
          %dma_wait3A_87 = tpu.memref_squeeze %dma_wait3A_86 : memref<1x1x20x100xi32, #tpu.memory_space<hbm>> -> memref<20x100xi32, #tpu.memory_space<hbm>>
          tpu.wait_dma2 semaphore(%run_scoped3A_71 : memref<!tpu.dma_semaphore, #tpu.memory_space<semaphore_mem>>) src(%dma_wait3A_87 : memref<20x100xi32, #tpu.memory_space<hbm>>) dst(%arg7 : memref<20x100xi32, #tpu.memory_space<vmem>>)
          tpu.yield
        }) : () -> ()
        %dma_start3A_64 = arith.constant 0 : i32
        %dma_start3A_65 = arith.constant 0 : i32
        %dma_start3A_66 = tpu.memref_slice %arg6[%dma_start3A_64, %dma_start3A_65] : memref<20x100xi32, #tpu.memory_space<vmem>> -> memref<1x100xi32, #tpu.memory_space<vmem>>
        %dma_start3A_67 = tpu.memref_squeeze %dma_start3A_66 : memref<1x100xi32, #tpu.memory_space<vmem>> -> memref<100xi32, #tpu.memory_space<vmem>>
        %dma_start3A_68 = arith.constant 0 : i32
        %dma_start3A_69 = arith.constant 0 : i32
        %dma_start3A_70 = tpu.memref_slice %arg2[%dma_start3A_68, %dma_start3A_69] : memref<10000x128xf32, #tpu.memory_space<hbm>> -> memref<10000x128xf32, #tpu.memory_space<hbm>>
        tpu.enqueue_indirect_dma source(%dma_start3A_70 : memref<10000x128xf32, #tpu.memory_space<hbm>>) target(%arg8 : memref<100x128xf32, #tpu.memory_space<vmem>>) offsets(%dma_start3A_67 : memref<100xi32, #tpu.memory_space<vmem>>) semaphore(%arg12 : memref<!tpu.dma_semaphore, #tpu.memory_space<semaphore_mem>>)
      } else {
      }
      %scan3A_49 = arith.constant 0 : i32
      %scan3A_50 = arith.constant 0 : i32
      %scan3A_51 = arith.constant 10 : i32
      %scan3A_52 = arith.addi %scan3A_50, %scan3A_51 : i32
      %scan3A_53 = arith.constant 1 : i32
      %scan3A_54 = scf.for %scan3A_57 = %scan3A_50 to %scan3A_52 step %scan3A_53 iter_args(%scan3A_58 = %scan3A_49) -> (i32)  : i32 {
        %mul3A_59 = arith.constant 2 : i32
        %mul3A_60 = arith.muli %mul3A_59, %scan3A_57 : i32
        %gt3A_61 = arith.constant 0 : i32
        %gt3A_62 = arith.cmpi sgt, %scan3A_57, %gt3A_61 : i32
        %convert_element_type3A_63 = arith.extui %gt3A_62 : i1 to i32
        %cond3A_64 = arith.constant 0 : i32
        %cond3A_65 = arith.cmpi ne, %convert_element_type3A_63, %cond3A_64 : i32
        scf.if %cond3A_65 {
          %sub3A = arith.constant 1 : i32
          %sub3A_115 = arith.subi %mul3A_60, %sub3A : i32
          %dma_wait3A_116 = arith.constant 0 : i32
          %dma_wait3A_117 = tpu.memref_slice %arg7[%sub3A_115, %dma_wait3A_116] : memref<20x100xi32, #tpu.memory_space<vmem>> -> memref<1x100xi32, #tpu.memory_space<vmem>>
          %dma_wait3A_118 = tpu.memref_squeeze %dma_wait3A_117 : memref<1x100xi32, #tpu.memory_space<vmem>> -> memref<100xi32, #tpu.memory_space<vmem>>
          %dma_wait3A_119 = arith.constant 0 : i32
          %dma_wait3A_120 = arith.constant 0 : i32
          %dma_wait3A_121 = tpu.memref_slice %arg11[%dma_wait3A_119, %dma_wait3A_120] : memref<10240x128xf32, #tpu.memory_space<vmem_shared>> -> memref<10240x128xf32, #tpu.memory_space<vmem_shared>>
          tpu.wait_indirect_dma semaphore(%arg15 : memref<!tpu.dma_semaphore, #tpu.memory_space<semaphore_mem>>) src(%arg9 : memref<100x128xf32, #tpu.memory_space<vmem>>) dst(%dma_wait3A_121 : memref<10240x128xf32, #tpu.memory_space<vmem_shared>>)
        } else {
        }
        %add3A_66 = arith.constant 1 : i32
        %add3A_67 = arith.addi %mul3A_60, %add3A_66 : i32
        %dma_start3A_68 = arith.constant 0 : i32
        %dma_start3A_69 = tpu.memref_slice %arg6[%add3A_67, %dma_start3A_68] : memref<20x100xi32, #tpu.memory_space<vmem>> -> memref<1x100xi32, #tpu.memory_space<vmem>>
        %dma_start3A_70 = tpu.memref_squeeze %dma_start3A_69 : memref<1x100xi32, #tpu.memory_space<vmem>> -> memref<100xi32, #tpu.memory_space<vmem>>
        %dma_start3A_71 = arith.constant 0 : i32
        %dma_start3A_72 = arith.constant 0 : i32
        %dma_start3A_73 = tpu.memref_slice %arg2[%dma_start3A_71, %dma_start3A_72] : memref<10000x128xf32, #tpu.memory_space<hbm>> -> memref<10000x128xf32, #tpu.memory_space<hbm>>
        tpu.enqueue_indirect_dma source(%dma_start3A_73 : memref<10000x128xf32, #tpu.memory_space<hbm>>) target(%arg9 : memref<100x128xf32, #tpu.memory_space<vmem>>) offsets(%dma_start3A_70 : memref<100xi32, #tpu.memory_space<vmem>>) semaphore(%arg13 : memref<!tpu.dma_semaphore, #tpu.memory_space<semaphore_mem>>)
        %dma_wait3A_74 = arith.constant 0 : i32
        %dma_wait3A_75 = tpu.memref_slice %arg6[%mul3A_60, %dma_wait3A_74] : memref<20x100xi32, #tpu.memory_space<vmem>> -> memref<1x100xi32, #tpu.memory_space<vmem>>
        %dma_wait3A_76 = tpu.memref_squeeze %dma_wait3A_75 : memref<1x100xi32, #tpu.memory_space<vmem>> -> memref<100xi32, #tpu.memory_space<vmem>>
        %dma_wait3A_77 = arith.constant 0 : i32
        %dma_wait3A_78 = arith.constant 0 : i32
        %dma_wait3A_79 = tpu.memref_slice %arg2[%dma_wait3A_77, %dma_wait3A_78] : memref<10000x128xf32, #tpu.memory_space<hbm>> -> memref<10000x128xf32, #tpu.memory_space<hbm>>
        tpu.wait_indirect_dma semaphore(%arg12 : memref<!tpu.dma_semaphore, #tpu.memory_space<semaphore_mem>>) src(%dma_wait3A_79 : memref<10000x128xf32, #tpu.memory_space<hbm>>) dst(%arg8 : memref<100x128xf32, #tpu.memory_space<vmem>>)
        %dma_start3A_80 = arith.constant 0 : i32
        %dma_start3A_81 = tpu.memref_slice %arg7[%mul3A_60, %dma_start3A_80] : memref<20x100xi32, #tpu.memory_space<vmem>> -> memref<1x100xi32, #tpu.memory_space<vmem>>
        %dma_start3A_82 = tpu.memref_squeeze %dma_start3A_81 : memref<1x100xi32, #tpu.memory_space<vmem>> -> memref<100xi32, #tpu.memory_space<vmem>>
        %dma_start3A_83 = arith.constant 0 : i32
        %dma_start3A_84 = arith.constant 0 : i32
        %dma_start3A_85 = tpu.memref_slice %arg11[%dma_start3A_83, %dma_start3A_84] : memref<10240x128xf32, #tpu.memory_space<vmem_shared>> -> memref<10240x128xf32, #tpu.memory_space<vmem_shared>>
        tpu.enqueue_indirect_dma source(%arg8 : memref<100x128xf32, #tpu.memory_space<vmem>>) target(%dma_start3A_85 : memref<10240x128xf32, #tpu.memory_space<vmem_shared>>) offsets(%dma_start3A_82 : memref<100xi32, #tpu.memory_space<vmem>>) semaphore(%arg14 : memref<!tpu.dma_semaphore, #tpu.memory_space<semaphore_mem>>) {add = true}
        %add3A_86 = arith.constant 1 : i32
        %add3A_87 = arith.addi %mul3A_60, %add3A_86 : i32
        %dma_wait3A_88 = arith.constant 0 : i32
        %dma_wait3A_89 = tpu.memref_slice %arg6[%add3A_87, %dma_wait3A_88] : memref<20x100xi32, #tpu.memory_space<vmem>> -> memref<1x100xi32, #tpu.memory_space<vmem>>
        %dma_wait3A_90 = tpu.memref_squeeze %dma_wait3A_89 : memref<1x100xi32, #tpu.memory_space<vmem>> -> memref<100xi32, #tpu.memory_space<vmem>>
        %dma_wait3A_91 = arith.constant 0 : i32
        %dma_wait3A_92 = arith.constant 0 : i32
        %dma_wait3A_93 = tpu.memref_slice %arg2[%dma_wait3A_91, %dma_wait3A_92] : memref<10000x128xf32, #tpu.memory_space<hbm>> -> memref<10000x128xf32, #tpu.memory_space<hbm>>
        tpu.wait_indirect_dma semaphore(%arg13 : memref<!tpu.dma_semaphore, #tpu.memory_space<semaphore_mem>>) src(%dma_wait3A_93 : memref<10000x128xf32, #tpu.memory_space<hbm>>) dst(%arg9 : memref<100x128xf32, #tpu.memory_space<vmem>>)
        %add3A_94 = arith.constant 1 : i32
        %add3A_95 = arith.addi %mul3A_60, %add3A_94 : i32
        %dma_start3A_96 = arith.constant 0 : i32
        %dma_start3A_97 = tpu.memref_slice %arg7[%add3A_95, %dma_start3A_96] : memref<20x100xi32, #tpu.memory_space<vmem>> -> memref<1x100xi32, #tpu.memory_space<vmem>>
        %dma_start3A_98 = tpu.memref_squeeze %dma_start3A_97 : memref<1x100xi32, #tpu.memory_space<vmem>> -> memref<100xi32, #tpu.memory_space<vmem>>
        %dma_start3A_99 = arith.constant 0 : i32
        %dma_start3A_100 = arith.constant 0 : i32
        %dma_start3A_101 = tpu.memref_slice %arg11[%dma_start3A_99, %dma_start3A_100] : memref<10240x128xf32, #tpu.memory_space<vmem_shared>> -> memref<10240x128xf32, #tpu.memory_space<vmem_shared>>
        tpu.enqueue_indirect_dma source(%arg9 : memref<100x128xf32, #tpu.memory_space<vmem>>) target(%dma_start3A_101 : memref<10240x128xf32, #tpu.memory_space<vmem_shared>>) offsets(%dma_start3A_98 : memref<100xi32, #tpu.memory_space<vmem>>) semaphore(%arg15 : memref<!tpu.dma_semaphore, #tpu.memory_space<semaphore_mem>>) {add = true}
        %dma_wait3A_102 = arith.constant 0 : i32
        %dma_wait3A_103 = tpu.memref_slice %arg7[%mul3A_60, %dma_wait3A_102] : memref<20x100xi32, #tpu.memory_space<vmem>> -> memref<1x100xi32, #tpu.memory_space<vmem>>
        %dma_wait3A_104 = tpu.memref_squeeze %dma_wait3A_103 : memref<1x100xi32, #tpu.memory_space<vmem>> -> memref<100xi32, #tpu.memory_space<vmem>>
        %dma_wait3A_105 = arith.constant 0 : i32
        %dma_wait3A_106 = arith.constant 0 : i32
        %dma_wait3A_107 = tpu.memref_slice %arg11[%dma_wait3A_105, %dma_wait3A_106] : memref<10240x128xf32, #tpu.memory_space<vmem_shared>> -> memref<10240x128xf32, #tpu.memory_space<vmem_shared>>
        tpu.wait_indirect_dma semaphore(%arg14 : memref<!tpu.dma_semaphore, #tpu.memory_space<semaphore_mem>>) src(%arg8 : memref<100x128xf32, #tpu.memory_space<vmem>>) dst(%dma_wait3A_107 : memref<10240x128xf32, #tpu.memory_space<vmem_shared>>)
        %add3A_108 = arith.constant 2 : i32
        %add3A_109 = arith.addi %mul3A_60, %add3A_108 : i32
        %lt3A = arith.constant 20 : i32
        %lt3A_110 = arith.cmpi slt, %add3A_109, %lt3A : i32
        %convert_element_type3A_111 = arith.extui %lt3A_110 : i1 to i32
        %cond3A_112 = arith.constant 0 : i32
        %cond3A_113 = arith.cmpi ne, %convert_element_type3A_111, %cond3A_112 : i32
        scf.if %cond3A_113 {
          %add3A_115 = arith.constant 2 : i32
          %add3A_116 = arith.addi %mul3A_60, %add3A_115 : i32
          %dma_start3A_117 = arith.constant 0 : i32
          %dma_start3A_118 = tpu.memref_slice %arg6[%add3A_116, %dma_start3A_117] : memref<20x100xi32, #tpu.memory_space<vmem>> -> memref<1x100xi32, #tpu.memory_space<vmem>>
          %dma_start3A_119 = tpu.memref_squeeze %dma_start3A_118 : memref<1x100xi32, #tpu.memory_space<vmem>> -> memref<100xi32, #tpu.memory_space<vmem>>
          %dma_start3A_120 = arith.constant 0 : i32
          %dma_start3A_121 = arith.constant 0 : i32
          %dma_start3A_122 = tpu.memref_slice %arg2[%dma_start3A_120, %dma_start3A_121] : memref<10000x128xf32, #tpu.memory_space<hbm>> -> memref<10000x128xf32, #tpu.memory_space<hbm>>
          tpu.enqueue_indirect_dma source(%dma_start3A_122 : memref<10000x128xf32, #tpu.memory_space<hbm>>) target(%arg8 : memref<100x128xf32, #tpu.memory_space<vmem>>) offsets(%dma_start3A_119 : memref<100xi32, #tpu.memory_space<vmem>>) semaphore(%arg12 : memref<!tpu.dma_semaphore, #tpu.memory_space<semaphore_mem>>)
        } else {
        }
        %scan3A_114 = arith.constant 0 : i32
        scf.yield %scan3A_114 : i32
      }
      %scan3A_55 = arith.constant 10 : i32
      %scan3A_56 = arith.constant 0 : i32
      scf.yield %scan3A_56 : i32
    }
    %scan3A_30 = arith.constant 5 : i32
    %dma_wait3A = arith.constant 19 : i32
    %dma_wait3A_31 = arith.constant 0 : i32
    %dma_wait3A_32 = tpu.memref_slice %arg7[%dma_wait3A, %dma_wait3A_31] : memref<20x100xi32, #tpu.memory_space<vmem>> -> memref<1x100xi32, #tpu.memory_space<vmem>>
    %dma_wait3A_33 = tpu.memref_squeeze %dma_wait3A_32 : memref<1x100xi32, #tpu.memory_space<vmem>> -> memref<100xi32, #tpu.memory_space<vmem>>
    %dma_wait3A_34 = arith.constant 0 : i32
    %dma_wait3A_35 = arith.constant 0 : i32
    %dma_wait3A_36 = tpu.memref_slice %arg11[%dma_wait3A_34, %dma_wait3A_35] : memref<10240x128xf32, #tpu.memory_space<vmem_shared>> -> memref<10240x128xf32, #tpu.memory_space<vmem_shared>>
    tpu.wait_indirect_dma semaphore(%arg15 : memref<!tpu.dma_semaphore, #tpu.memory_space<semaphore_mem>>) src(%arg9 : memref<100x128xf32, #tpu.memory_space<vmem>>) dst(%dma_wait3A_36 : memref<10240x128xf32, #tpu.memory_space<vmem_shared>>)
    %barrier3A_37 = arith.constant 0 : index
    tpu.barrier barrier_id(%barrier3A_37)
    %scan3A_38 = arith.constant 0 : i32
    %scan3A_39 = arith.constant 0 : i32
    %scan3A_40 = arith.constant 10 : i32
    %scan3A_41 = arith.addi %scan3A_39, %scan3A_40 : i32
    %scan3A_42 = arith.constant 1 : i32
    %scan3A_43 = scf.for %scan3A_45 = %scan3A_39 to %scan3A_41 step %scan3A_42 iter_args(%scan3A_46 = %scan3A_38) -> (i32)  : i32 {
      %mul3A_47 = arith.constant 64 : i32
      %mul3A_48 = arith.muli %scan3A_45, %mul3A_47 : i32
      %add3A_49 = arith.addi %mul3A_2, %mul3A_48 : i32
      "tpu.region"() ({
        %run_scoped3A_54 = tpu.sem_alloc : memref<!tpu.dma_semaphore, #tpu.memory_space<semaphore_mem>>
        %dma_start3A_55 = arith.constant 0 : i32
        %dma_start3A_56 = tpu.memref_slice %arg11[%add3A_49, %dma_start3A_55] : memref<10240x128xf32, #tpu.memory_space<vmem_shared>> -> memref<64x128xf32, #tpu.memory_space<vmem_shared>>
        %dma_start3A_57 = arith.constant 0 : i32
        %dma_start3A_58 = tpu.memref_slice %arg11[%add3A_49, %dma_start3A_57] : memref<10240x128xf32, #tpu.memory_space<vmem_shared>> -> memref<64x128xf32, #tpu.memory_space<vmem_shared>>
        tpu.enqueue_dma source(%dma_start3A_58 : memref<64x128xf32, #tpu.memory_space<vmem_shared>>) target(%arg10 : memref<64x128xf32, #tpu.memory_space<vmem>>) target_semaphore(%run_scoped3A_54 : memref<!tpu.dma_semaphore, #tpu.memory_space<semaphore_mem>>)
        %dma_wait3A_59 = arith.constant 0 : i32
        %dma_wait3A_60 = tpu.memref_slice %arg11[%add3A_49, %dma_wait3A_59] : memref<10240x128xf32, #tpu.memory_space<vmem_shared>> -> memref<64x128xf32, #tpu.memory_space<vmem_shared>>
        %dma_wait3A_61 = arith.constant 0 : i32
        %dma_wait3A_62 = tpu.memref_slice %arg11[%add3A_49, %dma_wait3A_61] : memref<10240x128xf32, #tpu.memory_space<vmem_shared>> -> memref<64x128xf32, #tpu.memory_space<vmem_shared>>
        tpu.wait_dma2 semaphore(%run_scoped3A_54 : memref<!tpu.dma_semaphore, #tpu.memory_space<semaphore_mem>>) src(%dma_wait3A_62 : memref<64x128xf32, #tpu.memory_space<vmem_shared>>) dst(%arg10 : memref<64x128xf32, #tpu.memory_space<vmem>>)
        tpu.yield
      }) : () -> ()
      %mul3A_50 = arith.constant 64 : i32
      %mul3A_51 = arith.muli %scan3A_45, %mul3A_50 : i32
      %add3A_52 = arith.addi %mul3A_2, %mul3A_51 : i32
      "tpu.region"() ({
        %run_scoped3A_54 = tpu.sem_alloc : memref<!tpu.dma_semaphore, #tpu.memory_space<semaphore_mem>>
        %dma_start3A_55 = arith.constant 0 : i32
        %dma_start3A_56 = tpu.memref_slice %arg5[%arg0, %add3A_52, %dma_start3A_55] : memref<2x10240x128xf32, #tpu.memory_space<hbm>> -> memref<1x64x128xf32, #tpu.memory_space<hbm>>
        %dma_start3A_57 = tpu.memref_squeeze %dma_start3A_56 : memref<1x64x128xf32, #tpu.memory_space<hbm>> -> memref<64x128xf32, #tpu.memory_space<hbm>>
        %dma_start3A_58 = arith.constant 0 : i32
        %dma_start3A_59 = tpu.memref_slice %arg5[%arg0, %add3A_52, %dma_start3A_58] : memref<2x10240x128xf32, #tpu.memory_space<hbm>> -> memref<1x64x128xf32, #tpu.memory_space<hbm>>
        %dma_start3A_60 = tpu.memref_squeeze %dma_start3A_59 : memref<1x64x128xf32, #tpu.memory_space<hbm>> -> memref<64x128xf32, #tpu.memory_space<hbm>>
        tpu.enqueue_dma source(%arg10 : memref<64x128xf32, #tpu.memory_space<vmem>>) target(%dma_start3A_60 : memref<64x128xf32, #tpu.memory_space<hbm>>) target_semaphore(%run_scoped3A_54 : memref<!tpu.dma_semaphore, #tpu.memory_space<semaphore_mem>>)
        %dma_wait3A_61 = arith.constant 0 : i32
        %dma_wait3A_62 = tpu.memref_slice %arg5[%arg0, %add3A_52, %dma_wait3A_61] : memref<2x10240x128xf32, #tpu.memory_space<hbm>> -> memref<1x64x128xf32, #tpu.memory_space<hbm>>
        %dma_wait3A_63 = tpu.memref_squeeze %dma_wait3A_62 : memref<1x64x128xf32, #tpu.memory_space<hbm>> -> memref<64x128xf32, #tpu.memory_space<hbm>>
        %dma_wait3A_64 = arith.constant 0 : i32
        %dma_wait3A_65 = tpu.memref_slice %arg5[%arg0, %add3A_52, %dma_wait3A_64] : memref<2x10240x128xf32, #tpu.memory_space<hbm>> -> memref<1x64x128xf32, #tpu.memory_space<hbm>>
        %dma_wait3A_66 = tpu.memref_squeeze %dma_wait3A_65 : memref<1x64x128xf32, #tpu.memory_space<hbm>> -> memref<64x128xf32, #tpu.memory_space<hbm>>
        tpu.wait_dma2 semaphore(%run_scoped3A_54 : memref<!tpu.dma_semaphore, #tpu.memory_space<semaphore_mem>>) src(%arg10 : memref<64x128xf32, #tpu.memory_space<vmem>>) dst(%dma_wait3A_66 : memref<64x128xf32, #tpu.memory_space<hbm>>)
        tpu.yield
      }) : () -> ()
      %scan3A_53 = arith.constant 0 : i32
      scf.yield %scan3A_53 : i32
    }
    %scan3A_44 = arith.constant 10 : i32
    return
  }
}

module attributes {stable_mosaic.version = 14 : i64} {
  func.func @_tc1_body(%arg0: i32, %arg1: memref<2x2000x16xf32, #tpu.memory_space<vmem>>, %arg2: memref<2000x128xf32, #tpu.memory_space<vmem>>, %arg3: memref<128x128xf32, #tpu.memory_space<vmem>>, %arg4: memref<1x128xf32, #tpu.memory_space<vmem>>, %arg5: memref<2000x128xf32, #tpu.memory_space<vmem>>, %arg6: memref<2000x1xf32, #tpu.memory_space<vmem>>) attributes {dimension_semantics = [#tpu.dimension_semantics<arbitrary>], iteration_bounds = array<i64: 5>, scalar_prefetch = 0 : i64, scratch_operands = 0 : i64, tpu.core_type = #tpu.core_type<tc>, window_params = [{transform_indices = @transform_0, window_bounds = array<i64: 2, 2000, 16>}, {transform_indices = @transform_1, window_bounds = array<i64: 2000, 128>}, {pipeline_mode = #tpu.pipeline_mode<synchronous>, transform_indices = @transform_2, window_bounds = array<i64: 128, 128>}, {pipeline_mode = #tpu.pipeline_mode<synchronous>, transform_indices = @transform_3, window_bounds = array<i64: 1, 128>}, {transform_indices = @transform_4, window_bounds = array<i64: 2000, 128>}, {transform_indices = @transform_5, window_bounds = array<i64: 2000, 1>}]} {
    %get3A = arith.constant 0 : index
    %get3A_0 = arith.constant 0 : index
    %get3A_1 = arith.constant 0 : index
    %get3A_2 = vector.load %arg1[%get3A, %get3A_0, %get3A_1] : memref<2x2000x16xf32, #tpu.memory_space<vmem>>, vector<1x2000x1xf32>
    %get3A_3 = vector.shape_cast %get3A_2 : vector<1x2000x1xf32> to vector<2000x1xf32>
    %get3A_4 = arith.constant 1 : index
    %get3A_5 = arith.constant 0 : index
    %get3A_6 = arith.constant 0 : index
    %get3A_7 = vector.load %arg1[%get3A_4, %get3A_5, %get3A_6] : memref<2x2000x16xf32, #tpu.memory_space<vmem>>, vector<1x2000x1xf32>
    %get3A_8 = vector.shape_cast %get3A_7 : vector<1x2000x1xf32> to vector<2000x1xf32>
    %add3A = arith.addf %get3A_3, %get3A_8 : vector<2000x1xf32>
    %max3A = arith.constant 1.000000e+00 : f32
    %max3A_9 = vector.broadcast %max3A : f32 to vector<2000x1xf32>
    %max3A_10 = arith.maximumf %add3A, %max3A_9 : vector<2000x1xf32>
    %rsqrt3A = math.rsqrt %max3A_10 : vector<2000x1xf32>
    %swap3A = arith.constant 0 : index
    %swap3A_11 = arith.constant 0 : index
    %swap3A_12 = vector.load %arg6[%swap3A, %swap3A_11] : memref<2000x1xf32, #tpu.memory_space<vmem>>, vector<2000x1xf32>
    tpu.vector_store %arg6[%swap3A, %swap3A_11], %rsqrt3A {strides = array<i32>} : memref<2000x1xf32, #tpu.memory_space<vmem>>, vector<2000x1xf32>,
    %get3A_13 = arith.constant 0 : index
    %get3A_14 = arith.constant 0 : index
    %get3A_15 = vector.load %arg2[%get3A_13, %get3A_14] : memref<2000x128xf32, #tpu.memory_space<vmem>>, vector<2000x128xf32>
    %get3A_16 = arith.constant 0 : index
    %get3A_17 = arith.constant 0 : index
    %get3A_18 = vector.load %arg3[%get3A_16, %get3A_17] : memref<128x128xf32, #tpu.memory_space<vmem>>, vector<128x128xf32>
    %dot_general3A = arith.constant dense<0.000000e+00> : vector<2000x128xf32>
    %dot_general3A_19 = tpu.matmul %get3A_15, %get3A_18, %dot_general3A {dimension_numbers = #tpu.dot_dimension_numbers<[1], [0], [0], [1], [0, 0, 1, 1], [], []>, transpose_lhs_hint = false} : vector<2000x128xf32>, vector<128x128xf32>, vector<2000x128xf32> -> vector<2000x128xf32>
    %get3A_20 = arith.constant 0 : index
    %get3A_21 = arith.constant 0 : index
    %get3A_22 = vector.load %arg4[%get3A_20, %get3A_21] : memref<1x128xf32, #tpu.memory_space<vmem>>, vector<1x128xf32>
    %add3A_23 = vector.broadcast %get3A_22 : vector<1x128xf32> to vector<2000x128xf32>
    %add3A_24 = arith.addf %dot_general3A_19, %add3A_23 : vector<2000x128xf32>
    %mul3A = vector.broadcast %rsqrt3A : vector<2000x1xf32> to vector<2000x128xf32>
    %mul3A_25 = arith.mulf %mul3A, %add3A_24 : vector<2000x128xf32>
    %swap3A_26 = arith.constant 0 : index
    %swap3A_27 = arith.constant 0 : index
    %swap3A_28 = vector.load %arg5[%swap3A_26, %swap3A_27] : memref<2000x128xf32, #tpu.memory_space<vmem>>, vector<2000x128xf32>
    tpu.vector_store %arg5[%swap3A_26, %swap3A_27], %mul3A_25 {strides = array<i32>} : memref<2000x128xf32, #tpu.memory_space<vmem>>, vector<2000x128xf32>,
    return
  }
  func.func @transform_0(%arg0: i32) -> (i32, i32, i32) {
    %c0_i32 = arith.constant 0 : i32
    %c0_i32_0 = arith.constant 0 : i32
    %c0_i32_1 = arith.constant 0 : i32
    return %c0_i32, %arg0, %c0_i32_0 : i32, i32, i32
  }
  func.func @transform_1(%arg0: i32) -> (i32, i32) {
    %c0_i32 = arith.constant 0 : i32
    %c0_i32_0 = arith.constant 0 : i32
    return %arg0, %c0_i32 : i32, i32
  }
  func.func @transform_2(%arg0: i32) -> (i32, i32) {
    %c0_i32 = arith.constant 0 : i32
    %c0_i32_0 = arith.constant 0 : i32
    %c0_i32_1 = arith.constant 0 : i32
    return %c0_i32, %c0_i32_0 : i32, i32
  }
  func.func @transform_3(%arg0: i32) -> (i32, i32) {
    %c0_i32 = arith.constant 0 : i32
    %c0_i32_0 = arith.constant 0 : i32
    %c0_i32_1 = arith.constant 0 : i32
    return %c0_i32, %c0_i32_0 : i32, i32
  }
  func.func @transform_4(%arg0: i32) -> (i32, i32) {
    %c0_i32 = arith.constant 0 : i32
    %c0_i32_0 = arith.constant 0 : i32
    return %arg0, %c0_i32 : i32, i32
  }
  func.func @transform_5(%arg0: i32) -> (i32, i32) {
    %c0_i32 = arith.constant 0 : i32
    %c0_i32_0 = arith.constant 0 : i32
    return %arg0, %c0_i32 : i32, i32
  }
}

module attributes {stable_mosaic.version = 14 : i64} {
  func.func @_tc2_body(%arg0: i32, %arg1: memref<2000x1xf32, #tpu.memory_space<vmem>>, %arg2: memref<2x2000x128xf32, #tpu.memory_space<vmem>>, %arg3: memref<128x64xf32, #tpu.memory_space<vmem>>, %arg4: memref<1x64xf32, #tpu.memory_space<vmem>>, %arg5: memref<2000x128xf32, #tpu.memory_space<vmem>>) attributes {dimension_semantics = [#tpu.dimension_semantics<arbitrary>], iteration_bounds = array<i64: 5>, scalar_prefetch = 0 : i64, scratch_operands = 0 : i64, tpu.core_type = #tpu.core_type<tc>, window_params = [{transform_indices = @transform_0, window_bounds = array<i64: 2000, 1>}, {transform_indices = @transform_1, window_bounds = array<i64: 2, 2000, 128>}, {pipeline_mode = #tpu.pipeline_mode<synchronous>, transform_indices = @transform_2, window_bounds = array<i64: 128, 64>}, {pipeline_mode = #tpu.pipeline_mode<synchronous>, transform_indices = @transform_3, window_bounds = array<i64: 1, 64>}, {transform_indices = @transform_4, window_bounds = array<i64: 2000, 128>}]} {
    %get3A = arith.constant 0 : index
    %get3A_0 = arith.constant 0 : index
    %get3A_1 = vector.load %arg1[%get3A, %get3A_0] : memref<2000x1xf32, #tpu.memory_space<vmem>>, vector<2000x1xf32>
    %get3A_2 = arith.constant 0 : index
    %get3A_3 = arith.constant 0 : index
    %get3A_4 = arith.constant 0 : index
    %get3A_5 = vector.load %arg2[%get3A_2, %get3A_3, %get3A_4] : memref<2x2000x128xf32, #tpu.memory_space<vmem>>, vector<1x2000x128xf32>
    %get3A_6 = vector.shape_cast %get3A_5 : vector<1x2000x128xf32> to vector<2000x128xf32>
    %get3A_7 = arith.constant 1 : index
    %get3A_8 = arith.constant 0 : index
    %get3A_9 = arith.constant 0 : index
    %get3A_10 = vector.load %arg2[%get3A_7, %get3A_8, %get3A_9] : memref<2x2000x128xf32, #tpu.memory_space<vmem>>, vector<1x2000x128xf32>
    %get3A_11 = vector.shape_cast %get3A_10 : vector<1x2000x128xf32> to vector<2000x128xf32>
    %add3A = arith.addf %get3A_6, %get3A_11 : vector<2000x128xf32>
    %mul3A = vector.broadcast %get3A_1 : vector<2000x1xf32> to vector<2000x128xf32>
    %mul3A_12 = arith.mulf %mul3A, %add3A : vector<2000x128xf32>
    %max3A = arith.constant 0.000000e+00 : f32
    %max3A_13 = vector.broadcast %max3A : f32 to vector<2000x128xf32>
    %max3A_14 = arith.maximumf %mul3A_12, %max3A_13 : vector<2000x128xf32>
    %get3A_15 = arith.constant 0 : index
    %get3A_16 = arith.constant 0 : index
    %get3A_17 = vector.load %arg3[%get3A_15, %get3A_16] : memref<128x64xf32, #tpu.memory_space<vmem>>, vector<128x64xf32>
    %dot_general3A = arith.constant dense<0.000000e+00> : vector<2000x64xf32>
    %dot_general3A_18 = tpu.matmul %max3A_14, %get3A_17, %dot_general3A {dimension_numbers = #tpu.dot_dimension_numbers<[1], [0], [0], [1], [0, 0, 1, 1], [], []>, transpose_lhs_hint = false} : vector<2000x128xf32>, vector<128x64xf32>, vector<2000x64xf32> -> vector<2000x64xf32>
    %get3A_19 = arith.constant 0 : index
    %get3A_20 = arith.constant 0 : index
    %get3A_21 = vector.load %arg4[%get3A_19, %get3A_20] : memref<1x64xf32, #tpu.memory_space<vmem>>, vector<1x64xf32>
    %add3A_22 = vector.broadcast %get3A_21 : vector<1x64xf32> to vector<2000x64xf32>
    %add3A_23 = arith.addf %dot_general3A_18, %add3A_22 : vector<2000x64xf32>
    %mul3A_24 = vector.broadcast %get3A_1 : vector<2000x1xf32> to vector<2000x64xf32>
    %mul3A_25 = arith.mulf %mul3A_24, %add3A_23 : vector<2000x64xf32>
    %swap3A = arith.constant 0 : index
    %swap3A_26 = arith.constant 0 : index
    %swap3A_27 = vector.load %arg5[%swap3A, %swap3A_26] : memref<2000x128xf32, #tpu.memory_space<vmem>>, vector<2000x64xf32>
    tpu.vector_store %arg5[%swap3A, %swap3A_26], %mul3A_25 {strides = array<i32>} : memref<2000x128xf32, #tpu.memory_space<vmem>>, vector<2000x64xf32>,
    %broadcast_in_dim3A = arith.constant 0.000000e+00 : f32
    %broadcast_in_dim3A_28 = vector.broadcast %broadcast_in_dim3A : f32 to vector<2000x64xf32>
    %swap3A_29 = arith.constant 0 : index
    %swap3A_30 = arith.constant 64 : index
    %swap3A_31 = vector.load %arg5[%swap3A_29, %swap3A_30] : memref<2000x128xf32, #tpu.memory_space<vmem>>, vector<2000x64xf32>
    tpu.vector_store %arg5[%swap3A_29, %swap3A_30], %broadcast_in_dim3A_28 {strides = array<i32>} : memref<2000x128xf32, #tpu.memory_space<vmem>>, vector<2000x64xf32>,
    return
  }
  func.func @transform_0(%arg0: i32) -> (i32, i32) {
    %c0_i32 = arith.constant 0 : i32
    %c0_i32_0 = arith.constant 0 : i32
    return %arg0, %c0_i32 : i32, i32
  }
  func.func @transform_1(%arg0: i32) -> (i32, i32, i32) {
    %c0_i32 = arith.constant 0 : i32
    %c0_i32_0 = arith.constant 0 : i32
    %c0_i32_1 = arith.constant 0 : i32
    return %c0_i32, %arg0, %c0_i32_0 : i32, i32, i32
  }
  func.func @transform_2(%arg0: i32) -> (i32, i32) {
    %c0_i32 = arith.constant 0 : i32
    %c0_i32_0 = arith.constant 0 : i32
    %c0_i32_1 = arith.constant 0 : i32
    return %c0_i32, %c0_i32_0 : i32, i32
  }
  func.func @transform_3(%arg0: i32) -> (i32, i32) {
    %c0_i32 = arith.constant 0 : i32
    %c0_i32_0 = arith.constant 0 : i32
    %c0_i32_1 = arith.constant 0 : i32
    return %c0_i32, %c0_i32_0 : i32, i32
  }
  func.func @transform_4(%arg0: i32) -> (i32, i32) {
    %c0_i32 = arith.constant 0 : i32
    %c0_i32_0 = arith.constant 0 : i32
    return %arg0, %c0_i32 : i32, i32
  }
}

module attributes {stable_mosaic.version = 14 : i64} {
  func.func @_tc3_body(%arg0: i32, %arg1: memref<2000x1xf32, #tpu.memory_space<vmem>>, %arg2: memref<2x2000x128xf32, #tpu.memory_space<vmem>>, %arg3: memref<2000x64xf32, #tpu.memory_space<vmem>>) attributes {dimension_semantics = [#tpu.dimension_semantics<arbitrary>], iteration_bounds = array<i64: 5>, scalar_prefetch = 0 : i64, scratch_operands = 0 : i64, tpu.core_type = #tpu.core_type<tc>, window_params = [{transform_indices = @transform_0, window_bounds = array<i64: 2000, 1>}, {transform_indices = @transform_1, window_bounds = array<i64: 2, 2000, 128>}, {transform_indices = @transform_2, window_bounds = array<i64: 2000, 64>}]} {
    %get3A = arith.constant 0 : index
    %get3A_0 = arith.constant 0 : index
    %get3A_1 = vector.load %arg1[%get3A, %get3A_0] : memref<2000x1xf32, #tpu.memory_space<vmem>>, vector<2000x1xf32>
    %get3A_2 = arith.constant 0 : index
    %get3A_3 = arith.constant 0 : index
    %get3A_4 = arith.constant 0 : index
    %get3A_5 = vector.load %arg2[%get3A_2, %get3A_3, %get3A_4] : memref<2x2000x128xf32, #tpu.memory_space<vmem>>, vector<1x2000x128xf32>
    %get3A_6 = vector.shape_cast %get3A_5 : vector<1x2000x128xf32> to vector<2000x128xf32>
    %get3A_7 = arith.constant 1 : index
    %get3A_8 = arith.constant 0 : index
    %get3A_9 = arith.constant 0 : index
    %get3A_10 = vector.load %arg2[%get3A_7, %get3A_8, %get3A_9] : memref<2x2000x128xf32, #tpu.memory_space<vmem>>, vector<1x2000x128xf32>
    %get3A_11 = vector.shape_cast %get3A_10 : vector<1x2000x128xf32> to vector<2000x128xf32>
    %add3A = arith.addf %get3A_6, %get3A_11 : vector<2000x128xf32>
    %slice3A = vector.extract_strided_slice %add3A {offsets = [0, 0], sizes = [2000, 64], strides = [1, 1]} : vector<2000x128xf32> to vector<2000x64xf32>
    %mul3A = vector.broadcast %get3A_1 : vector<2000x1xf32> to vector<2000x64xf32>
    %mul3A_12 = arith.mulf %mul3A, %slice3A : vector<2000x64xf32>
    %reduce_max3A = arith.constant dense<0xFF800000> : vector<2000xf32>
    %reduce_max3A_13 = vector.multi_reduction <maximumf>, %mul3A_12, %reduce_max3A [1] : vector<2000x64xf32> to vector<2000xf32>
    %broadcast_in_dim3A = vector.shape_cast %reduce_max3A_13 : vector<2000xf32> to vector<2000x1xf32>
    %sub3A = vector.broadcast %broadcast_in_dim3A : vector<2000x1xf32> to vector<2000x64xf32>
    %sub3A_14 = arith.subf %mul3A_12, %sub3A : vector<2000x64xf32>
    %exp3A = math.exp %sub3A_14 : vector<2000x64xf32>
    %reduce_sum3A = arith.constant dense<0.000000e+00> : vector<2000xf32>
    %reduce_sum3A_15 = vector.multi_reduction <add>, %exp3A, %reduce_sum3A [1] : vector<2000x64xf32> to vector<2000xf32>
    %broadcast_in_dim3A_16 = vector.shape_cast %reduce_sum3A_15 : vector<2000xf32> to vector<2000x1xf32>
    %log3A = math.log %broadcast_in_dim3A_16 : vector<2000x1xf32>
    %add3A_17 = arith.addf %broadcast_in_dim3A, %log3A : vector<2000x1xf32>
    %sub3A_18 = vector.broadcast %add3A_17 : vector<2000x1xf32> to vector<2000x64xf32>
    %sub3A_19 = arith.subf %mul3A_12, %sub3A_18 : vector<2000x64xf32>
    %swap3A = arith.constant 0 : index
    %swap3A_20 = arith.constant 0 : index
    %swap3A_21 = vector.load %arg3[%swap3A, %swap3A_20] : memref<2000x64xf32, #tpu.memory_space<vmem>>, vector<2000x64xf32>
    tpu.vector_store %arg3[%swap3A, %swap3A_20], %sub3A_19 {strides = array<i32>} : memref<2000x64xf32, #tpu.memory_space<vmem>>, vector<2000x64xf32>,
    return
  }
  func.func @transform_0(%arg0: i32) -> (i32, i32) {
    %c0_i32 = arith.constant 0 : i32
    %c0_i32_0 = arith.constant 0 : i32
    return %arg0, %c0_i32 : i32, i32
  }
  func.func @transform_1(%arg0: i32) -> (i32, i32, i32) {
    %c0_i32 = arith.constant 0 : i32
    %c0_i32_0 = arith.constant 0 : i32
    %c0_i32_1 = arith.constant 0 : i32
    return %c0_i32, %arg0, %c0_i32_0 : i32, i32, i32
  }
  func.func @transform_2(%arg0: i32) -> (i32, i32) {
    %c0_i32 = arith.constant 0 : i32
    %c0_i32_0 = arith.constant 0 : i32
    return %arg0, %c0_i32 : i32, i32
  }
}

</mosaic_0001>

<sc_bundles>
// kernel: kernel.11.cloned.1.call-start
scs
__scs_entry_jumppad:
0x0: {  	(pc) =	sbr.rel $0x88, $3  }
0x1: {  	(tag) =	ssettag $0x0;
	lr =	simm.s32 $0x1  }
0x2: {  	[smem:$0x3F9B] =	sst lr;
	_ =	strace $0xD0000000  }
0x3: {  	_ = 	snop  }
0x4: {  	_ = 	snop  }
0x5: {  	_ = 	snop  }
0x6: {  	_ = 	snop  }
0x7: {  	_ = 	snop  }
__scs_overlays_trampoline_lowered:
0x8: {  	[smem:$0x3FAA] =	sst s0  }
0x9: {  	[smem:$0x3FAB] =	sst s1  }
0xa: {  	[smem:$0x3FAC] =	sst s2  }
0xb: {  	[smem:$0x3FAD] =	sst s3  }
0xc: {  	[smem:$0x3FAE] =	sst s4  }
0xd: {  	[smem:$0x3FAF] =	sst s5  }
0xe: {  	[smem:$0x3FB0] =	sst s6  }
0xf: {  	[smem:$0x3FB1] =	sst s7  }
0x10: {  	[smem:$0x3FB2] =	sst s8  }
0x11: {  	[smem:$0x3FB3] =	sst s9;
	s0 =	simm.s32 @!p0 $0x0  }
0x12: {  	s1 =	sld [smem:$0x3F99];
	s0 =	simm.s32 @p0 $0x1  }
0x13: {  	[smem:$0x3FB4] =	sst s0;
	s0 =	simm.s32 @!p1 $0x0  }
0x14: {  	s2 =	sld [smem:$0x3F98];
	s0 =	simm.s32 @p1 $0x1  }
0x15: {  	[smem:$0x3FB5] =	sst s0;
	s0 =	simm.s32 @!p2 $0x0  }
0x16: {  	s3 =	sld [smem:$0x3FDB];
	s0 =	simm.s32 @p2 $0x1  }
0x17: {  	s4 =	simm.s32 $0x1BF5;
	[smem:$0x3FB7] =	sst s0  }
0x18: {  	s0 =	sld [smem:$0x3F9A];
	_ =	swait.ge [sflag:s4], $0x0  }
0x19: {  	s7 =	sld [smem:$0x3F9B]  }
0x1a: {  	s8 =	sadd.s32 $0xFFFFE003, lr  }
0x1b: {  	s9 =	sadd.s32 $0xFFFFFEF7, lr;
	s5 =	simm.s32 $0xFFFFFFFF;
	p2 =	slt.u32 s8, $0xFFFFF086  }
0x1c: {  	p1 =	slt.u32 s9, $0xF7A;
	s5 =	simm.s32 @!p2 $0x0  }
0x1d: {  	s5 =	simm.s32 @p1 $0x1;
	p0 =	seq.s32 s7, s2  }
0x1e: {  	s7 =	smul.u32 @!p0 $0xF7A, s2;
	p2 =	seq.s32 @!p0 s5, $0x0  }
0x1f: {  	s9 =	smul.u32 $0xF7A, s1;
	s8 =	simm.s32 @!p0 $0x1BF5;
	p2 =	por !p2, p0  }
0x20: {  	[sflag:s8] =	ssyncset.s32 @!p0 $0xFFFFF086;
	s6 =	sadd.s32 @!p0 s3, s7;
	s7 =	simm.s32 @!p0 $0x108  }
0x21: {  	s3 =	sadd.s32 s3, s9;
	s6 =	sadd.s32 @!p0 $0x88, s6;
	s7 =	simm.s32 @p2 $0x1082  }
0x22: {  	[simem:s7], [sflag:s8] =	dma.local @!p0 [hbm:s6], $0xF7A  }
0x23: {  	s9 =	sor.u32 $0xD0000000, s2;
	s6 =	simm.s32 $0x108;
	_ =	swait.ge @!p0 [sflag:s8], $0x0  }
0x24: {  	s3 =	sadd.s32 $0x88, s3;
	s6 =	simm.s32 @!p1 $0x1082;
	[sflag:s4] =	ssyncset.s32 $0xFFFFF086  }
0x25: {  	[simem:s6], [sflag:s4] =	dma.local [hbm:s3], $0xF7A  }
0x26: {  	[smem:$0x3F9B] =	sst s1;
	(tag) =	ssettag s2;
	_ =	strace s9  }
0x27: {  	s1 =	sld [smem:$0x3FAB]  }
0x28: {  	s2 =	sld [smem:$0x3FAC]  }
0x29: {  	s4 =	sld [smem:$0x3FAE]  }
0x2a: {  	p0 =	seq.s32 s5, $0x0;
	s5 =	sld [smem:$0x3FAF]  }
0x2b: {  	s6 =	sld [smem:$0x3FB0]  }
0x2c: {  	s7 =	sld [smem:$0x3FB1]  }
0x2d: {  	s3 =	simm.s32 $0x108;
	s8 =	sld [smem:$0x3FB2]  }
0x2e: {  	s3 =	simm.s32 @!p0 $0x1082;
	s9 =	sld [smem:$0x3FB3]  }
0x2f: {  	lr =	sadd.s32 s0, s3;
	s0 =	sld [smem:$0x3FAA]  }
0x30: {  	s3 =	sld [smem:$0x3FAD]  }
0x31: {  	[smem:$0x3FB6] =	sst s10  }
0x32: {  	s10 =	sld [smem:$0x3FB4];
	_ =	sdelay $0x3  }
0x33: {  	p0 =	seq.s32 s10, $0x1;
	s10 =	sld [smem:$0x3FB6];
	_ =	sdelay $0x3  }
0x34: {  	[smem:$0x3FB6] =	sst s10  }
0x35: {  	s10 =	sld [smem:$0x3FB5];
	_ =	sdelay $0x3  }
0x36: {  	p1 =	seq.s32 s10, $0x1;
	s10 =	sld [smem:$0x3FB6];
	_ =	sdelay $0x3  }
0x37: {  	[smem:$0x3FB6] =	sst s10  }
0x38: {  	s10 =	sld [smem:$0x3FB7]  }
0x39: {  	_ = 	snop;
	(pc) =	sbr.ind lr, $3  }
0x3a: {  	_ = 	snop  }
0x3b: {  	_ = 	snop  }
0x3c: {  	p2 =	seq.s32 s10, $0x1;
	s10 =	sld [smem:$0x3FB6]  }
0x3d: {  	_ =	shalt  }
0x3e: {  	_ =	shalt  }
0x3f: {  	_ =	shalt  }
0x40: {  	_ =	shalt  }
0x41: {  	_ =	shalt  }
0x42: {  	_ =	shalt  }
0x43: {  	_ =	shalt  }
0x44: {  	_ =	shalt  }
0x45: {  	_ =	shalt  }
0x46: {  	_ =	shalt  }
0x47: {  	_ =	shalt  }
0x48: {  	_ =	shalt  }
0x49: {  	_ =	shalt  }
0x4a: {  	_ =	shalt  }
0x4b: {  	_ =	shalt  }
0x4c: {  	_ =	shalt  }
0x4d: {  	_ =	shalt  }
0x4e: {  	_ =	shalt  }
0x4f: {  	_ =	shalt  }
0x50: {  	_ =	shalt  }
0x51: {  	_ =	shalt  }
0x52: {  	_ =	shalt  }
0x53: {  	_ =	shalt  }
0x54: {  	_ =	shalt  }
0x55: {  	_ =	shalt  }
0x56: {  	_ =	shalt  }
0x57: {  	_ =	shalt  }
0x58: {  	_ =	shalt  }
0x59: {  	_ =	shalt  }
0x5a: {  	_ =	shalt  }
0x5b: {  	_ =	shalt  }
0x5c: {  	_ =	shalt  }
0x5d: {  	_ =	shalt  }
0x5e: {  	_ =	shalt  }
0x5f: {  	_ =	shalt  }
0x60: {  	_ =	shalt  }
0x61: {  	_ =	shalt  }
0x62: {  	_ =	shalt  }
0x63: {  	_ =	shalt  }
0x64: {  	_ =	shalt  }
0x65: {  	_ =	shalt  }
0x66: {  	_ =	shalt  }
0x67: {  	_ =	shalt  }
0x68: {  	_ =	shalt  }
0x69: {  	_ =	shalt  }
0x6a: {  	_ =	shalt  }
0x6b: {  	_ =	shalt  }
0x6c: {  	_ =	shalt  }
0x6d: {  	_ =	shalt  }
0x6e: {  	_ =	shalt  }
0x6f: {  	_ =	shalt  }
0x70: {  	_ =	shalt  }
0x71: {  	_ =	shalt  }
0x72: {  	_ =	shalt  }
0x73: {  	_ =	shalt  }
0x74: {  	_ =	shalt  }
0x75: {  	_ =	shalt  }
0x76: {  	_ =	shalt  }
0x77: {  	_ =	shalt  }
0x78: {  	_ =	shalt  }
0x79: {  	_ =	shalt  }
0x7a: {  	_ =	shalt  }
0x7b: {  	_ =	shalt  }
0x7c: {  	_ =	shalt  }
0x7d: {  	_ =	shalt  }
0x7e: {  	_ =	shalt  }
0x7f: {  	_ =	shalt  }
0x80: {  	_ =	shalt  }
0x81: {  	_ =	shalt  }
0x82: {  	_ =	shalt  }
0x83: {  	_ =	shalt  }
0x84: {  	_ =	shalt  }
0x85: {  	_ =	shalt  }
0x86: {  	_ =	shalt  }
0x87: {  	_ =	shalt  }
.Lfunc_end0:
.L_simem_size_0:
called_computation.1_lowered:
.L_overlay_start_0:
0x88: {  	s2 =	sld [smem:$0x3FD9]  }
0x89: {  	s3 =	sld [smem:$0x3FFE];
	_ =	sdelay $0x1  }
0x8a: {  	s1 =	srdreg.scid  }
0x8b: {  	s0 =	sand.u32 $0x1, s1  }
0x8c: {  	s17 =	sshll.u32 s0, $0xA;
	s2 =	sadd.s32 s3, s2  }
0x8d: {  	s2 =	sadd.s32 s2, s17  }
0x8e: {  	[smem:$0x3FC2] =	sst s2  }
0x8f: {  	_ = 	snop  }
0x90: {  	s2 =	sld [smem:$0x3FD0];
	(tm) =	ssettm $0x1  }
0x91: {  	s18 =	sld [smem:$0x3FFB];
	_ =	sdelay $0x3  }
0x92: {  	_ =	strace s18  }
0x93: {  	s3 =	sld [smem:$0x3FFC];
	_ =	sdelay $0x3  }
0x94: {  	_ =	strace s3  }
0x95: {  	s3 =	sld [smem:$0x3FFD];
	_ =	sdelay $0x3  }
0x96: {  	_ =	strace s3  }
0x97: {  	_ =	strace $0x8FFFFFFF  }
0x98: {  	s19 =	sld [smem:$0x3FDB];
	_ =	sdelay $0x1  }
0x99: {  	s4 =	simm.s32 $_scs_section_size  }
0x9a: {  	s5 =	simm.s32 $_size__tile_overlayer_lowered;
	s6 =	simm.s32 $_tile_overlayer_lowered  }
0x9b: {  	s22 =	simm.s32 $0x1BFF;
	s21 =	sshll.u32 s6, $0x1;
	s3 =	sadd.s32 s4, s19  }
0x9c: {  	s7 =	simm.s32 $0x0;
	s20 =	sshll.u32 s5, $0x1;
	s5 =	sadd.s32 s21, s3  }
0x9d: {  	[timem:s7], [sflag:s22] =	dma.local [hbm:s5], s20  }
0x9e: {  	_ =	swait.ge [sflag:s22], s20  }
0x9f: {  	s4 =	ssub.s32 $0x0, s20;
	[sflag:s22] =	ssyncset.done $0x0  }
0xa0: {  	[sflag:s22] =	ssyncadd.s32 s4;
	_ =	sdelay $0x1  }
0xa1: {  	s23 =	simm.s32 $0x1B8B  }
0xa2: {  	_ =	swait.ge [sflag:s23], $0x1  }
0xa3: {  	[sflag:s23] =	ssyncset.done $0x0  }
0xa4: {  	s25 =	simm.s32 $0x1B8E;
	s24 =	sld [smem:$0x3FFE];
	[sflag:s23] =	ssyncadd.s32 $0xFFFFFFFF  }
0xa5: {  	s26 =	simm.s32 $execute0_lowered;
	[smem:$0x3FD2] =	sst s25  }
0xa6: {  	s5 =	sshll.u32 s26, $0x1;
	_ =	strace $0x80000049;
	[dreg:$0x1] =	wrdreg $0xFFFFFFFF  }
0xa7: {  	s28 =	simm.s32 $_size_execute0_lowered;
	s3 =	sadd.s32 s3, s5;
	[dreg:$0x0] =	wrdreg $0x0  }
0xa8: {  	s5 =	sshll.u32 s28, $0x1;
	[dreg:$0x2] =	wrdreg s3  }
0xa9: {  	[dreg:$0x3] =	wrdreg s5  }
0xaa: {  	[dreg:$0x4] =	wrdreg $0xC0  }
0xab: {  	_ =	task [dreg:s7], $0x5FFFF  }
0xac: {  	[dreg:$0x1] =	wrdreg $0xFFFFFFFF  }
0xad: {  	[dreg:$0x0] =	wrdreg $0x60  }
0xae: {  	[dreg:$0x2] =	wrdreg s24  }
0xaf: {  	[dreg:$0x3] =	wrdreg s2  }
0xb0: {  	[dreg:$0x4] =	wrdreg $0xA0000  }
0xb1: {  	[dreg:$0x5] =	wrdreg $0x9  }
0xb2: {  	_ =	task.clear_ibuf [dreg:s7], $0x6FFFF;
	_ =	strace $0x90000049  }
0xb3: {  	s29 =	simm.s32 $0x9;
	_ =	strace $0x8000004B  }
0xb4: {  	_ =	swait.ge [sflag:s29], $0x1  }
0xb5: {  	[sflag:s29] =	ssyncadd.s32 $0xFFFFFFFF  }
0xb6: {  	_ =	strace $0x9000004B  }
0xb7: {  	_ =	sfence  }
0xb8: {  	s30 =	sld [smem:$0x0];
	_ =	sdelay $0x2  }
0xb9: {  	s31 =	sshll.u32 s1, $0xD;
	s1 =	sshrl.u32 s1, $0x2  }
0xba: {  	s3 =	sand.u32 $0x4000, s31;
	s1 =	sadd.s32 s1, s30  }
0xbb: {  	s0 =	sor.u32 s3, s0;
	s1 =	sshll.u32 s1, $0x11  }
0xbc: {  	s0 =	sor.u32 s1, s0  }
0xbd: {  	s0 =	sadd.s32 $0x8F2B, s0  }
0xbe: {  	[sflag:s0] =	ssyncadd.remote.s32 $0x1  }
0xbf: {  	_ =	sfence.sel $0xFFFF  }
0xc0: {  	[dreg:$0x0] =	wrdreg $0xFFFFFFFF;
	(pc) =	sbr.abs _section_cstart, $3  }
0xc1: {  	[dreg:$0x1] =	wrdreg $0xFFFFFFFF  }
0xc2: {  	_ =	task.clear_ibuf [dreg:s7], $0x2FFFF;
	_ =	strace $0x9FFFFFFF  }
0xc3: {  	(tm) =	ssettm $0x7FFFFFFF  }
tec
execute0_lowered:
.L_overlay_start_1:
0x0: {  	(tag) =	ssettag $0x1  }
0x1: {  	s1 =	srdreg.scid  }
0x2: {  	s0 =	rddreg [dreg:$0x0];
	s1 =	sand.u32 $0x1, s1  }
0x3: {  	s6 =	rddreg [dreg:$0x1];
	s17 =	stileid.u32;
	s3 =	sshll.u32 s1, $0x4  }
0x4: {  	s2 =	rddreg [dreg:$0x2];
	s4 =	sor.u32 s17, s3;
	s3 =	simm.s32 $0x0  }
0x5: {  	s19 =	simm.s32 $0x80;
	[smem:$0x7FF] =	sst s3  }
0x6: {  	s21 =	simm.s32 $0xC80;
	_ =	strace $0x8000004A;
	[dreg:$0x6] =	wrdreg s19  }
0x7: {  	s22 =	simm.s32 $0x100;
	[dreg:$0x7] =	wrdreg s21  }
0x8: {  	s23 =	simm.s32 $0x180;
	s11 =	smul.u32 $0x3C00, s17;
	[dreg:$0x8] =	wrdreg s22  }
0x9: {  	s24 =	simm.s32 $0xD00;
	s9 =	smul.u32 $0x3C000, s1;
	[dreg:$0x9] =	wrdreg s23  }
0xa: {  	s26 =	simm.s32 $0xD80;
	s13 =	simm.s32 $0xE00;
	[dreg:$0xa] =	wrdreg s24  }
0xb: {  	s9 =	sadd.s32 s11, s9;
	s11 =	simm.s32 $0x200;
	[dreg:$0xb] =	wrdreg s26  }
0xc: {  	s28 =	simm.s32 $0x1480;
	s29 =	simm.s32 $0x900;
	[dreg:$0xc] =	wrdreg s11  }
0xd: {  	s30 =	simm.s32 $0x980;
	[dreg:$0xe] =	wrdreg s13;
	s19 =	simm.s32 $0xF00  }
0xe: {  	s31 =	simm.s32 $0x1500;
	s21 =	simm.s32 $0xF80;
	[dreg:$0x12] =	wrdreg s19  }
0xf: {  	s8 =	smul.u32 $0x3C00, s4;
	s22 =	simm.s32 $0x400;
	[dreg:$0x13] =	wrdreg s21  }
0x10: {  	s4 =	smul.u32 $0x140000, s1;
	s23 =	simm.s32 $0x480;
	[dreg:$0x14] =	wrdreg s22  }
0x11: {  	s1 =	ssub.s32 $0x2, s1;
	s24 =	simm.s32 $0x1000;
	[dreg:$0x15] =	wrdreg s23  }
0x12: {  	s9 =	sshrl.u32 s9, $0x3;
	s26 =	simm.s32 $0x500;
	[dreg:$0x16] =	wrdreg s24  }
0x13: {  	s12 =	sshrl.u32 s1, $0x1;
	s18 =	sadd.s32 s9, s6;
	[dreg:$0x18] =	wrdreg s26  }
0x14: {  	s1 =	ssub.s32 s1, s12;
	s12 =	simm.s32 $0x280;
	[dreg:$0x5] =	wrdreg s18  }
0x15: {  	s10 =	sadd.s32 $0x5EE00, s0;
	s23 =	simm.s32 $0x680;
	[dreg:$0xd] =	wrdreg s12  }
0x16: {  	s7 =	smul.u32 $0x14000, s17;
	s24 =	simm.s32 $0x1200;
	[dreg:$0x1d] =	wrdreg s23  }
0x17: {  	s8 =	sshrl.u32 s8, $0x3;
	s26 =	simm.s32 $0x1280;
	[dreg:$0x1e] =	wrdreg s24  }
0x18: {  	s5 =	sadd.s32 $0x6DE00, s0;
	s14 =	sadd.s32 s6, s8;
	[dreg:$0x1f] =	wrdreg s26  }
0x19: {  	s15 =	sadd.s32 s4, s7;
	s8 =	sadd.s32 s10, s8;
	[smem:$0x7DE] =	sst s14  }
0x1a: {  	s19 =	sadd.s32 $0x10000, s7;
	s10 =	sadd.s32 s9, s10;
	[smem:$0x7DF] =	sst s8  }
0x1b: {  	s16 =	sshrl.u32 s15, $0x3;
	s15 =	simm.s32 $0xE80;
	[dreg:$0x4] =	wrdreg s10  }
0x1c: {  	s22 =	smul.u32 $0x50000, s17;
	s18 =	simm.s32 $0x380;
	[dreg:$0xf] =	wrdreg s15  }
0x1d: {  	s6 =	sor.u32 $0x2000, s7;
	s8 =	sadd.s32 s5, s16;
	[dreg:$0x11] =	wrdreg s18  }
0x1e: {  	s20 =	sadd.s32 s4, s6;
	s16 =	simm.s32 $0x300;
	[smem:$0x7E0] =	sst s8  }
0x1f: {  	s15 =	simm.s32 $0x1100;
	s18 =	simm.s32 $0x600;
	[dreg:$0x10] =	wrdreg s16  }
0x20: {  	s9 =	sshrl.u32 s20, $0x3;
	s8 =	sadd.s32 $0x4000, s7;
	[dreg:$0x1a] =	wrdreg s15  }
0x21: {  	s16 =	simm.s32 $0x1180;
	s15 =	sadd.s32 $0xE000, s7;
	[dreg:$0x1c] =	wrdreg s18  }
0x22: {  	s9 =	sadd.s32 s5, s9;
	s25 =	sadd.s32 s4, s8;
	[dreg:$0x1b] =	wrdreg s16  }
0x23: {  	s16 =	sadd.s32 s4, s19;
	[smem:$0x7E1] =	sst s9;
	s10 =	sshrl.u32 s25, $0x3  }
0x24: {  	s9 =	sadd.s32 $0x6000, s7;
	s25 =	simm.s32 $0x1080;
	s16 =	sshrl.u32 s16, $0x3  }
0x25: {  	s10 =	sadd.s32 s5, s10;
	s14 =	sadd.s32 s4, s9;
	[dreg:$0x17] =	wrdreg s25  }
0x26: {  	s21 =	sadd.s32 s5, s16;
	s25 =	sshrl.u32 s22, $0x2;
	[smem:$0x7E2] =	sst s10  }
0x27: {  	s11 =	sshrl.u32 s14, $0x3;
	s14 =	simm.s32 $0x580;
	[smem:$0x7E8] =	sst s21  }
0x28: {  	s16 =	sadd.s32 $0x1E00, s0;
	s11 =	sadd.s32 s5, s11;
	[dreg:$0x19] =	wrdreg s14  }
0x29: {  	s17 =	sadd.s32 s25, s2;
	[smem:$0x7E3] =	sst s11;
	s11 =	sadd.s32 $0x8000, s7  }
0x2a: {  	s18 =	sadd.s32 $0x2000, s17;
	[smem:$0x7FD] =	sst s17;
	s20 =	sadd.s32 s4, s11  }
0x2b: {  	s21 =	sadd.s32 $0x8000, s17;
	[smem:$0x7F4] =	sst s18;
	s12 =	sshrl.u32 s20, $0x3  }
0x2c: {  	s10 =	simm.s32 $0x64;
	[smem:$0x7F7] =	sst s21;
	s12 =	sadd.s32 s5, s12  }
0x2d: {  	s22 =	sadd.s32 $0xA000, s17;
	[smem:$0x7E4] =	sst s12;
	s12 =	sadd.s32 $0xA000, s7  }
0x2e: {  	s23 =	sadd.s32 $0xC000, s17;
	[smem:$0x7F8] =	sst s22;
	s13 =	sadd.s32 s4, s12  }
0x2f: {  	s24 =	sadd.s32 $0xE000, s17;
	[smem:$0x7F9] =	sst s23;
	s13 =	sshrl.u32 s13, $0x3  }
0x30: {  	s25 =	sadd.s32 $0x10000, s17;
	[smem:$0x7FA] =	sst s24;
	s13 =	sadd.s32 s5, s13  }
0x31: {  	s26 =	sadd.s32 $0x12000, s17;
	[smem:$0x7E5] =	sst s13;
	s13 =	sadd.s32 $0xC000, s7  }
0x32: {  	[smem:$0x7FB] =	sst s25;
	s7 =	sadd.s32 $0x12000, s7;
	s14 =	sadd.s32 s4, s13  }
0x33: {  	s20 =	sadd.s32 s4, s15;
	s4 =	sadd.s32 s4, s7;
	s14 =	sshrl.u32 s14, $0x3  }
0x34: {  	[smem:$0x7FC] =	sst s26;
	s4 =	sshrl.u32 s4, $0x3;
	s14 =	sadd.s32 s5, s14  }
0x35: {  	s18 =	simm.s32 $0x3;
	s4 =	sadd.s32 s5, s4;
	[smem:$0x7E6] =	sst s14  }
0x36: {  	s21 =	simm.s32 $0x780;
	[smem:$0x7E9] =	sst s4;
	s4 =	smax.u32 s1, $0x1  }
0x37: {  	s14 =	sshrl.u32 s20, $0x3;
	s20 =	sadd.s32 $0x6000, s17;
	[smem:$0x7EA] =	sst s4  }
0x38: {  	s22 =	simm.s32 $0x1300;
	s14 =	sadd.s32 s5, s14;
	[smem:$0x7F6] =	sst s20  }
0x39: {  	s23 =	simm.s32 $0x1380;
	s5 =	sadd.s32 s6, s2;
	[smem:$0x7E7] =	sst s14  }
0x3a: {  	s24 =	simm.s32 $0x800;
	s6 =	sadd.s32 s8, s2;
	[smem:$0x7EB] =	sst s5  }
0x3b: {  	s25 =	simm.s32 $0x880;
	s8 =	sadd.s32 s9, s2;
	[smem:$0x7EC] =	sst s6  }
0x3c: {  	s26 =	simm.s32 $0x1400;
	s9 =	sadd.s32 s11, s2;
	[smem:$0x7ED] =	sst s8  }
0x3d: {  	s1 =	simm.s32 $0x1580;
	s11 =	sadd.s32 s12, s2;
	[smem:$0x7EE] =	sst s9  }
0x3e: {  	s12 =	sadd.s32 s13, s2;
	s13 =	sadd.s32 s15, s2;
	[smem:$0x7EF] =	sst s11  }
0x3f: {  	s15 =	sadd.s32 s7, s2;
	s20 =	simm.s32 $0x700;
	[smem:$0x7F0] =	sst s12  }
0x40: {  	s4 =	simm.s32 $0x0;
	[smem:$0x7F1] =	sst s13;
	s14 =	sadd.s32 s19, s2  }
0x41: {  	[smem:$0x7F3] =	sst s15;
	s19 =	sadd.s32 $0x4000, s17;
	s8 =	simm.s32 $0x5  }
0x42: {  	s9 =	simm.s32 $0xC00;
	s11 =	simm.s32 $0x1800;
	s12 =	simm.s32 $0x8000  }
0x43: {  	s13 =	simm.s32 $0x4C00;
	s15 =	simm.s32 $0x2;
	[smem:$0x7F2] =	sst s14  }
0x44: {  	v0 =	vimm.f32 $0.0e+00;
	[smem:$0x7F5] =	sst s19;
	s14 =	simm.s32 $0x1;
	s19 =	simm.s32 $0x4  }
.LBB2_1:
0x45: {  	s0 =	sld [smem:$0x7DE];
	_ =	sdelay $0x1  }
0x46: {  	[smem:$0x7DD] =	sst s4  }
0x47: {  	[tilespmem:s3], [sflag:$0x5] =	stream.linear.gather [hbm4b:s0+s3], $0xA00, $0x38;
	[tilespmem:$0x1E000] =	vst v63  }
0x48: {  	_ =	swait.ge [sflag:s8], $0xA00  }
0x49: {  	s7 =	sld [smem:$0x7DF]  }
0x4a: {  	[sflag:s8] =	ssyncset.done $0x0  }
0x4b: {  	[sflag:s8] =	ssyncadd.s32 $0xFFFFF600  }
0x4c: {  	[tilespmem:s9], [sflag:$0x5] =	stream.linear.gather [hbm4b:s7+s3], $0xA00, $0x38;
	[tilespmem:$0x1E000] =	vst v63  }
0x4d: {  	_ =	swait.ge [sflag:s8], $0xA00  }
0x4e: {  	[sflag:s8] =	ssyncset.done $0x0  }
0x4f: {  	s4 =	simm.s32 $0x0;
	s5 =	simm.s32 $0x200;
	[sflag:s8] =	ssyncadd.s32 $0xFFFFF600  }
0x50: {  	[tilespmem:s11], [sflag:$0x1] =	stream.indirect.gather [hbm4b:s16+s10], $0x80, s3, s10, $0xb8;
	[tilespmem:$0x1E000] =	vst v63  }
.LBB2_2:
0x51: {  	p0 =	sne.s32 s5, $0x7E00;
	[tilespmem:s4+$0x8070] =	vst v0  }
0x52: {  	[tilespmem:s4+$0x8000] =	vst v0  }
0x53: {  	[tilespmem:s4+$0x8010] =	vst v0  }
.Ltmp0:
0x54: {  	[tilespmem:s4+$0x8020] =	vst v0;
	(pc) =	sbr.rel @p0 .LBB2_2-.Ltmp0, $4  }
0x55: {  	[tilespmem:s4+$0x8030] =	vst v0  }
0x56: {  	[tilespmem:s4+$0x8040] =	vst v0  }
0x57: {  	[tilespmem:s4+$0x8050] =	vst v0  }
0x58: {  	[tilespmem:s4+$0x8060] =	vst v0;
	s4 =	sshra.s32 s5, $0x2;
	s5 =	sadd.s32 $0x200, s5  }
0x59: {  	[tilespmem:s4+$0x8070] =	vst v0  }
0x5a: {  	[tilespmem:s4+$0x8000] =	vst v0  }
0x5b: {  	[tilespmem:s4+$0x8010] =	vst v0  }
0x5c: {  	[tilespmem:s4+$0x8020] =	vst v0  }
0x5d: {  	[tilespmem:s4+$0x8030] =	vst v0  }
0x5e: {  	[tilespmem:s4+$0x8040] =	vst v0  }
0x5f: {  	[tilespmem:s4+$0x8050] =	vst v0  }
0x60: {  	[tilespmem:s4+$0x8060] =	vst v0  }
0x61: {  	[spmem:s17] =	stream.linear.scatter [tilespmem:s12], [sflag:$0x5], $0x2000, $0x38;
	[tilespmem:$0x1E000] =	vst v63  }
0x62: {  	_ =	swait.ge [sflag:s8], $0x2000  }
0x63: {  	s0 =	sld [smem:$0x7F4]  }
0x64: {  	[sflag:s8] =	ssyncset.done $0x0  }
0x65: {  	[sflag:s8] =	ssyncadd.s32 $0xFFFFE000  }
0x66: {  	[spmem:s0] =	stream.linear.scatter [tilespmem:s12], [sflag:$0x5], $0x2000, $0x38;
	[tilespmem:$0x1E000] =	vst v63  }
0x67: {  	_ =	swait.ge [sflag:s8], $0x2000  }
0x68: {  	s7 =	sld [smem:$0x7F5]  }
0x69: {  	[sflag:s8] =	ssyncset.done $0x0  }
0x6a: {  	[sflag:s8] =	ssyncadd.s32 $0xFFFFE000  }
0x6b: {  	[spmem:s7] =	stream.linear.scatter [tilespmem:s12], [sflag:$0x5], $0x2000, $0x38;
	[tilespmem:$0x1E000] =	vst v63  }
0x6c: {  	_ =	swait.ge [sflag:s8], $0x2000  }
0x6d: {  	s17 =	sld [smem:$0x7F6]  }
0x6e: {  	[sflag:s8] =	ssyncset.done $0x0  }
0x6f: {  	[sflag:s8] =	ssyncadd.s32 $0xFFFFE000  }
0x70: {  	[spmem:s17] =	stream.linear.scatter [tilespmem:s12], [sflag:$0x5], $0x2000, $0x38;
	[tilespmem:$0x1E000] =	vst v63  }
0x71: {  	_ =	swait.ge [sflag:s8], $0x2000  }
0x72: {  	s3 =	sld [smem:$0x7F7]  }
0x73: {  	[sflag:s8] =	ssyncset.done $0x0  }
0x74: {  	[sflag:s8] =	ssyncadd.s32 $0xFFFFE000  }
0x75: {  	[spmem:s3] =	stream.linear.scatter [tilespmem:s12], [sflag:$0x5], $0x2000, $0x38;
	[tilespmem:$0x1E000] =	vst v63  }
0x76: {  	_ =	swait.ge [sflag:s8], $0x2000  }
0x77: {  	s4 =	sld [smem:$0x7F8]  }
0x78: {  	[sflag:s8] =	ssyncset.done $0x0  }
0x79: {  	[sflag:s8] =	ssyncadd.s32 $0xFFFFE000  }
0x7a: {  	[spmem:s4] =	stream.linear.scatter [tilespmem:s12], [sflag:$0x5], $0x2000, $0x38;
	[tilespmem:$0x1E000] =	vst v63  }
0x7b: {  	_ =	swait.ge [sflag:s8], $0x2000  }
0x7c: {  	s5 =	sld [smem:$0x7F9]  }
0x7d: {  	[sflag:s8] =	ssyncset.done $0x0  }
0x7e: {  	[sflag:s8] =	ssyncadd.s32 $0xFFFFE000  }
0x7f: {  	[spmem:s5] =	stream.linear.scatter [tilespmem:s12], [sflag:$0x5], $0x2000, $0x38;
	[tilespmem:$0x1E000] =	vst v63  }
0x80: {  	_ =	swait.ge [sflag:s8], $0x2000  }
0x81: {  	s6 =	sld [smem:$0x7FA]  }
0x82: {  	[sflag:s8] =	ssyncset.done $0x0  }
0x83: {  	[sflag:s8] =	ssyncadd.s32 $0xFFFFE000  }
0x84: {  	[spmem:s6] =	stream.linear.scatter [tilespmem:s12], [sflag:$0x5], $0x2000, $0x38;
	[tilespmem:$0x1E000] =	vst v63  }
0x85: {  	_ =	swait.ge [sflag:s8], $0x2000  }
0x86: {  	s7 =	sld [smem:$0x7FB]  }
0x87: {  	[sflag:s8] =	ssyncset.done $0x0  }
0x88: {  	[sflag:s8] =	ssyncadd.s32 $0xFFFFE000  }
0x89: {  	[spmem:s7] =	stream.linear.scatter [tilespmem:s12], [sflag:$0x5], $0x2000, $0x38;
	[tilespmem:$0x1E000] =	vst v63  }
0x8a: {  	_ =	swait.ge [sflag:s8], $0x2000  }
0x8b: {  	s17 =	sld [smem:$0x7FC]  }
0x8c: {  	[sflag:s8] =	ssyncset.done $0x0  }
0x8d: {  	[sflag:s8] =	ssyncadd.s32 $0xFFFFE000  }
0x8e: {  	[spmem:s17] =	stream.linear.scatter [tilespmem:s12], [sflag:$0x5], $0x2000, $0x38;
	[tilespmem:$0x1E000] =	vst v63  }
0x8f: {  	_ =	swait.ge [sflag:s8], $0x2000  }
0x90: {  	[sflag:s8] =	ssyncset.done $0x0  }
0x91: {  	p0 =	por $0x1, $0x1;
	[sflag:s8] =	ssyncadd.s32 $0xFFFFE000  }
0x92: {  	s4 =	simm.s32 @!p0 $0x4;
	[bflag:$0x0] =	sbarrier.arrive $0xFFFF  }
0x93: {  	_ =	swait.ge @!p0 [sflag:s4], $0x3200  }
0x94: {  	s6 =	simm.s32 @!p0 $0x5;
	s5 =	rddreg [dreg:$0x5];
	[sflag:s4] =	ssyncset.done @!p0 $0x0  }
0x95: {  	[sflag:s4] =	ssyncadd.s32 @!p0 $0xFFFFCE00;
	s4 =	sadd.s32 @!p0 $0x0, s5;
	s5 =	simm.s32 @!p0 $0x0  }
0x96: {  	[tilespmem:s5], [sflag:$0x5] =	stream.linear.gather @!p0 [hbm4b:s4+s5], $0xA00, $0x38;
	[tilespmem:$0x1E000] =	vst v63  }
0x97: {  	_ =	swait.ge @!p0 [sflag:s6], $0xA00  }
0x98: {  	s4 =	rddreg [dreg:$0x4];
	[sflag:s6] =	ssyncset.done @!p0 $0x0  }
0x99: {  	s7 =	simm.s32 @!p0 $0xC00;
	[sflag:s6] =	ssyncadd.s32 @!p0 $0xFFFFF600;
	s4 =	sadd.s32 @!p0 $0x0, s4  }
0x9a: {  	[tilespmem:s7], [sflag:$0x5] =	stream.linear.gather @!p0 [hbm4b:s4+s5], $0xA00, $0x38;
	[tilespmem:$0x1E000] =	vst v63  }
0x9b: {  	_ =	swait.ge @!p0 [sflag:s6], $0xA00  }
0x9c: {  	[sflag:s6] =	ssyncset.done @!p0 $0x0  }
0x9d: {  	s4 =	simm.s32 @!p0 $0x1800;
	[sflag:s6] =	ssyncadd.s32 @!p0 $0xFFFFF600;
	s6 =	simm.s32 @!p0 $0x64  }
0x9e: {  	[tilespmem:s4], [sflag:$0x1] =	stream.indirect.gather @!p0 [hbm4b:s16+s6], $0x80, s5, s6, $0xb8;
	[tilespmem:$0x1E000] =	vst v63  }
0x9f: {  	s3 =	rddreg [dreg:$0x6]  }
0xa0: {  	[tilespmem:s13], [sflag:$0x2] =	stream.indirect.gather [hbm4b:s16+s10], $0x80, s3, s10, $0xb8;
	[tilespmem:$0x1E000] =	vst v63  }
0xa1: {  	_ =	swait.ge [sflag:s14], $0x3200  }
0xa2: {  	[sflag:s14] =	ssyncset.done $0x0  }
0xa3: {  	[sflag:s14] =	ssyncadd.s32 $0xFFFFCE00  }
0xa4: {  	[spmem:s2] =	stream.indirect.scatter.add.f32 [tilespmem:s11], [sflag:$0x3], $0x80, s9, s10, $0xb8;
	[tilespmem:$0x1E000] =	vst v63  }
0xa5: {  	_ =	swait.ge [sflag:s15], $0x3200  }
0xa6: {  	[sflag:s15] =	ssyncset.done $0x0  }
0xa7: {  	s17 =	rddreg [dreg:$0x7];
	[sflag:s15] =	ssyncadd.s32 $0xFFFFCE00  }
0xa8: {  	[spmem:s2] =	stream.indirect.scatter.add.f32 [tilespmem:s13], [sflag:$0x4], $0x80, s17, s10, $0xb8;
	[tilespmem:$0x1E000] =	vst v63  }
0xa9: {  	_ =	swait.ge [sflag:s18], $0x3200  }
0xaa: {  	[sflag:s18] =	ssyncset.done $0x0  }
0xab: {  	s0 =	rddreg [dreg:$0x8];
	[sflag:s18] =	ssyncadd.s32 $0xFFFFCE00  }
0xac: {  	[tilespmem:s11], [sflag:$0x1] =	stream.indirect.gather [hbm4b:s16+s10], $0x80, s0, s10, $0xb8;
	[tilespmem:$0x1E000] =	vst v63  }
0xad: {  	_ =	swait.ge [sflag:s19], $0x3200  }
0xae: {  	[sflag:s19] =	ssyncset.done $0x0  }
0xaf: {  	s3 =	rddreg [dreg:$0x9];
	[sflag:s19] =	ssyncadd.s32 $0xFFFFCE00  }
0xb0: {  	[tilespmem:s13], [sflag:$0x2] =	stream.indirect.gather [hbm4b:s16+s10], $0x80, s3, s10, $0xb8;
	[tilespmem:$0x1E000] =	vst v63  }
0xb1: {  	_ =	swait.ge [sflag:s14], $0x3200  }
0xb2: {  	[sflag:s14] =	ssyncset.done $0x0  }
0xb3: {  	s5 =	rddreg [dreg:$0xa];
	[sflag:s14] =	ssyncadd.s32 $0xFFFFCE00  }
0xb4: {  	[spmem:s2] =	stream.indirect.scatter.add.f32 [tilespmem:s11], [sflag:$0x3], $0x80, s5, s10, $0xb8;
	[tilespmem:$0x1E000] =	vst v63  }
0xb5: {  	_ =	swait.ge [sflag:s15], $0x3200  }
0xb6: {  	[sflag:s15] =	ssyncset.done $0x0  }
0xb7: {  	s6 =	rddreg [dreg:$0xb];
	[sflag:s15] =	ssyncadd.s32 $0xFFFFCE00  }
0xb8: {  	[spmem:s2] =	stream.indirect.scatter.add.f32 [tilespmem:s13], [sflag:$0x4], $0x80, s6, s10, $0xb8;
	[tilespmem:$0x1E000] =	vst v63  }
0xb9: {  	_ =	swait.ge [sflag:s18], $0x3200  }
0xba: {  	[sflag:s18] =	ssyncset.done $0x0  }
0xbb: {  	s7 =	rddreg [dreg:$0xc];
	[sflag:s18] =	ssyncadd.s32 $0xFFFFCE00  }
0xbc: {  	[tilespmem:s11], [sflag:$0x1] =	stream.indirect.gather [hbm4b:s16+s10], $0x80, s7, s10, $0xb8;
	[tilespmem:$0x1E000] =	vst v63  }
0xbd: {  	_ =	swait.ge [sflag:s19], $0x3200  }
0xbe: {  	[sflag:s19] =	ssyncset.done $0x0  }
0xbf: {  	s17 =	rddreg [dreg:$0xd];
	[sflag:s19] =	ssyncadd.s32 $0xFFFFCE00  }
0xc0: {  	[tilespmem:s13], [sflag:$0x2] =	stream.indirect.gather [hbm4b:s16+s10], $0x80, s17, s10, $0xb8;
	[tilespmem:$0x1E000] =	vst v63  }
0xc1: {  	_ =	swait.ge [sflag:s14], $0x3200  }
0xc2: {  	[sflag:s14] =	ssyncset.done $0x0  }
0xc3: {  	s0 =	rddreg [dreg:$0xe];
	[sflag:s14] =	ssyncadd.s32 $0xFFFFCE00  }
0xc4: {  	[spmem:s2] =	stream.indirect.scatter.add.f32 [tilespmem:s11], [sflag:$0x3], $0x80, s0, s10, $0xb8;
	[tilespmem:$0x1E000] =	vst v63  }
0xc5: {  	_ =	swait.ge [sflag:s15], $0x3200  }
0xc6: {  	[sflag:s15] =	ssyncset.done $0x0  }
0xc7: {  	s3 =	rddreg [dreg:$0xf];
	[sflag:s15] =	ssyncadd.s32 $0xFFFFCE00  }
0xc8: {  	[spmem:s2] =	stream.indirect.scatter.add.f32 [tilespmem:s13], [sflag:$0x4], $0x80, s3, s10, $0xb8;
	[tilespmem:$0x1E000] =	vst v63  }
0xc9: {  	_ =	swait.ge [sflag:s18], $0x3200  }
0xca: {  	[sflag:s18] =	ssyncset.done $0x0  }
0xcb: {  	s5 =	rddreg [dreg:$0x10];
	[sflag:s18] =	ssyncadd.s32 $0xFFFFCE00  }
0xcc: {  	[tilespmem:s11], [sflag:$0x1] =	stream.indirect.gather [hbm4b:s16+s10], $0x80, s5, s10, $0xb8;
	[tilespmem:$0x1E000] =	vst v63  }
0xcd: {  	_ =	swait.ge [sflag:s19], $0x3200  }
0xce: {  	[sflag:s19] =	ssyncset.done $0x0  }
0xcf: {  	s6 =	rddreg [dreg:$0x11];
	[sflag:s19] =	ssyncadd.s32 $0xFFFFCE00  }
0xd0: {  	[tilespmem:s13], [sflag:$0x2] =	stream.indirect.gather [hbm4b:s16+s10], $0x80, s6, s10, $0xb8;
	[tilespmem:$0x1E000] =	vst v63  }
0xd1: {  	_ =	swait.ge [sflag:s14], $0x3200  }
0xd2: {  	[sflag:s14] =	ssyncset.done $0x0  }
0xd3: {  	s7 =	rddreg [dreg:$0x12];
	[sflag:s14] =	ssyncadd.s32 $0xFFFFCE00  }
0xd4: {  	[spmem:s2] =	stream.indirect.scatter.add.f32 [tilespmem:s11], [sflag:$0x3], $0x80, s7, s10, $0xb8;
	[tilespmem:$0x1E000] =	vst v63  }
0xd5: {  	_ =	swait.ge [sflag:s15], $0x3200  }
0xd6: {  	[sflag:s15] =	ssyncset.done $0x0  }
0xd7: {  	s17 =	rddreg [dreg:$0x13];
	[sflag:s15] =	ssyncadd.s32 $0xFFFFCE00  }
0xd8: {  	[spmem:s2] =	stream.indirect.scatter.add.f32 [tilespmem:s13], [sflag:$0x4], $0x80, s17, s10, $0xb8;
	[tilespmem:$0x1E000] =	vst v63  }
0xd9: {  	_ =	swait.ge [sflag:s18], $0x3200  }
0xda: {  	[sflag:s18] =	ssyncset.done $0x0  }
0xdb: {  	s0 =	rddreg [dreg:$0x14];
	[sflag:s18] =	ssyncadd.s32 $0xFFFFCE00  }
0xdc: {  	[tilespmem:s11], [sflag:$0x1] =	stream.indirect.gather [hbm4b:s16+s10], $0x80, s0, s10, $0xb8;
	[tilespmem:$0x1E000] =	vst v63  }
0xdd: {  	_ =	swait.ge [sflag:s19], $0x3200  }
0xde: {  	[sflag:s19] =	ssyncset.done $0x0  }
0xdf: {  	s3 =	rddreg [dreg:$0x15];
	[sflag:s19] =	ssyncadd.s32 $0xFFFFCE00  }
0xe0: {  	[tilespmem:s13], [sflag:$0x2] =	stream.indirect.gather [hbm4b:s16+s10], $0x80, s3, s10, $0xb8;
	[tilespmem:$0x1E000] =	vst v63  }
0xe1: {  	_ =	swait.ge [sflag:s14], $0x3200  }
0xe2: {  	[sflag:s14] =	ssyncset.done $0x0  }
0xe3: {  	s5 =	rddreg [dreg:$0x16];
	[sflag:s14] =	ssyncadd.s32 $0xFFFFCE00  }
0xe4: {  	[spmem:s2] =	stream.indirect.scatter.add.f32 [tilespmem:s11], [sflag:$0x3], $0x80, s5, s10, $0xb8;
	[tilespmem:$0x1E000] =	vst v63  }
0xe5: {  	_ =	swait.ge [sflag:s15], $0x3200  }
0xe6: {  	[sflag:s15] =	ssyncset.done $0x0  }
0xe7: {  	s6 =	rddreg [dreg:$0x17];
	[sflag:s15] =	ssyncadd.s32 $0xFFFFCE00  }
0xe8: {  	[spmem:s2] =	stream.indirect.scatter.add.f32 [tilespmem:s13], [sflag:$0x4], $0x80, s6, s10, $0xb8;
	[tilespmem:$0x1E000] =	vst v63  }
0xe9: {  	_ =	swait.ge [sflag:s18], $0x3200  }
0xea: {  	[sflag:s18] =	ssyncset.done $0x0  }
0xeb: {  	s7 =	rddreg [dreg:$0x18];
	[sflag:s18] =	ssyncadd.s32 $0xFFFFCE00  }
0xec: {  	[tilespmem:s11], [sflag:$0x1] =	stream.indirect.gather [hbm4b:s16+s10], $0x80, s7, s10, $0xb8;
	[tilespmem:$0x1E000] =	vst v63  }
0xed: {  	_ =	swait.ge [sflag:s19], $0x3200  }
0xee: {  	[sflag:s19] =	ssyncset.done $0x0  }
0xef: {  	s17 =	rddreg [dreg:$0x19];
	[sflag:s19] =	ssyncadd.s32 $0xFFFFCE00  }
0xf0: {  	[tilespmem:s13], [sflag:$0x2] =	stream.indirect.gather [hbm4b:s16+s10], $0x80, s17, s10, $0xb8;
	[tilespmem:$0x1E000] =	vst v63  }
0xf1: {  	_ =	swait.ge [sflag:s14], $0x3200  }
0xf2: {  	[sflag:s14] =	ssyncset.done $0x0  }
0xf3: {  	s0 =	rddreg [dreg:$0x1a];
	[sflag:s14] =	ssyncadd.s32 $0xFFFFCE00  }
0xf4: {  	[spmem:s2] =	stream.indirect.scatter.add.f32 [tilespmem:s11], [sflag:$0x3], $0x80, s0, s10, $0xb8;
	[tilespmem:$0x1E000] =	vst v63  }
0xf5: {  	_ =	swait.ge [sflag:s15], $0x3200  }
0xf6: {  	[sflag:s15] =	ssyncset.done $0x0  }
0xf7: {  	s3 =	rddreg [dreg:$0x1b];
	[sflag:s15] =	ssyncadd.s32 $0xFFFFCE00  }
0xf8: {  	[spmem:s2] =	stream.indirect.scatter.add.f32 [tilespmem:s13], [sflag:$0x4], $0x80, s3, s10, $0xb8;
	[tilespmem:$0x1E000] =	vst v63  }
0xf9: {  	_ =	swait.ge [sflag:s18], $0x3200  }
0xfa: {  	[sflag:s18] =	ssyncset.done $0x0  }
0xfb: {  	s5 =	rddreg [dreg:$0x1c];
	[sflag:s18] =	ssyncadd.s32 $0xFFFFCE00  }
0xfc: {  	[tilespmem:s11], [sflag:$0x1] =	stream.indirect.gather [hbm4b:s16+s10], $0x80, s5, s10, $0xb8;
	[tilespmem:$0x1E000] =	vst v63  }
0xfd: {  	_ =	swait.ge [sflag:s19], $0x3200  }
0xfe: {  	[sflag:s19] =	ssyncset.done $0x0  }
0xff: {  	s6 =	rddreg [dreg:$0x1d];
	[sflag:s19] =	ssyncadd.s32 $0xFFFFCE00  }
0x100: {  	[tilespmem:s13], [sflag:$0x2] =	stream.indirect.gather [hbm4b:s16+s10], $0x80, s6, s10, $0xb8;
	[tilespmem:$0x1E000] =	vst v63  }
0x101: {  	_ =	swait.ge [sflag:s14], $0x3200  }
0x102: {  	[sflag:s14] =	ssyncset.done $0x0  }
0x103: {  	s7 =	rddreg [dreg:$0x1e];
	[sflag:s14] =	ssyncadd.s32 $0xFFFFCE00  }
0x104: {  	[spmem:s2] =	stream.indirect.scatter.add.f32 [tilespmem:s11], [sflag:$0x3], $0x80, s7, s10, $0xb8;
	[tilespmem:$0x1E000] =	vst v63  }
0x105: {  	_ =	swait.ge [sflag:s15], $0x3200  }
0x106: {  	[sflag:s15] =	ssyncset.done $0x0  }
0x107: {  	s17 =	rddreg [dreg:$0x1f];
	[sflag:s15] =	ssyncadd.s32 $0xFFFFCE00  }
0x108: {  	[spmem:s2] =	stream.indirect.scatter.add.f32 [tilespmem:s13], [sflag:$0x4], $0x80, s17, s10, $0xb8;
	[tilespmem:$0x1E000] =	vst v63  }
0x109: {  	_ =	swait.ge [sflag:s18], $0x3200  }
0x10a: {  	[sflag:s18] =	ssyncset.done $0x0  }
0x10b: {  	[sflag:s18] =	ssyncadd.s32 $0xFFFFCE00  }
0x10c: {  	[tilespmem:s11], [sflag:$0x1] =	stream.indirect.gather [hbm4b:s16+s10], $0x80, s20, s10, $0xb8;
	[tilespmem:$0x1E000] =	vst v63  }
0x10d: {  	_ =	swait.ge [sflag:s19], $0x3200  }
0x10e: {  	[sflag:s19] =	ssyncset.done $0x0  }
0x10f: {  	[sflag:s19] =	ssyncadd.s32 $0xFFFFCE00  }
0x110: {  	[tilespmem:s13], [sflag:$0x2] =	stream.indirect.gather [hbm4b:s16+s10], $0x80, s21, s10, $0xb8;
	[tilespmem:$0x1E000] =	vst v63  }
0x111: {  	_ =	swait.ge [sflag:s14], $0x3200  }
0x112: {  	[sflag:s14] =	ssyncset.done $0x0  }
0x113: {  	[sflag:s14] =	ssyncadd.s32 $0xFFFFCE00  }
0x114: {  	[spmem:s2] =	stream.indirect.scatter.add.f32 [tilespmem:s11], [sflag:$0x3], $0x80, s22, s10, $0xb8;
	[tilespmem:$0x1E000] =	vst v63  }
0x115: {  	_ =	swait.ge [sflag:s15], $0x3200  }
0x116: {  	[sflag:s15] =	ssyncset.done $0x0  }
0x117: {  	[sflag:s15] =	ssyncadd.s32 $0xFFFFCE00  }
0x118: {  	[spmem:s2] =	stream.indirect.scatter.add.f32 [tilespmem:s13], [sflag:$0x4], $0x80, s23, s10, $0xb8;
	[tilespmem:$0x1E000] =	vst v63  }
0x119: {  	_ =	swait.ge [sflag:s18], $0x3200  }
0x11a: {  	[sflag:s18] =	ssyncset.done $0x0  }
0x11b: {  	[sflag:s18] =	ssyncadd.s32 $0xFFFFCE00  }
0x11c: {  	[tilespmem:s11], [sflag:$0x1] =	stream.indirect.gather [hbm4b:s16+s10], $0x80, s24, s10, $0xb8;
	[tilespmem:$0x1E000] =	vst v63  }
0x11d: {  	_ =	swait.ge [sflag:s19], $0x3200  }
0x11e: {  	[sflag:s19] =	ssyncset.done $0x0  }
0x11f: {  	[sflag:s19] =	ssyncadd.s32 $0xFFFFCE00  }
0x120: {  	[tilespmem:s13], [sflag:$0x2] =	stream.indirect.gather [hbm4b:s16+s10], $0x80, s25, s10, $0xb8;
	[tilespmem:$0x1E000] =	vst v63  }
0x121: {  	_ =	swait.ge [sflag:s14], $0x3200  }
0x122: {  	[sflag:s14] =	ssyncset.done $0x0  }
0x123: {  	[sflag:s14] =	ssyncadd.s32 $0xFFFFCE00  }
0x124: {  	[spmem:s2] =	stream.indirect.scatter.add.f32 [tilespmem:s11], [sflag:$0x3], $0x80, s26, s10, $0xb8;
	[tilespmem:$0x1E000] =	vst v63  }
0x125: {  	_ =	swait.ge [sflag:s15], $0x3200  }
0x126: {  	[sflag:s15] =	ssyncset.done $0x0  }
0x127: {  	[sflag:s15] =	ssyncadd.s32 $0xFFFFCE00  }
0x128: {  	[spmem:s2] =	stream.indirect.scatter.add.f32 [tilespmem:s13], [sflag:$0x4], $0x80, s28, s10, $0xb8;
	[tilespmem:$0x1E000] =	vst v63  }
0x129: {  	_ =	swait.ge [sflag:s18], $0x3200  }
0x12a: {  	[sflag:s18] =	ssyncset.done $0x0  }
0x12b: {  	[sflag:s18] =	ssyncadd.s32 $0xFFFFCE00  }
0x12c: {  	[tilespmem:s11], [sflag:$0x1] =	stream.indirect.gather [hbm4b:s16+s10], $0x80, s29, s10, $0xb8;
	[tilespmem:$0x1E000] =	vst v63  }
0x12d: {  	_ =	swait.ge [sflag:s19], $0x3200  }
0x12e: {  	[sflag:s19] =	ssyncset.done $0x0  }
0x12f: {  	[sflag:s19] =	ssyncadd.s32 $0xFFFFCE00  }
0x130: {  	[tilespmem:s13], [sflag:$0x2] =	stream.indirect.gather [hbm4b:s16+s10], $0x80, s30, s10, $0xb8;
	[tilespmem:$0x1E000] =	vst v63  }
0x131: {  	_ =	swait.ge [sflag:s14], $0x3200  }
0x132: {  	[sflag:s14] =	ssyncset.done $0x0  }
0x133: {  	[sflag:s14] =	ssyncadd.s32 $0xFFFFCE00  }
0x134: {  	[spmem:s2] =	stream.indirect.scatter.add.f32 [tilespmem:s11], [sflag:$0x3], $0x80, s31, s10, $0xb8;
	[tilespmem:$0x1E000] =	vst v63  }
0x135: {  	_ =	swait.ge [sflag:s15], $0x3200  }
0x136: {  	[sflag:s15] =	ssyncset.done $0x0  }
0x137: {  	[sflag:s15] =	ssyncadd.s32 $0xFFFFCE00  }
0x138: {  	[spmem:s2] =	stream.indirect.scatter.add.f32 [tilespmem:s13], [sflag:$0x4], $0x80, s1, s10, $0xb8;
	[tilespmem:$0x1E000] =	vst v63  }
0x139: {  	p1 =	por $0x0, $0x0;
	_ =	swait.ge [sflag:s18], $0x3200  }
0x13a: {  	s4 =	simm.s32 $0x180;
	s5 =	simm.s32 $0x300;
	[sflag:s18] =	ssyncset.done $0x0  }
.LBB2_4:
0x13b: {  	s6 =	simm.s32 @!p1 $0x4;
	[sflag:s18] =	ssyncadd.s32 $0xFFFFCE00  }
0x13c: {  	_ =	swait.ge @!p1 [sflag:s6], $0x3200  }
0x13d: {  	s3 =	simm.s32 @!p1 $0x5;
	[sflag:s6] =	ssyncset.done @!p1 $0x0;
	s17 =	rddreg [dreg:$0x5]  }
0x13e: {  	[sflag:s6] =	ssyncadd.s32 @!p1 $0xFFFFCE00;
	s6 =	sadd.s32 @!p1 s4, s17;
	s17 =	simm.s32 @!p1 $0x0  }
0x13f: {  	[tilespmem:s17], [sflag:$0x5] =	stream.linear.gather @!p1 [hbm4b:s6+s17], $0xA00, $0x38;
	[tilespmem:$0x1E000] =	vst v63  }
0x140: {  	_ =	swait.ge @!p1 [sflag:s3], $0xA00  }
0x141: {  	[sflag:s3] =	ssyncset.done @!p1 $0x0;
	s6 =	rddreg [dreg:$0x4]  }
0x142: {  	s0 =	simm.s32 @!p1 $0xC00;
	[sflag:s3] =	ssyncadd.s32 @!p1 $0xFFFFF600;
	s6 =	sadd.s32 @!p1 s4, s6  }
0x143: {  	[tilespmem:s0], [sflag:$0x5] =	stream.linear.gather @!p1 [hbm4b:s6+s17], $0xA00, $0x38;
	[tilespmem:$0x1E000] =	vst v63  }
0x144: {  	_ =	swait.ge @!p1 [sflag:s3], $0xA00  }
0x145: {  	s7 =	smov.u32 s5;
	[sflag:s3] =	ssyncset.done @!p1 $0x0  }
0x146: {  	s0 =	simm.s32 @!p1 $0x1800;
	[sflag:s3] =	ssyncadd.s32 @!p1 $0xFFFFF600;
	s3 =	simm.s32 @!p1 $0x64  }
0x147: {  	[tilespmem:s0], [sflag:$0x1] =	stream.indirect.gather @!p1 [hbm4b:s16+s3], $0x80, s17, s3, $0xb8;
	[tilespmem:$0x1E000] =	vst v63  }
0x148: {  	s4 =	smov.u32 s7;
	s7 =	rddreg [dreg:$0x6]  }
0x149: {  	[tilespmem:s13], [sflag:$0x2] =	stream.indirect.gather [hbm4b:s16+s10], $0x80, s7, s10, $0xb8;
	[tilespmem:$0x1E000] =	vst v63  }
0x14a: {  	_ =	swait.ge [sflag:s14], $0x3200  }
0x14b: {  	[sflag:s14] =	ssyncset.done $0x0  }
0x14c: {  	[sflag:s14] =	ssyncadd.s32 $0xFFFFCE00  }
0x14d: {  	[spmem:s2] =	stream.indirect.scatter.add.f32 [tilespmem:s11], [sflag:$0x3], $0x80, s9, s10, $0xb8;
	[tilespmem:$0x1E000] =	vst v63  }
0x14e: {  	_ =	swait.ge [sflag:s15], $0x3200  }
0x14f: {  	[sflag:s15] =	ssyncset.done $0x0  }
0x150: {  	s17 =	rddreg [dreg:$0x7];
	[sflag:s15] =	ssyncadd.s32 $0xFFFFCE00  }
0x151: {  	[spmem:s2] =	stream.indirect.scatter.add.f32 [tilespmem:s13], [sflag:$0x4], $0x80, s17, s10, $0xb8;
	[tilespmem:$0x1E000] =	vst v63  }
0x152: {  	_ =	swait.ge [sflag:s18], $0x3200  }
0x153: {  	[sflag:s18] =	ssyncset.done $0x0  }
0x154: {  	s3 =	rddreg [dreg:$0x8];
	[sflag:s18] =	ssyncadd.s32 $0xFFFFCE00  }
0x155: {  	[tilespmem:s11], [sflag:$0x1] =	stream.indirect.gather [hbm4b:s16+s10], $0x80, s3, s10, $0xb8;
	[tilespmem:$0x1E000] =	vst v63  }
0x156: {  	_ =	swait.ge [sflag:s19], $0x3200  }
0x157: {  	[sflag:s19] =	ssyncset.done $0x0  }
0x158: {  	s6 =	rddreg [dreg:$0x9];
	[sflag:s19] =	ssyncadd.s32 $0xFFFFCE00  }
0x159: {  	[tilespmem:s13], [sflag:$0x2] =	stream.indirect.gather [hbm4b:s16+s10], $0x80, s6, s10, $0xb8;
	[tilespmem:$0x1E000] =	vst v63  }
0x15a: {  	_ =	swait.ge [sflag:s14], $0x3200  }
0x15b: {  	[sflag:s14] =	ssyncset.done $0x0  }
0x15c: {  	s7 =	rddreg [dreg:$0xa];
	[sflag:s14] =	ssyncadd.s32 $0xFFFFCE00  }
0x15d: {  	[spmem:s2] =	stream.indirect.scatter.add.f32 [tilespmem:s11], [sflag:$0x3], $0x80, s7, s10, $0xb8;
	[tilespmem:$0x1E000] =	vst v63  }
0x15e: {  	_ =	swait.ge [sflag:s15], $0x3200  }
0x15f: {  	[sflag:s15] =	ssyncset.done $0x0  }
0x160: {  	s17 =	rddreg [dreg:$0xb];
	[sflag:s15] =	ssyncadd.s32 $0xFFFFCE00  }
0x161: {  	[spmem:s2] =	stream.indirect.scatter.add.f32 [tilespmem:s13], [sflag:$0x4], $0x80, s17, s10, $0xb8;
	[tilespmem:$0x1E000] =	vst v63  }
0x162: {  	_ =	swait.ge [sflag:s18], $0x3200  }
0x163: {  	[sflag:s18] =	ssyncset.done $0x0  }
0x164: {  	s3 =	rddreg [dreg:$0xc];
	[sflag:s18] =	ssyncadd.s32 $0xFFFFCE00  }
0x165: {  	[tilespmem:s11], [sflag:$0x1] =	stream.indirect.gather [hbm4b:s16+s10], $0x80, s3, s10, $0xb8;
	[tilespmem:$0x1E000] =	vst v63  }
0x166: {  	_ =	swait.ge [sflag:s19], $0x3200  }
0x167: {  	[sflag:s19] =	ssyncset.done $0x0  }
0x168: {  	s6 =	rddreg [dreg:$0xd];
	[sflag:s19] =	ssyncadd.s32 $0xFFFFCE00  }
0x169: {  	[tilespmem:s13], [sflag:$0x2] =	stream.indirect.gather [hbm4b:s16+s10], $0x80, s6, s10, $0xb8;
	[tilespmem:$0x1E000] =	vst v63  }
0x16a: {  	_ =	swait.ge [sflag:s14], $0x3200  }
0x16b: {  	[sflag:s14] =	ssyncset.done $0x0  }
0x16c: {  	s7 =	rddreg [dreg:$0xe];
	[sflag:s14] =	ssyncadd.s32 $0xFFFFCE00  }
0x16d: {  	[spmem:s2] =	stream.indirect.scatter.add.f32 [tilespmem:s11], [sflag:$0x3], $0x80, s7, s10, $0xb8;
	[tilespmem:$0x1E000] =	vst v63  }
0x16e: {  	_ =	swait.ge [sflag:s15], $0x3200  }
0x16f: {  	[sflag:s15] =	ssyncset.done $0x0  }
0x170: {  	s17 =	rddreg [dreg:$0xf];
	[sflag:s15] =	ssyncadd.s32 $0xFFFFCE00  }
0x171: {  	[spmem:s2] =	stream.indirect.scatter.add.f32 [tilespmem:s13], [sflag:$0x4], $0x80, s17, s10, $0xb8;
	[tilespmem:$0x1E000] =	vst v63  }
0x172: {  	_ =	swait.ge [sflag:s18], $0x3200  }
0x173: {  	[sflag:s18] =	ssyncset.done $0x0  }
0x174: {  	s3 =	rddreg [dreg:$0x10];
	[sflag:s18] =	ssyncadd.s32 $0xFFFFCE00  }
0x175: {  	[tilespmem:s11], [sflag:$0x1] =	stream.indirect.gather [hbm4b:s16+s10], $0x80, s3, s10, $0xb8;
	[tilespmem:$0x1E000] =	vst v63  }
0x176: {  	_ =	swait.ge [sflag:s19], $0x3200  }
0x177: {  	[sflag:s19] =	ssyncset.done $0x0  }
0x178: {  	s6 =	rddreg [dreg:$0x11];
	[sflag:s19] =	ssyncadd.s32 $0xFFFFCE00  }
0x179: {  	[tilespmem:s13], [sflag:$0x2] =	stream.indirect.gather [hbm4b:s16+s10], $0x80, s6, s10, $0xb8;
	[tilespmem:$0x1E000] =	vst v63  }
0x17a: {  	_ =	swait.ge [sflag:s14], $0x3200  }
0x17b: {  	[sflag:s14] =	ssyncset.done $0x0  }
0x17c: {  	s7 =	rddreg [dreg:$0x12];
	[sflag:s14] =	ssyncadd.s32 $0xFFFFCE00  }
0x17d: {  	[spmem:s2] =	stream.indirect.scatter.add.f32 [tilespmem:s11], [sflag:$0x3], $0x80, s7, s10, $0xb8;
	[tilespmem:$0x1E000] =	vst v63  }
0x17e: {  	_ =	swait.ge [sflag:s15], $0x3200  }
0x17f: {  	[sflag:s15] =	ssyncset.done $0x0  }
0x180: {  	s17 =	rddreg [dreg:$0x13];
	[sflag:s15] =	ssyncadd.s32 $0xFFFFCE00  }
0x181: {  	[spmem:s2] =	stream.indirect.scatter.add.f32 [tilespmem:s13], [sflag:$0x4], $0x80, s17, s10, $0xb8;
	[tilespmem:$0x1E000] =	vst v63  }
0x182: {  	_ =	swait.ge [sflag:s18], $0x3200  }
0x183: {  	[sflag:s18] =	ssyncset.done $0x0  }
0x184: {  	s3 =	rddreg [dreg:$0x14];
	[sflag:s18] =	ssyncadd.s32 $0xFFFFCE00  }
0x185: {  	[tilespmem:s11], [sflag:$0x1] =	stream.indirect.gather [hbm4b:s16+s10], $0x80, s3, s10, $0xb8;
	[tilespmem:$0x1E000] =	vst v63  }
0x186: {  	_ =	swait.ge [sflag:s19], $0x3200  }
0x187: {  	[sflag:s19] =	ssyncset.done $0x0  }
0x188: {  	s6 =	rddreg [dreg:$0x15];
	[sflag:s19] =	ssyncadd.s32 $0xFFFFCE00  }
0x189: {  	[tilespmem:s13], [sflag:$0x2] =	stream.indirect.gather [hbm4b:s16+s10], $0x80, s6, s10, $0xb8;
	[tilespmem:$0x1E000] =	vst v63  }
0x18a: {  	_ =	swait.ge [sflag:s14], $0x3200  }
0x18b: {  	[sflag:s14] =	ssyncset.done $0x0  }
0x18c: {  	s7 =	rddreg [dreg:$0x16];
	[sflag:s14] =	ssyncadd.s32 $0xFFFFCE00  }
0x18d: {  	[spmem:s2] =	stream.indirect.scatter.add.f32 [tilespmem:s11], [sflag:$0x3], $0x80, s7, s10, $0xb8;
	[tilespmem:$0x1E000] =	vst v63  }
0x18e: {  	_ =	swait.ge [sflag:s15], $0x3200  }
0x18f: {  	[sflag:s15] =	ssyncset.done $0x0  }
0x190: {  	s17 =	rddreg [dreg:$0x17];
	[sflag:s15] =	ssyncadd.s32 $0xFFFFCE00  }
0x191: {  	[spmem:s2] =	stream.indirect.scatter.add.f32 [tilespmem:s13], [sflag:$0x4], $0x80, s17, s10, $0xb8;
	[tilespmem:$0x1E000] =	vst v63  }
0x192: {  	_ =	swait.ge [sflag:s18], $0x3200  }
0x193: {  	[sflag:s18] =	ssyncset.done $0x0  }
0x194: {  	s3 =	rddreg [dreg:$0x18];
	[sflag:s18] =	ssyncadd.s32 $0xFFFFCE00  }
0x195: {  	[tilespmem:s11], [sflag:$0x1] =	stream.indirect.gather [hbm4b:s16+s10], $0x80, s3, s10, $0xb8;
	[tilespmem:$0x1E000] =	vst v63  }
0x196: {  	_ =	swait.ge [sflag:s19], $0x3200  }
0x197: {  	[sflag:s19] =	ssyncset.done $0x0  }
0x198: {  	s6 =	rddreg [dreg:$0x19];
	[sflag:s19] =	ssyncadd.s32 $0xFFFFCE00  }
0x199: {  	[tilespmem:s13], [sflag:$0x2] =	stream.indirect.gather [hbm4b:s16+s10], $0x80, s6, s10, $0xb8;
	[tilespmem:$0x1E000] =	vst v63  }
0x19a: {  	_ =	swait.ge [sflag:s14], $0x3200  }
0x19b: {  	[sflag:s14] =	ssyncset.done $0x0  }
0x19c: {  	s7 =	rddreg [dreg:$0x1a];
	[sflag:s14] =	ssyncadd.s32 $0xFFFFCE00  }
0x19d: {  	[spmem:s2] =	stream.indirect.scatter.add.f32 [tilespmem:s11], [sflag:$0x3], $0x80, s7, s10, $0xb8;
	[tilespmem:$0x1E000] =	vst v63  }
0x19e: {  	_ =	swait.ge [sflag:s15], $0x3200  }
0x19f: {  	[sflag:s15] =	ssyncset.done $0x0  }
0x1a0: {  	s17 =	rddreg [dreg:$0x1b];
	[sflag:s15] =	ssyncadd.s32 $0xFFFFCE00  }
0x1a1: {  	[spmem:s2] =	stream.indirect.scatter.add.f32 [tilespmem:s13], [sflag:$0x4], $0x80, s17, s10, $0xb8;
	[tilespmem:$0x1E000] =	vst v63  }
0x1a2: {  	_ =	swait.ge [sflag:s18], $0x3200  }
0x1a3: {  	[sflag:s18] =	ssyncset.done $0x0  }
0x1a4: {  	s3 =	rddreg [dreg:$0x1c];
	[sflag:s18] =	ssyncadd.s32 $0xFFFFCE00  }
0x1a5: {  	[tilespmem:s11], [sflag:$0x1] =	stream.indirect.gather [hbm4b:s16+s10], $0x80, s3, s10, $0xb8;
	[tilespmem:$0x1E000] =	vst v63  }
0x1a6: {  	_ =	swait.ge [sflag:s19], $0x3200  }
0x1a7: {  	[sflag:s19] =	ssyncset.done $0x0  }
0x1a8: {  	s6 =	rddreg [dreg:$0x1d];
	[sflag:s19] =	ssyncadd.s32 $0xFFFFCE00  }
0x1a9: {  	[tilespmem:s13], [sflag:$0x2] =	stream.indirect.gather [hbm4b:s16+s10], $0x80, s6, s10, $0xb8;
	[tilespmem:$0x1E000] =	vst v63  }
0x1aa: {  	_ =	swait.ge [sflag:s14], $0x3200  }
0x1ab: {  	[sflag:s14] =	ssyncset.done $0x0  }
0x1ac: {  	s7 =	rddreg [dreg:$0x1e];
	[sflag:s14] =	ssyncadd.s32 $0xFFFFCE00  }
0x1ad: {  	[spmem:s2] =	stream.indirect.scatter.add.f32 [tilespmem:s11], [sflag:$0x3], $0x80, s7, s10, $0xb8;
	[tilespmem:$0x1E000] =	vst v63  }
0x1ae: {  	_ =	swait.ge [sflag:s15], $0x3200  }
0x1af: {  	[sflag:s15] =	ssyncset.done $0x0  }
0x1b0: {  	s17 =	rddreg [dreg:$0x1f];
	[sflag:s15] =	ssyncadd.s32 $0xFFFFCE00  }
0x1b1: {  	[spmem:s2] =	stream.indirect.scatter.add.f32 [tilespmem:s13], [sflag:$0x4], $0x80, s17, s10, $0xb8;
	[tilespmem:$0x1E000] =	vst v63  }
0x1b2: {  	_ =	swait.ge [sflag:s18], $0x3200  }
0x1b3: {  	[sflag:s18] =	ssyncset.done $0x0  }
0x1b4: {  	[sflag:s18] =	ssyncadd.s32 $0xFFFFCE00  }
0x1b5: {  	[tilespmem:s11], [sflag:$0x1] =	stream.indirect.gather [hbm4b:s16+s10], $0x80, s20, s10, $0xb8;
	[tilespmem:$0x1E000] =	vst v63  }
0x1b6: {  	_ =	swait.ge [sflag:s19], $0x3200  }
0x1b7: {  	[sflag:s19] =	ssyncset.done $0x0  }
0x1b8: {  	[sflag:s19] =	ssyncadd.s32 $0xFFFFCE00  }
0x1b9: {  	[tilespmem:s13], [sflag:$0x2] =	stream.indirect.gather [hbm4b:s16+s10], $0x80, s21, s10, $0xb8;
	[tilespmem:$0x1E000] =	vst v63  }
0x1ba: {  	_ =	swait.ge [sflag:s14], $0x3200  }
0x1bb: {  	[sflag:s14] =	ssyncset.done $0x0  }
0x1bc: {  	[sflag:s14] =	ssyncadd.s32 $0xFFFFCE00  }
0x1bd: {  	[spmem:s2] =	stream.indirect.scatter.add.f32 [tilespmem:s11], [sflag:$0x3], $0x80, s22, s10, $0xb8;
	[tilespmem:$0x1E000] =	vst v63  }
0x1be: {  	_ =	swait.ge [sflag:s15], $0x3200  }
0x1bf: {  	[sflag:s15] =	ssyncset.done $0x0  }
0x1c0: {  	[sflag:s15] =	ssyncadd.s32 $0xFFFFCE00  }
0x1c1: {  	[spmem:s2] =	stream.indirect.scatter.add.f32 [tilespmem:s13], [sflag:$0x4], $0x80, s23, s10, $0xb8;
	[tilespmem:$0x1E000] =	vst v63  }
0x1c2: {  	_ =	swait.ge [sflag:s18], $0x3200  }
0x1c3: {  	[sflag:s18] =	ssyncset.done $0x0  }
0x1c4: {  	[sflag:s18] =	ssyncadd.s32 $0xFFFFCE00  }
0x1c5: {  	[tilespmem:s11], [sflag:$0x1] =	stream.indirect.gather [hbm4b:s16+s10], $0x80, s24, s10, $0xb8;
	[tilespmem:$0x1E000] =	vst v63  }
0x1c6: {  	_ =	swait.ge [sflag:s19], $0x3200  }
0x1c7: {  	[sflag:s19] =	ssyncset.done $0x0  }
0x1c8: {  	[sflag:s19] =	ssyncadd.s32 $0xFFFFCE00  }
0x1c9: {  	[tilespmem:s13], [sflag:$0x2] =	stream.indirect.gather [hbm4b:s16+s10], $0x80, s25, s10, $0xb8;
	[tilespmem:$0x1E000] =	vst v63  }
0x1ca: {  	_ =	swait.ge [sflag:s14], $0x3200  }
0x1cb: {  	[sflag:s14] =	ssyncset.done $0x0  }
0x1cc: {  	[sflag:s14] =	ssyncadd.s32 $0xFFFFCE00  }
0x1cd: {  	[spmem:s2] =	stream.indirect.scatter.add.f32 [tilespmem:s11], [sflag:$0x3], $0x80, s26, s10, $0xb8;
	[tilespmem:$0x1E000] =	vst v63  }
0x1ce: {  	_ =	swait.ge [sflag:s15], $0x3200  }
0x1cf: {  	[sflag:s15] =	ssyncset.done $0x0  }
0x1d0: {  	[sflag:s15] =	ssyncadd.s32 $0xFFFFCE00  }
0x1d1: {  	[spmem:s2] =	stream.indirect.scatter.add.f32 [tilespmem:s13], [sflag:$0x4], $0x80, s28, s10, $0xb8;
	[tilespmem:$0x1E000] =	vst v63  }
0x1d2: {  	_ =	swait.ge [sflag:s18], $0x3200  }
0x1d3: {  	[sflag:s18] =	ssyncset.done $0x0  }
0x1d4: {  	[sflag:s18] =	ssyncadd.s32 $0xFFFFCE00  }
0x1d5: {  	[tilespmem:s11], [sflag:$0x1] =	stream.indirect.gather [hbm4b:s16+s10], $0x80, s29, s10, $0xb8;
	[tilespmem:$0x1E000] =	vst v63  }
0x1d6: {  	_ =	swait.ge [sflag:s19], $0x3200  }
0x1d7: {  	[sflag:s19] =	ssyncset.done $0x0  }
0x1d8: {  	[sflag:s19] =	ssyncadd.s32 $0xFFFFCE00  }
0x1d9: {  	[tilespmem:s13], [sflag:$0x2] =	stream.indirect.gather [hbm4b:s16+s10], $0x80, s30, s10, $0xb8;
	[tilespmem:$0x1E000] =	vst v63  }
0x1da: {  	_ =	swait.ge [sflag:s14], $0x3200  }
0x1db: {  	[sflag:s14] =	ssyncset.done $0x0  }
0x1dc: {  	s5 =	sadd.s32 $0x180, s5;
	[sflag:s14] =	ssyncadd.s32 $0xFFFFCE00  }
0x1dd: {  	[spmem:s2] =	stream.indirect.scatter.add.f32 [tilespmem:s11], [sflag:$0x3], $0x80, s31, s10, $0xb8;
	[tilespmem:$0x1E000] =	vst v63  }
0x1de: {  	p0 =	sne.s32 s5, $0x780;
	_ =	swait.ge [sflag:s15], $0x3200  }
.Ltmp1:
0x1df: {  	[sflag:s15] =	ssyncset.done $0x0;
	(pc) =	sbr.rel @p0 .LBB2_4-.Ltmp1, $4  }
0x1e0: {  	[sflag:s15] =	ssyncadd.s32 $0xFFFFCE00  }
0x1e1: {  	[spmem:s2] =	stream.indirect.scatter.add.f32 [tilespmem:s13], [sflag:$0x4], $0x80, s1, s10, $0xb8;
	[tilespmem:$0x1E000] =	vst v63  }
0x1e2: {  	_ =	swait.ge [sflag:s18], $0x3200  }
0x1e3: {  	p1 =	seq.s32 s4, $0x0;
	[sflag:s18] =	ssyncset.done $0x0  }
0x1e4: {  	s0 =	simm.s32 @!p1 $0x4;
	[sflag:s18] =	ssyncadd.s32 $0xFFFFCE00  }
0x1e5: {  	_ =	swait.ge @!p1 [sflag:s0], $0x3200  }
0x1e6: {  	s5 =	simm.s32 @!p1 $0x5;
	s3 =	rddreg [dreg:$0x5];
	[sflag:s0] =	ssyncset.done @!p1 $0x0  }
0x1e7: {  	[sflag:s0] =	ssyncadd.s32 @!p1 $0xFFFFCE00;
	s0 =	sadd.s32 @!p1 s4, s3;
	s3 =	simm.s32 @!p1 $0x0  }
0x1e8: {  	[tilespmem:s3], [sflag:$0x5] =	stream.linear.gather @!p1 [hbm4b:s0+s3], $0xA00, $0x38;
	[tilespmem:$0x1E000] =	vst v63  }
0x1e9: {  	_ =	swait.ge @!p1 [sflag:s5], $0xA00  }
0x1ea: {  	s0 =	rddreg [dreg:$0x4];
	[sflag:s5] =	ssyncset.done @!p1 $0x0  }
0x1eb: {  	[sflag:s5] =	ssyncadd.s32 @!p1 $0xFFFFF600;
	s0 =	sadd.s32 @!p1 s4, s0;
	s4 =	simm.s32 @!p1 $0xC00  }
0x1ec: {  	[tilespmem:s4], [sflag:$0x5] =	stream.linear.gather @!p1 [hbm4b:s0+s3], $0xA00, $0x38;
	[tilespmem:$0x1E000] =	vst v63  }
0x1ed: {  	_ =	swait.ge @!p1 [sflag:s5], $0xA00  }
0x1ee: {  	[sflag:s5] =	ssyncset.done @!p1 $0x0  }
0x1ef: {  	s0 =	simm.s32 @!p1 $0x1800;
	s4 =	simm.s32 @!p1 $0x64;
	[sflag:s5] =	ssyncadd.s32 @!p1 $0xFFFFF600  }
0x1f0: {  	[tilespmem:s0], [sflag:$0x1] =	stream.indirect.gather @!p1 [hbm4b:s16+s4], $0x80, s3, s4, $0xb8;
	[tilespmem:$0x1E000] =	vst v63  }
0x1f1: {  	s17 =	rddreg [dreg:$0x6]  }
0x1f2: {  	[tilespmem:s13], [sflag:$0x2] =	stream.indirect.gather [hbm4b:s16+s10], $0x80, s17, s10, $0xb8;
	[tilespmem:$0x1E000] =	vst v63  }
0x1f3: {  	_ =	swait.ge [sflag:s14], $0x3200  }
0x1f4: {  	[sflag:s14] =	ssyncset.done $0x0  }
0x1f5: {  	[sflag:s14] =	ssyncadd.s32 $0xFFFFCE00  }
0x1f6: {  	[spmem:s2] =	stream.indirect.scatter.add.f32 [tilespmem:s11], [sflag:$0x3], $0x80, s9, s10, $0xb8;
	[tilespmem:$0x1E000] =	vst v63  }
0x1f7: {  	_ =	swait.ge [sflag:s15], $0x3200  }
0x1f8: {  	[sflag:s15] =	ssyncset.done $0x0  }
0x1f9: {  	s6 =	rddreg [dreg:$0x7];
	[sflag:s15] =	ssyncadd.s32 $0xFFFFCE00  }
0x1fa: {  	[spmem:s2] =	stream.indirect.scatter.add.f32 [tilespmem:s13], [sflag:$0x4], $0x80, s6, s10, $0xb8;
	[tilespmem:$0x1E000] =	vst v63  }
0x1fb: {  	_ =	swait.ge [sflag:s18], $0x3200  }
0x1fc: {  	[sflag:s18] =	ssyncset.done $0x0  }
0x1fd: {  	s7 =	rddreg [dreg:$0x8];
	[sflag:s18] =	ssyncadd.s32 $0xFFFFCE00  }
0x1fe: {  	[tilespmem:s11], [sflag:$0x1] =	stream.indirect.gather [hbm4b:s16+s10], $0x80, s7, s10, $0xb8;
	[tilespmem:$0x1E000] =	vst v63  }
0x1ff: {  	_ =	swait.ge [sflag:s19], $0x3200  }
0x200: {  	[sflag:s19] =	ssyncset.done $0x0  }
0x201: {  	s17 =	rddreg [dreg:$0x9];
	[sflag:s19] =	ssyncadd.s32 $0xFFFFCE00  }
0x202: {  	[tilespmem:s13], [sflag:$0x2] =	stream.indirect.gather [hbm4b:s16+s10], $0x80, s17, s10, $0xb8;
	[tilespmem:$0x1E000] =	vst v63  }
0x203: {  	_ =	swait.ge [sflag:s14], $0x3200  }
0x204: {  	[sflag:s14] =	ssyncset.done $0x0  }
0x205: {  	s3 =	rddreg [dreg:$0xa];
	[sflag:s14] =	ssyncadd.s32 $0xFFFFCE00  }
0x206: {  	[spmem:s2] =	stream.indirect.scatter.add.f32 [tilespmem:s11], [sflag:$0x3], $0x80, s3, s10, $0xb8;
	[tilespmem:$0x1E000] =	vst v63  }
0x207: {  	_ =	swait.ge [sflag:s15], $0x3200  }
0x208: {  	[sflag:s15] =	ssyncset.done $0x0  }
0x209: {  	s4 =	rddreg [dreg:$0xb];
	[sflag:s15] =	ssyncadd.s32 $0xFFFFCE00  }
0x20a: {  	[spmem:s2] =	stream.indirect.scatter.add.f32 [tilespmem:s13], [sflag:$0x4], $0x80, s4, s10, $0xb8;
	[tilespmem:$0x1E000] =	vst v63  }
0x20b: {  	_ =	swait.ge [sflag:s18], $0x3200  }
0x20c: {  	[sflag:s18] =	ssyncset.done $0x0  }
0x20d: {  	s5 =	rddreg [dreg:$0xc];
	[sflag:s18] =	ssyncadd.s32 $0xFFFFCE00  }
0x20e: {  	[tilespmem:s11], [sflag:$0x1] =	stream.indirect.gather [hbm4b:s16+s10], $0x80, s5, s10, $0xb8;
	[tilespmem:$0x1E000] =	vst v63  }
0x20f: {  	_ =	swait.ge [sflag:s19], $0x3200  }
0x210: {  	[sflag:s19] =	ssyncset.done $0x0  }
0x211: {  	s6 =	rddreg [dreg:$0xd];
	[sflag:s19] =	ssyncadd.s32 $0xFFFFCE00  }
0x212: {  	[tilespmem:s13], [sflag:$0x2] =	stream.indirect.gather [hbm4b:s16+s10], $0x80, s6, s10, $0xb8;
	[tilespmem:$0x1E000] =	vst v63  }
0x213: {  	_ =	swait.ge [sflag:s14], $0x3200  }
0x214: {  	[sflag:s14] =	ssyncset.done $0x0  }
0x215: {  	s7 =	rddreg [dreg:$0xe];
	[sflag:s14] =	ssyncadd.s32 $0xFFFFCE00  }
0x216: {  	[spmem:s2] =	stream.indirect.scatter.add.f32 [tilespmem:s11], [sflag:$0x3], $0x80, s7, s10, $0xb8;
	[tilespmem:$0x1E000] =	vst v63  }
0x217: {  	_ =	swait.ge [sflag:s15], $0x3200  }
0x218: {  	[sflag:s15] =	ssyncset.done $0x0  }
0x219: {  	s17 =	rddreg [dreg:$0xf];
	[sflag:s15] =	ssyncadd.s32 $0xFFFFCE00  }
0x21a: {  	[spmem:s2] =	stream.indirect.scatter.add.f32 [tilespmem:s13], [sflag:$0x4], $0x80, s17, s10, $0xb8;
	[tilespmem:$0x1E000] =	vst v63  }
0x21b: {  	_ =	swait.ge [sflag:s18], $0x3200  }
0x21c: {  	[sflag:s18] =	ssyncset.done $0x0  }
0x21d: {  	s3 =	rddreg [dreg:$0x10];
	[sflag:s18] =	ssyncadd.s32 $0xFFFFCE00  }
0x21e: {  	[tilespmem:s11], [sflag:$0x1] =	stream.indirect.gather [hbm4b:s16+s10], $0x80, s3, s10, $0xb8;
	[tilespmem:$0x1E000] =	vst v63  }
0x21f: {  	_ =	swait.ge [sflag:s19], $0x3200  }
0x220: {  	[sflag:s19] =	ssyncset.done $0x0  }
0x221: {  	s4 =	rddreg [dreg:$0x11];
	[sflag:s19] =	ssyncadd.s32 $0xFFFFCE00  }
0x222: {  	[tilespmem:s13], [sflag:$0x2] =	stream.indirect.gather [hbm4b:s16+s10], $0x80, s4, s10, $0xb8;
	[tilespmem:$0x1E000] =	vst v63  }
0x223: {  	_ =	swait.ge [sflag:s14], $0x3200  }
0x224: {  	[sflag:s14] =	ssyncset.done $0x0  }
0x225: {  	s5 =	rddreg [dreg:$0x12];
	[sflag:s14] =	ssyncadd.s32 $0xFFFFCE00  }
0x226: {  	[spmem:s2] =	stream.indirect.scatter.add.f32 [tilespmem:s11], [sflag:$0x3], $0x80, s5, s10, $0xb8;
	[tilespmem:$0x1E000] =	vst v63  }
0x227: {  	_ =	swait.ge [sflag:s15], $0x3200  }
0x228: {  	[sflag:s15] =	ssyncset.done $0x0  }
0x229: {  	s6 =	rddreg [dreg:$0x13];
	[sflag:s15] =	ssyncadd.s32 $0xFFFFCE00  }
0x22a: {  	[spmem:s2] =	stream.indirect.scatter.add.f32 [tilespmem:s13], [sflag:$0x4], $0x80, s6, s10, $0xb8;
	[tilespmem:$0x1E000] =	vst v63  }
0x22b: {  	_ =	swait.ge [sflag:s18], $0x3200  }
0x22c: {  	[sflag:s18] =	ssyncset.done $0x0  }
0x22d: {  	s7 =	rddreg [dreg:$0x14];
	[sflag:s18] =	ssyncadd.s32 $0xFFFFCE00  }
0x22e: {  	[tilespmem:s11], [sflag:$0x1] =	stream.indirect.gather [hbm4b:s16+s10], $0x80, s7, s10, $0xb8;
	[tilespmem:$0x1E000] =	vst v63  }
0x22f: {  	_ =	swait.ge [sflag:s19], $0x3200  }
0x230: {  	[sflag:s19] =	ssyncset.done $0x0  }
0x231: {  	s17 =	rddreg [dreg:$0x15];
	[sflag:s19] =	ssyncadd.s32 $0xFFFFCE00  }
0x232: {  	[tilespmem:s13], [sflag:$0x2] =	stream.indirect.gather [hbm4b:s16+s10], $0x80, s17, s10, $0xb8;
	[tilespmem:$0x1E000] =	vst v63  }
0x233: {  	_ =	swait.ge [sflag:s14], $0x3200  }
0x234: {  	[sflag:s14] =	ssyncset.done $0x0  }
0x235: {  	s3 =	rddreg [dreg:$0x16];
	[sflag:s14] =	ssyncadd.s32 $0xFFFFCE00  }
0x236: {  	[spmem:s2] =	stream.indirect.scatter.add.f32 [tilespmem:s11], [sflag:$0x3], $0x80, s3, s10, $0xb8;
	[tilespmem:$0x1E000] =	vst v63  }
0x237: {  	_ =	swait.ge [sflag:s15], $0x3200  }
0x238: {  	[sflag:s15] =	ssyncset.done $0x0  }
0x239: {  	s4 =	rddreg [dreg:$0x17];
	[sflag:s15] =	ssyncadd.s32 $0xFFFFCE00  }
0x23a: {  	[spmem:s2] =	stream.indirect.scatter.add.f32 [tilespmem:s13], [sflag:$0x4], $0x80, s4, s10, $0xb8;
	[tilespmem:$0x1E000] =	vst v63  }
0x23b: {  	_ =	swait.ge [sflag:s18], $0x3200  }
0x23c: {  	[sflag:s18] =	ssyncset.done $0x0  }
0x23d: {  	s5 =	rddreg [dreg:$0x18];
	[sflag:s18] =	ssyncadd.s32 $0xFFFFCE00  }
0x23e: {  	[tilespmem:s11], [sflag:$0x1] =	stream.indirect.gather [hbm4b:s16+s10], $0x80, s5, s10, $0xb8;
	[tilespmem:$0x1E000] =	vst v63  }
0x23f: {  	_ =	swait.ge [sflag:s19], $0x3200  }
0x240: {  	[sflag:s19] =	ssyncset.done $0x0  }
0x241: {  	s6 =	rddreg [dreg:$0x19];
	[sflag:s19] =	ssyncadd.s32 $0xFFFFCE00  }
0x242: {  	[tilespmem:s13], [sflag:$0x2] =	stream.indirect.gather [hbm4b:s16+s10], $0x80, s6, s10, $0xb8;
	[tilespmem:$0x1E000] =	vst v63  }
0x243: {  	_ =	swait.ge [sflag:s14], $0x3200  }
0x244: {  	[sflag:s14] =	ssyncset.done $0x0  }
0x245: {  	s7 =	rddreg [dreg:$0x1a];
	[sflag:s14] =	ssyncadd.s32 $0xFFFFCE00  }
0x246: {  	[spmem:s2] =	stream.indirect.scatter.add.f32 [tilespmem:s11], [sflag:$0x3], $0x80, s7, s10, $0xb8;
	[tilespmem:$0x1E000] =	vst v63  }
0x247: {  	_ =	swait.ge [sflag:s15], $0x3200  }
0x248: {  	[sflag:s15] =	ssyncset.done $0x0  }
0x249: {  	s17 =	rddreg [dreg:$0x1b];
	[sflag:s15] =	ssyncadd.s32 $0xFFFFCE00  }
0x24a: {  	[spmem:s2] =	stream.indirect.scatter.add.f32 [tilespmem:s13], [sflag:$0x4], $0x80, s17, s10, $0xb8;
	[tilespmem:$0x1E000] =	vst v63  }
0x24b: {  	_ =	swait.ge [sflag:s18], $0x3200  }
0x24c: {  	[sflag:s18] =	ssyncset.done $0x0  }
0x24d: {  	s3 =	rddreg [dreg:$0x1c];
	[sflag:s18] =	ssyncadd.s32 $0xFFFFCE00  }
0x24e: {  	[tilespmem:s11], [sflag:$0x1] =	stream.indirect.gather [hbm4b:s16+s10], $0x80, s3, s10, $0xb8;
	[tilespmem:$0x1E000] =	vst v63  }
0x24f: {  	_ =	swait.ge [sflag:s19], $0x3200  }
0x250: {  	[sflag:s19] =	ssyncset.done $0x0  }
0x251: {  	s4 =	rddreg [dreg:$0x1d];
	[sflag:s19] =	ssyncadd.s32 $0xFFFFCE00  }
0x252: {  	[tilespmem:s13], [sflag:$0x2] =	stream.indirect.gather [hbm4b:s16+s10], $0x80, s4, s10, $0xb8;
	[tilespmem:$0x1E000] =	vst v63  }
0x253: {  	_ =	swait.ge [sflag:s14], $0x3200  }
0x254: {  	[sflag:s14] =	ssyncset.done $0x0  }
0x255: {  	s5 =	rddreg [dreg:$0x1e];
	[sflag:s14] =	ssyncadd.s32 $0xFFFFCE00  }
0x256: {  	[spmem:s2] =	stream.indirect.scatter.add.f32 [tilespmem:s11], [sflag:$0x3], $0x80, s5, s10, $0xb8;
	[tilespmem:$0x1E000] =	vst v63  }
0x257: {  	_ =	swait.ge [sflag:s15], $0x3200  }
0x258: {  	[sflag:s15] =	ssyncset.done $0x0  }
0x259: {  	s6 =	rddreg [dreg:$0x1f];
	[sflag:s15] =	ssyncadd.s32 $0xFFFFCE00  }
0x25a: {  	[spmem:s2] =	stream.indirect.scatter.add.f32 [tilespmem:s13], [sflag:$0x4], $0x80, s6, s10, $0xb8;
	[tilespmem:$0x1E000] =	vst v63  }
0x25b: {  	_ =	swait.ge [sflag:s18], $0x3200  }
0x25c: {  	[sflag:s18] =	ssyncset.done $0x0  }
0x25d: {  	[sflag:s18] =	ssyncadd.s32 $0xFFFFCE00  }
0x25e: {  	[tilespmem:s11], [sflag:$0x1] =	stream.indirect.gather [hbm4b:s16+s10], $0x80, s20, s10, $0xb8;
	[tilespmem:$0x1E000] =	vst v63  }
0x25f: {  	_ =	swait.ge [sflag:s19], $0x3200  }
0x260: {  	[sflag:s19] =	ssyncset.done $0x0  }
0x261: {  	[sflag:s19] =	ssyncadd.s32 $0xFFFFCE00  }
0x262: {  	[tilespmem:s13], [sflag:$0x2] =	stream.indirect.gather [hbm4b:s16+s10], $0x80, s21, s10, $0xb8;
	[tilespmem:$0x1E000] =	vst v63  }
0x263: {  	_ =	swait.ge [sflag:s14], $0x3200  }
0x264: {  	[sflag:s14] =	ssyncset.done $0x0  }
0x265: {  	[sflag:s14] =	ssyncadd.s32 $0xFFFFCE00  }
0x266: {  	[spmem:s2] =	stream.indirect.scatter.add.f32 [tilespmem:s11], [sflag:$0x3], $0x80, s22, s10, $0xb8;
	[tilespmem:$0x1E000] =	vst v63  }
0x267: {  	_ =	swait.ge [sflag:s15], $0x3200  }
0x268: {  	[sflag:s15] =	ssyncset.done $0x0  }
0x269: {  	[sflag:s15] =	ssyncadd.s32 $0xFFFFCE00  }
0x26a: {  	[spmem:s2] =	stream.indirect.scatter.add.f32 [tilespmem:s13], [sflag:$0x4], $0x80, s23, s10, $0xb8;
	[tilespmem:$0x1E000] =	vst v63  }
0x26b: {  	_ =	swait.ge [sflag:s18], $0x3200  }
0x26c: {  	[sflag:s18] =	ssyncset.done $0x0  }
0x26d: {  	[sflag:s18] =	ssyncadd.s32 $0xFFFFCE00  }
0x26e: {  	[tilespmem:s11], [sflag:$0x1] =	stream.indirect.gather [hbm4b:s16+s10], $0x80, s24, s10, $0xb8;
	[tilespmem:$0x1E000] =	vst v63  }
0x26f: {  	_ =	swait.ge [sflag:s19], $0x3200  }
0x270: {  	[sflag:s19] =	ssyncset.done $0x0  }
0x271: {  	[sflag:s19] =	ssyncadd.s32 $0xFFFFCE00  }
0x272: {  	[tilespmem:s13], [sflag:$0x2] =	stream.indirect.gather [hbm4b:s16+s10], $0x80, s25, s10, $0xb8;
	[tilespmem:$0x1E000] =	vst v63  }
0x273: {  	_ =	swait.ge [sflag:s14], $0x3200  }
0x274: {  	[sflag:s14] =	ssyncset.done $0x0  }
0x275: {  	[sflag:s14] =	ssyncadd.s32 $0xFFFFCE00  }
0x276: {  	[spmem:s2] =	stream.indirect.scatter.add.f32 [tilespmem:s11], [sflag:$0x3], $0x80, s26, s10, $0xb8;
	[tilespmem:$0x1E000] =	vst v63  }
0x277: {  	_ =	swait.ge [sflag:s15], $0x3200  }
0x278: {  	[sflag:s15] =	ssyncset.done $0x0  }
0x279: {  	[sflag:s15] =	ssyncadd.s32 $0xFFFFCE00  }
0x27a: {  	[spmem:s2] =	stream.indirect.scatter.add.f32 [tilespmem:s13], [sflag:$0x4], $0x80, s28, s10, $0xb8;
	[tilespmem:$0x1E000] =	vst v63  }
0x27b: {  	_ =	swait.ge [sflag:s18], $0x3200  }
0x27c: {  	[sflag:s18] =	ssyncset.done $0x0  }
0x27d: {  	[sflag:s18] =	ssyncadd.s32 $0xFFFFCE00  }
0x27e: {  	[tilespmem:s11], [sflag:$0x1] =	stream.indirect.gather [hbm4b:s16+s10], $0x80, s29, s10, $0xb8;
	[tilespmem:$0x1E000] =	vst v63  }
0x27f: {  	_ =	swait.ge [sflag:s19], $0x3200  }
0x280: {  	[sflag:s19] =	ssyncset.done $0x0  }
0x281: {  	[sflag:s19] =	ssyncadd.s32 $0xFFFFCE00  }
0x282: {  	[tilespmem:s13], [sflag:$0x2] =	stream.indirect.gather [hbm4b:s16+s10], $0x80, s30, s10, $0xb8;
	[tilespmem:$0x1E000] =	vst v63  }
0x283: {  	_ =	swait.ge [sflag:s14], $0x3200  }
0x284: {  	[sflag:s14] =	ssyncset.done $0x0  }
0x285: {  	[sflag:s14] =	ssyncadd.s32 $0xFFFFCE00  }
0x286: {  	[spmem:s2] =	stream.indirect.scatter.add.f32 [tilespmem:s11], [sflag:$0x3], $0x80, s31, s10, $0xb8;
	[tilespmem:$0x1E000] =	vst v63  }
0x287: {  	_ =	swait.ge [sflag:s15], $0x3200  }
0x288: {  	[sflag:s15] =	ssyncset.done $0x0  }
0x289: {  	[sflag:s15] =	ssyncadd.s32 $0xFFFFCE00  }
0x28a: {  	[spmem:s2] =	stream.indirect.scatter.add.f32 [tilespmem:s13], [sflag:$0x4], $0x80, s1, s10, $0xb8;
	[tilespmem:$0x1E000] =	vst v63  }
0x28b: {  	_ =	swait.ge [sflag:s18], $0x3200  }
0x28c: {  	[sflag:s18] =	ssyncset.done $0x0  }
0x28d: {  	[sflag:s18] =	ssyncadd.s32 $0xFFFFCE00  }
0x28e: {  	_ =	swait.ge [sflag:s19], $0x3200  }
0x28f: {  	[sflag:s19] =	ssyncset.done $0x0  }
0x290: {  	[sflag:s19] =	ssyncadd.s32 $0xFFFFCE00  }
0x291: {  	[bflag:$0x0] =	sbarrier.arrive $0xFFFF  }
0x292: {  	s17 =	sld [smem:$0x7FD];
	_ =	sdelay $0x2  }
0x293: {  	[tilespmem:s12], [sflag:$0x5] =	stream.linear.gather [spmem:s17], $0x2000, $0x38;
	[tilespmem:$0x1E000] =	vst v63  }
0x294: {  	_ =	swait.ge [sflag:s8], $0x2000  }
0x295: {  	s7 =	sld [smem:$0x7E0]  }
0x296: {  	[sflag:s8] =	ssyncset.done $0x0  }
0x297: {  	s3 =	simm.s32 $0x0;
	[sflag:s8] =	ssyncadd.s32 $0xFFFFE000  }
0x298: {  	[hbm4b:s7+s3] =	stream.linear.scatter [tilespmem:s12], [sflag:$0x5], $0x2000, $0x38;
	[tilespmem:$0x1E000] =	vst v63  }
0x299: {  	_ =	swait.ge [sflag:s8], $0x2000  }
0x29a: {  	s4 =	sld [smem:$0x7EB]  }
0x29b: {  	[sflag:s8] =	ssyncset.done $0x0  }
0x29c: {  	[sflag:s8] =	ssyncadd.s32 $0xFFFFE000  }
0x29d: {  	[tilespmem:s12], [sflag:$0x5] =	stream.linear.gather [spmem:s4], $0x2000, $0x38;
	[tilespmem:$0x1E000] =	vst v63  }
0x29e: {  	_ =	swait.ge [sflag:s8], $0x2000  }
0x29f: {  	s5 =	sld [smem:$0x7E1]  }
0x2a0: {  	[sflag:s8] =	ssyncset.done $0x0  }
0x2a1: {  	[sflag:s8] =	ssyncadd.s32 $0xFFFFE000  }
0x2a2: {  	[hbm4b:s5+s3] =	stream.linear.scatter [tilespmem:s12], [sflag:$0x5], $0x2000, $0x38;
	[tilespmem:$0x1E000] =	vst v63  }
0x2a3: {  	_ =	swait.ge [sflag:s8], $0x2000  }
0x2a4: {  	s6 =	sld [smem:$0x7EC]  }
0x2a5: {  	[sflag:s8] =	ssyncset.done $0x0  }
0x2a6: {  	[sflag:s8] =	ssyncadd.s32 $0xFFFFE000  }
0x2a7: {  	[tilespmem:s12], [sflag:$0x5] =	stream.linear.gather [spmem:s6], $0x2000, $0x38;
	[tilespmem:$0x1E000] =	vst v63  }
0x2a8: {  	_ =	swait.ge [sflag:s8], $0x2000  }
0x2a9: {  	s7 =	sld [smem:$0x7E2]  }
0x2aa: {  	[sflag:s8] =	ssyncset.done $0x0  }
0x2ab: {  	[sflag:s8] =	ssyncadd.s32 $0xFFFFE000  }
0x2ac: {  	[hbm4b:s7+s3] =	stream.linear.scatter [tilespmem:s12], [sflag:$0x5], $0x2000, $0x38;
	[tilespmem:$0x1E000] =	vst v63  }
0x2ad: {  	_ =	swait.ge [sflag:s8], $0x2000  }
0x2ae: {  	s4 =	sld [smem:$0x7ED]  }
0x2af: {  	[sflag:s8] =	ssyncset.done $0x0  }
0x2b0: {  	[sflag:s8] =	ssyncadd.s32 $0xFFFFE000  }
0x2b1: {  	[tilespmem:s12], [sflag:$0x5] =	stream.linear.gather [spmem:s4], $0x2000, $0x38;
	[tilespmem:$0x1E000] =	vst v63  }
0x2b2: {  	_ =	swait.ge [sflag:s8], $0x2000  }
0x2b3: {  	s5 =	sld [smem:$0x7E3]  }
0x2b4: {  	[sflag:s8] =	ssyncset.done $0x0  }
0x2b5: {  	[sflag:s8] =	ssyncadd.s32 $0xFFFFE000  }
0x2b6: {  	[hbm4b:s5+s3] =	stream.linear.scatter [tilespmem:s12], [sflag:$0x5], $0x2000, $0x38;
	[tilespmem:$0x1E000] =	vst v63  }
0x2b7: {  	_ =	swait.ge [sflag:s8], $0x2000  }
0x2b8: {  	s6 =	sld [smem:$0x7EE]  }
0x2b9: {  	[sflag:s8] =	ssyncset.done $0x0  }
0x2ba: {  	[sflag:s8] =	ssyncadd.s32 $0xFFFFE000  }
0x2bb: {  	[tilespmem:s12], [sflag:$0x5] =	stream.linear.gather [spmem:s6], $0x2000, $0x38;
	[tilespmem:$0x1E000] =	vst v63  }
0x2bc: {  	_ =	swait.ge [sflag:s8], $0x2000  }
0x2bd: {  	s7 =	sld [smem:$0x7E4]  }
0x2be: {  	[sflag:s8] =	ssyncset.done $0x0  }
0x2bf: {  	[sflag:s8] =	ssyncadd.s32 $0xFFFFE000  }
0x2c0: {  	[hbm4b:s7+s3] =	stream.linear.scatter [tilespmem:s12], [sflag:$0x5], $0x2000, $0x38;
	[tilespmem:$0x1E000] =	vst v63  }
0x2c1: {  	_ =	swait.ge [sflag:s8], $0x2000  }
0x2c2: {  	s4 =	sld [smem:$0x7EF]  }
0x2c3: {  	[sflag:s8] =	ssyncset.done $0x0  }
0x2c4: {  	[sflag:s8] =	ssyncadd.s32 $0xFFFFE000  }
0x2c5: {  	[tilespmem:s12], [sflag:$0x5] =	stream.linear.gather [spmem:s4], $0x2000, $0x38;
	[tilespmem:$0x1E000] =	vst v63  }
0x2c6: {  	_ =	swait.ge [sflag:s8], $0x2000  }
0x2c7: {  	s5 =	sld [smem:$0x7E5]  }
0x2c8: {  	[sflag:s8] =	ssyncset.done $0x0  }
0x2c9: {  	[sflag:s8] =	ssyncadd.s32 $0xFFFFE000  }
0x2ca: {  	[hbm4b:s5+s3] =	stream.linear.scatter [tilespmem:s12], [sflag:$0x5], $0x2000, $0x38;
	[tilespmem:$0x1E000] =	vst v63  }
0x2cb: {  	_ =	swait.ge [sflag:s8], $0x2000  }
0x2cc: {  	s6 =	sld [smem:$0x7F0]  }
0x2cd: {  	[sflag:s8] =	ssyncset.done $0x0  }
0x2ce: {  	[sflag:s8] =	ssyncadd.s32 $0xFFFFE000  }
0x2cf: {  	[tilespmem:s12], [sflag:$0x5] =	stream.linear.gather [spmem:s6], $0x2000, $0x38;
	[tilespmem:$0x1E000] =	vst v63  }
0x2d0: {  	_ =	swait.ge [sflag:s8], $0x2000  }
0x2d1: {  	s7 =	sld [smem:$0x7E6]  }
0x2d2: {  	[sflag:s8] =	ssyncset.done $0x0  }
0x2d3: {  	[sflag:s8] =	ssyncadd.s32 $0xFFFFE000  }
0x2d4: {  	[hbm4b:s7+s3] =	stream.linear.scatter [tilespmem:s12], [sflag:$0x5], $0x2000, $0x38;
	[tilespmem:$0x1E000] =	vst v63  }
0x2d5: {  	_ =	swait.ge [sflag:s8], $0x2000  }
0x2d6: {  	s4 =	sld [smem:$0x7F1]  }
0x2d7: {  	[sflag:s8] =	ssyncset.done $0x0  }
0x2d8: {  	[sflag:s8] =	ssyncadd.s32 $0xFFFFE000  }
0x2d9: {  	[tilespmem:s12], [sflag:$0x5] =	stream.linear.gather [spmem:s4], $0x2000, $0x38;
	[tilespmem:$0x1E000] =	vst v63  }
0x2da: {  	_ =	swait.ge [sflag:s8], $0x2000  }
0x2db: {  	s5 =	sld [smem:$0x7E7]  }
0x2dc: {  	[sflag:s8] =	ssyncset.done $0x0  }
0x2dd: {  	[sflag:s8] =	ssyncadd.s32 $0xFFFFE000  }
0x2de: {  	[hbm4b:s5+s3] =	stream.linear.scatter [tilespmem:s12], [sflag:$0x5], $0x2000, $0x38;
	[tilespmem:$0x1E000] =	vst v63  }
0x2df: {  	_ =	swait.ge [sflag:s8], $0x2000  }
0x2e0: {  	s6 =	sld [smem:$0x7F2]  }
0x2e1: {  	[sflag:s8] =	ssyncset.done $0x0  }
0x2e2: {  	[sflag:s8] =	ssyncadd.s32 $0xFFFFE000  }
0x2e3: {  	[tilespmem:s12], [sflag:$0x5] =	stream.linear.gather [spmem:s6], $0x2000, $0x38;
	[tilespmem:$0x1E000] =	vst v63  }
0x2e4: {  	_ =	swait.ge [sflag:s8], $0x2000  }
0x2e5: {  	s7 =	sld [smem:$0x7E8]  }
0x2e6: {  	[sflag:s8] =	ssyncset.done $0x0  }
0x2e7: {  	[sflag:s8] =	ssyncadd.s32 $0xFFFFE000  }
0x2e8: {  	[hbm4b:s7+s3] =	stream.linear.scatter [tilespmem:s12], [sflag:$0x5], $0x2000, $0x38;
	[tilespmem:$0x1E000] =	vst v63  }
0x2e9: {  	_ =	swait.ge [sflag:s8], $0x2000  }
0x2ea: {  	s4 =	sld [smem:$0x7F3]  }
0x2eb: {  	[sflag:s8] =	ssyncset.done $0x0  }
0x2ec: {  	[sflag:s8] =	ssyncadd.s32 $0xFFFFE000  }
0x2ed: {  	[tilespmem:s12], [sflag:$0x5] =	stream.linear.gather [spmem:s4], $0x2000, $0x38;
	[tilespmem:$0x1E000] =	vst v63  }
0x2ee: {  	_ =	swait.ge [sflag:s8], $0x2000  }
0x2ef: {  	s5 =	sld [smem:$0x7E9]  }
0x2f0: {  	[sflag:s8] =	ssyncset.done $0x0  }
0x2f1: {  	[sflag:s8] =	ssyncadd.s32 $0xFFFFE000  }
0x2f2: {  	[hbm4b:s5+s3] =	stream.linear.scatter [tilespmem:s12], [sflag:$0x5], $0x2000, $0x38;
	[tilespmem:$0x1E000] =	vst v63  }
0x2f3: {  	_ =	swait.ge [sflag:s8], $0x2000  }
0x2f4: {  	s6 =	sld [smem:$0x7DD]  }
0x2f5: {  	s7 =	sld [smem:$0x7EA];
	_ =	sdelay $0x1  }
0x2f6: {  	s4 =	sadd.s32 $0x1, s6  }
0x2f7: {  	p0 =	sne.s32 s4, s7  }
.Ltmp2:
0x2f8: {  	_ = 	snop;
	(pc) =	sbr.rel @p0 .LBB2_1-.Ltmp2, $3  }
0x2f9: {  	_ =	sdelay $0x1  }
0x2fa: {  	[sflag:s8] =	ssyncset.done $0x0  }
0x2fb: {  	[sflag:s8] =	ssyncadd.s32 $0xFFFFE000  }
0x2fc: {  	_ =	sfence.sel $0x180000  }
0x2fd: {  	[bflag:$0x0] =	sbarrier.arrive $0xFFFF  }
0x2fe: {  	_ =	strace $0x9000004A  }
0x2ff: {  	s0 =	stileid.u32;
	[bflag:$0x2] =	sbarrier.arrive $0xFFFF  }
0x300: {  	p0 =	sne.s32 s0, $0x0;
	s0 =	rddreg [dreg:$0x3]  }
0x301: {  	s0 =	sadd.s32 @!p0 $0x100000, s0  }
0x302: {  	[sflag:s0] =	ssyncadd.tile.s32 @!p0 $0x1;
	_ =	shalt  }
.Lfunc_end2:
_tile_overlayer_lowered:
.L_overlay_start_2:
0x303: {  	(tag) =	ssettag $0x2  }
0x304: {  	s0 =	rddreg [dreg:$0x0];
	s2 =	stileid.u32  }
0x305: {  	s1 =	rddreg [dreg:$0x1];
	p0 =	sne.s32 s2, $0x0  }
0x306: {  	s3 =	rddreg [dreg:$0x2];
	[bflag:$0x3] =	sbarrier.arrive $0xFFFF;
	s2 =	simm.s32 @!p0 $0x1C05  }
0x307: {  	[timem:s3], [sflag:s2] =	dma.local @!p0 [hbm:s0], s1  }
0x308: {  	s0 =	simm.s32 @!p0 $0x5  }
0x309: {  	_ =	swait.ge @!p0 [sflag:s0], s1  }
0x30a: {  	s1 =	ssub.s32 @!p0 $0x0, s1;
	[sflag:s0] =	ssyncset.done @!p0 $0x0  }
0x30b: {  	[sflag:s0] =	ssyncadd.s32 @!p0 s1  }
0x30c: {  	[bflag:$0x3] =	sbarrier.arrive $0xFFFF  }
0x30d: {  	_ =	shalt  }

// kernel: kernel.14.cloned.1.call-start
scs
__scs_entry_jumppad:
0x0: {  	(pc) =	sbr.rel $0x88, $3  }
0x1: {  	(tag) =	ssettag $0x0;
	lr =	simm.s32 $0x1  }
0x2: {  	[smem:$0x3F9B] =	sst lr;
	_ =	strace $0xD0000000  }
0x3: {  	_ = 	snop  }
0x4: {  	_ = 	snop  }
0x5: {  	_ = 	snop  }
0x6: {  	_ = 	snop  }
0x7: {  	_ = 	snop  }
__scs_overlays_trampoline_lowered:
0x8: {  	[smem:$0x3FAA] =	sst s0  }
0x9: {  	[smem:$0x3FAB] =	sst s1  }
0xa: {  	[smem:$0x3FAC] =	sst s2  }
0xb: {  	[smem:$0x3FAD] =	sst s3  }
0xc: {  	[smem:$0x3FAE] =	sst s4  }
0xd: {  	[smem:$0x3FAF] =	sst s5  }
0xe: {  	[smem:$0x3FB0] =	sst s6  }
0xf: {  	[smem:$0x3FB1] =	sst s7  }
0x10: {  	[smem:$0x3FB2] =	sst s8  }
0x11: {  	[smem:$0x3FB3] =	sst s9;
	s0 =	simm.s32 @!p0 $0x0  }
0x12: {  	s1 =	sld [smem:$0x3F99];
	s0 =	simm.s32 @p0 $0x1  }
0x13: {  	[smem:$0x3FB4] =	sst s0;
	s0 =	simm.s32 @!p1 $0x0  }
0x14: {  	s2 =	sld [smem:$0x3F98];
	s0 =	simm.s32 @p1 $0x1  }
0x15: {  	[smem:$0x3FB5] =	sst s0;
	s0 =	simm.s32 @!p2 $0x0  }
0x16: {  	s3 =	sld [smem:$0x3FDB];
	s0 =	simm.s32 @p2 $0x1  }
0x17: {  	s4 =	simm.s32 $0x1BF5;
	[smem:$0x3FB7] =	sst s0  }
0x18: {  	s0 =	sld [smem:$0x3F9A];
	_ =	swait.ge [sflag:s4], $0x0  }
0x19: {  	s7 =	sld [smem:$0x3F9B]  }
0x1a: {  	s8 =	sadd.s32 $0xFFFFE003, lr  }
0x1b: {  	s9 =	sadd.s32 $0xFFFFFEF7, lr;
	s5 =	simm.s32 $0xFFFFFFFF;
	p2 =	slt.u32 s8, $0xFFFFF086  }
0x1c: {  	p1 =	slt.u32 s9, $0xF7A;
	s5 =	simm.s32 @!p2 $0x0  }
0x1d: {  	s5 =	simm.s32 @p1 $0x1;
	p0 =	seq.s32 s7, s2  }
0x1e: {  	s7 =	smul.u32 @!p0 $0xF7A, s2;
	p2 =	seq.s32 @!p0 s5, $0x0  }
0x1f: {  	s9 =	smul.u32 $0xF7A, s1;
	s8 =	simm.s32 @!p0 $0x1BF5;
	p2 =	por !p2, p0  }
0x20: {  	[sflag:s8] =	ssyncset.s32 @!p0 $0xFFFFF086;
	s6 =	sadd.s32 @!p0 s3, s7;
	s7 =	simm.s32 @!p0 $0x108  }
0x21: {  	s3 =	sadd.s32 s3, s9;
	s6 =	sadd.s32 @!p0 $0x88, s6;
	s7 =	simm.s32 @p2 $0x1082  }
0x22: {  	[simem:s7], [sflag:s8] =	dma.local @!p0 [hbm:s6], $0xF7A  }
0x23: {  	s9 =	sor.u32 $0xD0000000, s2;
	s6 =	simm.s32 $0x108;
	_ =	swait.ge @!p0 [sflag:s8], $0x0  }
0x24: {  	s3 =	sadd.s32 $0x88, s3;
	s6 =	simm.s32 @!p1 $0x1082;
	[sflag:s4] =	ssyncset.s32 $0xFFFFF086  }
0x25: {  	[simem:s6], [sflag:s4] =	dma.local [hbm:s3], $0xF7A  }
0x26: {  	[smem:$0x3F9B] =	sst s1;
	(tag) =	ssettag s2;
	_ =	strace s9  }
0x27: {  	s1 =	sld [smem:$0x3FAB]  }
0x28: {  	s2 =	sld [smem:$0x3FAC]  }
0x29: {  	s4 =	sld [smem:$0x3FAE]  }
0x2a: {  	p0 =	seq.s32 s5, $0x0;
	s5 =	sld [smem:$0x3FAF]  }
0x2b: {  	s6 =	sld [smem:$0x3FB0]  }
0x2c: {  	s7 =	sld [smem:$0x3FB1]  }
0x2d: {  	s3 =	simm.s32 $0x108;
	s8 =	sld [smem:$0x3FB2]  }
0x2e: {  	s3 =	simm.s32 @!p0 $0x1082;
	s9 =	sld [smem:$0x3FB3]  }
0x2f: {  	lr =	sadd.s32 s0, s3;
	s0 =	sld [smem:$0x3FAA]  }
0x30: {  	s3 =	sld [smem:$0x3FAD]  }
0x31: {  	[smem:$0x3FB6] =	sst s10  }
0x32: {  	s10 =	sld [smem:$0x3FB4];
	_ =	sdelay $0x3  }
0x33: {  	p0 =	seq.s32 s10, $0x1;
	s10 =	sld [smem:$0x3FB6];
	_ =	sdelay $0x3  }
0x34: {  	[smem:$0x3FB6] =	sst s10  }
0x35: {  	s10 =	sld [smem:$0x3FB5];
	_ =	sdelay $0x3  }
0x36: {  	p1 =	seq.s32 s10, $0x1;
	s10 =	sld [smem:$0x3FB6];
	_ =	sdelay $0x3  }
0x37: {  	[smem:$0x3FB6] =	sst s10  }
0x38: {  	s10 =	sld [smem:$0x3FB7]  }
0x39: {  	_ = 	snop;
	(pc) =	sbr.ind lr, $3  }
0x3a: {  	_ = 	snop  }
0x3b: {  	_ = 	snop  }
0x3c: {  	p2 =	seq.s32 s10, $0x1;
	s10 =	sld [smem:$0x3FB6]  }
0x3d: {  	_ =	shalt  }
0x3e: {  	_ =	shalt  }
0x3f: {  	_ =	shalt  }
0x40: {  	_ =	shalt  }
0x41: {  	_ =	shalt  }
0x42: {  	_ =	shalt  }
0x43: {  	_ =	shalt  }
0x44: {  	_ =	shalt  }
0x45: {  	_ =	shalt  }
0x46: {  	_ =	shalt  }
0x47: {  	_ =	shalt  }
0x48: {  	_ =	shalt  }
0x49: {  	_ =	shalt  }
0x4a: {  	_ =	shalt  }
0x4b: {  	_ =	shalt  }
0x4c: {  	_ =	shalt  }
0x4d: {  	_ =	shalt  }
0x4e: {  	_ =	shalt  }
0x4f: {  	_ =	shalt  }
0x50: {  	_ =	shalt  }
0x51: {  	_ =	shalt  }
0x52: {  	_ =	shalt  }
0x53: {  	_ =	shalt  }
0x54: {  	_ =	shalt  }
0x55: {  	_ =	shalt  }
0x56: {  	_ =	shalt  }
0x57: {  	_ =	shalt  }
0x58: {  	_ =	shalt  }
0x59: {  	_ =	shalt  }
0x5a: {  	_ =	shalt  }
0x5b: {  	_ =	shalt  }
0x5c: {  	_ =	shalt  }
0x5d: {  	_ =	shalt  }
0x5e: {  	_ =	shalt  }
0x5f: {  	_ =	shalt  }
0x60: {  	_ =	shalt  }
0x61: {  	_ =	shalt  }
0x62: {  	_ =	shalt  }
0x63: {  	_ =	shalt  }
0x64: {  	_ =	shalt  }
0x65: {  	_ =	shalt  }
0x66: {  	_ =	shalt  }
0x67: {  	_ =	shalt  }
0x68: {  	_ =	shalt  }
0x69: {  	_ =	shalt  }
0x6a: {  	_ =	shalt  }
0x6b: {  	_ =	shalt  }
0x6c: {  	_ =	shalt  }
0x6d: {  	_ =	shalt  }
0x6e: {  	_ =	shalt  }
0x6f: {  	_ =	shalt  }
0x70: {  	_ =	shalt  }
0x71: {  	_ =	shalt  }
0x72: {  	_ =	shalt  }
0x73: {  	_ =	shalt  }
0x74: {  	_ =	shalt  }
0x75: {  	_ =	shalt  }
0x76: {  	_ =	shalt  }
0x77: {  	_ =	shalt  }
0x78: {  	_ =	shalt  }
0x79: {  	_ =	shalt  }
0x7a: {  	_ =	shalt  }
0x7b: {  	_ =	shalt  }
0x7c: {  	_ =	shalt  }
0x7d: {  	_ =	shalt  }
0x7e: {  	_ =	shalt  }
0x7f: {  	_ =	shalt  }
0x80: {  	_ =	shalt  }
0x81: {  	_ =	shalt  }
0x82: {  	_ =	shalt  }
0x83: {  	_ =	shalt  }
0x84: {  	_ =	shalt  }
0x85: {  	_ =	shalt  }
0x86: {  	_ =	shalt  }
0x87: {  	_ =	shalt  }
.Lfunc_end0:
.L_simem_size_0:
called_computation.2_lowered:
.L_overlay_start_0:
0x88: {  	s2 =	sld [smem:$0x3FD9]  }
0x89: {  	s3 =	sld [smem:$0x3FFE];
	_ =	sdelay $0x1  }
0x8a: {  	s1 =	srdreg.scid  }
0x8b: {  	s0 =	sand.u32 $0x1, s1  }
0x8c: {  	s17 =	sshll.u32 s0, $0xA;
	s2 =	sadd.s32 s3, s2  }
0x8d: {  	s2 =	sadd.s32 s2, s17  }
0x8e: {  	[smem:$0x3FC2] =	sst s2  }
0x8f: {  	_ = 	snop  }
0x90: {  	s2 =	sld [smem:$0x3FD0];
	(tm) =	ssettm $0x1  }
0x91: {  	s18 =	sld [smem:$0x3FFB];
	_ =	sdelay $0x3  }
0x92: {  	_ =	strace s18  }
0x93: {  	s3 =	sld [smem:$0x3FFC];
	_ =	sdelay $0x3  }
0x94: {  	_ =	strace s3  }
0x95: {  	s3 =	sld [smem:$0x3FFD];
	_ =	sdelay $0x3  }
0x96: {  	_ =	strace s3  }
0x97: {  	_ =	strace $0x8FFFFFFF  }
0x98: {  	s19 =	sld [smem:$0x3FDB];
	_ =	sdelay $0x1  }
0x99: {  	s4 =	simm.s32 $_scs_section_size  }
0x9a: {  	s5 =	simm.s32 $_size__tile_overlayer_lowered;
	s6 =	simm.s32 $_tile_overlayer_lowered  }
0x9b: {  	s22 =	simm.s32 $0x1BFF;
	s21 =	sshll.u32 s6, $0x1;
	s3 =	sadd.s32 s4, s19  }
0x9c: {  	s7 =	simm.s32 $0x0;
	s20 =	sshll.u32 s5, $0x1;
	s5 =	sadd.s32 s21, s3  }
0x9d: {  	[timem:s7], [sflag:s22] =	dma.local [hbm:s5], s20  }
0x9e: {  	_ =	swait.ge [sflag:s22], s20  }
0x9f: {  	s4 =	ssub.s32 $0x0, s20;
	[sflag:s22] =	ssyncset.done $0x0  }
0xa0: {  	[sflag:s22] =	ssyncadd.s32 s4;
	_ =	sdelay $0x1  }
0xa1: {  	s23 =	simm.s32 $0x1B8B  }
0xa2: {  	_ =	swait.ge [sflag:s23], $0x1  }
0xa3: {  	[sflag:s23] =	ssyncset.done $0x0  }
0xa4: {  	s25 =	simm.s32 $0x1B8E;
	s24 =	sld [smem:$0x3FFE];
	[sflag:s23] =	ssyncadd.s32 $0xFFFFFFFF  }
0xa5: {  	s26 =	simm.s32 $execute0_lowered;
	[smem:$0x3FD2] =	sst s25  }
0xa6: {  	s5 =	sshll.u32 s26, $0x1;
	_ =	strace $0x8000004C;
	[dreg:$0x1] =	wrdreg $0xFFFFFFFF  }
0xa7: {  	s28 =	simm.s32 $_size_execute0_lowered;
	s3 =	sadd.s32 s3, s5;
	[dreg:$0x0] =	wrdreg $0x0  }
0xa8: {  	s5 =	sshll.u32 s28, $0x1;
	[dreg:$0x2] =	wrdreg s3  }
0xa9: {  	[dreg:$0x3] =	wrdreg s5  }
0xaa: {  	[dreg:$0x4] =	wrdreg $0xC0  }
0xab: {  	_ =	task [dreg:s7], $0x5FFFF  }
0xac: {  	[dreg:$0x1] =	wrdreg $0xFFFFFFFF  }
0xad: {  	[dreg:$0x0] =	wrdreg $0x60  }
0xae: {  	[dreg:$0x2] =	wrdreg s24  }
0xaf: {  	[dreg:$0x3] =	wrdreg s2  }
0xb0: {  	[dreg:$0x4] =	wrdreg $0xA0000  }
0xb1: {  	[dreg:$0x5] =	wrdreg $0x9  }
0xb2: {  	_ =	task.clear_ibuf [dreg:s7], $0x6FFFF;
	_ =	strace $0x9000004C  }
0xb3: {  	s29 =	simm.s32 $0x9;
	_ =	strace $0x8000004E  }
0xb4: {  	_ =	swait.ge [sflag:s29], $0x1  }
0xb5: {  	[sflag:s29] =	ssyncadd.s32 $0xFFFFFFFF  }
0xb6: {  	_ =	strace $0x9000004E  }
0xb7: {  	_ =	sfence  }
0xb8: {  	s30 =	sld [smem:$0x0];
	_ =	sdelay $0x2  }
0xb9: {  	s31 =	sshll.u32 s1, $0xD;
	s1 =	sshrl.u32 s1, $0x2  }
0xba: {  	s3 =	sand.u32 $0x4000, s31;
	s1 =	sadd.s32 s1, s30  }
0xbb: {  	s0 =	sor.u32 s3, s0;
	s1 =	sshll.u32 s1, $0x11  }
0xbc: {  	s0 =	sor.u32 s1, s0  }
0xbd: {  	s0 =	sadd.s32 $0x8F2B, s0  }
0xbe: {  	[sflag:s0] =	ssyncadd.remote.s32 $0x1  }
0xbf: {  	_ =	sfence.sel $0xFFFF  }
0xc0: {  	[dreg:$0x0] =	wrdreg $0xFFFFFFFF;
	(pc) =	sbr.abs _section_cstart, $3  }
0xc1: {  	[dreg:$0x1] =	wrdreg $0xFFFFFFFF  }
0xc2: {  	_ =	task.clear_ibuf [dreg:s7], $0x2FFFF;
	_ =	strace $0x9FFFFFFF  }
0xc3: {  	(tm) =	ssettm $0x7FFFFFFF  }
tec
execute0_lowered:
.L_overlay_start_1:
0x0: {  	(tag) =	ssettag $0x1  }
0x1: {  	s1 =	srdreg.scid  }
0x2: {  	s0 =	rddreg [dreg:$0x0];
	s1 =	sand.u32 $0x1, s1  }
0x3: {  	s6 =	rddreg [dreg:$0x1];
	s17 =	stileid.u32;
	s3 =	sshll.u32 s1, $0x4  }
0x4: {  	s2 =	rddreg [dreg:$0x2];
	s4 =	sor.u32 s17, s3;
	s3 =	simm.s32 $0x0  }
0x5: {  	s19 =	simm.s32 $0x80;
	[smem:$0x7FF] =	sst s3  }
0x6: {  	s21 =	simm.s32 $0xC80;
	_ =	strace $0x8000004D;
	[dreg:$0x6] =	wrdreg s19  }
0x7: {  	s22 =	simm.s32 $0x100;
	[dreg:$0x7] =	wrdreg s21  }
0x8: {  	s23 =	simm.s32 $0x180;
	s11 =	smul.u32 $0x3C00, s17;
	[dreg:$0x8] =	wrdreg s22  }
0x9: {  	s24 =	simm.s32 $0xD00;
	s9 =	smul.u32 $0x3C000, s1;
	[dreg:$0x9] =	wrdreg s23  }
0xa: {  	s26 =	simm.s32 $0xD80;
	s13 =	simm.s32 $0xE00;
	[dreg:$0xa] =	wrdreg s24  }
0xb: {  	s9 =	sadd.s32 s11, s9;
	s11 =	simm.s32 $0x200;
	[dreg:$0xb] =	wrdreg s26  }
0xc: {  	s28 =	simm.s32 $0x1480;
	s29 =	simm.s32 $0x900;
	[dreg:$0xc] =	wrdreg s11  }
0xd: {  	s30 =	simm.s32 $0x980;
	[dreg:$0xe] =	wrdreg s13;
	s19 =	simm.s32 $0xF00  }
0xe: {  	s31 =	simm.s32 $0x1500;
	s21 =	simm.s32 $0xF80;
	[dreg:$0x12] =	wrdreg s19  }
0xf: {  	s8 =	smul.u32 $0x3C00, s4;
	s22 =	simm.s32 $0x400;
	[dreg:$0x13] =	wrdreg s21  }
0x10: {  	s4 =	smul.u32 $0x140000, s1;
	s23 =	simm.s32 $0x480;
	[dreg:$0x14] =	wrdreg s22  }
0x11: {  	s1 =	ssub.s32 $0x2, s1;
	s24 =	simm.s32 $0x1000;
	[dreg:$0x15] =	wrdreg s23  }
0x12: {  	s9 =	sshrl.u32 s9, $0x3;
	s26 =	simm.s32 $0x500;
	[dreg:$0x16] =	wrdreg s24  }
0x13: {  	s12 =	sshrl.u32 s1, $0x1;
	s18 =	sadd.s32 s9, s6;
	[dreg:$0x18] =	wrdreg s26  }
0x14: {  	s1 =	ssub.s32 s1, s12;
	s12 =	simm.s32 $0x280;
	[dreg:$0x5] =	wrdreg s18  }
0x15: {  	s10 =	sadd.s32 $0x5EE00, s0;
	s23 =	simm.s32 $0x680;
	[dreg:$0xd] =	wrdreg s12  }
0x16: {  	s7 =	smul.u32 $0x14000, s17;
	s24 =	simm.s32 $0x1200;
	[dreg:$0x1d] =	wrdreg s23  }
0x17: {  	s8 =	sshrl.u32 s8, $0x3;
	s26 =	simm.s32 $0x1280;
	[dreg:$0x1e] =	wrdreg s24  }
0x18: {  	s5 =	sadd.s32 $0x6DE00, s0;
	s14 =	sadd.s32 s6, s8;
	[dreg:$0x1f] =	wrdreg s26  }
0x19: {  	s15 =	sadd.s32 s4, s7;
	s8 =	sadd.s32 s10, s8;
	[smem:$0x7DE] =	sst s14  }
0x1a: {  	s19 =	sadd.s32 $0x10000, s7;
	s10 =	sadd.s32 s9, s10;
	[smem:$0x7DF] =	sst s8  }
0x1b: {  	s16 =	sshrl.u32 s15, $0x3;
	s15 =	simm.s32 $0xE80;
	[dreg:$0x4] =	wrdreg s10  }
0x1c: {  	s22 =	smul.u32 $0x50000, s17;
	s18 =	simm.s32 $0x380;
	[dreg:$0xf] =	wrdreg s15  }
0x1d: {  	s6 =	sor.u32 $0x2000, s7;
	s8 =	sadd.s32 s5, s16;
	[dreg:$0x11] =	wrdreg s18  }
0x1e: {  	s20 =	sadd.s32 s4, s6;
	s16 =	simm.s32 $0x300;
	[smem:$0x7E0] =	sst s8  }
0x1f: {  	s15 =	simm.s32 $0x1100;
	s18 =	simm.s32 $0x600;
	[dreg:$0x10] =	wrdreg s16  }
0x20: {  	s9 =	sshrl.u32 s20, $0x3;
	s8 =	sadd.s32 $0x4000, s7;
	[dreg:$0x1a] =	wrdreg s15  }
0x21: {  	s16 =	simm.s32 $0x1180;
	s15 =	sadd.s32 $0xE000, s7;
	[dreg:$0x1c] =	wrdreg s18  }
0x22: {  	s9 =	sadd.s32 s5, s9;
	s25 =	sadd.s32 s4, s8;
	[dreg:$0x1b] =	wrdreg s16  }
0x23: {  	s16 =	sadd.s32 s4, s19;
	[smem:$0x7E1] =	sst s9;
	s10 =	sshrl.u32 s25, $0x3  }
0x24: {  	s9 =	sadd.s32 $0x6000, s7;
	s25 =	simm.s32 $0x1080;
	s16 =	sshrl.u32 s16, $0x3  }
0x25: {  	s10 =	sadd.s32 s5, s10;
	s14 =	sadd.s32 s4, s9;
	[dreg:$0x17] =	wrdreg s25  }
0x26: {  	s21 =	sadd.s32 s5, s16;
	s25 =	sshrl.u32 s22, $0x2;
	[smem:$0x7E2] =	sst s10  }
0x27: {  	s11 =	sshrl.u32 s14, $0x3;
	s14 =	simm.s32 $0x580;
	[smem:$0x7E8] =	sst s21  }
0x28: {  	s16 =	sadd.s32 $0x1E00, s0;
	s11 =	sadd.s32 s5, s11;
	[dreg:$0x19] =	wrdreg s14  }
0x29: {  	s17 =	sadd.s32 s25, s2;
	[smem:$0x7E3] =	sst s11;
	s11 =	sadd.s32 $0x8000, s7  }
0x2a: {  	s18 =	sadd.s32 $0x2000, s17;
	[smem:$0x7FD] =	sst s17;
	s20 =	sadd.s32 s4, s11  }
0x2b: {  	s21 =	sadd.s32 $0x8000, s17;
	[smem:$0x7F4] =	sst s18;
	s12 =	sshrl.u32 s20, $0x3  }
0x2c: {  	s10 =	simm.s32 $0x64;
	[smem:$0x7F7] =	sst s21;
	s12 =	sadd.s32 s5, s12  }
0x2d: {  	s22 =	sadd.s32 $0xA000, s17;
	[smem:$0x7E4] =	sst s12;
	s12 =	sadd.s32 $0xA000, s7  }
0x2e: {  	s23 =	sadd.s32 $0xC000, s17;
	[smem:$0x7F8] =	sst s22;
	s13 =	sadd.s32 s4, s12  }
0x2f: {  	s24 =	sadd.s32 $0xE000, s17;
	[smem:$0x7F9] =	sst s23;
	s13 =	sshrl.u32 s13, $0x3  }
0x30: {  	s25 =	sadd.s32 $0x10000, s17;
	[smem:$0x7FA] =	sst s24;
	s13 =	sadd.s32 s5, s13  }
0x31: {  	s26 =	sadd.s32 $0x12000, s17;
	[smem:$0x7E5] =	sst s13;
	s13 =	sadd.s32 $0xC000, s7  }
0x32: {  	[smem:$0x7FB] =	sst s25;
	s7 =	sadd.s32 $0x12000, s7;
	s14 =	sadd.s32 s4, s13  }
0x33: {  	s20 =	sadd.s32 s4, s15;
	s4 =	sadd.s32 s4, s7;
	s14 =	sshrl.u32 s14, $0x3  }
0x34: {  	[smem:$0x7FC] =	sst s26;
	s4 =	sshrl.u32 s4, $0x3;
	s14 =	sadd.s32 s5, s14  }
0x35: {  	s18 =	simm.s32 $0x3;
	s4 =	sadd.s32 s5, s4;
	[smem:$0x7E6] =	sst s14  }
0x36: {  	s21 =	simm.s32 $0x780;
	[smem:$0x7E9] =	sst s4;
	s4 =	smax.u32 s1, $0x1  }
0x37: {  	s14 =	sshrl.u32 s20, $0x3;
	s20 =	sadd.s32 $0x6000, s17;
	[smem:$0x7EA] =	sst s4  }
0x38: {  	s22 =	simm.s32 $0x1300;
	s14 =	sadd.s32 s5, s14;
	[smem:$0x7F6] =	sst s20  }
0x39: {  	s23 =	simm.s32 $0x1380;
	s5 =	sadd.s32 s6, s2;
	[smem:$0x7E7] =	sst s14  }
0x3a: {  	s24 =	simm.s32 $0x800;
	s6 =	sadd.s32 s8, s2;
	[smem:$0x7EB] =	sst s5  }
0x3b: {  	s25 =	simm.s32 $0x880;
	s8 =	sadd.s32 s9, s2;
	[smem:$0x7EC] =	sst s6  }
0x3c: {  	s26 =	simm.s32 $0x1400;
	s9 =	sadd.s32 s11, s2;
	[smem:$0x7ED] =	sst s8  }
0x3d: {  	s1 =	simm.s32 $0x1580;
	s11 =	sadd.s32 s12, s2;
	[smem:$0x7EE] =	sst s9  }
0x3e: {  	s12 =	sadd.s32 s13, s2;
	s13 =	sadd.s32 s15, s2;
	[smem:$0x7EF] =	sst s11  }
0x3f: {  	s15 =	sadd.s32 s7, s2;
	s20 =	simm.s32 $0x700;
	[smem:$0x7F0] =	sst s12  }
0x40: {  	s4 =	simm.s32 $0x0;
	[smem:$0x7F1] =	sst s13;
	s14 =	sadd.s32 s19, s2  }
0x41: {  	[smem:$0x7F3] =	sst s15;
	s19 =	sadd.s32 $0x4000, s17;
	s8 =	simm.s32 $0x5  }
0x42: {  	s9 =	simm.s32 $0xC00;
	s11 =	simm.s32 $0x1800;
	s12 =	simm.s32 $0x8000  }
0x43: {  	s13 =	simm.s32 $0x4C00;
	s15 =	simm.s32 $0x2;
	[smem:$0x7F2] =	sst s14  }
0x44: {  	v0 =	vimm.f32 $0.0e+00;
	[smem:$0x7F5] =	sst s19;
	s14 =	simm.s32 $0x1;
	s19 =	simm.s32 $0x4  }
.LBB2_1:
0x45: {  	s0 =	sld [smem:$0x7DE];
	_ =	sdelay $0x1  }
0x46: {  	[smem:$0x7DD] =	sst s4  }
0x47: {  	[tilespmem:s3], [sflag:$0x5] =	stream.linear.gather [hbm4b:s0+s3], $0xA00, $0x38;
	[tilespmem:$0x1E000] =	vst v63  }
0x48: {  	_ =	swait.ge [sflag:s8], $0xA00  }
0x49: {  	s7 =	sld [smem:$0x7DF]  }
0x4a: {  	[sflag:s8] =	ssyncset.done $0x0  }
0x4b: {  	[sflag:s8] =	ssyncadd.s32 $0xFFFFF600  }
0x4c: {  	[tilespmem:s9], [sflag:$0x5] =	stream.linear.gather [hbm4b:s7+s3], $0xA00, $0x38;
	[tilespmem:$0x1E000] =	vst v63  }
0x4d: {  	_ =	swait.ge [sflag:s8], $0xA00  }
0x4e: {  	[sflag:s8] =	ssyncset.done $0x0  }
0x4f: {  	s4 =	simm.s32 $0x0;
	s5 =	simm.s32 $0x200;
	[sflag:s8] =	ssyncadd.s32 $0xFFFFF600  }
0x50: {  	[tilespmem:s11], [sflag:$0x1] =	stream.indirect.gather [hbm4b:s16+s10], $0x80, s3, s10, $0xb8;
	[tilespmem:$0x1E000] =	vst v63  }
.LBB2_2:
0x51: {  	p0 =	sne.s32 s5, $0x7E00;
	[tilespmem:s4+$0x8070] =	vst v0  }
0x52: {  	[tilespmem:s4+$0x8000] =	vst v0  }
0x53: {  	[tilespmem:s4+$0x8010] =	vst v0  }
.Ltmp0:
0x54: {  	[tilespmem:s4+$0x8020] =	vst v0;
	(pc) =	sbr.rel @p0 .LBB2_2-.Ltmp0, $4  }
0x55: {  	[tilespmem:s4+$0x8030] =	vst v0  }
0x56: {  	[tilespmem:s4+$0x8040] =	vst v0  }
0x57: {  	[tilespmem:s4+$0x8050] =	vst v0  }
0x58: {  	[tilespmem:s4+$0x8060] =	vst v0;
	s4 =	sshra.s32 s5, $0x2;
	s5 =	sadd.s32 $0x200, s5  }
0x59: {  	[tilespmem:s4+$0x8070] =	vst v0  }
0x5a: {  	[tilespmem:s4+$0x8000] =	vst v0  }
0x5b: {  	[tilespmem:s4+$0x8010] =	vst v0  }
0x5c: {  	[tilespmem:s4+$0x8020] =	vst v0  }
0x5d: {  	[tilespmem:s4+$0x8030] =	vst v0  }
0x5e: {  	[tilespmem:s4+$0x8040] =	vst v0  }
0x5f: {  	[tilespmem:s4+$0x8050] =	vst v0  }
0x60: {  	[tilespmem:s4+$0x8060] =	vst v0  }
0x61: {  	[spmem:s17] =	stream.linear.scatter [tilespmem:s12], [sflag:$0x5], $0x2000, $0x38;
	[tilespmem:$0x1E000] =	vst v63  }
0x62: {  	_ =	swait.ge [sflag:s8], $0x2000  }
0x63: {  	s0 =	sld [smem:$0x7F4]  }
0x64: {  	[sflag:s8] =	ssyncset.done $0x0  }
0x65: {  	[sflag:s8] =	ssyncadd.s32 $0xFFFFE000  }
0x66: {  	[spmem:s0] =	stream.linear.scatter [tilespmem:s12], [sflag:$0x5], $0x2000, $0x38;
	[tilespmem:$0x1E000] =	vst v63  }
0x67: {  	_ =	swait.ge [sflag:s8], $0x2000  }
0x68: {  	s7 =	sld [smem:$0x7F5]  }
0x69: {  	[sflag:s8] =	ssyncset.done $0x0  }
0x6a: {  	[sflag:s8] =	ssyncadd.s32 $0xFFFFE000  }
0x6b: {  	[spmem:s7] =	stream.linear.scatter [tilespmem:s12], [sflag:$0x5], $0x2000, $0x38;
	[tilespmem:$0x1E000] =	vst v63  }
0x6c: {  	_ =	swait.ge [sflag:s8], $0x2000  }
0x6d: {  	s17 =	sld [smem:$0x7F6]  }
0x6e: {  	[sflag:s8] =	ssyncset.done $0x0  }
0x6f: {  	[sflag:s8] =	ssyncadd.s32 $0xFFFFE000  }
0x70: {  	[spmem:s17] =	stream.linear.scatter [tilespmem:s12], [sflag:$0x5], $0x2000, $0x38;
	[tilespmem:$0x1E000] =	vst v63  }
0x71: {  	_ =	swait.ge [sflag:s8], $0x2000  }
0x72: {  	s3 =	sld [smem:$0x7F7]  }
0x73: {  	[sflag:s8] =	ssyncset.done $0x0  }
0x74: {  	[sflag:s8] =	ssyncadd.s32 $0xFFFFE000  }
0x75: {  	[spmem:s3] =	stream.linear.scatter [tilespmem:s12], [sflag:$0x5], $0x2000, $0x38;
	[tilespmem:$0x1E000] =	vst v63  }
0x76: {  	_ =	swait.ge [sflag:s8], $0x2000  }
0x77: {  	s4 =	sld [smem:$0x7F8]  }
0x78: {  	[sflag:s8] =	ssyncset.done $0x0  }
0x79: {  	[sflag:s8] =	ssyncadd.s32 $0xFFFFE000  }
0x7a: {  	[spmem:s4] =	stream.linear.scatter [tilespmem:s12], [sflag:$0x5], $0x2000, $0x38;
	[tilespmem:$0x1E000] =	vst v63  }
0x7b: {  	_ =	swait.ge [sflag:s8], $0x2000  }
0x7c: {  	s5 =	sld [smem:$0x7F9]  }
0x7d: {  	[sflag:s8] =	ssyncset.done $0x0  }
0x7e: {  	[sflag:s8] =	ssyncadd.s32 $0xFFFFE000  }
0x7f: {  	[spmem:s5] =	stream.linear.scatter [tilespmem:s12], [sflag:$0x5], $0x2000, $0x38;
	[tilespmem:$0x1E000] =	vst v63  }
0x80: {  	_ =	swait.ge [sflag:s8], $0x2000  }
0x81: {  	s6 =	sld [smem:$0x7FA]  }
0x82: {  	[sflag:s8] =	ssyncset.done $0x0  }
0x83: {  	[sflag:s8] =	ssyncadd.s32 $0xFFFFE000  }
0x84: {  	[spmem:s6] =	stream.linear.scatter [tilespmem:s12], [sflag:$0x5], $0x2000, $0x38;
	[tilespmem:$0x1E000] =	vst v63  }
0x85: {  	_ =	swait.ge [sflag:s8], $0x2000  }
0x86: {  	s7 =	sld [smem:$0x7FB]  }
0x87: {  	[sflag:s8] =	ssyncset.done $0x0  }
0x88: {  	[sflag:s8] =	ssyncadd.s32 $0xFFFFE000  }
0x89: {  	[spmem:s7] =	stream.linear.scatter [tilespmem:s12], [sflag:$0x5], $0x2000, $0x38;
	[tilespmem:$0x1E000] =	vst v63  }
0x8a: {  	_ =	swait.ge [sflag:s8], $0x2000  }
0x8b: {  	s17 =	sld [smem:$0x7FC]  }
0x8c: {  	[sflag:s8] =	ssyncset.done $0x0  }
0x8d: {  	[sflag:s8] =	ssyncadd.s32 $0xFFFFE000  }
0x8e: {  	[spmem:s17] =	stream.linear.scatter [tilespmem:s12], [sflag:$0x5], $0x2000, $0x38;
	[tilespmem:$0x1E000] =	vst v63  }
0x8f: {  	_ =	swait.ge [sflag:s8], $0x2000  }
0x90: {  	[sflag:s8] =	ssyncset.done $0x0  }
0x91: {  	p0 =	por $0x1, $0x1;
	[sflag:s8] =	ssyncadd.s32 $0xFFFFE000  }
0x92: {  	s4 =	simm.s32 @!p0 $0x4;
	[bflag:$0x0] =	sbarrier.arrive $0xFFFF  }
0x93: {  	_ =	swait.ge @!p0 [sflag:s4], $0x3200  }
0x94: {  	s6 =	simm.s32 @!p0 $0x5;
	s5 =	rddreg [dreg:$0x5];
	[sflag:s4] =	ssyncset.done @!p0 $0x0  }
0x95: {  	[sflag:s4] =	ssyncadd.s32 @!p0 $0xFFFFCE00;
	s4 =	sadd.s32 @!p0 $0x0, s5;
	s5 =	simm.s32 @!p0 $0x0  }
0x96: {  	[tilespmem:s5], [sflag:$0x5] =	stream.linear.gather @!p0 [hbm4b:s4+s5], $0xA00, $0x38;
	[tilespmem:$0x1E000] =	vst v63  }
0x97: {  	_ =	swait.ge @!p0 [sflag:s6], $0xA00  }
0x98: {  	s4 =	rddreg [dreg:$0x4];
	[sflag:s6] =	ssyncset.done @!p0 $0x0  }
0x99: {  	s7 =	simm.s32 @!p0 $0xC00;
	[sflag:s6] =	ssyncadd.s32 @!p0 $0xFFFFF600;
	s4 =	sadd.s32 @!p0 $0x0, s4  }
0x9a: {  	[tilespmem:s7], [sflag:$0x5] =	stream.linear.gather @!p0 [hbm4b:s4+s5], $0xA00, $0x38;
	[tilespmem:$0x1E000] =	vst v63  }
0x9b: {  	_ =	swait.ge @!p0 [sflag:s6], $0xA00  }
0x9c: {  	[sflag:s6] =	ssyncset.done @!p0 $0x0  }
0x9d: {  	s4 =	simm.s32 @!p0 $0x1800;
	[sflag:s6] =	ssyncadd.s32 @!p0 $0xFFFFF600;
	s6 =	simm.s32 @!p0 $0x64  }
0x9e: {  	[tilespmem:s4], [sflag:$0x1] =	stream.indirect.gather @!p0 [hbm4b:s16+s6], $0x80, s5, s6, $0xb8;
	[tilespmem:$0x1E000] =	vst v63  }
0x9f: {  	s3 =	rddreg [dreg:$0x6]  }
0xa0: {  	[tilespmem:s13], [sflag:$0x2] =	stream.indirect.gather [hbm4b:s16+s10], $0x80, s3, s10, $0xb8;
	[tilespmem:$0x1E000] =	vst v63  }
0xa1: {  	_ =	swait.ge [sflag:s14], $0x3200  }
0xa2: {  	[sflag:s14] =	ssyncset.done $0x0  }
0xa3: {  	[sflag:s14] =	ssyncadd.s32 $0xFFFFCE00  }
0xa4: {  	[spmem:s2] =	stream.indirect.scatter.add.f32 [tilespmem:s11], [sflag:$0x3], $0x80, s9, s10, $0xb8;
	[tilespmem:$0x1E000] =	vst v63  }
0xa5: {  	_ =	swait.ge [sflag:s15], $0x3200  }
0xa6: {  	[sflag:s15] =	ssyncset.done $0x0  }
0xa7: {  	s17 =	rddreg [dreg:$0x7];
	[sflag:s15] =	ssyncadd.s32 $0xFFFFCE00  }
0xa8: {  	[spmem:s2] =	stream.indirect.scatter.add.f32 [tilespmem:s13], [sflag:$0x4], $0x80, s17, s10, $0xb8;
	[tilespmem:$0x1E000] =	vst v63  }
0xa9: {  	_ =	swait.ge [sflag:s18], $0x3200  }
0xaa: {  	[sflag:s18] =	ssyncset.done $0x0  }
0xab: {  	s0 =	rddreg [dreg:$0x8];
	[sflag:s18] =	ssyncadd.s32 $0xFFFFCE00  }
0xac: {  	[tilespmem:s11], [sflag:$0x1] =	stream.indirect.gather [hbm4b:s16+s10], $0x80, s0, s10, $0xb8;
	[tilespmem:$0x1E000] =	vst v63  }
0xad: {  	_ =	swait.ge [sflag:s19], $0x3200  }
0xae: {  	[sflag:s19] =	ssyncset.done $0x0  }
0xaf: {  	s3 =	rddreg [dreg:$0x9];
	[sflag:s19] =	ssyncadd.s32 $0xFFFFCE00  }
0xb0: {  	[tilespmem:s13], [sflag:$0x2] =	stream.indirect.gather [hbm4b:s16+s10], $0x80, s3, s10, $0xb8;
	[tilespmem:$0x1E000] =	vst v63  }
0xb1: {  	_ =	swait.ge [sflag:s14], $0x3200  }
0xb2: {  	[sflag:s14] =	ssyncset.done $0x0  }
0xb3: {  	s5 =	rddreg [dreg:$0xa];
	[sflag:s14] =	ssyncadd.s32 $0xFFFFCE00  }
0xb4: {  	[spmem:s2] =	stream.indirect.scatter.add.f32 [tilespmem:s11], [sflag:$0x3], $0x80, s5, s10, $0xb8;
	[tilespmem:$0x1E000] =	vst v63  }
0xb5: {  	_ =	swait.ge [sflag:s15], $0x3200  }
0xb6: {  	[sflag:s15] =	ssyncset.done $0x0  }
0xb7: {  	s6 =	rddreg [dreg:$0xb];
	[sflag:s15] =	ssyncadd.s32 $0xFFFFCE00  }
0xb8: {  	[spmem:s2] =	stream.indirect.scatter.add.f32 [tilespmem:s13], [sflag:$0x4], $0x80, s6, s10, $0xb8;
	[tilespmem:$0x1E000] =	vst v63  }
0xb9: {  	_ =	swait.ge [sflag:s18], $0x3200  }
0xba: {  	[sflag:s18] =	ssyncset.done $0x0  }
0xbb: {  	s7 =	rddreg [dreg:$0xc];
	[sflag:s18] =	ssyncadd.s32 $0xFFFFCE00  }
0xbc: {  	[tilespmem:s11], [sflag:$0x1] =	stream.indirect.gather [hbm4b:s16+s10], $0x80, s7, s10, $0xb8;
	[tilespmem:$0x1E000] =	vst v63  }
0xbd: {  	_ =	swait.ge [sflag:s19], $0x3200  }
0xbe: {  	[sflag:s19] =	ssyncset.done $0x0  }
0xbf: {  	s17 =	rddreg [dreg:$0xd];
	[sflag:s19] =	ssyncadd.s32 $0xFFFFCE00  }
0xc0: {  	[tilespmem:s13], [sflag:$0x2] =	stream.indirect.gather [hbm4b:s16+s10], $0x80, s17, s10, $0xb8;
	[tilespmem:$0x1E000] =	vst v63  }
0xc1: {  	_ =	swait.ge [sflag:s14], $0x3200  }
0xc2: {  	[sflag:s14] =	ssyncset.done $0x0  }
0xc3: {  	s0 =	rddreg [dreg:$0xe];
	[sflag:s14] =	ssyncadd.s32 $0xFFFFCE00  }
0xc4: {  	[spmem:s2] =	stream.indirect.scatter.add.f32 [tilespmem:s11], [sflag:$0x3], $0x80, s0, s10, $0xb8;
	[tilespmem:$0x1E000] =	vst v63  }
0xc5: {  	_ =	swait.ge [sflag:s15], $0x3200  }
0xc6: {  	[sflag:s15] =	ssyncset.done $0x0  }
0xc7: {  	s3 =	rddreg [dreg:$0xf];
	[sflag:s15] =	ssyncadd.s32 $0xFFFFCE00  }
0xc8: {  	[spmem:s2] =	stream.indirect.scatter.add.f32 [tilespmem:s13], [sflag:$0x4], $0x80, s3, s10, $0xb8;
	[tilespmem:$0x1E000] =	vst v63  }
0xc9: {  	_ =	swait.ge [sflag:s18], $0x3200  }
0xca: {  	[sflag:s18] =	ssyncset.done $0x0  }
0xcb: {  	s5 =	rddreg [dreg:$0x10];
	[sflag:s18] =	ssyncadd.s32 $0xFFFFCE00  }
0xcc: {  	[tilespmem:s11], [sflag:$0x1] =	stream.indirect.gather [hbm4b:s16+s10], $0x80, s5, s10, $0xb8;
	[tilespmem:$0x1E000] =	vst v63  }
0xcd: {  	_ =	swait.ge [sflag:s19], $0x3200  }
0xce: {  	[sflag:s19] =	ssyncset.done $0x0  }
0xcf: {  	s6 =	rddreg [dreg:$0x11];
	[sflag:s19] =	ssyncadd.s32 $0xFFFFCE00  }
0xd0: {  	[tilespmem:s13], [sflag:$0x2] =	stream.indirect.gather [hbm4b:s16+s10], $0x80, s6, s10, $0xb8;
	[tilespmem:$0x1E000] =	vst v63  }
0xd1: {  	_ =	swait.ge [sflag:s14], $0x3200  }
0xd2: {  	[sflag:s14] =	ssyncset.done $0x0  }
0xd3: {  	s7 =	rddreg [dreg:$0x12];
	[sflag:s14] =	ssyncadd.s32 $0xFFFFCE00  }
0xd4: {  	[spmem:s2] =	stream.indirect.scatter.add.f32 [tilespmem:s11], [sflag:$0x3], $0x80, s7, s10, $0xb8;
	[tilespmem:$0x1E000] =	vst v63  }
0xd5: {  	_ =	swait.ge [sflag:s15], $0x3200  }
0xd6: {  	[sflag:s15] =	ssyncset.done $0x0  }
0xd7: {  	s17 =	rddreg [dreg:$0x13];
	[sflag:s15] =	ssyncadd.s32 $0xFFFFCE00  }
0xd8: {  	[spmem:s2] =	stream.indirect.scatter.add.f32 [tilespmem:s13], [sflag:$0x4], $0x80, s17, s10, $0xb8;
	[tilespmem:$0x1E000] =	vst v63  }
0xd9: {  	_ =	swait.ge [sflag:s18], $0x3200  }
0xda: {  	[sflag:s18] =	ssyncset.done $0x0  }
0xdb: {  	s0 =	rddreg [dreg:$0x14];
	[sflag:s18] =	ssyncadd.s32 $0xFFFFCE00  }
0xdc: {  	[tilespmem:s11], [sflag:$0x1] =	stream.indirect.gather [hbm4b:s16+s10], $0x80, s0, s10, $0xb8;
	[tilespmem:$0x1E000] =	vst v63  }
0xdd: {  	_ =	swait.ge [sflag:s19], $0x3200  }
0xde: {  	[sflag:s19] =	ssyncset.done $0x0  }
0xdf: {  	s3 =	rddreg [dreg:$0x15];
	[sflag:s19] =	ssyncadd.s32 $0xFFFFCE00  }
0xe0: {  	[tilespmem:s13], [sflag:$0x2] =	stream.indirect.gather [hbm4b:s16+s10], $0x80, s3, s10, $0xb8;
	[tilespmem:$0x1E000] =	vst v63  }
0xe1: {  	_ =	swait.ge [sflag:s14], $0x3200  }
0xe2: {  	[sflag:s14] =	ssyncset.done $0x0  }
0xe3: {  	s5 =	rddreg [dreg:$0x16];
	[sflag:s14] =	ssyncadd.s32 $0xFFFFCE00  }
0xe4: {  	[spmem:s2] =	stream.indirect.scatter.add.f32 [tilespmem:s11], [sflag:$0x3], $0x80, s5, s10, $0xb8;
	[tilespmem:$0x1E000] =	vst v63  }
0xe5: {  	_ =	swait.ge [sflag:s15], $0x3200  }
0xe6: {  	[sflag:s15] =	ssyncset.done $0x0  }
0xe7: {  	s6 =	rddreg [dreg:$0x17];
	[sflag:s15] =	ssyncadd.s32 $0xFFFFCE00  }
0xe8: {  	[spmem:s2] =	stream.indirect.scatter.add.f32 [tilespmem:s13], [sflag:$0x4], $0x80, s6, s10, $0xb8;
	[tilespmem:$0x1E000] =	vst v63  }
0xe9: {  	_ =	swait.ge [sflag:s18], $0x3200  }
0xea: {  	[sflag:s18] =	ssyncset.done $0x0  }
0xeb: {  	s7 =	rddreg [dreg:$0x18];
	[sflag:s18] =	ssyncadd.s32 $0xFFFFCE00  }
0xec: {  	[tilespmem:s11], [sflag:$0x1] =	stream.indirect.gather [hbm4b:s16+s10], $0x80, s7, s10, $0xb8;
	[tilespmem:$0x1E000] =	vst v63  }
0xed: {  	_ =	swait.ge [sflag:s19], $0x3200  }
0xee: {  	[sflag:s19] =	ssyncset.done $0x0  }
0xef: {  	s17 =	rddreg [dreg:$0x19];
	[sflag:s19] =	ssyncadd.s32 $0xFFFFCE00  }
0xf0: {  	[tilespmem:s13], [sflag:$0x2] =	stream.indirect.gather [hbm4b:s16+s10], $0x80, s17, s10, $0xb8;
	[tilespmem:$0x1E000] =	vst v63  }
0xf1: {  	_ =	swait.ge [sflag:s14], $0x3200  }
0xf2: {  	[sflag:s14] =	ssyncset.done $0x0  }
0xf3: {  	s0 =	rddreg [dreg:$0x1a];
	[sflag:s14] =	ssyncadd.s32 $0xFFFFCE00  }
0xf4: {  	[spmem:s2] =	stream.indirect.scatter.add.f32 [tilespmem:s11], [sflag:$0x3], $0x80, s0, s10, $0xb8;
	[tilespmem:$0x1E000] =	vst v63  }
0xf5: {  	_ =	swait.ge [sflag:s15], $0x3200  }
0xf6: {  	[sflag:s15] =	ssyncset.done $0x0  }
0xf7: {  	s3 =	rddreg [dreg:$0x1b];
	[sflag:s15] =	ssyncadd.s32 $0xFFFFCE00  }
0xf8: {  	[spmem:s2] =	stream.indirect.scatter.add.f32 [tilespmem:s13], [sflag:$0x4], $0x80, s3, s10, $0xb8;
	[tilespmem:$0x1E000] =	vst v63  }
0xf9: {  	_ =	swait.ge [sflag:s18], $0x3200  }
0xfa: {  	[sflag:s18] =	ssyncset.done $0x0  }
0xfb: {  	s5 =	rddreg [dreg:$0x1c];
	[sflag:s18] =	ssyncadd.s32 $0xFFFFCE00  }
0xfc: {  	[tilespmem:s11], [sflag:$0x1] =	stream.indirect.gather [hbm4b:s16+s10], $0x80, s5, s10, $0xb8;
	[tilespmem:$0x1E000] =	vst v63  }
0xfd: {  	_ =	swait.ge [sflag:s19], $0x3200  }
0xfe: {  	[sflag:s19] =	ssyncset.done $0x0  }
0xff: {  	s6 =	rddreg [dreg:$0x1d];
	[sflag:s19] =	ssyncadd.s32 $0xFFFFCE00  }
0x100: {  	[tilespmem:s13], [sflag:$0x2] =	stream.indirect.gather [hbm4b:s16+s10], $0x80, s6, s10, $0xb8;
	[tilespmem:$0x1E000] =	vst v63  }
0x101: {  	_ =	swait.ge [sflag:s14], $0x3200  }
0x102: {  	[sflag:s14] =	ssyncset.done $0x0  }
0x103: {  	s7 =	rddreg [dreg:$0x1e];
	[sflag:s14] =	ssyncadd.s32 $0xFFFFCE00  }
0x104: {  	[spmem:s2] =	stream.indirect.scatter.add.f32 [tilespmem:s11], [sflag:$0x3], $0x80, s7, s10, $0xb8;
	[tilespmem:$0x1E000] =	vst v63  }
0x105: {  	_ =	swait.ge [sflag:s15], $0x3200  }
0x106: {  	[sflag:s15] =	ssyncset.done $0x0  }
0x107: {  	s17 =	rddreg [dreg:$0x1f];
	[sflag:s15] =	ssyncadd.s32 $0xFFFFCE00  }
0x108: {  	[spmem:s2] =	stream.indirect.scatter.add.f32 [tilespmem:s13], [sflag:$0x4], $0x80, s17, s10, $0xb8;
	[tilespmem:$0x1E000] =	vst v63  }
0x109: {  	_ =	swait.ge [sflag:s18], $0x3200  }
0x10a: {  	[sflag:s18] =	ssyncset.done $0x0  }
0x10b: {  	[sflag:s18] =	ssyncadd.s32 $0xFFFFCE00  }
0x10c: {  	[tilespmem:s11], [sflag:$0x1] =	stream.indirect.gather [hbm4b:s16+s10], $0x80, s20, s10, $0xb8;
	[tilespmem:$0x1E000] =	vst v63  }
0x10d: {  	_ =	swait.ge [sflag:s19], $0x3200  }
0x10e: {  	[sflag:s19] =	ssyncset.done $0x0  }
0x10f: {  	[sflag:s19] =	ssyncadd.s32 $0xFFFFCE00  }
0x110: {  	[tilespmem:s13], [sflag:$0x2] =	stream.indirect.gather [hbm4b:s16+s10], $0x80, s21, s10, $0xb8;
	[tilespmem:$0x1E000] =	vst v63  }
0x111: {  	_ =	swait.ge [sflag:s14], $0x3200  }
0x112: {  	[sflag:s14] =	ssyncset.done $0x0  }
0x113: {  	[sflag:s14] =	ssyncadd.s32 $0xFFFFCE00  }
0x114: {  	[spmem:s2] =	stream.indirect.scatter.add.f32 [tilespmem:s11], [sflag:$0x3], $0x80, s22, s10, $0xb8;
	[tilespmem:$0x1E000] =	vst v63  }
0x115: {  	_ =	swait.ge [sflag:s15], $0x3200  }
0x116: {  	[sflag:s15] =	ssyncset.done $0x0  }
0x117: {  	[sflag:s15] =	ssyncadd.s32 $0xFFFFCE00  }
0x118: {  	[spmem:s2] =	stream.indirect.scatter.add.f32 [tilespmem:s13], [sflag:$0x4], $0x80, s23, s10, $0xb8;
	[tilespmem:$0x1E000] =	vst v63  }
0x119: {  	_ =	swait.ge [sflag:s18], $0x3200  }
0x11a: {  	[sflag:s18] =	ssyncset.done $0x0  }
0x11b: {  	[sflag:s18] =	ssyncadd.s32 $0xFFFFCE00  }
0x11c: {  	[tilespmem:s11], [sflag:$0x1] =	stream.indirect.gather [hbm4b:s16+s10], $0x80, s24, s10, $0xb8;
	[tilespmem:$0x1E000] =	vst v63  }
0x11d: {  	_ =	swait.ge [sflag:s19], $0x3200  }
0x11e: {  	[sflag:s19] =	ssyncset.done $0x0  }
0x11f: {  	[sflag:s19] =	ssyncadd.s32 $0xFFFFCE00  }
0x120: {  	[tilespmem:s13], [sflag:$0x2] =	stream.indirect.gather [hbm4b:s16+s10], $0x80, s25, s10, $0xb8;
	[tilespmem:$0x1E000] =	vst v63  }
0x121: {  	_ =	swait.ge [sflag:s14], $0x3200  }
0x122: {  	[sflag:s14] =	ssyncset.done $0x0  }
0x123: {  	[sflag:s14] =	ssyncadd.s32 $0xFFFFCE00  }
0x124: {  	[spmem:s2] =	stream.indirect.scatter.add.f32 [tilespmem:s11], [sflag:$0x3], $0x80, s26, s10, $0xb8;
	[tilespmem:$0x1E000] =	vst v63  }
0x125: {  	_ =	swait.ge [sflag:s15], $0x3200  }
0x126: {  	[sflag:s15] =	ssyncset.done $0x0  }
0x127: {  	[sflag:s15] =	ssyncadd.s32 $0xFFFFCE00  }
0x128: {  	[spmem:s2] =	stream.indirect.scatter.add.f32 [tilespmem:s13], [sflag:$0x4], $0x80, s28, s10, $0xb8;
	[tilespmem:$0x1E000] =	vst v63  }
0x129: {  	_ =	swait.ge [sflag:s18], $0x3200  }
0x12a: {  	[sflag:s18] =	ssyncset.done $0x0  }
0x12b: {  	[sflag:s18] =	ssyncadd.s32 $0xFFFFCE00  }
0x12c: {  	[tilespmem:s11], [sflag:$0x1] =	stream.indirect.gather [hbm4b:s16+s10], $0x80, s29, s10, $0xb8;
	[tilespmem:$0x1E000] =	vst v63  }
0x12d: {  	_ =	swait.ge [sflag:s19], $0x3200  }
0x12e: {  	[sflag:s19] =	ssyncset.done $0x0  }
0x12f: {  	[sflag:s19] =	ssyncadd.s32 $0xFFFFCE00  }
0x130: {  	[tilespmem:s13], [sflag:$0x2] =	stream.indirect.gather [hbm4b:s16+s10], $0x80, s30, s10, $0xb8;
	[tilespmem:$0x1E000] =	vst v63  }
0x131: {  	_ =	swait.ge [sflag:s14], $0x3200  }
0x132: {  	[sflag:s14] =	ssyncset.done $0x0  }
0x133: {  	[sflag:s14] =	ssyncadd.s32 $0xFFFFCE00  }
0x134: {  	[spmem:s2] =	stream.indirect.scatter.add.f32 [tilespmem:s11], [sflag:$0x3], $0x80, s31, s10, $0xb8;
	[tilespmem:$0x1E000] =	vst v63  }
0x135: {  	_ =	swait.ge [sflag:s15], $0x3200  }
0x136: {  	[sflag:s15] =	ssyncset.done $0x0  }
0x137: {  	[sflag:s15] =	ssyncadd.s32 $0xFFFFCE00  }
0x138: {  	[spmem:s2] =	stream.indirect.scatter.add.f32 [tilespmem:s13], [sflag:$0x4], $0x80, s1, s10, $0xb8;
	[tilespmem:$0x1E000] =	vst v63  }
0x139: {  	p1 =	por $0x0, $0x0;
	_ =	swait.ge [sflag:s18], $0x3200  }
0x13a: {  	s4 =	simm.s32 $0x180;
	s5 =	simm.s32 $0x300;
	[sflag:s18] =	ssyncset.done $0x0  }
.LBB2_4:
0x13b: {  	s6 =	simm.s32 @!p1 $0x4;
	[sflag:s18] =	ssyncadd.s32 $0xFFFFCE00  }
0x13c: {  	_ =	swait.ge @!p1 [sflag:s6], $0x3200  }
0x13d: {  	s3 =	simm.s32 @!p1 $0x5;
	[sflag:s6] =	ssyncset.done @!p1 $0x0;
	s17 =	rddreg [dreg:$0x5]  }
0x13e: {  	[sflag:s6] =	ssyncadd.s32 @!p1 $0xFFFFCE00;
	s6 =	sadd.s32 @!p1 s4, s17;
	s17 =	simm.s32 @!p1 $0x0  }
0x13f: {  	[tilespmem:s17], [sflag:$0x5] =	stream.linear.gather @!p1 [hbm4b:s6+s17], $0xA00, $0x38;
	[tilespmem:$0x1E000] =	vst v63  }
0x140: {  	_ =	swait.ge @!p1 [sflag:s3], $0xA00  }
0x141: {  	[sflag:s3] =	ssyncset.done @!p1 $0x0;
	s6 =	rddreg [dreg:$0x4]  }
0x142: {  	s0 =	simm.s32 @!p1 $0xC00;
	[sflag:s3] =	ssyncadd.s32 @!p1 $0xFFFFF600;
	s6 =	sadd.s32 @!p1 s4, s6  }
0x143: {  	[tilespmem:s0], [sflag:$0x5] =	stream.linear.gather @!p1 [hbm4b:s6+s17], $0xA00, $0x38;
	[tilespmem:$0x1E000] =	vst v63  }
0x144: {  	_ =	swait.ge @!p1 [sflag:s3], $0xA00  }
0x145: {  	s7 =	smov.u32 s5;
	[sflag:s3] =	ssyncset.done @!p1 $0x0  }
0x146: {  	s0 =	simm.s32 @!p1 $0x1800;
	[sflag:s3] =	ssyncadd.s32 @!p1 $0xFFFFF600;
	s3 =	simm.s32 @!p1 $0x64  }
0x147: {  	[tilespmem:s0], [sflag:$0x1] =	stream.indirect.gather @!p1 [hbm4b:s16+s3], $0x80, s17, s3, $0xb8;
	[tilespmem:$0x1E000] =	vst v63  }
0x148: {  	s4 =	smov.u32 s7;
	s7 =	rddreg [dreg:$0x6]  }
0x149: {  	[tilespmem:s13], [sflag:$0x2] =	stream.indirect.gather [hbm4b:s16+s10], $0x80, s7, s10, $0xb8;
	[tilespmem:$0x1E000] =	vst v63  }
0x14a: {  	_ =	swait.ge [sflag:s14], $0x3200  }
0x14b: {  	[sflag:s14] =	ssyncset.done $0x0  }
0x14c: {  	[sflag:s14] =	ssyncadd.s32 $0xFFFFCE00  }
0x14d: {  	[spmem:s2] =	stream.indirect.scatter.add.f32 [tilespmem:s11], [sflag:$0x3], $0x80, s9, s10, $0xb8;
	[tilespmem:$0x1E000] =	vst v63  }
0x14e: {  	_ =	swait.ge [sflag:s15], $0x3200  }
0x14f: {  	[sflag:s15] =	ssyncset.done $0x0  }
0x150: {  	s17 =	rddreg [dreg:$0x7];
	[sflag:s15] =	ssyncadd.s32 $0xFFFFCE00  }
0x151: {  	[spmem:s2] =	stream.indirect.scatter.add.f32 [tilespmem:s13], [sflag:$0x4], $0x80, s17, s10, $0xb8;
	[tilespmem:$0x1E000] =	vst v63  }
0x152: {  	_ =	swait.ge [sflag:s18], $0x3200  }
0x153: {  	[sflag:s18] =	ssyncset.done $0x0  }
0x154: {  	s3 =	rddreg [dreg:$0x8];
	[sflag:s18] =	ssyncadd.s32 $0xFFFFCE00  }
0x155: {  	[tilespmem:s11], [sflag:$0x1] =	stream.indirect.gather [hbm4b:s16+s10], $0x80, s3, s10, $0xb8;
	[tilespmem:$0x1E000] =	vst v63  }
0x156: {  	_ =	swait.ge [sflag:s19], $0x3200  }
0x157: {  	[sflag:s19] =	ssyncset.done $0x0  }
0x158: {  	s6 =	rddreg [dreg:$0x9];
	[sflag:s19] =	ssyncadd.s32 $0xFFFFCE00  }
0x159: {  	[tilespmem:s13], [sflag:$0x2] =	stream.indirect.gather [hbm4b:s16+s10], $0x80, s6, s10, $0xb8;
	[tilespmem:$0x1E000] =	vst v63  }
0x15a: {  	_ =	swait.ge [sflag:s14], $0x3200  }
0x15b: {  	[sflag:s14] =	ssyncset.done $0x0  }
0x15c: {  	s7 =	rddreg [dreg:$0xa];
	[sflag:s14] =	ssyncadd.s32 $0xFFFFCE00  }
0x15d: {  	[spmem:s2] =	stream.indirect.scatter.add.f32 [tilespmem:s11], [sflag:$0x3], $0x80, s7, s10, $0xb8;
	[tilespmem:$0x1E000] =	vst v63  }
0x15e: {  	_ =	swait.ge [sflag:s15], $0x3200  }
0x15f: {  	[sflag:s15] =	ssyncset.done $0x0  }
0x160: {  	s17 =	rddreg [dreg:$0xb];
	[sflag:s15] =	ssyncadd.s32 $0xFFFFCE00  }
0x161: {  	[spmem:s2] =	stream.indirect.scatter.add.f32 [tilespmem:s13], [sflag:$0x4], $0x80, s17, s10, $0xb8;
	[tilespmem:$0x1E000] =	vst v63  }
0x162: {  	_ =	swait.ge [sflag:s18], $0x3200  }
0x163: {  	[sflag:s18] =	ssyncset.done $0x0  }
0x164: {  	s3 =	rddreg [dreg:$0xc];
	[sflag:s18] =	ssyncadd.s32 $0xFFFFCE00  }
0x165: {  	[tilespmem:s11], [sflag:$0x1] =	stream.indirect.gather [hbm4b:s16+s10], $0x80, s3, s10, $0xb8;
	[tilespmem:$0x1E000] =	vst v63  }
0x166: {  	_ =	swait.ge [sflag:s19], $0x3200  }
0x167: {  	[sflag:s19] =	ssyncset.done $0x0  }
0x168: {  	s6 =	rddreg [dreg:$0xd];
	[sflag:s19] =	ssyncadd.s32 $0xFFFFCE00  }
0x169: {  	[tilespmem:s13], [sflag:$0x2] =	stream.indirect.gather [hbm4b:s16+s10], $0x80, s6, s10, $0xb8;
	[tilespmem:$0x1E000] =	vst v63  }
0x16a: {  	_ =	swait.ge [sflag:s14], $0x3200  }
0x16b: {  	[sflag:s14] =	ssyncset.done $0x0  }
0x16c: {  	s7 =	rddreg [dreg:$0xe];
	[sflag:s14] =	ssyncadd.s32 $0xFFFFCE00  }
0x16d: {  	[spmem:s2] =	stream.indirect.scatter.add.f32 [tilespmem:s11], [sflag:$0x3], $0x80, s7, s10, $0xb8;
	[tilespmem:$0x1E000] =	vst v63  }
0x16e: {  	_ =	swait.ge [sflag:s15], $0x3200  }
0x16f: {  	[sflag:s15] =	ssyncset.done $0x0  }
0x170: {  	s17 =	rddreg [dreg:$0xf];
	[sflag:s15] =	ssyncadd.s32 $0xFFFFCE00  }
0x171: {  	[spmem:s2] =	stream.indirect.scatter.add.f32 [tilespmem:s13], [sflag:$0x4], $0x80, s17, s10, $0xb8;
	[tilespmem:$0x1E000] =	vst v63  }
0x172: {  	_ =	swait.ge [sflag:s18], $0x3200  }
0x173: {  	[sflag:s18] =	ssyncset.done $0x0  }
0x174: {  	s3 =	rddreg [dreg:$0x10];
	[sflag:s18] =	ssyncadd.s32 $0xFFFFCE00  }
0x175: {  	[tilespmem:s11], [sflag:$0x1] =	stream.indirect.gather [hbm4b:s16+s10], $0x80, s3, s10, $0xb8;
	[tilespmem:$0x1E000] =	vst v63  }
0x176: {  	_ =	swait.ge [sflag:s19], $0x3200  }
0x177: {  	[sflag:s19] =	ssyncset.done $0x0  }
0x178: {  	s6 =	rddreg [dreg:$0x11];
	[sflag:s19] =	ssyncadd.s32 $0xFFFFCE00  }
0x179: {  	[tilespmem:s13], [sflag:$0x2] =	stream.indirect.gather [hbm4b:s16+s10], $0x80, s6, s10, $0xb8;
	[tilespmem:$0x1E000] =	vst v63  }
0x17a: {  	_ =	swait.ge [sflag:s14], $0x3200  }
0x17b: {  	[sflag:s14] =	ssyncset.done $0x0  }
0x17c: {  	s7 =	rddreg [dreg:$0x12];
	[sflag:s14] =	ssyncadd.s32 $0xFFFFCE00  }
0x17d: {  	[spmem:s2] =	stream.indirect.scatter.add.f32 [tilespmem:s11], [sflag:$0x3], $0x80, s7, s10, $0xb8;
	[tilespmem:$0x1E000] =	vst v63  }
0x17e: {  	_ =	swait.ge [sflag:s15], $0x3200  }
0x17f: {  	[sflag:s15] =	ssyncset.done $0x0  }
0x180: {  	s17 =	rddreg [dreg:$0x13];
	[sflag:s15] =	ssyncadd.s32 $0xFFFFCE00  }
0x181: {  	[spmem:s2] =	stream.indirect.scatter.add.f32 [tilespmem:s13], [sflag:$0x4], $0x80, s17, s10, $0xb8;
	[tilespmem:$0x1E000] =	vst v63  }
0x182: {  	_ =	swait.ge [sflag:s18], $0x3200  }
0x183: {  	[sflag:s18] =	ssyncset.done $0x0  }
0x184: {  	s3 =	rddreg [dreg:$0x14];
	[sflag:s18] =	ssyncadd.s32 $0xFFFFCE00  }
0x185: {  	[tilespmem:s11], [sflag:$0x1] =	stream.indirect.gather [hbm4b:s16+s10], $0x80, s3, s10, $0xb8;
	[tilespmem:$0x1E000] =	vst v63  }
0x186: {  	_ =	swait.ge [sflag:s19], $0x3200  }
0x187: {  	[sflag:s19] =	ssyncset.done $0x0  }
0x188: {  	s6 =	rddreg [dreg:$0x15];
	[sflag:s19] =	ssyncadd.s32 $0xFFFFCE00  }
0x189: {  	[tilespmem:s13], [sflag:$0x2] =	stream.indirect.gather [hbm4b:s16+s10], $0x80, s6, s10, $0xb8;
	[tilespmem:$0x1E000] =	vst v63  }
0x18a: {  	_ =	swait.ge [sflag:s14], $0x3200  }
0x18b: {  	[sflag:s14] =	ssyncset.done $0x0  }
0x18c: {  	s7 =	rddreg [dreg:$0x16];
	[sflag:s14] =	ssyncadd.s32 $0xFFFFCE00  }
0x18d: {  	[spmem:s2] =	stream.indirect.scatter.add.f32 [tilespmem:s11], [sflag:$0x3], $0x80, s7, s10, $0xb8;
	[tilespmem:$0x1E000] =	vst v63  }
0x18e: {  	_ =	swait.ge [sflag:s15], $0x3200  }
0x18f: {  	[sflag:s15] =	ssyncset.done $0x0  }
0x190: {  	s17 =	rddreg [dreg:$0x17];
	[sflag:s15] =	ssyncadd.s32 $0xFFFFCE00  }
0x191: {  	[spmem:s2] =	stream.indirect.scatter.add.f32 [tilespmem:s13], [sflag:$0x4], $0x80, s17, s10, $0xb8;
	[tilespmem:$0x1E000] =	vst v63  }
0x192: {  	_ =	swait.ge [sflag:s18], $0x3200  }
0x193: {  	[sflag:s18] =	ssyncset.done $0x0  }
0x194: {  	s3 =	rddreg [dreg:$0x18];
	[sflag:s18] =	ssyncadd.s32 $0xFFFFCE00  }
0x195: {  	[tilespmem:s11], [sflag:$0x1] =	stream.indirect.gather [hbm4b:s16+s10], $0x80, s3, s10, $0xb8;
	[tilespmem:$0x1E000] =	vst v63  }
0x196: {  	_ =	swait.ge [sflag:s19], $0x3200  }
0x197: {  	[sflag:s19] =	ssyncset.done $0x0  }
0x198: {  	s6 =	rddreg [dreg:$0x19];
	[sflag:s19] =	ssyncadd.s32 $0xFFFFCE00  }
0x199: {  	[tilespmem:s13], [sflag:$0x2] =	stream.indirect.gather [hbm4b:s16+s10], $0x80, s6, s10, $0xb8;
	[tilespmem:$0x1E000] =	vst v63  }
0x19a: {  	_ =	swait.ge [sflag:s14], $0x3200  }
0x19b: {  	[sflag:s14] =	ssyncset.done $0x0  }
0x19c: {  	s7 =	rddreg [dreg:$0x1a];
	[sflag:s14] =	ssyncadd.s32 $0xFFFFCE00  }
0x19d: {  	[spmem:s2] =	stream.indirect.scatter.add.f32 [tilespmem:s11], [sflag:$0x3], $0x80, s7, s10, $0xb8;
	[tilespmem:$0x1E000] =	vst v63  }
0x19e: {  	_ =	swait.ge [sflag:s15], $0x3200  }
0x19f: {  	[sflag:s15] =	ssyncset.done $0x0  }
0x1a0: {  	s17 =	rddreg [dreg:$0x1b];
	[sflag:s15] =	ssyncadd.s32 $0xFFFFCE00  }
0x1a1: {  	[spmem:s2] =	stream.indirect.scatter.add.f32 [tilespmem:s13], [sflag:$0x4], $0x80, s17, s10, $0xb8;
	[tilespmem:$0x1E000] =	vst v63  }
0x1a2: {  	_ =	swait.ge [sflag:s18], $0x3200  }
0x1a3: {  	[sflag:s18] =	ssyncset.done $0x0  }
0x1a4: {  	s3 =	rddreg [dreg:$0x1c];
	[sflag:s18] =	ssyncadd.s32 $0xFFFFCE00  }
0x1a5: {  	[tilespmem:s11], [sflag:$0x1] =	stream.indirect.gather [hbm4b:s16+s10], $0x80, s3, s10, $0xb8;
	[tilespmem:$0x1E000] =	vst v63  }
0x1a6: {  	_ =	swait.ge [sflag:s19], $0x3200  }
0x1a7: {  	[sflag:s19] =	ssyncset.done $0x0  }
0x1a8: {  	s6 =	rddreg [dreg:$0x1d];
	[sflag:s19] =	ssyncadd.s32 $0xFFFFCE00  }
0x1a9: {  	[tilespmem:s13], [sflag:$0x2] =	stream.indirect.gather [hbm4b:s16+s10], $0x80, s6, s10, $0xb8;
	[tilespmem:$0x1E000] =	vst v63  }
0x1aa: {  	_ =	swait.ge [sflag:s14], $0x3200  }
0x1ab: {  	[sflag:s14] =	ssyncset.done $0x0  }
0x1ac: {  	s7 =	rddreg [dreg:$0x1e];
	[sflag:s14] =	ssyncadd.s32 $0xFFFFCE00  }
0x1ad: {  	[spmem:s2] =	stream.indirect.scatter.add.f32 [tilespmem:s11], [sflag:$0x3], $0x80, s7, s10, $0xb8;
	[tilespmem:$0x1E000] =	vst v63  }
0x1ae: {  	_ =	swait.ge [sflag:s15], $0x3200  }
0x1af: {  	[sflag:s15] =	ssyncset.done $0x0  }
0x1b0: {  	s17 =	rddreg [dreg:$0x1f];
	[sflag:s15] =	ssyncadd.s32 $0xFFFFCE00  }
0x1b1: {  	[spmem:s2] =	stream.indirect.scatter.add.f32 [tilespmem:s13], [sflag:$0x4], $0x80, s17, s10, $0xb8;
	[tilespmem:$0x1E000] =	vst v63  }
0x1b2: {  	_ =	swait.ge [sflag:s18], $0x3200  }
0x1b3: {  	[sflag:s18] =	ssyncset.done $0x0  }
0x1b4: {  	[sflag:s18] =	ssyncadd.s32 $0xFFFFCE00  }
0x1b5: {  	[tilespmem:s11], [sflag:$0x1] =	stream.indirect.gather [hbm4b:s16+s10], $0x80, s20, s10, $0xb8;
	[tilespmem:$0x1E000] =	vst v63  }
0x1b6: {  	_ =	swait.ge [sflag:s19], $0x3200  }
0x1b7: {  	[sflag:s19] =	ssyncset.done $0x0  }
0x1b8: {  	[sflag:s19] =	ssyncadd.s32 $0xFFFFCE00  }
0x1b9: {  	[tilespmem:s13], [sflag:$0x2] =	stream.indirect.gather [hbm4b:s16+s10], $0x80, s21, s10, $0xb8;
	[tilespmem:$0x1E000] =	vst v63  }
0x1ba: {  	_ =	swait.ge [sflag:s14], $0x3200  }
0x1bb: {  	[sflag:s14] =	ssyncset.done $0x0  }
0x1bc: {  	[sflag:s14] =	ssyncadd.s32 $0xFFFFCE00  }
0x1bd: {  	[spmem:s2] =	stream.indirect.scatter.add.f32 [tilespmem:s11], [sflag:$0x3], $0x80, s22, s10, $0xb8;
	[tilespmem:$0x1E000] =	vst v63  }
0x1be: {  	_ =	swait.ge [sflag:s15], $0x3200  }
0x1bf: {  	[sflag:s15] =	ssyncset.done $0x0  }
0x1c0: {  	[sflag:s15] =	ssyncadd.s32 $0xFFFFCE00  }
0x1c1: {  	[spmem:s2] =	stream.indirect.scatter.add.f32 [tilespmem:s13], [sflag:$0x4], $0x80, s23, s10, $0xb8;
	[tilespmem:$0x1E000] =	vst v63  }
0x1c2: {  	_ =	swait.ge [sflag:s18], $0x3200  }
0x1c3: {  	[sflag:s18] =	ssyncset.done $0x0  }
0x1c4: {  	[sflag:s18] =	ssyncadd.s32 $0xFFFFCE00  }
0x1c5: {  	[tilespmem:s11], [sflag:$0x1] =	stream.indirect.gather [hbm4b:s16+s10], $0x80, s24, s10, $0xb8;
	[tilespmem:$0x1E000] =	vst v63  }
0x1c6: {  	_ =	swait.ge [sflag:s19], $0x3200  }
0x1c7: {  	[sflag:s19] =	ssyncset.done $0x0  }
0x1c8: {  	[sflag:s19] =	ssyncadd.s32 $0xFFFFCE00  }
0x1c9: {  	[tilespmem:s13], [sflag:$0x2] =	stream.indirect.gather [hbm4b:s16+s10], $0x80, s25, s10, $0xb8;
	[tilespmem:$0x1E000] =	vst v63  }
0x1ca: {  	_ =	swait.ge [sflag:s14], $0x3200  }
0x1cb: {  	[sflag:s14] =	ssyncset.done $0x0  }
0x1cc: {  	[sflag:s14] =	ssyncadd.s32 $0xFFFFCE00  }
0x1cd: {  	[spmem:s2] =	stream.indirect.scatter.add.f32 [tilespmem:s11], [sflag:$0x3], $0x80, s26, s10, $0xb8;
	[tilespmem:$0x1E000] =	vst v63  }
0x1ce: {  	_ =	swait.ge [sflag:s15], $0x3200  }
0x1cf: {  	[sflag:s15] =	ssyncset.done $0x0  }
0x1d0: {  	[sflag:s15] =	ssyncadd.s32 $0xFFFFCE00  }
0x1d1: {  	[spmem:s2] =	stream.indirect.scatter.add.f32 [tilespmem:s13], [sflag:$0x4], $0x80, s28, s10, $0xb8;
	[tilespmem:$0x1E000] =	vst v63  }
0x1d2: {  	_ =	swait.ge [sflag:s18], $0x3200  }
0x1d3: {  	[sflag:s18] =	ssyncset.done $0x0  }
0x1d4: {  	[sflag:s18] =	ssyncadd.s32 $0xFFFFCE00  }
0x1d5: {  	[tilespmem:s11], [sflag:$0x1] =	stream.indirect.gather [hbm4b:s16+s10], $0x80, s29, s10, $0xb8;
	[tilespmem:$0x1E000] =	vst v63  }
0x1d6: {  	_ =	swait.ge [sflag:s19], $0x3200  }
0x1d7: {  	[sflag:s19] =	ssyncset.done $0x0  }
0x1d8: {  	[sflag:s19] =	ssyncadd.s32 $0xFFFFCE00  }
0x1d9: {  	[tilespmem:s13], [sflag:$0x2] =	stream.indirect.gather [hbm4b:s16+s10], $0x80, s30, s10, $0xb8;
	[tilespmem:$0x1E000] =	vst v63  }
0x1da: {  	_ =	swait.ge [sflag:s14], $0x3200  }
0x1db: {  	[sflag:s14] =	ssyncset.done $0x0  }
0x1dc: {  	s5 =	sadd.s32 $0x180, s5;
	[sflag:s14] =	ssyncadd.s32 $0xFFFFCE00  }
0x1dd: {  	[spmem:s2] =	stream.indirect.scatter.add.f32 [tilespmem:s11], [sflag:$0x3], $0x80, s31, s10, $0xb8;
	[tilespmem:$0x1E000] =	vst v63  }
0x1de: {  	p0 =	sne.s32 s5, $0x780;
	_ =	swait.ge [sflag:s15], $0x3200  }
.Ltmp1:
0x1df: {  	[sflag:s15] =	ssyncset.done $0x0;
	(pc) =	sbr.rel @p0 .LBB2_4-.Ltmp1, $4  }
0x1e0: {  	[sflag:s15] =	ssyncadd.s32 $0xFFFFCE00  }
0x1e1: {  	[spmem:s2] =	stream.indirect.scatter.add.f32 [tilespmem:s13], [sflag:$0x4], $0x80, s1, s10, $0xb8;
	[tilespmem:$0x1E000] =	vst v63  }
0x1e2: {  	_ =	swait.ge [sflag:s18], $0x3200  }
0x1e3: {  	p1 =	seq.s32 s4, $0x0;
	[sflag:s18] =	ssyncset.done $0x0  }
0x1e4: {  	s0 =	simm.s32 @!p1 $0x4;
	[sflag:s18] =	ssyncadd.s32 $0xFFFFCE00  }
0x1e5: {  	_ =	swait.ge @!p1 [sflag:s0], $0x3200  }
0x1e6: {  	s5 =	simm.s32 @!p1 $0x5;
	s3 =	rddreg [dreg:$0x5];
	[sflag:s0] =	ssyncset.done @!p1 $0x0  }
0x1e7: {  	[sflag:s0] =	ssyncadd.s32 @!p1 $0xFFFFCE00;
	s0 =	sadd.s32 @!p1 s4, s3;
	s3 =	simm.s32 @!p1 $0x0  }
0x1e8: {  	[tilespmem:s3], [sflag:$0x5] =	stream.linear.gather @!p1 [hbm4b:s0+s3], $0xA00, $0x38;
	[tilespmem:$0x1E000] =	vst v63  }
0x1e9: {  	_ =	swait.ge @!p1 [sflag:s5], $0xA00  }
0x1ea: {  	s0 =	rddreg [dreg:$0x4];
	[sflag:s5] =	ssyncset.done @!p1 $0x0  }
0x1eb: {  	[sflag:s5] =	ssyncadd.s32 @!p1 $0xFFFFF600;
	s0 =	sadd.s32 @!p1 s4, s0;
	s4 =	simm.s32 @!p1 $0xC00  }
0x1ec: {  	[tilespmem:s4], [sflag:$0x5] =	stream.linear.gather @!p1 [hbm4b:s0+s3], $0xA00, $0x38;
	[tilespmem:$0x1E000] =	vst v63  }
0x1ed: {  	_ =	swait.ge @!p1 [sflag:s5], $0xA00  }
0x1ee: {  	[sflag:s5] =	ssyncset.done @!p1 $0x0  }
0x1ef: {  	s0 =	simm.s32 @!p1 $0x1800;
	s4 =	simm.s32 @!p1 $0x64;
	[sflag:s5] =	ssyncadd.s32 @!p1 $0xFFFFF600  }
0x1f0: {  	[tilespmem:s0], [sflag:$0x1] =	stream.indirect.gather @!p1 [hbm4b:s16+s4], $0x80, s3, s4, $0xb8;
	[tilespmem:$0x1E000] =	vst v63  }
0x1f1: {  	s17 =	rddreg [dreg:$0x6]  }
0x1f2: {  	[tilespmem:s13], [sflag:$0x2] =	stream.indirect.gather [hbm4b:s16+s10], $0x80, s17, s10, $0xb8;
	[tilespmem:$0x1E000] =	vst v63  }
0x1f3: {  	_ =	swait.ge [sflag:s14], $0x3200  }
0x1f4: {  	[sflag:s14] =	ssyncset.done $0x0  }
0x1f5: {  	[sflag:s14] =	ssyncadd.s32 $0xFFFFCE00  }
0x1f6: {  	[spmem:s2] =	stream.indirect.scatter.add.f32 [tilespmem:s11], [sflag:$0x3], $0x80, s9, s10, $0xb8;
	[tilespmem:$0x1E000] =	vst v63  }
0x1f7: {  	_ =	swait.ge [sflag:s15], $0x3200  }
0x1f8: {  	[sflag:s15] =	ssyncset.done $0x0  }
0x1f9: {  	s6 =	rddreg [dreg:$0x7];
	[sflag:s15] =	ssyncadd.s32 $0xFFFFCE00  }
0x1fa: {  	[spmem:s2] =	stream.indirect.scatter.add.f32 [tilespmem:s13], [sflag:$0x4], $0x80, s6, s10, $0xb8;
	[tilespmem:$0x1E000] =	vst v63  }
0x1fb: {  	_ =	swait.ge [sflag:s18], $0x3200  }
0x1fc: {  	[sflag:s18] =	ssyncset.done $0x0  }
0x1fd: {  	s7 =	rddreg [dreg:$0x8];
	[sflag:s18] =	ssyncadd.s32 $0xFFFFCE00  }
0x1fe: {  	[tilespmem:s11], [sflag:$0x1] =	stream.indirect.gather [hbm4b:s16+s10], $0x80, s7, s10, $0xb8;
	[tilespmem:$0x1E000] =	vst v63  }
0x1ff: {  	_ =	swait.ge [sflag:s19], $0x3200  }
0x200: {  	[sflag:s19] =	ssyncset.done $0x0  }
0x201: {  	s17 =	rddreg [dreg:$0x9];
	[sflag:s19] =	ssyncadd.s32 $0xFFFFCE00  }
0x202: {  	[tilespmem:s13], [sflag:$0x2] =	stream.indirect.gather [hbm4b:s16+s10], $0x80, s17, s10, $0xb8;
	[tilespmem:$0x1E000] =	vst v63  }
0x203: {  	_ =	swait.ge [sflag:s14], $0x3200  }
0x204: {  	[sflag:s14] =	ssyncset.done $0x0  }
0x205: {  	s3 =	rddreg [dreg:$0xa];
	[sflag:s14] =	ssyncadd.s32 $0xFFFFCE00  }
0x206: {  	[spmem:s2] =	stream.indirect.scatter.add.f32 [tilespmem:s11], [sflag:$0x3], $0x80, s3, s10, $0xb8;
	[tilespmem:$0x1E000] =	vst v63  }
0x207: {  	_ =	swait.ge [sflag:s15], $0x3200  }
0x208: {  	[sflag:s15] =	ssyncset.done $0x0  }
0x209: {  	s4 =	rddreg [dreg:$0xb];
	[sflag:s15] =	ssyncadd.s32 $0xFFFFCE00  }
0x20a: {  	[spmem:s2] =	stream.indirect.scatter.add.f32 [tilespmem:s13], [sflag:$0x4], $0x80, s4, s10, $0xb8;
	[tilespmem:$0x1E000] =	vst v63  }
0x20b: {  	_ =	swait.ge [sflag:s18], $0x3200  }
0x20c: {  	[sflag:s18] =	ssyncset.done $0x0  }
0x20d: {  	s5 =	rddreg [dreg:$0xc];
	[sflag:s18] =	ssyncadd.s32 $0xFFFFCE00  }
0x20e: {  	[tilespmem:s11], [sflag:$0x1] =	stream.indirect.gather [hbm4b:s16+s10], $0x80, s5, s10, $0xb8;
	[tilespmem:$0x1E000] =	vst v63  }
0x20f: {  	_ =	swait.ge [sflag:s19], $0x3200  }
0x210: {  	[sflag:s19] =	ssyncset.done $0x0  }
0x211: {  	s6 =	rddreg [dreg:$0xd];
	[sflag:s19] =	ssyncadd.s32 $0xFFFFCE00  }
0x212: {  	[tilespmem:s13], [sflag:$0x2] =	stream.indirect.gather [hbm4b:s16+s10], $0x80, s6, s10, $0xb8;
	[tilespmem:$0x1E000] =	vst v63  }
0x213: {  	_ =	swait.ge [sflag:s14], $0x3200  }
0x214: {  	[sflag:s14] =	ssyncset.done $0x0  }
0x215: {  	s7 =	rddreg [dreg:$0xe];
	[sflag:s14] =	ssyncadd.s32 $0xFFFFCE00  }
0x216: {  	[spmem:s2] =	stream.indirect.scatter.add.f32 [tilespmem:s11], [sflag:$0x3], $0x80, s7, s10, $0xb8;
	[tilespmem:$0x1E000] =	vst v63  }
0x217: {  	_ =	swait.ge [sflag:s15], $0x3200  }
0x218: {  	[sflag:s15] =	ssyncset.done $0x0  }
0x219: {  	s17 =	rddreg [dreg:$0xf];
	[sflag:s15] =	ssyncadd.s32 $0xFFFFCE00  }
0x21a: {  	[spmem:s2] =	stream.indirect.scatter.add.f32 [tilespmem:s13], [sflag:$0x4], $0x80, s17, s10, $0xb8;
	[tilespmem:$0x1E000] =	vst v63  }
0x21b: {  	_ =	swait.ge [sflag:s18], $0x3200  }
0x21c: {  	[sflag:s18] =	ssyncset.done $0x0  }
0x21d: {  	s3 =	rddreg [dreg:$0x10];
	[sflag:s18] =	ssyncadd.s32 $0xFFFFCE00  }
0x21e: {  	[tilespmem:s11], [sflag:$0x1] =	stream.indirect.gather [hbm4b:s16+s10], $0x80, s3, s10, $0xb8;
	[tilespmem:$0x1E000] =	vst v63  }
0x21f: {  	_ =	swait.ge [sflag:s19], $0x3200  }
0x220: {  	[sflag:s19] =	ssyncset.done $0x0  }
0x221: {  	s4 =	rddreg [dreg:$0x11];
	[sflag:s19] =	ssyncadd.s32 $0xFFFFCE00  }
0x222: {  	[tilespmem:s13], [sflag:$0x2] =	stream.indirect.gather [hbm4b:s16+s10], $0x80, s4, s10, $0xb8;
	[tilespmem:$0x1E000] =	vst v63  }
0x223: {  	_ =	swait.ge [sflag:s14], $0x3200  }
0x224: {  	[sflag:s14] =	ssyncset.done $0x0  }
0x225: {  	s5 =	rddreg [dreg:$0x12];
	[sflag:s14] =	ssyncadd.s32 $0xFFFFCE00  }
0x226: {  	[spmem:s2] =	stream.indirect.scatter.add.f32 [tilespmem:s11], [sflag:$0x3], $0x80, s5, s10, $0xb8;
	[tilespmem:$0x1E000] =	vst v63  }
0x227: {  	_ =	swait.ge [sflag:s15], $0x3200  }
0x228: {  	[sflag:s15] =	ssyncset.done $0x0  }
0x229: {  	s6 =	rddreg [dreg:$0x13];
	[sflag:s15] =	ssyncadd.s32 $0xFFFFCE00  }
0x22a: {  	[spmem:s2] =	stream.indirect.scatter.add.f32 [tilespmem:s13], [sflag:$0x4], $0x80, s6, s10, $0xb8;
	[tilespmem:$0x1E000] =	vst v63  }
0x22b: {  	_ =	swait.ge [sflag:s18], $0x3200  }
0x22c: {  	[sflag:s18] =	ssyncset.done $0x0  }
0x22d: {  	s7 =	rddreg [dreg:$0x14];
	[sflag:s18] =	ssyncadd.s32 $0xFFFFCE00  }
0x22e: {  	[tilespmem:s11], [sflag:$0x1] =	stream.indirect.gather [hbm4b:s16+s10], $0x80, s7, s10, $0xb8;
	[tilespmem:$0x1E000] =	vst v63  }
0x22f: {  	_ =	swait.ge [sflag:s19], $0x3200  }
0x230: {  	[sflag:s19] =	ssyncset.done $0x0  }
0x231: {  	s17 =	rddreg [dreg:$0x15];
	[sflag:s19] =	ssyncadd.s32 $0xFFFFCE00  }
0x232: {  	[tilespmem:s13], [sflag:$0x2] =	stream.indirect.gather [hbm4b:s16+s10], $0x80, s17, s10, $0xb8;
	[tilespmem:$0x1E000] =	vst v63  }
0x233: {  	_ =	swait.ge [sflag:s14], $0x3200  }
0x234: {  	[sflag:s14] =	ssyncset.done $0x0  }
0x235: {  	s3 =	rddreg [dreg:$0x16];
	[sflag:s14] =	ssyncadd.s32 $0xFFFFCE00  }
0x236: {  	[spmem:s2] =	stream.indirect.scatter.add.f32 [tilespmem:s11], [sflag:$0x3], $0x80, s3, s10, $0xb8;
	[tilespmem:$0x1E000] =	vst v63  }
0x237: {  	_ =	swait.ge [sflag:s15], $0x3200  }
0x238: {  	[sflag:s15] =	ssyncset.done $0x0  }
0x239: {  	s4 =	rddreg [dreg:$0x17];
	[sflag:s15] =	ssyncadd.s32 $0xFFFFCE00  }
0x23a: {  	[spmem:s2] =	stream.indirect.scatter.add.f32 [tilespmem:s13], [sflag:$0x4], $0x80, s4, s10, $0xb8;
	[tilespmem:$0x1E000] =	vst v63  }
0x23b: {  	_ =	swait.ge [sflag:s18], $0x3200  }
0x23c: {  	[sflag:s18] =	ssyncset.done $0x0  }
0x23d: {  	s5 =	rddreg [dreg:$0x18];
	[sflag:s18] =	ssyncadd.s32 $0xFFFFCE00  }
0x23e: {  	[tilespmem:s11], [sflag:$0x1] =	stream.indirect.gather [hbm4b:s16+s10], $0x80, s5, s10, $0xb8;
	[tilespmem:$0x1E000] =	vst v63  }
0x23f: {  	_ =	swait.ge [sflag:s19], $0x3200  }
0x240: {  	[sflag:s19] =	ssyncset.done $0x0  }
0x241: {  	s6 =	rddreg [dreg:$0x19];
	[sflag:s19] =	ssyncadd.s32 $0xFFFFCE00  }
0x242: {  	[tilespmem:s13], [sflag:$0x2] =	stream.indirect.gather [hbm4b:s16+s10], $0x80, s6, s10, $0xb8;
	[tilespmem:$0x1E000] =	vst v63  }
0x243: {  	_ =	swait.ge [sflag:s14], $0x3200  }
0x244: {  	[sflag:s14] =	ssyncset.done $0x0  }
0x245: {  	s7 =	rddreg [dreg:$0x1a];
	[sflag:s14] =	ssyncadd.s32 $0xFFFFCE00  }
0x246: {  	[spmem:s2] =	stream.indirect.scatter.add.f32 [tilespmem:s11], [sflag:$0x3], $0x80, s7, s10, $0xb8;
	[tilespmem:$0x1E000] =	vst v63  }
0x247: {  	_ =	swait.ge [sflag:s15], $0x3200  }
0x248: {  	[sflag:s15] =	ssyncset.done $0x0  }
0x249: {  	s17 =	rddreg [dreg:$0x1b];
	[sflag:s15] =	ssyncadd.s32 $0xFFFFCE00  }
0x24a: {  	[spmem:s2] =	stream.indirect.scatter.add.f32 [tilespmem:s13], [sflag:$0x4], $0x80, s17, s10, $0xb8;
	[tilespmem:$0x1E000] =	vst v63  }
0x24b: {  	_ =	swait.ge [sflag:s18], $0x3200  }
0x24c: {  	[sflag:s18] =	ssyncset.done $0x0  }
0x24d: {  	s3 =	rddreg [dreg:$0x1c];
	[sflag:s18] =	ssyncadd.s32 $0xFFFFCE00  }
0x24e: {  	[tilespmem:s11], [sflag:$0x1] =	stream.indirect.gather [hbm4b:s16+s10], $0x80, s3, s10, $0xb8;
	[tilespmem:$0x1E000] =	vst v63  }
0x24f: {  	_ =	swait.ge [sflag:s19], $0x3200  }
0x250: {  	[sflag:s19] =	ssyncset.done $0x0  }
0x251: {  	s4 =	rddreg [dreg:$0x1d];
	[sflag:s19] =	ssyncadd.s32 $0xFFFFCE00  }
0x252: {  	[tilespmem:s13], [sflag:$0x2] =	stream.indirect.gather [hbm4b:s16+s10], $0x80, s4, s10, $0xb8;
	[tilespmem:$0x1E000] =	vst v63  }
0x253: {  	_ =	swait.ge [sflag:s14], $0x3200  }
0x254: {  	[sflag:s14] =	ssyncset.done $0x0  }
0x255: {  	s5 =	rddreg [dreg:$0x1e];
	[sflag:s14] =	ssyncadd.s32 $0xFFFFCE00  }
0x256: {  	[spmem:s2] =	stream.indirect.scatter.add.f32 [tilespmem:s11], [sflag:$0x3], $0x80, s5, s10, $0xb8;
	[tilespmem:$0x1E000] =	vst v63  }
0x257: {  	_ =	swait.ge [sflag:s15], $0x3200  }
0x258: {  	[sflag:s15] =	ssyncset.done $0x0  }
0x259: {  	s6 =	rddreg [dreg:$0x1f];
	[sflag:s15] =	ssyncadd.s32 $0xFFFFCE00  }
0x25a: {  	[spmem:s2] =	stream.indirect.scatter.add.f32 [tilespmem:s13], [sflag:$0x4], $0x80, s6, s10, $0xb8;
	[tilespmem:$0x1E000] =	vst v63  }
0x25b: {  	_ =	swait.ge [sflag:s18], $0x3200  }
0x25c: {  	[sflag:s18] =	ssyncset.done $0x0  }
0x25d: {  	[sflag:s18] =	ssyncadd.s32 $0xFFFFCE00  }
0x25e: {  	[tilespmem:s11], [sflag:$0x1] =	stream.indirect.gather [hbm4b:s16+s10], $0x80, s20, s10, $0xb8;
	[tilespmem:$0x1E000] =	vst v63  }
0x25f: {  	_ =	swait.ge [sflag:s19], $0x3200  }
0x260: {  	[sflag:s19] =	ssyncset.done $0x0  }
0x261: {  	[sflag:s19] =	ssyncadd.s32 $0xFFFFCE00  }
0x262: {  	[tilespmem:s13], [sflag:$0x2] =	stream.indirect.gather [hbm4b:s16+s10], $0x80, s21, s10, $0xb8;
	[tilespmem:$0x1E000] =	vst v63  }
0x263: {  	_ =	swait.ge [sflag:s14], $0x3200  }
0x264: {  	[sflag:s14] =	ssyncset.done $0x0  }
0x265: {  	[sflag:s14] =	ssyncadd.s32 $0xFFFFCE00  }
0x266: {  	[spmem:s2] =	stream.indirect.scatter.add.f32 [tilespmem:s11], [sflag:$0x3], $0x80, s22, s10, $0xb8;
	[tilespmem:$0x1E000] =	vst v63  }
0x267: {  	_ =	swait.ge [sflag:s15], $0x3200  }
0x268: {  	[sflag:s15] =	ssyncset.done $0x0  }
0x269: {  	[sflag:s15] =	ssyncadd.s32 $0xFFFFCE00  }
0x26a: {  	[spmem:s2] =	stream.indirect.scatter.add.f32 [tilespmem:s13], [sflag:$0x4], $0x80, s23, s10, $0xb8;
	[tilespmem:$0x1E000] =	vst v63  }
0x26b: {  	_ =	swait.ge [sflag:s18], $0x3200  }
0x26c: {  	[sflag:s18] =	ssyncset.done $0x0  }
0x26d: {  	[sflag:s18] =	ssyncadd.s32 $0xFFFFCE00  }
0x26e: {  	[tilespmem:s11], [sflag:$0x1] =	stream.indirect.gather [hbm4b:s16+s10], $0x80, s24, s10, $0xb8;
	[tilespmem:$0x1E000] =	vst v63  }
0x26f: {  	_ =	swait.ge [sflag:s19], $0x3200  }
0x270: {  	[sflag:s19] =	ssyncset.done $0x0  }
0x271: {  	[sflag:s19] =	ssyncadd.s32 $0xFFFFCE00  }
0x272: {  	[tilespmem:s13], [sflag:$0x2] =	stream.indirect.gather [hbm4b:s16+s10], $0x80, s25, s10, $0xb8;
	[tilespmem:$0x1E000] =	vst v63  }
0x273: {  	_ =	swait.ge [sflag:s14], $0x3200  }
0x274: {  	[sflag:s14] =	ssyncset.done $0x0  }
0x275: {  	[sflag:s14] =	ssyncadd.s32 $0xFFFFCE00  }
0x276: {  	[spmem:s2] =	stream.indirect.scatter.add.f32 [tilespmem:s11], [sflag:$0x3], $0x80, s26, s10, $0xb8;
	[tilespmem:$0x1E000] =	vst v63  }
0x277: {  	_ =	swait.ge [sflag:s15], $0x3200  }
0x278: {  	[sflag:s15] =	ssyncset.done $0x0  }
0x279: {  	[sflag:s15] =	ssyncadd.s32 $0xFFFFCE00  }
0x27a: {  	[spmem:s2] =	stream.indirect.scatter.add.f32 [tilespmem:s13], [sflag:$0x4], $0x80, s28, s10, $0xb8;
	[tilespmem:$0x1E000] =	vst v63  }
0x27b: {  	_ =	swait.ge [sflag:s18], $0x3200  }
0x27c: {  	[sflag:s18] =	ssyncset.done $0x0  }
0x27d: {  	[sflag:s18] =	ssyncadd.s32 $0xFFFFCE00  }
0x27e: {  	[tilespmem:s11], [sflag:$0x1] =	stream.indirect.gather [hbm4b:s16+s10], $0x80, s29, s10, $0xb8;
	[tilespmem:$0x1E000] =	vst v63  }
0x27f: {  	_ =	swait.ge [sflag:s19], $0x3200  }
0x280: {  	[sflag:s19] =	ssyncset.done $0x0  }
0x281: {  	[sflag:s19] =	ssyncadd.s32 $0xFFFFCE00  }
0x282: {  	[tilespmem:s13], [sflag:$0x2] =	stream.indirect.gather [hbm4b:s16+s10], $0x80, s30, s10, $0xb8;
	[tilespmem:$0x1E000] =	vst v63  }
0x283: {  	_ =	swait.ge [sflag:s14], $0x3200  }
0x284: {  	[sflag:s14] =	ssyncset.done $0x0  }
0x285: {  	[sflag:s14] =	ssyncadd.s32 $0xFFFFCE00  }
0x286: {  	[spmem:s2] =	stream.indirect.scatter.add.f32 [tilespmem:s11], [sflag:$0x3], $0x80, s31, s10, $0xb8;
	[tilespmem:$0x1E000] =	vst v63  }
0x287: {  	_ =	swait.ge [sflag:s15], $0x3200  }
0x288: {  	[sflag:s15] =	ssyncset.done $0x0  }
0x289: {  	[sflag:s15] =	ssyncadd.s32 $0xFFFFCE00  }
0x28a: {  	[spmem:s2] =	stream.indirect.scatter.add.f32 [tilespmem:s13], [sflag:$0x4], $0x80, s1, s10, $0xb8;
	[tilespmem:$0x1E000] =	vst v63  }
0x28b: {  	_ =	swait.ge [sflag:s18], $0x3200  }
0x28c: {  	[sflag:s18] =	ssyncset.done $0x0  }
0x28d: {  	[sflag:s18] =	ssyncadd.s32 $0xFFFFCE00  }
0x28e: {  	_ =	swait.ge [sflag:s19], $0x3200  }
0x28f: {  	[sflag:s19] =	ssyncset.done $0x0  }
0x290: {  	[sflag:s19] =	ssyncadd.s32 $0xFFFFCE00  }
0x291: {  	[bflag:$0x0] =	sbarrier.arrive $0xFFFF  }
0x292: {  	s17 =	sld [smem:$0x7FD];
	_ =	sdelay $0x2  }
0x293: {  	[tilespmem:s12], [sflag:$0x5] =	stream.linear.gather [spmem:s17], $0x2000, $0x38;
	[tilespmem:$0x1E000] =	vst v63  }
0x294: {  	_ =	swait.ge [sflag:s8], $0x2000  }
0x295: {  	s7 =	sld [smem:$0x7E0]  }
0x296: {  	[sflag:s8] =	ssyncset.done $0x0  }
0x297: {  	s3 =	simm.s32 $0x0;
	[sflag:s8] =	ssyncadd.s32 $0xFFFFE000  }
0x298: {  	[hbm4b:s7+s3] =	stream.linear.scatter [tilespmem:s12], [sflag:$0x5], $0x2000, $0x38;
	[tilespmem:$0x1E000] =	vst v63  }
0x299: {  	_ =	swait.ge [sflag:s8], $0x2000  }
0x29a: {  	s4 =	sld [smem:$0x7EB]  }
0x29b: {  	[sflag:s8] =	ssyncset.done $0x0  }
0x29c: {  	[sflag:s8] =	ssyncadd.s32 $0xFFFFE000  }
0x29d: {  	[tilespmem:s12], [sflag:$0x5] =	stream.linear.gather [spmem:s4], $0x2000, $0x38;
	[tilespmem:$0x1E000] =	vst v63  }
0x29e: {  	_ =	swait.ge [sflag:s8], $0x2000  }
0x29f: {  	s5 =	sld [smem:$0x7E1]  }
0x2a0: {  	[sflag:s8] =	ssyncset.done $0x0  }
0x2a1: {  	[sflag:s8] =	ssyncadd.s32 $0xFFFFE000  }
0x2a2: {  	[hbm4b:s5+s3] =	stream.linear.scatter [tilespmem:s12], [sflag:$0x5], $0x2000, $0x38;
	[tilespmem:$0x1E000] =	vst v63  }
0x2a3: {  	_ =	swait.ge [sflag:s8], $0x2000  }
0x2a4: {  	s6 =	sld [smem:$0x7EC]  }
0x2a5: {  	[sflag:s8] =	ssyncset.done $0x0  }
0x2a6: {  	[sflag:s8] =	ssyncadd.s32 $0xFFFFE000  }
0x2a7: {  	[tilespmem:s12], [sflag:$0x5] =	stream.linear.gather [spmem:s6], $0x2000, $0x38;
	[tilespmem:$0x1E000] =	vst v63  }
0x2a8: {  	_ =	swait.ge [sflag:s8], $0x2000  }
0x2a9: {  	s7 =	sld [smem:$0x7E2]  }
0x2aa: {  	[sflag:s8] =	ssyncset.done $0x0  }
0x2ab: {  	[sflag:s8] =	ssyncadd.s32 $0xFFFFE000  }
0x2ac: {  	[hbm4b:s7+s3] =	stream.linear.scatter [tilespmem:s12], [sflag:$0x5], $0x2000, $0x38;
	[tilespmem:$0x1E000] =	vst v63  }
0x2ad: {  	_ =	swait.ge [sflag:s8], $0x2000  }
0x2ae: {  	s4 =	sld [smem:$0x7ED]  }
0x2af: {  	[sflag:s8] =	ssyncset.done $0x0  }
0x2b0: {  	[sflag:s8] =	ssyncadd.s32 $0xFFFFE000  }
0x2b1: {  	[tilespmem:s12], [sflag:$0x5] =	stream.linear.gather [spmem:s4], $0x2000, $0x38;
	[tilespmem:$0x1E000] =	vst v63  }
0x2b2: {  	_ =	swait.ge [sflag:s8], $0x2000  }
0x2b3: {  	s5 =	sld [smem:$0x7E3]  }
0x2b4: {  	[sflag:s8] =	ssyncset.done $0x0  }
0x2b5: {  	[sflag:s8] =	ssyncadd.s32 $0xFFFFE000  }
0x2b6: {  	[hbm4b:s5+s3] =	stream.linear.scatter [tilespmem:s12], [sflag:$0x5], $0x2000, $0x38;
	[tilespmem:$0x1E000] =	vst v63  }
0x2b7: {  	_ =	swait.ge [sflag:s8], $0x2000  }
0x2b8: {  	s6 =	sld [smem:$0x7EE]  }
0x2b9: {  	[sflag:s8] =	ssyncset.done $0x0  }
0x2ba: {  	[sflag:s8] =	ssyncadd.s32 $0xFFFFE000  }
0x2bb: {  	[tilespmem:s12], [sflag:$0x5] =	stream.linear.gather [spmem:s6], $0x2000, $0x38;
	[tilespmem:$0x1E000] =	vst v63  }
0x2bc: {  	_ =	swait.ge [sflag:s8], $0x2000  }
0x2bd: {  	s7 =	sld [smem:$0x7E4]  }
0x2be: {  	[sflag:s8] =	ssyncset.done $0x0  }
0x2bf: {  	[sflag:s8] =	ssyncadd.s32 $0xFFFFE000  }
0x2c0: {  	[hbm4b:s7+s3] =	stream.linear.scatter [tilespmem:s12], [sflag:$0x5], $0x2000, $0x38;
	[tilespmem:$0x1E000] =	vst v63  }
0x2c1: {  	_ =	swait.ge [sflag:s8], $0x2000  }
0x2c2: {  	s4 =	sld [smem:$0x7EF]  }
0x2c3: {  	[sflag:s8] =	ssyncset.done $0x0  }
0x2c4: {  	[sflag:s8] =	ssyncadd.s32 $0xFFFFE000  }
0x2c5: {  	[tilespmem:s12], [sflag:$0x5] =	stream.linear.gather [spmem:s4], $0x2000, $0x38;
	[tilespmem:$0x1E000] =	vst v63  }
0x2c6: {  	_ =	swait.ge [sflag:s8], $0x2000  }
0x2c7: {  	s5 =	sld [smem:$0x7E5]  }
0x2c8: {  	[sflag:s8] =	ssyncset.done $0x0  }
0x2c9: {  	[sflag:s8] =	ssyncadd.s32 $0xFFFFE000  }
0x2ca: {  	[hbm4b:s5+s3] =	stream.linear.scatter [tilespmem:s12], [sflag:$0x5], $0x2000, $0x38;
	[tilespmem:$0x1E000] =	vst v63  }
0x2cb: {  	_ =	swait.ge [sflag:s8], $0x2000  }
0x2cc: {  	s6 =	sld [smem:$0x7F0]  }
0x2cd: {  	[sflag:s8] =	ssyncset.done $0x0  }
0x2ce: {  	[sflag:s8] =	ssyncadd.s32 $0xFFFFE000  }
0x2cf: {  	[tilespmem:s12], [sflag:$0x5] =	stream.linear.gather [spmem:s6], $0x2000, $0x38;
	[tilespmem:$0x1E000] =	vst v63  }
0x2d0: {  	_ =	swait.ge [sflag:s8], $0x2000  }
0x2d1: {  	s7 =	sld [smem:$0x7E6]  }
0x2d2: {  	[sflag:s8] =	ssyncset.done $0x0  }
0x2d3: {  	[sflag:s8] =	ssyncadd.s32 $0xFFFFE000  }
0x2d4: {  	[hbm4b:s7+s3] =	stream.linear.scatter [tilespmem:s12], [sflag:$0x5], $0x2000, $0x38;
	[tilespmem:$0x1E000] =	vst v63  }
0x2d5: {  	_ =	swait.ge [sflag:s8], $0x2000  }
0x2d6: {  	s4 =	sld [smem:$0x7F1]  }
0x2d7: {  	[sflag:s8] =	ssyncset.done $0x0  }
0x2d8: {  	[sflag:s8] =	ssyncadd.s32 $0xFFFFE000  }
0x2d9: {  	[tilespmem:s12], [sflag:$0x5] =	stream.linear.gather [spmem:s4], $0x2000, $0x38;
	[tilespmem:$0x1E000] =	vst v63  }
0x2da: {  	_ =	swait.ge [sflag:s8], $0x2000  }
0x2db: {  	s5 =	sld [smem:$0x7E7]  }
0x2dc: {  	[sflag:s8] =	ssyncset.done $0x0  }
0x2dd: {  	[sflag:s8] =	ssyncadd.s32 $0xFFFFE000  }
0x2de: {  	[hbm4b:s5+s3] =	stream.linear.scatter [tilespmem:s12], [sflag:$0x5], $0x2000, $0x38;
	[tilespmem:$0x1E000] =	vst v63  }
0x2df: {  	_ =	swait.ge [sflag:s8], $0x2000  }
0x2e0: {  	s6 =	sld [smem:$0x7F2]  }
0x2e1: {  	[sflag:s8] =	ssyncset.done $0x0  }
0x2e2: {  	[sflag:s8] =	ssyncadd.s32 $0xFFFFE000  }
0x2e3: {  	[tilespmem:s12], [sflag:$0x5] =	stream.linear.gather [spmem:s6], $0x2000, $0x38;
	[tilespmem:$0x1E000] =	vst v63  }
0x2e4: {  	_ =	swait.ge [sflag:s8], $0x2000  }
0x2e5: {  	s7 =	sld [smem:$0x7E8]  }
0x2e6: {  	[sflag:s8] =	ssyncset.done $0x0  }
0x2e7: {  	[sflag:s8] =	ssyncadd.s32 $0xFFFFE000  }
0x2e8: {  	[hbm4b:s7+s3] =	stream.linear.scatter [tilespmem:s12], [sflag:$0x5], $0x2000, $0x38;
	[tilespmem:$0x1E000] =	vst v63  }
0x2e9: {  	_ =	swait.ge [sflag:s8], $0x2000  }
0x2ea: {  	s4 =	sld [smem:$0x7F3]  }
0x2eb: {  	[sflag:s8] =	ssyncset.done $0x0  }
0x2ec: {  	[sflag:s8] =	ssyncadd.s32 $0xFFFFE000  }
0x2ed: {  	[tilespmem:s12], [sflag:$0x5] =	stream.linear.gather [spmem:s4], $0x2000, $0x38;
	[tilespmem:$0x1E000] =	vst v63  }
0x2ee: {  	_ =	swait.ge [sflag:s8], $0x2000  }
0x2ef: {  	s5 =	sld [smem:$0x7E9]  }
0x2f0: {  	[sflag:s8] =	ssyncset.done $0x0  }
0x2f1: {  	[sflag:s8] =	ssyncadd.s32 $0xFFFFE000  }
0x2f2: {  	[hbm4b:s5+s3] =	stream.linear.scatter [tilespmem:s12], [sflag:$0x5], $0x2000, $0x38;
	[tilespmem:$0x1E000] =	vst v63  }
0x2f3: {  	_ =	swait.ge [sflag:s8], $0x2000  }
0x2f4: {  	s6 =	sld [smem:$0x7DD]  }
0x2f5: {  	s7 =	sld [smem:$0x7EA];
	_ =	sdelay $0x1  }
0x2f6: {  	s4 =	sadd.s32 $0x1, s6  }
0x2f7: {  	p0 =	sne.s32 s4, s7  }
.Ltmp2:
0x2f8: {  	_ = 	snop;
	(pc) =	sbr.rel @p0 .LBB2_1-.Ltmp2, $3  }
0x2f9: {  	_ =	sdelay $0x1  }
0x2fa: {  	[sflag:s8] =	ssyncset.done $0x0  }
0x2fb: {  	[sflag:s8] =	ssyncadd.s32 $0xFFFFE000  }
0x2fc: {  	_ =	sfence.sel $0x180000  }
0x2fd: {  	[bflag:$0x0] =	sbarrier.arrive $0xFFFF  }
0x2fe: {  	_ =	strace $0x9000004D  }
0x2ff: {  	s0 =	stileid.u32;
	[bflag:$0x2] =	sbarrier.arrive $0xFFFF  }
0x300: {  	p0 =	sne.s32 s0, $0x0;
	s0 =	rddreg [dreg:$0x3]  }
0x301: {  	s0 =	sadd.s32 @!p0 $0x100000, s0  }
0x302: {  	[sflag:s0] =	ssyncadd.tile.s32 @!p0 $0x1;
	_ =	shalt  }
.Lfunc_end2:
_tile_overlayer_lowered:
.L_overlay_start_2:
0x303: {  	(tag) =	ssettag $0x2  }
0x304: {  	s0 =	rddreg [dreg:$0x0];
	s2 =	stileid.u32  }
0x305: {  	s1 =	rddreg [dreg:$0x1];
	p0 =	sne.s32 s2, $0x0  }
0x306: {  	s3 =	rddreg [dreg:$0x2];
	[bflag:$0x3] =	sbarrier.arrive $0xFFFF;
	s2 =	simm.s32 @!p0 $0x1C05  }
0x307: {  	[timem:s3], [sflag:s2] =	dma.local @!p0 [hbm:s0], s1  }
0x308: {  	s0 =	simm.s32 @!p0 $0x5  }
0x309: {  	_ =	swait.ge @!p0 [sflag:s0], s1  }
0x30a: {  	s1 =	ssub.s32 @!p0 $0x0, s1;
	[sflag:s0] =	ssyncset.done @!p0 $0x0  }
0x30b: {  	[sflag:s0] =	ssyncadd.s32 @!p0 s1  }
0x30c: {  	[bflag:$0x3] =	sbarrier.arrive $0xFFFF  }
0x30d: {  	_ =	shalt  }

// kernel: kernel.8.cloned.1.call-start
scs
__scs_entry_jumppad:
0x0: {  	(pc) =	sbr.rel $0x88, $3  }
0x1: {  	(tag) =	ssettag $0x0;
	lr =	simm.s32 $0x1  }
0x2: {  	[smem:$0x3F9B] =	sst lr;
	_ =	strace $0xD0000000  }
0x3: {  	_ = 	snop  }
0x4: {  	_ = 	snop  }
0x5: {  	_ = 	snop  }
0x6: {  	_ = 	snop  }
0x7: {  	_ = 	snop  }
__scs_overlays_trampoline_lowered:
0x8: {  	[smem:$0x3FAA] =	sst s0  }
0x9: {  	[smem:$0x3FAB] =	sst s1  }
0xa: {  	[smem:$0x3FAC] =	sst s2  }
0xb: {  	[smem:$0x3FAD] =	sst s3  }
0xc: {  	[smem:$0x3FAE] =	sst s4  }
0xd: {  	[smem:$0x3FAF] =	sst s5  }
0xe: {  	[smem:$0x3FB0] =	sst s6  }
0xf: {  	[smem:$0x3FB1] =	sst s7  }
0x10: {  	[smem:$0x3FB2] =	sst s8  }
0x11: {  	[smem:$0x3FB3] =	sst s9;
	s0 =	simm.s32 @!p0 $0x0  }
0x12: {  	s1 =	sld [smem:$0x3F99];
	s0 =	simm.s32 @p0 $0x1  }
0x13: {  	[smem:$0x3FB4] =	sst s0;
	s0 =	simm.s32 @!p1 $0x0  }
0x14: {  	s2 =	sld [smem:$0x3F98];
	s0 =	simm.s32 @p1 $0x1  }
0x15: {  	[smem:$0x3FB5] =	sst s0;
	s0 =	simm.s32 @!p2 $0x0  }
0x16: {  	s3 =	sld [smem:$0x3FDB];
	s0 =	simm.s32 @p2 $0x1  }
0x17: {  	s4 =	simm.s32 $0x1BF5;
	[smem:$0x3FB7] =	sst s0  }
0x18: {  	s0 =	sld [smem:$0x3F9A];
	_ =	swait.ge [sflag:s4], $0x0  }
0x19: {  	s7 =	sld [smem:$0x3F9B]  }
0x1a: {  	s8 =	sadd.s32 $0xFFFFE003, lr  }
0x1b: {  	s9 =	sadd.s32 $0xFFFFFEF7, lr;
	s5 =	simm.s32 $0xFFFFFFFF;
	p2 =	slt.u32 s8, $0xFFFFF086  }
0x1c: {  	p1 =	slt.u32 s9, $0xF7A;
	s5 =	simm.s32 @!p2 $0x0  }
0x1d: {  	s5 =	simm.s32 @p1 $0x1;
	p0 =	seq.s32 s7, s2  }
0x1e: {  	s7 =	smul.u32 @!p0 $0xF7A, s2;
	p2 =	seq.s32 @!p0 s5, $0x0  }
0x1f: {  	s9 =	smul.u32 $0xF7A, s1;
	s8 =	simm.s32 @!p0 $0x1BF5;
	p2 =	por !p2, p0  }
0x20: {  	[sflag:s8] =	ssyncset.s32 @!p0 $0xFFFFF086;
	s6 =	sadd.s32 @!p0 s3, s7;
	s7 =	simm.s32 @!p0 $0x108  }
0x21: {  	s3 =	sadd.s32 s3, s9;
	s6 =	sadd.s32 @!p0 $0x88, s6;
	s7 =	simm.s32 @p2 $0x1082  }
0x22: {  	[simem:s7], [sflag:s8] =	dma.local @!p0 [hbm:s6], $0xF7A  }
0x23: {  	s9 =	sor.u32 $0xD0000000, s2;
	s6 =	simm.s32 $0x108;
	_ =	swait.ge @!p0 [sflag:s8], $0x0  }
0x24: {  	s3 =	sadd.s32 $0x88, s3;
	s6 =	simm.s32 @!p1 $0x1082;
	[sflag:s4] =	ssyncset.s32 $0xFFFFF086  }
0x25: {  	[simem:s6], [sflag:s4] =	dma.local [hbm:s3], $0xF7A  }
0x26: {  	[smem:$0x3F9B] =	sst s1;
	(tag) =	ssettag s2;
	_ =	strace s9  }
0x27: {  	s1 =	sld [smem:$0x3FAB]  }
0x28: {  	s2 =	sld [smem:$0x3FAC]  }
0x29: {  	s4 =	sld [smem:$0x3FAE]  }
0x2a: {  	p0 =	seq.s32 s5, $0x0;
	s5 =	sld [smem:$0x3FAF]  }
0x2b: {  	s6 =	sld [smem:$0x3FB0]  }
0x2c: {  	s7 =	sld [smem:$0x3FB1]  }
0x2d: {  	s3 =	simm.s32 $0x108;
	s8 =	sld [smem:$0x3FB2]  }
0x2e: {  	s3 =	simm.s32 @!p0 $0x1082;
	s9 =	sld [smem:$0x3FB3]  }
0x2f: {  	lr =	sadd.s32 s0, s3;
	s0 =	sld [smem:$0x3FAA]  }
0x30: {  	s3 =	sld [smem:$0x3FAD]  }
0x31: {  	[smem:$0x3FB6] =	sst s10  }
0x32: {  	s10 =	sld [smem:$0x3FB4];
	_ =	sdelay $0x3  }
0x33: {  	p0 =	seq.s32 s10, $0x1;
	s10 =	sld [smem:$0x3FB6];
	_ =	sdelay $0x3  }
0x34: {  	[smem:$0x3FB6] =	sst s10  }
0x35: {  	s10 =	sld [smem:$0x3FB5];
	_ =	sdelay $0x3  }
0x36: {  	p1 =	seq.s32 s10, $0x1;
	s10 =	sld [smem:$0x3FB6];
	_ =	sdelay $0x3  }
0x37: {  	[smem:$0x3FB6] =	sst s10  }
0x38: {  	s10 =	sld [smem:$0x3FB7]  }
0x39: {  	_ = 	snop;
	(pc) =	sbr.ind lr, $3  }
0x3a: {  	_ = 	snop  }
0x3b: {  	_ = 	snop  }
0x3c: {  	p2 =	seq.s32 s10, $0x1;
	s10 =	sld [smem:$0x3FB6]  }
0x3d: {  	_ =	shalt  }
0x3e: {  	_ =	shalt  }
0x3f: {  	_ =	shalt  }
0x40: {  	_ =	shalt  }
0x41: {  	_ =	shalt  }
0x42: {  	_ =	shalt  }
0x43: {  	_ =	shalt  }
0x44: {  	_ =	shalt  }
0x45: {  	_ =	shalt  }
0x46: {  	_ =	shalt  }
0x47: {  	_ =	shalt  }
0x48: {  	_ =	shalt  }
0x49: {  	_ =	shalt  }
0x4a: {  	_ =	shalt  }
0x4b: {  	_ =	shalt  }
0x4c: {  	_ =	shalt  }
0x4d: {  	_ =	shalt  }
0x4e: {  	_ =	shalt  }
0x4f: {  	_ =	shalt  }
0x50: {  	_ =	shalt  }
0x51: {  	_ =	shalt  }
0x52: {  	_ =	shalt  }
0x53: {  	_ =	shalt  }
0x54: {  	_ =	shalt  }
0x55: {  	_ =	shalt  }
0x56: {  	_ =	shalt  }
0x57: {  	_ =	shalt  }
0x58: {  	_ =	shalt  }
0x59: {  	_ =	shalt  }
0x5a: {  	_ =	shalt  }
0x5b: {  	_ =	shalt  }
0x5c: {  	_ =	shalt  }
0x5d: {  	_ =	shalt  }
0x5e: {  	_ =	shalt  }
0x5f: {  	_ =	shalt  }
0x60: {  	_ =	shalt  }
0x61: {  	_ =	shalt  }
0x62: {  	_ =	shalt  }
0x63: {  	_ =	shalt  }
0x64: {  	_ =	shalt  }
0x65: {  	_ =	shalt  }
0x66: {  	_ =	shalt  }
0x67: {  	_ =	shalt  }
0x68: {  	_ =	shalt  }
0x69: {  	_ =	shalt  }
0x6a: {  	_ =	shalt  }
0x6b: {  	_ =	shalt  }
0x6c: {  	_ =	shalt  }
0x6d: {  	_ =	shalt  }
0x6e: {  	_ =	shalt  }
0x6f: {  	_ =	shalt  }
0x70: {  	_ =	shalt  }
0x71: {  	_ =	shalt  }
0x72: {  	_ =	shalt  }
0x73: {  	_ =	shalt  }
0x74: {  	_ =	shalt  }
0x75: {  	_ =	shalt  }
0x76: {  	_ =	shalt  }
0x77: {  	_ =	shalt  }
0x78: {  	_ =	shalt  }
0x79: {  	_ =	shalt  }
0x7a: {  	_ =	shalt  }
0x7b: {  	_ =	shalt  }
0x7c: {  	_ =	shalt  }
0x7d: {  	_ =	shalt  }
0x7e: {  	_ =	shalt  }
0x7f: {  	_ =	shalt  }
0x80: {  	_ =	shalt  }
0x81: {  	_ =	shalt  }
0x82: {  	_ =	shalt  }
0x83: {  	_ =	shalt  }
0x84: {  	_ =	shalt  }
0x85: {  	_ =	shalt  }
0x86: {  	_ =	shalt  }
0x87: {  	_ =	shalt  }
.Lfunc_end0:
.L_simem_size_0:
called_computation_lowered:
.L_overlay_start_0:
0x88: {  	s2 =	sld [smem:$0x3FD9]  }
0x89: {  	s3 =	sld [smem:$0x3FFE];
	_ =	sdelay $0x1  }
0x8a: {  	s1 =	srdreg.scid  }
0x8b: {  	s0 =	sand.u32 $0x1, s1  }
0x8c: {  	s16 =	sshll.u32 s0, $0xA;
	s2 =	sadd.s32 s3, s2  }
0x8d: {  	s2 =	sadd.s32 s2, s16  }
0x8e: {  	[smem:$0x3FC2] =	sst s2  }
0x8f: {  	_ = 	snop  }
0x90: {  	(tm) =	ssettm $0x1  }
0x91: {  	s17 =	sld [smem:$0x3FFB];
	_ =	sdelay $0x3  }
0x92: {  	_ =	strace s17  }
0x93: {  	s2 =	sld [smem:$0x3FFC];
	_ =	sdelay $0x3  }
0x94: {  	_ =	strace s2  }
0x95: {  	s2 =	sld [smem:$0x3FFD];
	_ =	sdelay $0x3  }
0x96: {  	_ =	strace s2  }
0x97: {  	_ =	strace $0x8FFFFFFF  }
0x98: {  	s18 =	sld [smem:$0x3FDB];
	_ =	sdelay $0x1  }
0x99: {  	s19 =	simm.s32 $_scs_section_size  }
0x9a: {  	s4 =	simm.s32 $_size__tile_overlayer_lowered;
	s5 =	simm.s32 $_tile_overlayer_lowered  }
0x9b: {  	s22 =	simm.s32 $0x1BFF;
	s21 =	sshll.u32 s5, $0x1;
	s2 =	sadd.s32 s19, s18  }
0x9c: {  	s6 =	simm.s32 $0x0;
	s20 =	sshll.u32 s4, $0x1;
	s4 =	sadd.s32 s21, s2  }
0x9d: {  	[timem:s6], [sflag:s22] =	dma.local [hbm:s4], s20  }
0x9e: {  	_ =	swait.ge [sflag:s22], s20  }
0x9f: {  	s3 =	ssub.s32 $0x0, s20;
	[sflag:s22] =	ssyncset.done $0x0  }
0xa0: {  	[sflag:s22] =	ssyncadd.s32 s3;
	_ =	sdelay $0x1  }
0xa1: {  	s23 =	simm.s32 $0x1B8B  }
0xa2: {  	_ =	swait.ge [sflag:s23], $0x1  }
0xa3: {  	[sflag:s23] =	ssyncset.done $0x0  }
0xa4: {  	s25 =	simm.s32 $0x1B8E;
	s24 =	sld [smem:$0x3FFE];
	[sflag:s23] =	ssyncadd.s32 $0xFFFFFFFF  }
0xa5: {  	s26 =	simm.s32 $execute0_lowered;
	[smem:$0x3FD2] =	sst s25  }
0xa6: {  	s4 =	sshll.u32 s26, $0x1;
	_ =	strace $0x80000046;
	[dreg:$0x1] =	wrdreg $0xFFFFFFFF  }
0xa7: {  	s28 =	simm.s32 $_size_execute0_lowered;
	s2 =	sadd.s32 s2, s4;
	[dreg:$0x0] =	wrdreg $0x0  }
0xa8: {  	s4 =	sshll.u32 s28, $0x1;
	[dreg:$0x2] =	wrdreg s2  }
0xa9: {  	[dreg:$0x3] =	wrdreg s4  }
0xaa: {  	[dreg:$0x4] =	wrdreg $0xC0  }
0xab: {  	_ =	task [dreg:s6], $0x5FFFF  }
0xac: {  	[dreg:$0x1] =	wrdreg $0xFFFFFFFF  }
0xad: {  	[dreg:$0x0] =	wrdreg $0x60  }
0xae: {  	[dreg:$0x2] =	wrdreg s24  }
0xaf: {  	[dreg:$0x3] =	wrdreg $0x88000  }
0xb0: {  	[dreg:$0x4] =	wrdreg $0x9  }
0xb1: {  	_ =	task.clear_ibuf [dreg:s6], $0x5FFFF;
	_ =	strace $0x90000046  }
0xb2: {  	s29 =	simm.s32 $0x9;
	_ =	strace $0x80000048  }
0xb3: {  	_ =	swait.ge [sflag:s29], $0x1  }
0xb4: {  	[sflag:s29] =	ssyncadd.s32 $0xFFFFFFFF  }
0xb5: {  	_ =	strace $0x90000048  }
0xb6: {  	_ =	sfence  }
0xb7: {  	s30 =	sld [smem:$0x0];
	_ =	sdelay $0x2  }
0xb8: {  	s31 =	sshll.u32 s1, $0xD;
	s1 =	sshrl.u32 s1, $0x2  }
0xb9: {  	s3 =	sand.u32 $0x4000, s31;
	s1 =	sadd.s32 s1, s30  }
0xba: {  	s0 =	sor.u32 s3, s0;
	s1 =	sshll.u32 s1, $0x11  }
0xbb: {  	s0 =	sor.u32 s1, s0  }
0xbc: {  	s0 =	sadd.s32 $0x8F2B, s0  }
0xbd: {  	[sflag:s0] =	ssyncadd.remote.s32 $0x1  }
0xbe: {  	_ =	sfence.sel $0xFFFF  }
0xbf: {  	[dreg:$0x0] =	wrdreg $0xFFFFFFFF;
	(pc) =	sbr.abs _section_cstart, $3  }
0xc0: {  	[dreg:$0x1] =	wrdreg $0xFFFFFFFF  }
0xc1: {  	_ =	task.clear_ibuf [dreg:s6], $0x2FFFF;
	_ =	strace $0x9FFFFFFF  }
0xc2: {  	(tm) =	ssettm $0x7FFFFFFF  }
0xc3: {  	_ =	shalt  }
tec
execute0_lowered:
.L_overlay_start_1:
0x0: {  	(tag) =	ssettag $0x1  }
0x1: {  	s0 =	srdreg.scid;
	s8 =	stileid.u32  }
0x2: {  	s3 =	rddreg [dreg:$0x0];
	s2 =	simm.s32 $0x0;
	s0 =	sand.u32 $0x1, s0  }
0x3: {  	s6 =	smul.u32 $0x14000, s8;
	[smem:$0x7FF] =	sst s2;
	s1 =	sshll.u32 s0, $0x4  }
0x4: {  	s5 =	smul.u32 $0x140000, s0;
	s0 =	ssub.s32 $0x2, s0;
	s1 =	sor.u32 s8, s1  }
0x5: {  	s7 =	sshrl.u32 s0, $0x1;
	s8 =	smul.u32 $0x50000, s8;
	s9 =	sor.u32 $0x2000, s6  }
0x6: {  	s10 =	sadd.s32 $0x4000, s6;
	s12 =	sadd.s32 $0x6000, s6;
	s21 =	sadd.s32 $0x8000, s6  }
0x7: {  	s13 =	sadd.s32 $0xA000, s6;
	s22 =	sadd.s32 $0xC000, s6;
	s4 =	smul.u32 $0x680, s1  }
0x8: {  	s1 =	rddreg [dreg:$0x1];
	s0 =	ssub.s32 s0, s7;
	s16 =	sadd.s32 s5, s6  }
0x9: {  	s17 =	sadd.s32 s5, s9;
	s11 =	sadd.s32 s5, s10;
	s19 =	sadd.s32 s5, s12  }
0xa: {  	s24 =	sadd.s32 s5, s21;
	s14 =	sadd.s32 s5, s13;
	s26 =	sadd.s32 s5, s22  }
0xb: {  	s7 =	sshrl.u32 s16, $0x3;
	s18 =	sshrl.u32 s11, $0x3;
	s20 =	sshrl.u32 s19, $0x3  }
0xc: {  	s25 =	sshrl.u32 s14, $0x3;
	s15 =	sshrl.u32 s26, $0x3;
	s16 =	sadd.s32 $0xE000, s6  }
0xd: {  	s26 =	sshrl.u32 s8, $0x2;
	s0 =	smax.u32 s0, $0x1;
	s19 =	sadd.s32 s12, s1  }
0xe: {  	s22 =	sadd.s32 s22, s1;
	s4 =	sadd.s32 s4, s3;
	s3 =	sadd.s32 $0xEE00, s3  }
0xf: {  	s8 =	simm.s32 $0x3400;
	s11 =	simm.s32 $0x0;
	s7 =	sadd.s32 s3, s7  }
0x10: {  	s23 =	sadd.s32 s5, s16;
	[dreg:$0x3] =	wrdreg s7;
	s7 =	sshrl.u32 s17, $0x3  }
0x11: {  	s4 =	sadd.s32 $0x1E00, s4;
	s17 =	sadd.s32 s9, s1;
	s7 =	sadd.s32 s3, s7  }
0x12: {  	s9 =	simm.s32 $0x1;
	[dreg:$0x4] =	wrdreg s7;
	s7 =	sadd.s32 s3, s18  }
0x13: {  	s18 =	sadd.s32 s10, s1;
	[dreg:$0x5] =	wrdreg s7;
	s7 =	sadd.s32 s3, s20  }
0x14: {  	s20 =	sadd.s32 s21, s1;
	[dreg:$0x6] =	wrdreg s7;
	s7 =	sshrl.u32 s24, $0x3  }
0x15: {  	s21 =	sadd.s32 s13, s1;
	s24 =	sadd.s32 $0x10000, s6;
	s7 =	sadd.s32 s3, s7  }
0x16: {  	s6 =	sadd.s32 $0x12000, s6;
	[dreg:$0x7] =	wrdreg s7;
	s7 =	sadd.s32 s3, s25  }
0x17: {  	[dreg:$0x8] =	wrdreg s7;
	s7 =	sadd.s32 s3, s15;
	s15 =	sadd.s32 s5, s24  }
0x18: {  	s5 =	sadd.s32 s5, s6;
	s24 =	sadd.s32 s24, s1;
	[dreg:$0x9] =	wrdreg s7  }
0x19: {  	s7 =	sshrl.u32 s23, $0x3;
	s25 =	sshrl.u32 s15, $0x3;
	s5 =	sshrl.u32 s5, $0x3  }
0x1a: {  	s15 =	sadd.s32 s26, s1;
	s23 =	sadd.s32 s16, s1;
	s7 =	sadd.s32 s3, s7  }
0x1b: {  	s26 =	sadd.s32 $0x2000, s15;
	s28 =	sadd.s32 $0x4000, s15;
	s29 =	sadd.s32 $0x6000, s15  }
0x1c: {  	s30 =	sadd.s32 $0x8000, s15;
	s31 =	sadd.s32 $0xA000, s15;
	s10 =	sadd.s32 $0xC000, s15  }
0x1d: {  	[dreg:$0xa] =	wrdreg s7;
	s7 =	sadd.s32 s3, s25;
	s3 =	sadd.s32 s3, s5  }
0x1e: {  	s25 =	sadd.s32 s6, s1;
	s5 =	simm.s32 $0x2;
	[dreg:$0xb] =	wrdreg s7  }
0x1f: {  	s6 =	simm.s32 $0x6800;
	[dreg:$0xc] =	wrdreg s3;
	s3 =	sadd.s32 $0x10000, s15  }
0x20: {  	s7 =	simm.s32 $0x64;
	_ =	strace $0x80000047;
	[dreg:$0xd] =	wrdreg s4  }
0x21: {  	v0 =	vimm.f32 $1.000000000e+00;
	v1 =	vimm.f32 $0.0e+00;
	[dreg:$0xe] =	wrdreg s0;
	s0 =	sadd.s32 $0xE000, s15;
	s4 =	sadd.s32 $0x12000, s15  }
.LBB2_1:
0x22: {  	s12 =	rddreg [dreg:$0xd]  }
0x23: {  	[tilespmem:s2], [sflag:$0x2] =	stream.linear.gather [hbm4b:s12+s2], $0x3200, $0x38;
	[tilespmem:$0x1C800] =	vst v63  }
0x24: {  	_ =	swait.ge [sflag:s5], $0x3200  }
0x25: {  	[sflag:s5] =	ssyncset.done $0x0  }
0x26: {  	s13 =	simm.s32 $0x200;
	s12 =	simm.s32 $0x0;
	[sflag:s5] =	ssyncadd.s32 $0xFFFFCE00  }
.LBB2_2:
0x27: {  	p0 =	sne.s32 s13, $0xC600;
	[tilespmem:s12+$0x3470] =	vst v0  }
0x28: {  	[tilespmem:s12+$0x3400] =	vst v0  }
0x29: {  	[tilespmem:s12+$0x3410] =	vst v0  }
.Ltmp0:
0x2a: {  	[tilespmem:s12+$0x3420] =	vst v0;
	(pc) =	sbr.rel @p0 .LBB2_2-.Ltmp0, $4  }
0x2b: {  	[tilespmem:s12+$0x3430] =	vst v0  }
0x2c: {  	[tilespmem:s12+$0x3440] =	vst v0  }
0x2d: {  	[tilespmem:s12+$0x3450] =	vst v0  }
0x2e: {  	[tilespmem:s12+$0x3460] =	vst v0;
	s12 =	sshra.s32 s13, $0x2;
	s13 =	sadd.s32 $0x200, s13  }
0x2f: {  	[tilespmem:s12+$0x3470] =	vst v0  }
0x30: {  	[tilespmem:s12+$0x3400] =	vst v0  }
0x31: {  	[tilespmem:s12+$0x3410] =	vst v0  }
0x32: {  	[tilespmem:s12+$0x3420] =	vst v0  }
0x33: {  	[tilespmem:s12+$0x3430] =	vst v0  }
0x34: {  	[tilespmem:s12+$0x3440] =	vst v0  }
0x35: {  	[tilespmem:s12+$0x3450] =	vst v0  }
0x36: {  	[tilespmem:s12+$0x3460] =	vst v0;
	s12 =	simm.s32 $0x0;
	s13 =	simm.s32 $0x200  }
.LBB2_4:
0x37: {  	p0 =	sne.s32 s13, $0x7E00;
	[tilespmem:s12+$0x6870] =	vst v1  }
0x38: {  	[tilespmem:s12+$0x6800] =	vst v1  }
0x39: {  	[tilespmem:s12+$0x6810] =	vst v1  }
.Ltmp1:
0x3a: {  	[tilespmem:s12+$0x6820] =	vst v1;
	(pc) =	sbr.rel @p0 .LBB2_4-.Ltmp1, $4  }
0x3b: {  	[tilespmem:s12+$0x6830] =	vst v1  }
0x3c: {  	[tilespmem:s12+$0x6840] =	vst v1  }
0x3d: {  	[tilespmem:s12+$0x6850] =	vst v1  }
0x3e: {  	[tilespmem:s12+$0x6860] =	vst v1;
	s12 =	sshra.s32 s13, $0x2;
	s13 =	sadd.s32 $0x200, s13  }
0x3f: {  	[tilespmem:s12+$0x6870] =	vst v1  }
0x40: {  	[tilespmem:s12+$0x6800] =	vst v1  }
0x41: {  	[tilespmem:s12+$0x6810] =	vst v1  }
0x42: {  	[tilespmem:s12+$0x6820] =	vst v1  }
0x43: {  	[tilespmem:s12+$0x6830] =	vst v1  }
0x44: {  	[tilespmem:s12+$0x6840] =	vst v1  }
0x45: {  	[tilespmem:s12+$0x6850] =	vst v1  }
0x46: {  	[tilespmem:s12+$0x6860] =	vst v1  }
0x47: {  	[spmem:s15] =	stream.linear.scatter [tilespmem:s6], [sflag:$0x2], $0x2000, $0x38;
	[tilespmem:$0x1C800] =	vst v63  }
0x48: {  	_ =	swait.ge [sflag:s5], $0x2000  }
0x49: {  	[sflag:s5] =	ssyncset.done $0x0  }
0x4a: {  	[sflag:s5] =	ssyncadd.s32 $0xFFFFE000  }
0x4b: {  	[spmem:s26] =	stream.linear.scatter [tilespmem:s6], [sflag:$0x2], $0x2000, $0x38;
	[tilespmem:$0x1C800] =	vst v63  }
0x4c: {  	_ =	swait.ge [sflag:s5], $0x2000  }
0x4d: {  	[sflag:s5] =	ssyncset.done $0x0  }
0x4e: {  	[sflag:s5] =	ssyncadd.s32 $0xFFFFE000  }
0x4f: {  	[spmem:s28] =	stream.linear.scatter [tilespmem:s6], [sflag:$0x2], $0x2000, $0x38;
	[tilespmem:$0x1C800] =	vst v63  }
0x50: {  	_ =	swait.ge [sflag:s5], $0x2000  }
0x51: {  	[sflag:s5] =	ssyncset.done $0x0  }
0x52: {  	[sflag:s5] =	ssyncadd.s32 $0xFFFFE000  }
0x53: {  	[spmem:s29] =	stream.linear.scatter [tilespmem:s6], [sflag:$0x2], $0x2000, $0x38;
	[tilespmem:$0x1C800] =	vst v63  }
0x54: {  	_ =	swait.ge [sflag:s5], $0x2000  }
0x55: {  	[sflag:s5] =	ssyncset.done $0x0  }
0x56: {  	[sflag:s5] =	ssyncadd.s32 $0xFFFFE000  }
0x57: {  	[spmem:s30] =	stream.linear.scatter [tilespmem:s6], [sflag:$0x2], $0x2000, $0x38;
	[tilespmem:$0x1C800] =	vst v63  }
0x58: {  	_ =	swait.ge [sflag:s5], $0x2000  }
0x59: {  	[sflag:s5] =	ssyncset.done $0x0  }
0x5a: {  	[sflag:s5] =	ssyncadd.s32 $0xFFFFE000  }
0x5b: {  	[spmem:s31] =	stream.linear.scatter [tilespmem:s6], [sflag:$0x2], $0x2000, $0x38;
	[tilespmem:$0x1C800] =	vst v63  }
0x5c: {  	_ =	swait.ge [sflag:s5], $0x2000  }
0x5d: {  	[sflag:s5] =	ssyncset.done $0x0  }
0x5e: {  	[sflag:s5] =	ssyncadd.s32 $0xFFFFE000  }
0x5f: {  	[spmem:s10] =	stream.linear.scatter [tilespmem:s6], [sflag:$0x2], $0x2000, $0x38;
	[tilespmem:$0x1C800] =	vst v63  }
0x60: {  	_ =	swait.ge [sflag:s5], $0x2000  }
0x61: {  	[sflag:s5] =	ssyncset.done $0x0  }
0x62: {  	[sflag:s5] =	ssyncadd.s32 $0xFFFFE000  }
0x63: {  	[spmem:s0] =	stream.linear.scatter [tilespmem:s6], [sflag:$0x2], $0x2000, $0x38;
	[tilespmem:$0x1C800] =	vst v63  }
0x64: {  	_ =	swait.ge [sflag:s5], $0x2000  }
0x65: {  	[sflag:s5] =	ssyncset.done $0x0  }
0x66: {  	[sflag:s5] =	ssyncadd.s32 $0xFFFFE000  }
0x67: {  	[spmem:s3] =	stream.linear.scatter [tilespmem:s6], [sflag:$0x2], $0x2000, $0x38;
	[tilespmem:$0x1C800] =	vst v63  }
0x68: {  	_ =	swait.ge [sflag:s5], $0x2000  }
0x69: {  	[sflag:s5] =	ssyncset.done $0x0  }
0x6a: {  	[sflag:s5] =	ssyncadd.s32 $0xFFFFE000  }
0x6b: {  	[spmem:s4] =	stream.linear.scatter [tilespmem:s6], [sflag:$0x2], $0x2000, $0x38;
	[tilespmem:$0x1C800] =	vst v63  }
0x6c: {  	_ =	swait.ge [sflag:s5], $0x2000  }
0x6d: {  	[sflag:s5] =	ssyncset.done $0x0  }
0x6e: {  	p0 =	por $0x1, $0x1;
	[sflag:s5] =	ssyncadd.s32 $0xFFFFE000  }
0x6f: {  	s13 =	simm.s32 @!p0 $0x1;
	[bflag:$0x0] =	sbarrier.arrive $0xFFFF  }
0x70: {  	_ =	swait.ge @!p0 [sflag:s13], $0x3200  }
0x71: {  	s14 =	simm.s32 $0x0;
	[sflag:s13] =	ssyncset.done @!p0 $0x0  }
0x72: {  	s12 =	simm.s32 $0x1;
	[sflag:s13] =	ssyncadd.s32 @!p0 $0xFFFFCE00;
	s13 =	simm.s32 $0x80  }
.LBB2_6:
0x73: {  	[spmem:s1] =	stream.indirect.scatter.add.f32 [tilespmem:s8], [sflag:$0x1], $0x80, s14, s7, $0xb8;
	[tilespmem:$0x1C800] =	vst v63  }
0x74: {  	p0 =	slt.u32 s12, $0x8;
	s12 =	sadd.s32 $0x1, s12  }
0x75: {  	p1 =	sne.s32 s12, $0x64  }
.Ltmp2:
0x76: {  	(pc) =	sbr.rel @p1 .LBB2_6-.Ltmp2, $4  }
0x77: {  	s14 =	smov.u32 s13;
	s16 =	simm.s32 @!p0 $0x1  }
0x78: {  	_ =	swait.ge @!p0 [sflag:s16], $0x3200  }
0x79: {  	[sflag:s16] =	ssyncset.done @!p0 $0x0  }
0x7a: {  	s13 =	sadd.s32 $0x80, s13;
	[sflag:s16] =	ssyncadd.s32 @!p0 $0xFFFFCE00  }
0x7b: {  	[spmem:s1] =	stream.indirect.scatter.add.f32 [tilespmem:s8], [sflag:$0x1], $0x80, s14, s7, $0xb8;
	[tilespmem:$0x1C800] =	vst v63  }
0x7c: {  	_ =	swait.ge [sflag:s9], $0x3200  }
0x7d: {  	[sflag:s9] =	ssyncset.done $0x0  }
0x7e: {  	[sflag:s9] =	ssyncadd.s32 $0xFFFFCE00  }
0x7f: {  	_ =	swait.ge [sflag:s9], $0x3200  }
0x80: {  	[sflag:s9] =	ssyncset.done $0x0  }
0x81: {  	[sflag:s9] =	ssyncadd.s32 $0xFFFFCE00  }
0x82: {  	_ =	swait.ge [sflag:s9], $0x3200  }
0x83: {  	[sflag:s9] =	ssyncset.done $0x0  }
0x84: {  	[sflag:s9] =	ssyncadd.s32 $0xFFFFCE00  }
0x85: {  	_ =	swait.ge [sflag:s9], $0x3200  }
0x86: {  	[sflag:s9] =	ssyncset.done $0x0  }
0x87: {  	[sflag:s9] =	ssyncadd.s32 $0xFFFFCE00  }
0x88: {  	_ =	swait.ge [sflag:s9], $0x3200  }
0x89: {  	[sflag:s9] =	ssyncset.done $0x0  }
0x8a: {  	[sflag:s9] =	ssyncadd.s32 $0xFFFFCE00  }
0x8b: {  	_ =	swait.ge [sflag:s9], $0x3200  }
0x8c: {  	[sflag:s9] =	ssyncset.done $0x0  }
0x8d: {  	[sflag:s9] =	ssyncadd.s32 $0xFFFFCE00  }
0x8e: {  	_ =	swait.ge [sflag:s9], $0x3200  }
0x8f: {  	[sflag:s9] =	ssyncset.done $0x0  }
0x90: {  	[sflag:s9] =	ssyncadd.s32 $0xFFFFCE00  }
0x91: {  	_ =	swait.ge [sflag:s9], $0x3200  }
0x92: {  	[sflag:s9] =	ssyncset.done $0x0  }
0x93: {  	[sflag:s9] =	ssyncadd.s32 $0xFFFFCE00  }
0x94: {  	[bflag:$0x0] =	sbarrier.arrive $0xFFFF  }
0x95: {  	[tilespmem:s6], [sflag:$0x2] =	stream.linear.gather [spmem:s15], $0x2000, $0x38;
	[tilespmem:$0x1C800] =	vst v63  }
0x96: {  	_ =	swait.ge [sflag:s5], $0x2000  }
0x97: {  	[sflag:s5] =	ssyncset.done $0x0  }
0x98: {  	s12 =	rddreg [dreg:$0x3];
	[sflag:s5] =	ssyncadd.s32 $0xFFFFE000  }
0x99: {  	[hbm4b:s12+s2] =	stream.linear.scatter [tilespmem:s6], [sflag:$0x2], $0x2000, $0x38;
	[tilespmem:$0x1C800] =	vst v63  }
0x9a: {  	_ =	swait.ge [sflag:s5], $0x2000  }
0x9b: {  	[sflag:s5] =	ssyncset.done $0x0  }
0x9c: {  	[sflag:s5] =	ssyncadd.s32 $0xFFFFE000  }
0x9d: {  	[tilespmem:s6], [sflag:$0x2] =	stream.linear.gather [spmem:s17], $0x2000, $0x38;
	[tilespmem:$0x1C800] =	vst v63  }
0x9e: {  	_ =	swait.ge [sflag:s5], $0x2000  }
0x9f: {  	[sflag:s5] =	ssyncset.done $0x0  }
0xa0: {  	s16 =	rddreg [dreg:$0x4];
	[sflag:s5] =	ssyncadd.s32 $0xFFFFE000  }
0xa1: {  	[hbm4b:s16+s2] =	stream.linear.scatter [tilespmem:s6], [sflag:$0x2], $0x2000, $0x38;
	[tilespmem:$0x1C800] =	vst v63  }
0xa2: {  	_ =	swait.ge [sflag:s5], $0x2000  }
0xa3: {  	[sflag:s5] =	ssyncset.done $0x0  }
0xa4: {  	[sflag:s5] =	ssyncadd.s32 $0xFFFFE000  }
0xa5: {  	[tilespmem:s6], [sflag:$0x2] =	stream.linear.gather [spmem:s18], $0x2000, $0x38;
	[tilespmem:$0x1C800] =	vst v63  }
0xa6: {  	_ =	swait.ge [sflag:s5], $0x2000  }
0xa7: {  	[sflag:s5] =	ssyncset.done $0x0  }
0xa8: {  	s13 =	rddreg [dreg:$0x5];
	[sflag:s5] =	ssyncadd.s32 $0xFFFFE000  }
0xa9: {  	[hbm4b:s13+s2] =	stream.linear.scatter [tilespmem:s6], [sflag:$0x2], $0x2000, $0x38;
	[tilespmem:$0x1C800] =	vst v63  }
0xaa: {  	_ =	swait.ge [sflag:s5], $0x2000  }
0xab: {  	[sflag:s5] =	ssyncset.done $0x0  }
0xac: {  	[sflag:s5] =	ssyncadd.s32 $0xFFFFE000  }
0xad: {  	[tilespmem:s6], [sflag:$0x2] =	stream.linear.gather [spmem:s19], $0x2000, $0x38;
	[tilespmem:$0x1C800] =	vst v63  }
0xae: {  	_ =	swait.ge [sflag:s5], $0x2000  }
0xaf: {  	[sflag:s5] =	ssyncset.done $0x0  }
0xb0: {  	s14 =	rddreg [dreg:$0x6];
	[sflag:s5] =	ssyncadd.s32 $0xFFFFE000  }
0xb1: {  	[hbm4b:s14+s2] =	stream.linear.scatter [tilespmem:s6], [sflag:$0x2], $0x2000, $0x38;
	[tilespmem:$0x1C800] =	vst v63  }
0xb2: {  	_ =	swait.ge [sflag:s5], $0x2000  }
0xb3: {  	[sflag:s5] =	ssyncset.done $0x0  }
0xb4: {  	[sflag:s5] =	ssyncadd.s32 $0xFFFFE000  }
0xb5: {  	[tilespmem:s6], [sflag:$0x2] =	stream.linear.gather [spmem:s20], $0x2000, $0x38;
	[tilespmem:$0x1C800] =	vst v63  }
0xb6: {  	_ =	swait.ge [sflag:s5], $0x2000  }
0xb7: {  	[sflag:s5] =	ssyncset.done $0x0  }
0xb8: {  	s16 =	rddreg [dreg:$0x7];
	[sflag:s5] =	ssyncadd.s32 $0xFFFFE000  }
0xb9: {  	[hbm4b:s16+s2] =	stream.linear.scatter [tilespmem:s6], [sflag:$0x2], $0x2000, $0x38;
	[tilespmem:$0x1C800] =	vst v63  }
0xba: {  	_ =	swait.ge [sflag:s5], $0x2000  }
0xbb: {  	[sflag:s5] =	ssyncset.done $0x0  }
0xbc: {  	[sflag:s5] =	ssyncadd.s32 $0xFFFFE000  }
0xbd: {  	[tilespmem:s6], [sflag:$0x2] =	stream.linear.gather [spmem:s21], $0x2000, $0x38;
	[tilespmem:$0x1C800] =	vst v63  }
0xbe: {  	_ =	swait.ge [sflag:s5], $0x2000  }
0xbf: {  	[sflag:s5] =	ssyncset.done $0x0  }
0xc0: {  	s13 =	rddreg [dreg:$0x8];
	[sflag:s5] =	ssyncadd.s32 $0xFFFFE000  }
0xc1: {  	[hbm4b:s13+s2] =	stream.linear.scatter [tilespmem:s6], [sflag:$0x2], $0x2000, $0x38;
	[tilespmem:$0x1C800] =	vst v63  }
0xc2: {  	_ =	swait.ge [sflag:s5], $0x2000  }
0xc3: {  	[sflag:s5] =	ssyncset.done $0x0  }
0xc4: {  	[sflag:s5] =	ssyncadd.s32 $0xFFFFE000  }
0xc5: {  	[tilespmem:s6], [sflag:$0x2] =	stream.linear.gather [spmem:s22], $0x2000, $0x38;
	[tilespmem:$0x1C800] =	vst v63  }
0xc6: {  	_ =	swait.ge [sflag:s5], $0x2000  }
0xc7: {  	[sflag:s5] =	ssyncset.done $0x0  }
0xc8: {  	s14 =	rddreg [dreg:$0x9];
	[sflag:s5] =	ssyncadd.s32 $0xFFFFE000  }
0xc9: {  	[hbm4b:s14+s2] =	stream.linear.scatter [tilespmem:s6], [sflag:$0x2], $0x2000, $0x38;
	[tilespmem:$0x1C800] =	vst v63  }
0xca: {  	_ =	swait.ge [sflag:s5], $0x2000  }
0xcb: {  	[sflag:s5] =	ssyncset.done $0x0  }
0xcc: {  	[sflag:s5] =	ssyncadd.s32 $0xFFFFE000  }
0xcd: {  	[tilespmem:s6], [sflag:$0x2] =	stream.linear.gather [spmem:s23], $0x2000, $0x38;
	[tilespmem:$0x1C800] =	vst v63  }
0xce: {  	_ =	swait.ge [sflag:s5], $0x2000  }
0xcf: {  	[sflag:s5] =	ssyncset.done $0x0  }
0xd0: {  	s16 =	rddreg [dreg:$0xa];
	[sflag:s5] =	ssyncadd.s32 $0xFFFFE000  }
0xd1: {  	[hbm4b:s16+s2] =	stream.linear.scatter [tilespmem:s6], [sflag:$0x2], $0x2000, $0x38;
	[tilespmem:$0x1C800] =	vst v63  }
0xd2: {  	_ =	swait.ge [sflag:s5], $0x2000  }
0xd3: {  	[sflag:s5] =	ssyncset.done $0x0  }
0xd4: {  	[sflag:s5] =	ssyncadd.s32 $0xFFFFE000  }
0xd5: {  	[tilespmem:s6], [sflag:$0x2] =	stream.linear.gather [spmem:s24], $0x2000, $0x38;
	[tilespmem:$0x1C800] =	vst v63  }
0xd6: {  	_ =	swait.ge [sflag:s5], $0x2000  }
0xd7: {  	[sflag:s5] =	ssyncset.done $0x0  }
0xd8: {  	s13 =	rddreg [dreg:$0xb];
	[sflag:s5] =	ssyncadd.s32 $0xFFFFE000  }
0xd9: {  	[hbm4b:s13+s2] =	stream.linear.scatter [tilespmem:s6], [sflag:$0x2], $0x2000, $0x38;
	[tilespmem:$0x1C800] =	vst v63  }
0xda: {  	_ =	swait.ge [sflag:s5], $0x2000  }
0xdb: {  	[sflag:s5] =	ssyncset.done $0x0  }
0xdc: {  	[sflag:s5] =	ssyncadd.s32 $0xFFFFE000  }
0xdd: {  	[tilespmem:s6], [sflag:$0x2] =	stream.linear.gather [spmem:s25], $0x2000, $0x38;
	[tilespmem:$0x1C800] =	vst v63  }
0xde: {  	_ =	swait.ge [sflag:s5], $0x2000  }
0xdf: {  	[sflag:s5] =	ssyncset.done $0x0  }
0xe0: {  	s14 =	rddreg [dreg:$0xc];
	[sflag:s5] =	ssyncadd.s32 $0xFFFFE000  }
0xe1: {  	[hbm4b:s14+s2] =	stream.linear.scatter [tilespmem:s6], [sflag:$0x2], $0x2000, $0x38;
	[tilespmem:$0x1C800] =	vst v63  }
0xe2: {  	_ =	swait.ge [sflag:s5], $0x2000  }
0xe3: {  	s11 =	sadd.s32 $0x1, s11;
	s16 =	rddreg [dreg:$0xe]  }
0xe4: {  	p0 =	sne.s32 s11, s16  }
.Ltmp3:
0xe5: {  	_ = 	snop;
	(pc) =	sbr.rel @p0 .LBB2_1-.Ltmp3, $3  }
0xe6: {  	_ =	sdelay $0x1  }
0xe7: {  	[sflag:s5] =	ssyncset.done $0x0  }
0xe8: {  	[sflag:s5] =	ssyncadd.s32 $0xFFFFE000  }
0xe9: {  	_ =	sfence.sel $0x180000  }
0xea: {  	[bflag:$0x0] =	sbarrier.arrive $0xFFFF  }
0xeb: {  	_ =	strace $0x90000047  }
0xec: {  	s0 =	stileid.u32;
	[bflag:$0x2] =	sbarrier.arrive $0xFFFF  }
0xed: {  	p0 =	sne.s32 s0, $0x0;
	s0 =	rddreg [dreg:$0x2]  }
0xee: {  	s0 =	sadd.s32 @!p0 $0x100000, s0  }
0xef: {  	[sflag:s0] =	ssyncadd.tile.s32 @!p0 $0x1;
	_ =	shalt  }
.Lfunc_end2:
_tile_overlayer_lowered:
.L_overlay_start_2:
0xf0: {  	(tag) =	ssettag $0x2  }
0xf1: {  	s0 =	rddreg [dreg:$0x0];
	s2 =	stileid.u32  }
0xf2: {  	s1 =	rddreg [dreg:$0x1];
	p0 =	sne.s32 s2, $0x0  }
0xf3: {  	s3 =	rddreg [dreg:$0x2];
	[bflag:$0x3] =	sbarrier.arrive $0xFFFF;
	s2 =	simm.s32 @!p0 $0x1C02  }
0xf4: {  	[timem:s3], [sflag:s2] =	dma.local @!p0 [hbm:s0], s1  }
0xf5: {  	s0 =	simm.s32 @!p0 $0x2  }
0xf6: {  	_ =	swait.ge @!p0 [sflag:s0], s1  }
0xf7: {  	s1 =	ssub.s32 @!p0 $0x0, s1;
	[sflag:s0] =	ssyncset.done @!p0 $0x0  }
0xf8: {  	[sflag:s0] =	ssyncadd.s32 @!p0 s1  }
0xf9: {  	[bflag:$0x3] =	sbarrier.arrive $0xFFFF  }
0xfa: {  	_ =	shalt  }

</sc_bundles>
